<compile_context>
chip_gen: v7x
topology: tpu7x:2x2x1
jax: 0.10.2.dev20260603
libtpu: 0.0.44.dev20260713+nightly
codegen_flags: <defaults>
</compile_context>

<pallas_src>
import dataclasses
import functools

import jax
import jax.numpy as jnp
from jax import lax
from jax.experimental import pallas as pl
from jax.experimental.pallas import tpu as pltpu
from jax.experimental.pallas import tpu_sc as plsc

_NSC = 2
_NSUB = 16
_L = 16
_G = 128
_CHUNK = 128


def _make_sc_propagate(N_pad, NSUP, SB, Dh):
    nodes_per = N_pad // _NSUB
    mesh = plsc.VectorSubcoreMesh(
        core_axis_name="c", subcore_axis_name="s",
        num_cores=_NSC, num_subcores=_NSUB)

    def body(xs_hbm, row_hbm, col_hbm, w_hbm, stage_hbm, dis_hbm,
             src_sh, acc_sh, deg_sh,
             row_s, col_s, w_s, sl_t, gbuf, ssems, gsems):
        c = lax.axis_index("c")
        s = lax.axis_index("s")
        nb = s * nodes_per
        sb_off = c * N_pad + nb
        EPS = SB * _CHUNK

        def zero_gbuf_rows(n):
            @pl.loop(0, n)
            def _(i):
                for k in range(Dh // _L):
                    gbuf[i, pl.ds(k * _L, _L)] = jnp.zeros((_L,), jnp.float32)

        def zero_spmem_slice(dst):
            for k in range(nodes_per // _CHUNK):
                pltpu.sync_copy(gbuf.at[pl.ds(0, _CHUNK)],
                                dst.at[pl.ds(nb + k * _CHUNK, _CHUNK)])

        def scale_slice(dst, squared):
            for k in range(nodes_per // _CHUNK):
                pltpu.sync_copy(dst.at[pl.ds(nb + k * _CHUNK, _CHUNK)],
                                gbuf.at[pl.ds(0, _CHUNK)])

                @pl.loop(0, _CHUNK)
                def _(i):
                    dv = plsc.load_gather(
                        sl_t, [jnp.full((_L,), k * _CHUNK, jnp.int32) + i])
                    dv = dv * dv if squared else dv
                    for q in range(Dh // _L):
                        g = gbuf[i, pl.ds(q * _L, _L)]
                        gbuf[i, pl.ds(q * _L, _L)] = g * dv

                pltpu.sync_copy(gbuf.at[pl.ds(0, _CHUNK)],
                                dst.at[pl.ds(nb + k * _CHUNK, _CHUNK)])

        pltpu.sync_copy(xs_hbm.at[c, pl.ds(nb, nodes_per)],
                        src_sh.at[pl.ds(nb, nodes_per)])

        zero_gbuf_rows(_CHUNK)
        zero_spmem_slice(acc_sh)

        @pl.loop(0, nodes_per, step=_L)
        def _(i):
            sl_t[pl.ds(i, _L)] = jnp.zeros((_L,), jnp.float32)

        pltpu.sync_copy(sl_t, deg_sh.at[pl.ds(nb, nodes_per)])
        plsc.subcore_barrier()

        @pl.loop(0, NSUP)
        def _(sc_i):
            pltpu.sync_copy(col_hbm.at[s, sc_i], col_s)
            pltpu.sync_copy(w_hbm.at[s, sc_i], w_s)
            for b in range(SB):
                pltpu.sync_copy(w_s.at[pl.ds(b * _CHUNK, _CHUNK)],
                                deg_sh.at[col_s.at[b]], add=True)

        plsc.subcore_barrier()

        pltpu.sync_copy(deg_sh.at[pl.ds(nb, nodes_per)], sl_t)

        @pl.loop(0, nodes_per, step=_L)
        def _(i):
            v = sl_t[pl.ds(i, _L)]
            bi = plsc.bitcast(v, jnp.int32)
            bi = jnp.full((_L,), 0x5F3759DF, jnp.int32) - lax.shift_right_logical(
                bi, jnp.full((_L,), 1, jnp.int32))
            y = plsc.bitcast(bi, jnp.float32)
            for _ in range(4):
                y = y * (1.5 - 0.5 * v * y * y)
            sl_t[pl.ds(i, _L)] = y

        pltpu.sync_copy(sl_t, dis_hbm.at[c, pl.ds(nb, nodes_per)])
        scale_slice(src_sh, squared=False)
        plsc.subcore_barrier()

        def hop(src, dst):
            @pl.loop(0, NSUP)
            def _(sc_i):
                pltpu.sync_copy(row_hbm.at[s, sc_i], row_s)
                pltpu.sync_copy(col_hbm.at[s, sc_i], col_s)
                pltpu.sync_copy(w_hbm.at[s, sc_i], w_s)
                gd = []
                for b in range(SB):
                    gd.append(pltpu.async_copy(
                        src.at[row_s.at[b]],
                        gbuf.at[pl.ds(b * _CHUNK, _CHUNK)], gsems[b]))
                sd = []
                for b in range(SB):
                    gslice = gbuf.at[pl.ds(b * _CHUNK, _CHUNK)]
                    gd[b].wait()

                    @pl.loop(0, _CHUNK, step=4)
                    def _(e2):
                        for j in range(4):
                            e = b * _CHUNK + e2 + j
                            nv = plsc.load_gather(
                                w_s, [jnp.full((_L,), b * _CHUNK + j,
                                               jnp.int32) + e2])
                            for q in range(Dh // _L):
                                g = gbuf[e, pl.ds(q * _L, _L)]
                                gbuf[e, pl.ds(q * _L, _L)] = g * nv

                    sd.append(pltpu.async_copy(
                        gslice, dst.at[col_s.at[b]], ssems[b], add=True))
                for d in sd:
                    d.wait()

        hop(src_sh, acc_sh)
        plsc.subcore_barrier()
        scale_slice(acc_sh, squared=True)
        zero_gbuf_rows(_CHUNK)
        zero_spmem_slice(src_sh)
        plsc.subcore_barrier()
        hop(acc_sh, src_sh)
        plsc.subcore_barrier()
        pltpu.sync_copy(src_sh.at[pl.ds(nb, nodes_per)],
                        stage_hbm.at[pl.ds(sb_off, nodes_per)])

    cp = pltpu.CompilerParams()
    if "needs_layout_passes" in pltpu.CompilerParams.__dataclass_fields__:
        cp = dataclasses.replace(cp, needs_layout_passes=False)
    if "use_tc_tiling_on_sc" in pltpu.CompilerParams.__dataclass_fields__:
        cp = dataclasses.replace(cp, use_tc_tiling_on_sc=False)
    return pl.kernel(
        body,
        out_type=(jax.ShapeDtypeStruct((_NSC * N_pad, Dh), jnp.float32),
                  jax.ShapeDtypeStruct((_NSC, N_pad), jnp.float32)),
        mesh=mesh,
        compiler_params=cp,
        scratch_types=[
            pltpu.VMEM_SHARED((N_pad, Dh), jnp.float32),
            pltpu.VMEM_SHARED((N_pad, Dh), jnp.float32),
            pltpu.VMEM_SHARED((N_pad,), jnp.float32),
            pltpu.VMEM((SB, _CHUNK), jnp.int32),
            pltpu.VMEM((SB, _CHUNK), jnp.int32),
            pltpu.VMEM((SB * _CHUNK,), jnp.float32),
            pltpu.VMEM((N_pad // _NSUB,), jnp.float32),
            pltpu.VMEM((SB * _CHUNK, Dh), jnp.float32),
            [pltpu.SemaphoreType.DMA for _ in range(4)],
            [pltpu.SemaphoreType.DMA for _ in range(4)],
        ],
    )


def _tc_body(NB, hs_ref, b_ref, dis_ref, W1a_ref, W1b_ref, b1_ref, W2_ref,
             b2_ref, out_ref, acc_s, acc_c):
    i = pl.program_id(0)

    @pl.when(i == 0)
    def _():
        acc_s[...] = jnp.zeros_like(acc_s)
        acc_c[...] = jnp.zeros_like(acc_c)

    dv = dis_ref[0, 0, :][:, None]
    y = (jnp.dot(hs_ref[0] * dv, W1a_ref[...],
                 preferred_element_type=jnp.float32)
         + jnp.dot(hs_ref[1] * dv, W1b_ref[...],
                   preferred_element_type=jnp.float32))
    bt = b_ref[0, 0, :]
    onehot_t = (lax.broadcasted_iota(jnp.int32, (_G, bt.shape[0]), 0)
                == bt[None, :]).astype(jnp.float32)
    acc_s[...] += jnp.dot(onehot_t, y, preferred_element_type=jnp.float32)
    acc_c[...] += jnp.sum(onehot_t, axis=1, keepdims=True)

    @pl.when(i == NB - 1)
    def _():
        pooled = acc_s[...] / jnp.maximum(acc_c[...], 1.0) + b1_ref[...]
        out_ref[...] = (jnp.dot(pooled, W2_ref[...],
                                preferred_element_type=jnp.float32)
                        + b2_ref[...])


def kernel(x, edge_index, edge_attr, batch, W1, b1, W2, b2):
    N, D = x.shape
    E = edge_index.shape[1]
    H = W1.shape[1]
    P = W2.shape[1]
    Dh = D // 2

    N_pad = -(-N // 256) * 256
    SB = 4
    per = _NSUB * SB * _CHUNK
    E2 = E + N
    E2p = -(-E2 // per) * per
    NSUP = E2p // per

    loop = jnp.arange(N, dtype=jnp.int32)
    row = jnp.concatenate([edge_index[0], loop])
    col = jnp.concatenate([edge_index[1], loop])
    w = jnp.concatenate([edge_attr, jnp.ones((N,), x.dtype)])
    padn = E2p - E2
    shape4 = (_NSUB, NSUP, SB, _CHUNK)
    row4 = jnp.pad(row, (0, padn)).reshape(shape4)
    col4 = jnp.pad(col, (0, padn)).reshape(shape4)
    w3 = jnp.pad(w, (0, padn)).reshape(_NSUB, NSUP, SB * _CHUNK)

    x_pad = jnp.pad(x, ((0, N_pad - N), (0, 0)))
    xs = x_pad.reshape(N_pad, _NSC, Dh).transpose(1, 0, 2)

    stage, dis = _make_sc_propagate(N_pad, NSUP, SB, Dh)(xs, row4, col4, w3)
    h2 = stage.reshape(_NSC, N_pad, Dh)

    BN = 1024
    NB = N_pad // BN
    batch3 = jnp.pad(batch, (0, N_pad - N), constant_values=_G).reshape(
        NB, 1, BN)
    dis3 = dis[0].reshape(NB, 1, BN)
    W1a, W1b = W1[:Dh], W1[Dh:]

    out = pl.pallas_call(
        functools.partial(_tc_body, NB),
        grid=(NB,),
        in_specs=[
            pl.BlockSpec((_NSC, BN, Dh), lambda i: (0, i, 0)),
            pl.BlockSpec((1, 1, BN), lambda i: (i, 0, 0)),
            pl.BlockSpec((1, 1, BN), lambda i: (i, 0, 0)),
            pl.BlockSpec((Dh, H), lambda i: (0, 0)),
            pl.BlockSpec((Dh, H), lambda i: (0, 0)),
            pl.BlockSpec((1, H), lambda i: (0, 0)),
            pl.BlockSpec((H, P), lambda i: (0, 0)),
            pl.BlockSpec((1, P), lambda i: (0, 0)),
        ],
        out_specs=pl.BlockSpec((_G, P), lambda i: (0, 0)),
        out_shape=jax.ShapeDtypeStruct((_G, P), jnp.float32),
        scratch_shapes=[
            pltpu.VMEM((_G, H), jnp.float32),
            pltpu.VMEM((_G, 1), jnp.float32),
        ],
    )(h2, batch3, dis3, W1a, W1b, b1.reshape(1, H), W2, b2.reshape(1, P))
    return out

# --- scband reference (transcript-rebuilt; emitter-appended) ---
"""Pipeline reference for scband-sgcn-60730837565907 (READ-ONLY COPY).

The authoritative reference and input builder live on the scoring server;
editing this copy changes nothing except your own understanding.
"""

import jax, jax.numpy as jnp
import numpy as np

N = 10000
E = 320000
D = 128
H = 128
P = 16
K = 2
G = 128


def setup_inputs(seed: int = 0) -> dict:
    key = jax.random.key(seed)
    k1, k2, k3, k4, k5, k6 = jax.random.split(key, 6)
    x = jax.random.normal(k1, (N, D), dtype=jnp.float32)
    edge_index = jax.random.randint(k2, (2, E), 0, N, dtype=jnp.int32)
    edge_attr = jax.random.uniform(k3, (E,), dtype=jnp.float32)
    batch = jnp.sort(jax.random.randint(k4, (N,), 0, G, dtype=jnp.int32))
    W1 = jax.random.normal(k5, (D, H), dtype=jnp.float32) / np.sqrt(D)
    b1 = jnp.zeros((H,), dtype=jnp.float32)
    W2 = jax.random.normal(k6, (H, P), dtype=jnp.float32) / np.sqrt(H)
    b2 = jnp.zeros((P,), dtype=jnp.float32)
    return {"x": x, "edge_index": edge_index, "edge_attr": edge_attr, "batch": batch,
            "W1": W1, "b1": b1, "W2": W2, "b2": b2}


def reference(x, edge_index, edge_attr, batch, W1, b1, W2, b2):
    n = x.shape[0]
    loop = jnp.arange(n, dtype=edge_index.dtype)
    row = jnp.concatenate([edge_index[0], loop])
    col = jnp.concatenate([edge_index[1], loop])
    w = jnp.concatenate([edge_attr, jnp.ones((n,), dtype=x.dtype)])
    # gcn_norm with added self-loops (SGConv default)
    deg = jnp.zeros((n,), dtype=x.dtype).at[col].add(w)
    dis = jax.lax.rsqrt(jnp.maximum(deg, 1e-12))
    norm = dis[row] * w * dis[col]
    # K propagation steps: h <- S h
    h = x
    for _ in range(K):
        msgs = norm[:, None] * h[row]
        h = jnp.zeros_like(h).at[col].add(msgs)
    # SGConv linear
    h = h @ W1 + b1
    # global_mean_pool over graph ids
    sums = jax.ops.segment_sum(h, batch, num_segments=G)
    cnt = jax.ops.segment_sum(jnp.ones((n,), dtype=x.dtype), batch, num_segments=G)
    pooled = sums / jnp.maximum(cnt, 1.0)[:, None]
    # dropout p=0.5 is identity in eval mode
    out = pooled @ W2 + b2
    return out

if __name__ == "__main__":
    import jax
    _d = setup_inputs()
    print(jax.jit(kernel)(*tuple(_d.values())))

</pallas_src>

<mosaic_0001>
#map = affine_map<(d0, d1) -> (0, 0, 0)>
#map1 = affine_map<(d0, d1) -> (0, 0, 0, 0)>
#map2 = affine_map<(d0, d1) -> (0, 0)>
module attributes {stable_mosaic.version = 14 : i64} {
  func.func @body(%arg0: i32, %arg1: i32, %arg2: memref<2x10240x64xf32, #tpu.memory_space<hbm>>, %arg3: memref<16x41x4x128xi32, #tpu.memory_space<hbm>>, %arg4: memref<16x41x4x128xi32, #tpu.memory_space<hbm>>, %arg5: memref<16x41x512xf32, #tpu.memory_space<hbm>>, %arg6: memref<20480x64xf32, #tpu.memory_space<hbm>>, %arg7: memref<2x10240xf32, #tpu.memory_space<hbm>>, %arg8: memref<10240x64xf32, #tpu.memory_space<vmem_shared>>, %arg9: memref<10240x64xf32, #tpu.memory_space<vmem_shared>>, %arg10: memref<10240xf32, #tpu.memory_space<vmem_shared>>, %arg11: memref<4x128xi32, #tpu.memory_space<vmem>>, %arg12: memref<4x128xi32, #tpu.memory_space<vmem>>, %arg13: memref<512xf32, #tpu.memory_space<vmem>>, %arg14: memref<640xf32, #tpu.memory_space<vmem>>, %arg15: memref<512x64xf32, #tpu.memory_space<vmem>>, %arg16: memref<!tpu.dma_semaphore, #tpu.memory_space<semaphore_mem>>, %arg17: memref<!tpu.dma_semaphore, #tpu.memory_space<semaphore_mem>>, %arg18: memref<!tpu.dma_semaphore, #tpu.memory_space<semaphore_mem>>, %arg19: memref<!tpu.dma_semaphore, #tpu.memory_space<semaphore_mem>>, %arg20: memref<!tpu.dma_semaphore, #tpu.memory_space<semaphore_mem>>, %arg21: memref<!tpu.dma_semaphore, #tpu.memory_space<semaphore_mem>>, %arg22: memref<!tpu.dma_semaphore, #tpu.memory_space<semaphore_mem>>, %arg23: memref<!tpu.dma_semaphore, #tpu.memory_space<semaphore_mem>>) attributes {dimension_semantics = [#tpu.dimension_semantics<core_parallel>, #tpu.dimension_semantics<subcore_parallel>], iteration_bounds = array<i64: 2, 16>, scalar_prefetch = 0 : i64, scratch_operands = 16 : i64, tpu.core_type = #tpu.core_type<sc_vector_subcore>, window_params = [{transform_indices = #map}, {transform_indices = #map1}, {transform_indices = #map1}, {transform_indices = #map}, {transform_indices = #map2}, {transform_indices = #map2}]} {
    %mul3A = arith.constant 640 : i32
    %mul3A_0 = arith.muli %arg1, %mul3A : i32
    %mul3A_1 = arith.constant 10240 : i32
    %mul3A_2 = arith.muli %arg0, %mul3A_1 : i32
    %add3A = arith.addi %mul3A_2, %mul3A_0 : i32
    "tpu.region"() ({
      %run_scoped3A = tpu.sem_alloc : memref<!tpu.dma_semaphore, #tpu.memory_space<semaphore_mem>>
      %dma_start3A = arith.constant 0 : i32
      %dma_start3A_152 = tpu.memref_slice %arg8[%mul3A_0, %dma_start3A] : memref<10240x64xf32, #tpu.memory_space<vmem_shared>> -> memref<640x64xf32, #tpu.memory_space<vmem_shared>>
      %dma_start3A_153 = arith.constant 0 : i32
      %dma_start3A_154 = tpu.memref_slice %arg2[%arg0, %mul3A_0, %dma_start3A_153] : memref<2x10240x64xf32, #tpu.memory_space<hbm>> -> memref<1x640x64xf32, #tpu.memory_space<hbm>>
      %dma_start3A_155 = tpu.memref_squeeze %dma_start3A_154 : memref<1x640x64xf32, #tpu.memory_space<hbm>> -> memref<640x64xf32, #tpu.memory_space<hbm>>
      tpu.enqueue_dma source(%dma_start3A_155 : memref<640x64xf32, #tpu.memory_space<hbm>>) target(%dma_start3A_152 : memref<640x64xf32, #tpu.memory_space<vmem_shared>>) target_semaphore(%run_scoped3A : memref<!tpu.dma_semaphore, #tpu.memory_space<semaphore_mem>>)
      %dma_wait3A = arith.constant 0 : i32
      %dma_wait3A_156 = tpu.memref_slice %arg8[%mul3A_0, %dma_wait3A] : memref<10240x64xf32, #tpu.memory_space<vmem_shared>> -> memref<640x64xf32, #tpu.memory_space<vmem_shared>>
      %dma_wait3A_157 = arith.constant 0 : i32
      %dma_wait3A_158 = tpu.memref_slice %arg2[%arg0, %mul3A_0, %dma_wait3A_157] : memref<2x10240x64xf32, #tpu.memory_space<hbm>> -> memref<1x640x64xf32, #tpu.memory_space<hbm>>
      %dma_wait3A_159 = tpu.memref_squeeze %dma_wait3A_158 : memref<1x640x64xf32, #tpu.memory_space<hbm>> -> memref<640x64xf32, #tpu.memory_space<hbm>>
      tpu.wait_dma2 semaphore(%run_scoped3A : memref<!tpu.dma_semaphore, #tpu.memory_space<semaphore_mem>>) src(%dma_wait3A_159 : memref<640x64xf32, #tpu.memory_space<hbm>>) dst(%dma_wait3A_156 : memref<640x64xf32, #tpu.memory_space<vmem_shared>>)
      tpu.yield
    }) : () -> ()
    %scan3A = arith.constant 0 : i32
    %scan3A_3 = arith.constant 128 : i32
    %scan3A_4 = arith.addi %scan3A, %scan3A_3 : i32
    %scan3A_5 = arith.constant 1 : i32
    scf.for %scan3A_152 = %scan3A to %scan3A_4 step %scan3A_5  : i32 {
      %mul3A_153 = arith.constant 1 : i32
      %mul3A_154 = arith.muli %scan3A_152, %mul3A_153 : i32
      %add3A_155 = arith.constant 0 : i32
      %add3A_156 = arith.addi %add3A_155, %mul3A_154 : i32
      %broadcast_in_dim3A = arith.constant 0.000000e+00 : f32
      %broadcast_in_dim3A_157 = vector.broadcast %broadcast_in_dim3A : f32 to vector<16xf32>
      %swap3A = arith.index_cast %add3A_156 : i32 to index
      %swap3A_158 = arith.constant 0 : index
      %swap3A_159 = tpu.vector_load %arg15[%swap3A, %swap3A_158] {strides = array<i32>} : memref<512x64xf32, #tpu.memory_space<vmem>>, vector<16xf32>,
      tpu.vector_store %arg15[%swap3A, %swap3A_158], %broadcast_in_dim3A_157 {strides = array<i32>} : memref<512x64xf32, #tpu.memory_space<vmem>>, vector<16xf32>,
      %broadcast_in_dim3A_160 = arith.constant 0.000000e+00 : f32
      %broadcast_in_dim3A_161 = vector.broadcast %broadcast_in_dim3A_160 : f32 to vector<16xf32>
      %swap3A_162 = arith.index_cast %add3A_156 : i32 to index
      %swap3A_163 = arith.constant 16 : index
      %swap3A_164 = tpu.vector_load %arg15[%swap3A_162, %swap3A_163] {strides = array<i32>} : memref<512x64xf32, #tpu.memory_space<vmem>>, vector<16xf32>,
      tpu.vector_store %arg15[%swap3A_162, %swap3A_163], %broadcast_in_dim3A_161 {strides = array<i32>} : memref<512x64xf32, #tpu.memory_space<vmem>>, vector<16xf32>,
      %broadcast_in_dim3A_165 = arith.constant 0.000000e+00 : f32
      %broadcast_in_dim3A_166 = vector.broadcast %broadcast_in_dim3A_165 : f32 to vector<16xf32>
      %swap3A_167 = arith.index_cast %add3A_156 : i32 to index
      %swap3A_168 = arith.constant 32 : index
      %swap3A_169 = tpu.vector_load %arg15[%swap3A_167, %swap3A_168] {strides = array<i32>} : memref<512x64xf32, #tpu.memory_space<vmem>>, vector<16xf32>,
      tpu.vector_store %arg15[%swap3A_167, %swap3A_168], %broadcast_in_dim3A_166 {strides = array<i32>} : memref<512x64xf32, #tpu.memory_space<vmem>>, vector<16xf32>,
      %broadcast_in_dim3A_170 = arith.constant 0.000000e+00 : f32
      %broadcast_in_dim3A_171 = vector.broadcast %broadcast_in_dim3A_170 : f32 to vector<16xf32>
      %swap3A_172 = arith.index_cast %add3A_156 : i32 to index
      %swap3A_173 = arith.constant 48 : index
      %swap3A_174 = tpu.vector_load %arg15[%swap3A_172, %swap3A_173] {strides = array<i32>} : memref<512x64xf32, #tpu.memory_space<vmem>>, vector<16xf32>,
      tpu.vector_store %arg15[%swap3A_172, %swap3A_173], %broadcast_in_dim3A_171 {strides = array<i32>} : memref<512x64xf32, #tpu.memory_space<vmem>>, vector<16xf32>,
    }
    %scan3A_6 = arith.constant 128 : i32
    %add3A_7 = arith.constant 0 : i32
    %add3A_8 = arith.addi %mul3A_0, %add3A_7 : i32
    "tpu.region"() ({
      %run_scoped3A = tpu.sem_alloc : memref<!tpu.dma_semaphore, #tpu.memory_space<semaphore_mem>>
      %dma_start3A = arith.constant 0 : i32
      %dma_start3A_152 = arith.constant 0 : i32
      %dma_start3A_153 = tpu.memref_slice %arg15[%dma_start3A, %dma_start3A_152] : memref<512x64xf32, #tpu.memory_space<vmem>> -> memref<128x64xf32, #tpu.memory_space<vmem>>
      %dma_start3A_154 = arith.constant 0 : i32
      %dma_start3A_155 = tpu.memref_slice %arg9[%add3A_8, %dma_start3A_154] : memref<10240x64xf32, #tpu.memory_space<vmem_shared>> -> memref<128x64xf32, #tpu.memory_space<vmem_shared>>
      %dma_start3A_156 = arith.constant 0 : i32
      %dma_start3A_157 = tpu.memref_slice %arg9[%add3A_8, %dma_start3A_156] : memref<10240x64xf32, #tpu.memory_space<vmem_shared>> -> memref<128x64xf32, #tpu.memory_space<vmem_shared>>
      %dma_start3A_158 = arith.constant 0 : i32
      %dma_start3A_159 = arith.constant 0 : i32
      %dma_start3A_160 = tpu.memref_slice %arg15[%dma_start3A_158, %dma_start3A_159] : memref<512x64xf32, #tpu.memory_space<vmem>> -> memref<128x64xf32, #tpu.memory_space<vmem>>
      tpu.enqueue_dma source(%dma_start3A_160 : memref<128x64xf32, #tpu.memory_space<vmem>>) target(%dma_start3A_157 : memref<128x64xf32, #tpu.memory_space<vmem_shared>>) target_semaphore(%run_scoped3A : memref<!tpu.dma_semaphore, #tpu.memory_space<semaphore_mem>>)
      %dma_wait3A = arith.constant 0 : i32
      %dma_wait3A_161 = arith.constant 0 : i32
      %dma_wait3A_162 = tpu.memref_slice %arg15[%dma_wait3A, %dma_wait3A_161] : memref<512x64xf32, #tpu.memory_space<vmem>> -> memref<128x64xf32, #tpu.memory_space<vmem>>
      %dma_wait3A_163 = arith.constant 0 : i32
      %dma_wait3A_164 = tpu.memref_slice %arg9[%add3A_8, %dma_wait3A_163] : memref<10240x64xf32, #tpu.memory_space<vmem_shared>> -> memref<128x64xf32, #tpu.memory_space<vmem_shared>>
      %dma_wait3A_165 = arith.constant 0 : i32
      %dma_wait3A_166 = tpu.memref_slice %arg9[%add3A_8, %dma_wait3A_165] : memref<10240x64xf32, #tpu.memory_space<vmem_shared>> -> memref<128x64xf32, #tpu.memory_space<vmem_shared>>
      %dma_wait3A_167 = arith.constant 0 : i32
      %dma_wait3A_168 = arith.constant 0 : i32
      %dma_wait3A_169 = tpu.memref_slice %arg15[%dma_wait3A_167, %dma_wait3A_168] : memref<512x64xf32, #tpu.memory_space<vmem>> -> memref<128x64xf32, #tpu.memory_space<vmem>>
      tpu.wait_dma2 semaphore(%run_scoped3A : memref<!tpu.dma_semaphore, #tpu.memory_space<semaphore_mem>>) src(%dma_wait3A_169 : memref<128x64xf32, #tpu.memory_space<vmem>>) dst(%dma_wait3A_166 : memref<128x64xf32, #tpu.memory_space<vmem_shared>>)
      tpu.yield
    }) : () -> ()
    %add3A_9 = arith.constant 128 : i32
    %add3A_10 = arith.addi %mul3A_0, %add3A_9 : i32
    "tpu.region"() ({
      %run_scoped3A = tpu.sem_alloc : memref<!tpu.dma_semaphore, #tpu.memory_space<semaphore_mem>>
      %dma_start3A = arith.constant 0 : i32
      %dma_start3A_152 = arith.constant 0 : i32
      %dma_start3A_153 = tpu.memref_slice %arg15[%dma_start3A, %dma_start3A_152] : memref<512x64xf32, #tpu.memory_space<vmem>> -> memref<128x64xf32, #tpu.memory_space<vmem>>
      %dma_start3A_154 = arith.constant 0 : i32
      %dma_start3A_155 = tpu.memref_slice %arg9[%add3A_10, %dma_start3A_154] : memref<10240x64xf32, #tpu.memory_space<vmem_shared>> -> memref<128x64xf32, #tpu.memory_space<vmem_shared>>
      %dma_start3A_156 = arith.constant 0 : i32
      %dma_start3A_157 = tpu.memref_slice %arg9[%add3A_10, %dma_start3A_156] : memref<10240x64xf32, #tpu.memory_space<vmem_shared>> -> memref<128x64xf32, #tpu.memory_space<vmem_shared>>
      %dma_start3A_158 = arith.constant 0 : i32
      %dma_start3A_159 = arith.constant 0 : i32
      %dma_start3A_160 = tpu.memref_slice %arg15[%dma_start3A_158, %dma_start3A_159] : memref<512x64xf32, #tpu.memory_space<vmem>> -> memref<128x64xf32, #tpu.memory_space<vmem>>
      tpu.enqueue_dma source(%dma_start3A_160 : memref<128x64xf32, #tpu.memory_space<vmem>>) target(%dma_start3A_157 : memref<128x64xf32, #tpu.memory_space<vmem_shared>>) target_semaphore(%run_scoped3A : memref<!tpu.dma_semaphore, #tpu.memory_space<semaphore_mem>>)
      %dma_wait3A = arith.constant 0 : i32
      %dma_wait3A_161 = arith.constant 0 : i32
      %dma_wait3A_162 = tpu.memref_slice %arg15[%dma_wait3A, %dma_wait3A_161] : memref<512x64xf32, #tpu.memory_space<vmem>> -> memref<128x64xf32, #tpu.memory_space<vmem>>
      %dma_wait3A_163 = arith.constant 0 : i32
      %dma_wait3A_164 = tpu.memref_slice %arg9[%add3A_10, %dma_wait3A_163] : memref<10240x64xf32, #tpu.memory_space<vmem_shared>> -> memref<128x64xf32, #tpu.memory_space<vmem_shared>>
      %dma_wait3A_165 = arith.constant 0 : i32
      %dma_wait3A_166 = tpu.memref_slice %arg9[%add3A_10, %dma_wait3A_165] : memref<10240x64xf32, #tpu.memory_space<vmem_shared>> -> memref<128x64xf32, #tpu.memory_space<vmem_shared>>
      %dma_wait3A_167 = arith.constant 0 : i32
      %dma_wait3A_168 = arith.constant 0 : i32
      %dma_wait3A_169 = tpu.memref_slice %arg15[%dma_wait3A_167, %dma_wait3A_168] : memref<512x64xf32, #tpu.memory_space<vmem>> -> memref<128x64xf32, #tpu.memory_space<vmem>>
      tpu.wait_dma2 semaphore(%run_scoped3A : memref<!tpu.dma_semaphore, #tpu.memory_space<semaphore_mem>>) src(%dma_wait3A_169 : memref<128x64xf32, #tpu.memory_space<vmem>>) dst(%dma_wait3A_166 : memref<128x64xf32, #tpu.memory_space<vmem_shared>>)
      tpu.yield
    }) : () -> ()
    %add3A_11 = arith.constant 256 : i32
    %add3A_12 = arith.addi %mul3A_0, %add3A_11 : i32
    "tpu.region"() ({
      %run_scoped3A = tpu.sem_alloc : memref<!tpu.dma_semaphore, #tpu.memory_space<semaphore_mem>>
      %dma_start3A = arith.constant 0 : i32
      %dma_start3A_152 = arith.constant 0 : i32
      %dma_start3A_153 = tpu.memref_slice %arg15[%dma_start3A, %dma_start3A_152] : memref<512x64xf32, #tpu.memory_space<vmem>> -> memref<128x64xf32, #tpu.memory_space<vmem>>
      %dma_start3A_154 = arith.constant 0 : i32
      %dma_start3A_155 = tpu.memref_slice %arg9[%add3A_12, %dma_start3A_154] : memref<10240x64xf32, #tpu.memory_space<vmem_shared>> -> memref<128x64xf32, #tpu.memory_space<vmem_shared>>
      %dma_start3A_156 = arith.constant 0 : i32
      %dma_start3A_157 = tpu.memref_slice %arg9[%add3A_12, %dma_start3A_156] : memref<10240x64xf32, #tpu.memory_space<vmem_shared>> -> memref<128x64xf32, #tpu.memory_space<vmem_shared>>
      %dma_start3A_158 = arith.constant 0 : i32
      %dma_start3A_159 = arith.constant 0 : i32
      %dma_start3A_160 = tpu.memref_slice %arg15[%dma_start3A_158, %dma_start3A_159] : memref<512x64xf32, #tpu.memory_space<vmem>> -> memref<128x64xf32, #tpu.memory_space<vmem>>
      tpu.enqueue_dma source(%dma_start3A_160 : memref<128x64xf32, #tpu.memory_space<vmem>>) target(%dma_start3A_157 : memref<128x64xf32, #tpu.memory_space<vmem_shared>>) target_semaphore(%run_scoped3A : memref<!tpu.dma_semaphore, #tpu.memory_space<semaphore_mem>>)
      %dma_wait3A = arith.constant 0 : i32
      %dma_wait3A_161 = arith.constant 0 : i32
      %dma_wait3A_162 = tpu.memref_slice %arg15[%dma_wait3A, %dma_wait3A_161] : memref<512x64xf32, #tpu.memory_space<vmem>> -> memref<128x64xf32, #tpu.memory_space<vmem>>
      %dma_wait3A_163 = arith.constant 0 : i32
      %dma_wait3A_164 = tpu.memref_slice %arg9[%add3A_12, %dma_wait3A_163] : memref<10240x64xf32, #tpu.memory_space<vmem_shared>> -> memref<128x64xf32, #tpu.memory_space<vmem_shared>>
      %dma_wait3A_165 = arith.constant 0 : i32
      %dma_wait3A_166 = tpu.memref_slice %arg9[%add3A_12, %dma_wait3A_165] : memref<10240x64xf32, #tpu.memory_space<vmem_shared>> -> memref<128x64xf32, #tpu.memory_space<vmem_shared>>
      %dma_wait3A_167 = arith.constant 0 : i32
      %dma_wait3A_168 = arith.constant 0 : i32
      %dma_wait3A_169 = tpu.memref_slice %arg15[%dma_wait3A_167, %dma_wait3A_168] : memref<512x64xf32, #tpu.memory_space<vmem>> -> memref<128x64xf32, #tpu.memory_space<vmem>>
      tpu.wait_dma2 semaphore(%run_scoped3A : memref<!tpu.dma_semaphore, #tpu.memory_space<semaphore_mem>>) src(%dma_wait3A_169 : memref<128x64xf32, #tpu.memory_space<vmem>>) dst(%dma_wait3A_166 : memref<128x64xf32, #tpu.memory_space<vmem_shared>>)
      tpu.yield
    }) : () -> ()
    %add3A_13 = arith.constant 384 : i32
    %add3A_14 = arith.addi %mul3A_0, %add3A_13 : i32
    "tpu.region"() ({
      %run_scoped3A = tpu.sem_alloc : memref<!tpu.dma_semaphore, #tpu.memory_space<semaphore_mem>>
      %dma_start3A = arith.constant 0 : i32
      %dma_start3A_152 = arith.constant 0 : i32
      %dma_start3A_153 = tpu.memref_slice %arg15[%dma_start3A, %dma_start3A_152] : memref<512x64xf32, #tpu.memory_space<vmem>> -> memref<128x64xf32, #tpu.memory_space<vmem>>
      %dma_start3A_154 = arith.constant 0 : i32
      %dma_start3A_155 = tpu.memref_slice %arg9[%add3A_14, %dma_start3A_154] : memref<10240x64xf32, #tpu.memory_space<vmem_shared>> -> memref<128x64xf32, #tpu.memory_space<vmem_shared>>
      %dma_start3A_156 = arith.constant 0 : i32
      %dma_start3A_157 = tpu.memref_slice %arg9[%add3A_14, %dma_start3A_156] : memref<10240x64xf32, #tpu.memory_space<vmem_shared>> -> memref<128x64xf32, #tpu.memory_space<vmem_shared>>
      %dma_start3A_158 = arith.constant 0 : i32
      %dma_start3A_159 = arith.constant 0 : i32
      %dma_start3A_160 = tpu.memref_slice %arg15[%dma_start3A_158, %dma_start3A_159] : memref<512x64xf32, #tpu.memory_space<vmem>> -> memref<128x64xf32, #tpu.memory_space<vmem>>
      tpu.enqueue_dma source(%dma_start3A_160 : memref<128x64xf32, #tpu.memory_space<vmem>>) target(%dma_start3A_157 : memref<128x64xf32, #tpu.memory_space<vmem_shared>>) target_semaphore(%run_scoped3A : memref<!tpu.dma_semaphore, #tpu.memory_space<semaphore_mem>>)
      %dma_wait3A = arith.constant 0 : i32
      %dma_wait3A_161 = arith.constant 0 : i32
      %dma_wait3A_162 = tpu.memref_slice %arg15[%dma_wait3A, %dma_wait3A_161] : memref<512x64xf32, #tpu.memory_space<vmem>> -> memref<128x64xf32, #tpu.memory_space<vmem>>
      %dma_wait3A_163 = arith.constant 0 : i32
      %dma_wait3A_164 = tpu.memref_slice %arg9[%add3A_14, %dma_wait3A_163] : memref<10240x64xf32, #tpu.memory_space<vmem_shared>> -> memref<128x64xf32, #tpu.memory_space<vmem_shared>>
      %dma_wait3A_165 = arith.constant 0 : i32
      %dma_wait3A_166 = tpu.memref_slice %arg9[%add3A_14, %dma_wait3A_165] : memref<10240x64xf32, #tpu.memory_space<vmem_shared>> -> memref<128x64xf32, #tpu.memory_space<vmem_shared>>
      %dma_wait3A_167 = arith.constant 0 : i32
      %dma_wait3A_168 = arith.constant 0 : i32
      %dma_wait3A_169 = tpu.memref_slice %arg15[%dma_wait3A_167, %dma_wait3A_168] : memref<512x64xf32, #tpu.memory_space<vmem>> -> memref<128x64xf32, #tpu.memory_space<vmem>>
      tpu.wait_dma2 semaphore(%run_scoped3A : memref<!tpu.dma_semaphore, #tpu.memory_space<semaphore_mem>>) src(%dma_wait3A_169 : memref<128x64xf32, #tpu.memory_space<vmem>>) dst(%dma_wait3A_166 : memref<128x64xf32, #tpu.memory_space<vmem_shared>>)
      tpu.yield
    }) : () -> ()
    %add3A_15 = arith.constant 512 : i32
    %add3A_16 = arith.addi %mul3A_0, %add3A_15 : i32
    "tpu.region"() ({
      %run_scoped3A = tpu.sem_alloc : memref<!tpu.dma_semaphore, #tpu.memory_space<semaphore_mem>>
      %dma_start3A = arith.constant 0 : i32
      %dma_start3A_152 = arith.constant 0 : i32
      %dma_start3A_153 = tpu.memref_slice %arg15[%dma_start3A, %dma_start3A_152] : memref<512x64xf32, #tpu.memory_space<vmem>> -> memref<128x64xf32, #tpu.memory_space<vmem>>
      %dma_start3A_154 = arith.constant 0 : i32
      %dma_start3A_155 = tpu.memref_slice %arg9[%add3A_16, %dma_start3A_154] : memref<10240x64xf32, #tpu.memory_space<vmem_shared>> -> memref<128x64xf32, #tpu.memory_space<vmem_shared>>
      %dma_start3A_156 = arith.constant 0 : i32
      %dma_start3A_157 = tpu.memref_slice %arg9[%add3A_16, %dma_start3A_156] : memref<10240x64xf32, #tpu.memory_space<vmem_shared>> -> memref<128x64xf32, #tpu.memory_space<vmem_shared>>
      %dma_start3A_158 = arith.constant 0 : i32
      %dma_start3A_159 = arith.constant 0 : i32
      %dma_start3A_160 = tpu.memref_slice %arg15[%dma_start3A_158, %dma_start3A_159] : memref<512x64xf32, #tpu.memory_space<vmem>> -> memref<128x64xf32, #tpu.memory_space<vmem>>
      tpu.enqueue_dma source(%dma_start3A_160 : memref<128x64xf32, #tpu.memory_space<vmem>>) target(%dma_start3A_157 : memref<128x64xf32, #tpu.memory_space<vmem_shared>>) target_semaphore(%run_scoped3A : memref<!tpu.dma_semaphore, #tpu.memory_space<semaphore_mem>>)
      %dma_wait3A = arith.constant 0 : i32
      %dma_wait3A_161 = arith.constant 0 : i32
      %dma_wait3A_162 = tpu.memref_slice %arg15[%dma_wait3A, %dma_wait3A_161] : memref<512x64xf32, #tpu.memory_space<vmem>> -> memref<128x64xf32, #tpu.memory_space<vmem>>
      %dma_wait3A_163 = arith.constant 0 : i32
      %dma_wait3A_164 = tpu.memref_slice %arg9[%add3A_16, %dma_wait3A_163] : memref<10240x64xf32, #tpu.memory_space<vmem_shared>> -> memref<128x64xf32, #tpu.memory_space<vmem_shared>>
      %dma_wait3A_165 = arith.constant 0 : i32
      %dma_wait3A_166 = tpu.memref_slice %arg9[%add3A_16, %dma_wait3A_165] : memref<10240x64xf32, #tpu.memory_space<vmem_shared>> -> memref<128x64xf32, #tpu.memory_space<vmem_shared>>
      %dma_wait3A_167 = arith.constant 0 : i32
      %dma_wait3A_168 = arith.constant 0 : i32
      %dma_wait3A_169 = tpu.memref_slice %arg15[%dma_wait3A_167, %dma_wait3A_168] : memref<512x64xf32, #tpu.memory_space<vmem>> -> memref<128x64xf32, #tpu.memory_space<vmem>>
      tpu.wait_dma2 semaphore(%run_scoped3A : memref<!tpu.dma_semaphore, #tpu.memory_space<semaphore_mem>>) src(%dma_wait3A_169 : memref<128x64xf32, #tpu.memory_space<vmem>>) dst(%dma_wait3A_166 : memref<128x64xf32, #tpu.memory_space<vmem_shared>>)
      tpu.yield
    }) : () -> ()
    %scan3A_17 = arith.constant 0 : i32
    %scan3A_18 = arith.constant 40 : i32
    %scan3A_19 = arith.addi %scan3A_17, %scan3A_18 : i32
    %scan3A_20 = arith.constant 1 : i32
    scf.for %scan3A_152 = %scan3A_17 to %scan3A_19 step %scan3A_20  : i32 {
      %mul3A_153 = arith.constant 16 : i32
      %mul3A_154 = arith.muli %scan3A_152, %mul3A_153 : i32
      %add3A_155 = arith.constant 0 : i32
      %add3A_156 = arith.addi %add3A_155, %mul3A_154 : i32
      %broadcast_in_dim3A = arith.constant 0.000000e+00 : f32
      %broadcast_in_dim3A_157 = vector.broadcast %broadcast_in_dim3A : f32 to vector<16xf32>
      %swap3A = arith.index_cast %add3A_156 : i32 to index
      %swap3A_158 = tpu.vector_load %arg14[%swap3A] {strides = array<i32>} : memref<640xf32, #tpu.memory_space<vmem>>, vector<16xf32>,
      tpu.vector_store %arg14[%swap3A], %broadcast_in_dim3A_157 {strides = array<i32>} : memref<640xf32, #tpu.memory_space<vmem>>, vector<16xf32>,
    }
    %scan3A_21 = arith.constant 40 : i32
    "tpu.region"() ({
      %run_scoped3A = tpu.sem_alloc : memref<!tpu.dma_semaphore, #tpu.memory_space<semaphore_mem>>
      %dma_start3A = tpu.memref_slice %arg10[%mul3A_0] : memref<10240xf32, #tpu.memory_space<vmem_shared>> -> memref<640xf32, #tpu.memory_space<vmem_shared>>
      %dma_start3A_152 = tpu.memref_slice %arg10[%mul3A_0] : memref<10240xf32, #tpu.memory_space<vmem_shared>> -> memref<640xf32, #tpu.memory_space<vmem_shared>>
      tpu.enqueue_dma source(%arg14 : memref<640xf32, #tpu.memory_space<vmem>>) target(%dma_start3A_152 : memref<640xf32, #tpu.memory_space<vmem_shared>>) target_semaphore(%run_scoped3A : memref<!tpu.dma_semaphore, #tpu.memory_space<semaphore_mem>>)
      %dma_wait3A = tpu.memref_slice %arg10[%mul3A_0] : memref<10240xf32, #tpu.memory_space<vmem_shared>> -> memref<640xf32, #tpu.memory_space<vmem_shared>>
      %dma_wait3A_153 = tpu.memref_slice %arg10[%mul3A_0] : memref<10240xf32, #tpu.memory_space<vmem_shared>> -> memref<640xf32, #tpu.memory_space<vmem_shared>>
      tpu.wait_dma2 semaphore(%run_scoped3A : memref<!tpu.dma_semaphore, #tpu.memory_space<semaphore_mem>>) src(%arg14 : memref<640xf32, #tpu.memory_space<vmem>>) dst(%dma_wait3A_153 : memref<640xf32, #tpu.memory_space<vmem_shared>>)
      tpu.yield
    }) : () -> ()
    %barrier3A = arith.constant 0 : index
    tpu.barrier barrier_id(%barrier3A)
    %scan3A_22 = arith.constant 0 : i32
    %scan3A_23 = arith.constant 41 : i32
    %scan3A_24 = arith.addi %scan3A_22, %scan3A_23 : i32
    %scan3A_25 = arith.constant 1 : i32
    scf.for %scan3A_152 = %scan3A_22 to %scan3A_24 step %scan3A_25  : i32 {
      %mul3A_153 = arith.constant 1 : i32
      %mul3A_154 = arith.muli %scan3A_152, %mul3A_153 : i32
      %add3A_155 = arith.constant 0 : i32
      %add3A_156 = arith.addi %add3A_155, %mul3A_154 : i32
      "tpu.region"() ({
        %run_scoped3A_160 = tpu.sem_alloc : memref<!tpu.dma_semaphore, #tpu.memory_space<semaphore_mem>>
        %dma_start3A = arith.constant 0 : i32
        %dma_start3A_161 = arith.constant 0 : i32
        %dma_start3A_162 = tpu.memref_slice %arg4[%arg1, %add3A_156, %dma_start3A, %dma_start3A_161] : memref<16x41x4x128xi32, #tpu.memory_space<hbm>> -> memref<1x1x4x128xi32, #tpu.memory_space<hbm>>
        %dma_start3A_163 = tpu.memref_squeeze %dma_start3A_162 : memref<1x1x4x128xi32, #tpu.memory_space<hbm>> -> memref<4x128xi32, #tpu.memory_space<hbm>>
        %dma_start3A_164 = arith.constant 0 : i32
        %dma_start3A_165 = arith.constant 0 : i32
        %dma_start3A_166 = tpu.memref_slice %arg4[%arg1, %add3A_156, %dma_start3A_164, %dma_start3A_165] : memref<16x41x4x128xi32, #tpu.memory_space<hbm>> -> memref<1x1x4x128xi32, #tpu.memory_space<hbm>>
        %dma_start3A_167 = tpu.memref_squeeze %dma_start3A_166 : memref<1x1x4x128xi32, #tpu.memory_space<hbm>> -> memref<4x128xi32, #tpu.memory_space<hbm>>
        tpu.enqueue_dma source(%dma_start3A_167 : memref<4x128xi32, #tpu.memory_space<hbm>>) target(%arg12 : memref<4x128xi32, #tpu.memory_space<vmem>>) target_semaphore(%run_scoped3A_160 : memref<!tpu.dma_semaphore, #tpu.memory_space<semaphore_mem>>)
        %dma_wait3A = arith.constant 0 : i32
        %dma_wait3A_168 = arith.constant 0 : i32
        %dma_wait3A_169 = tpu.memref_slice %arg4[%arg1, %add3A_156, %dma_wait3A, %dma_wait3A_168] : memref<16x41x4x128xi32, #tpu.memory_space<hbm>> -> memref<1x1x4x128xi32, #tpu.memory_space<hbm>>
        %dma_wait3A_170 = tpu.memref_squeeze %dma_wait3A_169 : memref<1x1x4x128xi32, #tpu.memory_space<hbm>> -> memref<4x128xi32, #tpu.memory_space<hbm>>
        %dma_wait3A_171 = arith.constant 0 : i32
        %dma_wait3A_172 = arith.constant 0 : i32
        %dma_wait3A_173 = tpu.memref_slice %arg4[%arg1, %add3A_156, %dma_wait3A_171, %dma_wait3A_172] : memref<16x41x4x128xi32, #tpu.memory_space<hbm>> -> memref<1x1x4x128xi32, #tpu.memory_space<hbm>>
        %dma_wait3A_174 = tpu.memref_squeeze %dma_wait3A_173 : memref<1x1x4x128xi32, #tpu.memory_space<hbm>> -> memref<4x128xi32, #tpu.memory_space<hbm>>
        tpu.wait_dma2 semaphore(%run_scoped3A_160 : memref<!tpu.dma_semaphore, #tpu.memory_space<semaphore_mem>>) src(%dma_wait3A_174 : memref<4x128xi32, #tpu.memory_space<hbm>>) dst(%arg12 : memref<4x128xi32, #tpu.memory_space<vmem>>)
        tpu.yield
      }) : () -> ()
      "tpu.region"() ({
        %run_scoped3A_160 = tpu.sem_alloc : memref<!tpu.dma_semaphore, #tpu.memory_space<semaphore_mem>>
        %dma_start3A = arith.constant 0 : i32
        %dma_start3A_161 = tpu.memref_slice %arg5[%arg1, %add3A_156, %dma_start3A] : memref<16x41x512xf32, #tpu.memory_space<hbm>> -> memref<1x1x512xf32, #tpu.memory_space<hbm>>
        %dma_start3A_162 = tpu.memref_squeeze %dma_start3A_161 : memref<1x1x512xf32, #tpu.memory_space<hbm>> -> memref<512xf32, #tpu.memory_space<hbm>>
        %dma_start3A_163 = arith.constant 0 : i32
        %dma_start3A_164 = tpu.memref_slice %arg5[%arg1, %add3A_156, %dma_start3A_163] : memref<16x41x512xf32, #tpu.memory_space<hbm>> -> memref<1x1x512xf32, #tpu.memory_space<hbm>>
        %dma_start3A_165 = tpu.memref_squeeze %dma_start3A_164 : memref<1x1x512xf32, #tpu.memory_space<hbm>> -> memref<512xf32, #tpu.memory_space<hbm>>
        tpu.enqueue_dma source(%dma_start3A_165 : memref<512xf32, #tpu.memory_space<hbm>>) target(%arg13 : memref<512xf32, #tpu.memory_space<vmem>>) target_semaphore(%run_scoped3A_160 : memref<!tpu.dma_semaphore, #tpu.memory_space<semaphore_mem>>)
        %dma_wait3A = arith.constant 0 : i32
        %dma_wait3A_166 = tpu.memref_slice %arg5[%arg1, %add3A_156, %dma_wait3A] : memref<16x41x512xf32, #tpu.memory_space<hbm>> -> memref<1x1x512xf32, #tpu.memory_space<hbm>>
        %dma_wait3A_167 = tpu.memref_squeeze %dma_wait3A_166 : memref<1x1x512xf32, #tpu.memory_space<hbm>> -> memref<512xf32, #tpu.memory_space<hbm>>
        %dma_wait3A_168 = arith.constant 0 : i32
        %dma_wait3A_169 = tpu.memref_slice %arg5[%arg1, %add3A_156, %dma_wait3A_168] : memref<16x41x512xf32, #tpu.memory_space<hbm>> -> memref<1x1x512xf32, #tpu.memory_space<hbm>>
        %dma_wait3A_170 = tpu.memref_squeeze %dma_wait3A_169 : memref<1x1x512xf32, #tpu.memory_space<hbm>> -> memref<512xf32, #tpu.memory_space<hbm>>
        tpu.wait_dma2 semaphore(%run_scoped3A_160 : memref<!tpu.dma_semaphore, #tpu.memory_space<semaphore_mem>>) src(%dma_wait3A_170 : memref<512xf32, #tpu.memory_space<hbm>>) dst(%arg13 : memref<512xf32, #tpu.memory_space<vmem>>)
        tpu.yield
      }) : () -> ()
      %run_scoped3A = arith.constant 0 : i32
      "tpu.region"() ({
        %run_scoped3A_160 = tpu.sem_alloc : memref<!tpu.dma_semaphore, #tpu.memory_space<semaphore_mem>>
        %dma_start3A = arith.constant 0 : i32
        %dma_start3A_161 = tpu.memref_slice %arg13[%dma_start3A] : memref<512xf32, #tpu.memory_space<vmem>> -> memref<128xf32, #tpu.memory_space<vmem>>
        %dma_start3A_162 = arith.constant 0 : i32
        %dma_start3A_163 = tpu.memref_slice %arg12[%run_scoped3A, %dma_start3A_162] : memref<4x128xi32, #tpu.memory_space<vmem>> -> memref<1x128xi32, #tpu.memory_space<vmem>>
        %dma_start3A_164 = tpu.memref_squeeze %dma_start3A_163 : memref<1x128xi32, #tpu.memory_space<vmem>> -> memref<128xi32, #tpu.memory_space<vmem>>
        %dma_start3A_165 = arith.constant 0 : i32
        %dma_start3A_166 = tpu.memref_slice %arg10[%dma_start3A_165] : memref<10240xf32, #tpu.memory_space<vmem_shared>> -> memref<10240xf32, #tpu.memory_space<vmem_shared>>
        tpu.enqueue_indirect_dma source(%dma_start3A_161 : memref<128xf32, #tpu.memory_space<vmem>>) target(%dma_start3A_166 : memref<10240xf32, #tpu.memory_space<vmem_shared>>) offsets(%dma_start3A_164 : memref<128xi32, #tpu.memory_space<vmem>>) semaphore(%run_scoped3A_160 : memref<!tpu.dma_semaphore, #tpu.memory_space<semaphore_mem>>) {add = true}
        %dma_wait3A = arith.constant 0 : i32
        %dma_wait3A_167 = tpu.memref_slice %arg13[%dma_wait3A] : memref<512xf32, #tpu.memory_space<vmem>> -> memref<128xf32, #tpu.memory_space<vmem>>
        %dma_wait3A_168 = arith.constant 0 : i32
        %dma_wait3A_169 = tpu.memref_slice %arg12[%run_scoped3A, %dma_wait3A_168] : memref<4x128xi32, #tpu.memory_space<vmem>> -> memref<1x128xi32, #tpu.memory_space<vmem>>
        %dma_wait3A_170 = tpu.memref_squeeze %dma_wait3A_169 : memref<1x128xi32, #tpu.memory_space<vmem>> -> memref<128xi32, #tpu.memory_space<vmem>>
        %dma_wait3A_171 = arith.constant 0 : i32
        %dma_wait3A_172 = tpu.memref_slice %arg10[%dma_wait3A_171] : memref<10240xf32, #tpu.memory_space<vmem_shared>> -> memref<10240xf32, #tpu.memory_space<vmem_shared>>
        tpu.wait_indirect_dma semaphore(%run_scoped3A_160 : memref<!tpu.dma_semaphore, #tpu.memory_space<semaphore_mem>>) src(%dma_wait3A_167 : memref<128xf32, #tpu.memory_space<vmem>>) dst(%dma_wait3A_172 : memref<10240xf32, #tpu.memory_space<vmem_shared>>)
        tpu.yield
      }) : () -> ()
      %run_scoped3A_157 = arith.constant 1 : i32
      "tpu.region"() ({
        %run_scoped3A_160 = tpu.sem_alloc : memref<!tpu.dma_semaphore, #tpu.memory_space<semaphore_mem>>
        %dma_start3A = arith.constant 128 : i32
        %dma_start3A_161 = tpu.memref_slice %arg13[%dma_start3A] : memref<512xf32, #tpu.memory_space<vmem>> -> memref<128xf32, #tpu.memory_space<vmem>>
        %dma_start3A_162 = arith.constant 0 : i32
        %dma_start3A_163 = tpu.memref_slice %arg12[%run_scoped3A_157, %dma_start3A_162] : memref<4x128xi32, #tpu.memory_space<vmem>> -> memref<1x128xi32, #tpu.memory_space<vmem>>
        %dma_start3A_164 = tpu.memref_squeeze %dma_start3A_163 : memref<1x128xi32, #tpu.memory_space<vmem>> -> memref<128xi32, #tpu.memory_space<vmem>>
        %dma_start3A_165 = arith.constant 0 : i32
        %dma_start3A_166 = tpu.memref_slice %arg10[%dma_start3A_165] : memref<10240xf32, #tpu.memory_space<vmem_shared>> -> memref<10240xf32, #tpu.memory_space<vmem_shared>>
        tpu.enqueue_indirect_dma source(%dma_start3A_161 : memref<128xf32, #tpu.memory_space<vmem>>) target(%dma_start3A_166 : memref<10240xf32, #tpu.memory_space<vmem_shared>>) offsets(%dma_start3A_164 : memref<128xi32, #tpu.memory_space<vmem>>) semaphore(%run_scoped3A_160 : memref<!tpu.dma_semaphore, #tpu.memory_space<semaphore_mem>>) {add = true}
        %dma_wait3A = arith.constant 128 : i32
        %dma_wait3A_167 = tpu.memref_slice %arg13[%dma_wait3A] : memref<512xf32, #tpu.memory_space<vmem>> -> memref<128xf32, #tpu.memory_space<vmem>>
        %dma_wait3A_168 = arith.constant 0 : i32
        %dma_wait3A_169 = tpu.memref_slice %arg12[%run_scoped3A_157, %dma_wait3A_168] : memref<4x128xi32, #tpu.memory_space<vmem>> -> memref<1x128xi32, #tpu.memory_space<vmem>>
        %dma_wait3A_170 = tpu.memref_squeeze %dma_wait3A_169 : memref<1x128xi32, #tpu.memory_space<vmem>> -> memref<128xi32, #tpu.memory_space<vmem>>
        %dma_wait3A_171 = arith.constant 0 : i32
        %dma_wait3A_172 = tpu.memref_slice %arg10[%dma_wait3A_171] : memref<10240xf32, #tpu.memory_space<vmem_shared>> -> memref<10240xf32, #tpu.memory_space<vmem_shared>>
        tpu.wait_indirect_dma semaphore(%run_scoped3A_160 : memref<!tpu.dma_semaphore, #tpu.memory_space<semaphore_mem>>) src(%dma_wait3A_167 : memref<128xf32, #tpu.memory_space<vmem>>) dst(%dma_wait3A_172 : memref<10240xf32, #tpu.memory_space<vmem_shared>>)
        tpu.yield
      }) : () -> ()
      %run_scoped3A_158 = arith.constant 2 : i32
      "tpu.region"() ({
        %run_scoped3A_160 = tpu.sem_alloc : memref<!tpu.dma_semaphore, #tpu.memory_space<semaphore_mem>>
        %dma_start3A = arith.constant 256 : i32
        %dma_start3A_161 = tpu.memref_slice %arg13[%dma_start3A] : memref<512xf32, #tpu.memory_space<vmem>> -> memref<128xf32, #tpu.memory_space<vmem>>
        %dma_start3A_162 = arith.constant 0 : i32
        %dma_start3A_163 = tpu.memref_slice %arg12[%run_scoped3A_158, %dma_start3A_162] : memref<4x128xi32, #tpu.memory_space<vmem>> -> memref<1x128xi32, #tpu.memory_space<vmem>>
        %dma_start3A_164 = tpu.memref_squeeze %dma_start3A_163 : memref<1x128xi32, #tpu.memory_space<vmem>> -> memref<128xi32, #tpu.memory_space<vmem>>
        %dma_start3A_165 = arith.constant 0 : i32
        %dma_start3A_166 = tpu.memref_slice %arg10[%dma_start3A_165] : memref<10240xf32, #tpu.memory_space<vmem_shared>> -> memref<10240xf32, #tpu.memory_space<vmem_shared>>
        tpu.enqueue_indirect_dma source(%dma_start3A_161 : memref<128xf32, #tpu.memory_space<vmem>>) target(%dma_start3A_166 : memref<10240xf32, #tpu.memory_space<vmem_shared>>) offsets(%dma_start3A_164 : memref<128xi32, #tpu.memory_space<vmem>>) semaphore(%run_scoped3A_160 : memref<!tpu.dma_semaphore, #tpu.memory_space<semaphore_mem>>) {add = true}
        %dma_wait3A = arith.constant 256 : i32
        %dma_wait3A_167 = tpu.memref_slice %arg13[%dma_wait3A] : memref<512xf32, #tpu.memory_space<vmem>> -> memref<128xf32, #tpu.memory_space<vmem>>
        %dma_wait3A_168 = arith.constant 0 : i32
        %dma_wait3A_169 = tpu.memref_slice %arg12[%run_scoped3A_158, %dma_wait3A_168] : memref<4x128xi32, #tpu.memory_space<vmem>> -> memref<1x128xi32, #tpu.memory_space<vmem>>
        %dma_wait3A_170 = tpu.memref_squeeze %dma_wait3A_169 : memref<1x128xi32, #tpu.memory_space<vmem>> -> memref<128xi32, #tpu.memory_space<vmem>>
        %dma_wait3A_171 = arith.constant 0 : i32
        %dma_wait3A_172 = tpu.memref_slice %arg10[%dma_wait3A_171] : memref<10240xf32, #tpu.memory_space<vmem_shared>> -> memref<10240xf32, #tpu.memory_space<vmem_shared>>
        tpu.wait_indirect_dma semaphore(%run_scoped3A_160 : memref<!tpu.dma_semaphore, #tpu.memory_space<semaphore_mem>>) src(%dma_wait3A_167 : memref<128xf32, #tpu.memory_space<vmem>>) dst(%dma_wait3A_172 : memref<10240xf32, #tpu.memory_space<vmem_shared>>)
        tpu.yield
      }) : () -> ()
      %run_scoped3A_159 = arith.constant 3 : i32
      "tpu.region"() ({
        %run_scoped3A_160 = tpu.sem_alloc : memref<!tpu.dma_semaphore, #tpu.memory_space<semaphore_mem>>
        %dma_start3A = arith.constant 384 : i32
        %dma_start3A_161 = tpu.memref_slice %arg13[%dma_start3A] : memref<512xf32, #tpu.memory_space<vmem>> -> memref<128xf32, #tpu.memory_space<vmem>>
        %dma_start3A_162 = arith.constant 0 : i32
        %dma_start3A_163 = tpu.memref_slice %arg12[%run_scoped3A_159, %dma_start3A_162] : memref<4x128xi32, #tpu.memory_space<vmem>> -> memref<1x128xi32, #tpu.memory_space<vmem>>
        %dma_start3A_164 = tpu.memref_squeeze %dma_start3A_163 : memref<1x128xi32, #tpu.memory_space<vmem>> -> memref<128xi32, #tpu.memory_space<vmem>>
        %dma_start3A_165 = arith.constant 0 : i32
        %dma_start3A_166 = tpu.memref_slice %arg10[%dma_start3A_165] : memref<10240xf32, #tpu.memory_space<vmem_shared>> -> memref<10240xf32, #tpu.memory_space<vmem_shared>>
        tpu.enqueue_indirect_dma source(%dma_start3A_161 : memref<128xf32, #tpu.memory_space<vmem>>) target(%dma_start3A_166 : memref<10240xf32, #tpu.memory_space<vmem_shared>>) offsets(%dma_start3A_164 : memref<128xi32, #tpu.memory_space<vmem>>) semaphore(%run_scoped3A_160 : memref<!tpu.dma_semaphore, #tpu.memory_space<semaphore_mem>>) {add = true}
        %dma_wait3A = arith.constant 384 : i32
        %dma_wait3A_167 = tpu.memref_slice %arg13[%dma_wait3A] : memref<512xf32, #tpu.memory_space<vmem>> -> memref<128xf32, #tpu.memory_space<vmem>>
        %dma_wait3A_168 = arith.constant 0 : i32
        %dma_wait3A_169 = tpu.memref_slice %arg12[%run_scoped3A_159, %dma_wait3A_168] : memref<4x128xi32, #tpu.memory_space<vmem>> -> memref<1x128xi32, #tpu.memory_space<vmem>>
        %dma_wait3A_170 = tpu.memref_squeeze %dma_wait3A_169 : memref<1x128xi32, #tpu.memory_space<vmem>> -> memref<128xi32, #tpu.memory_space<vmem>>
        %dma_wait3A_171 = arith.constant 0 : i32
        %dma_wait3A_172 = tpu.memref_slice %arg10[%dma_wait3A_171] : memref<10240xf32, #tpu.memory_space<vmem_shared>> -> memref<10240xf32, #tpu.memory_space<vmem_shared>>
        tpu.wait_indirect_dma semaphore(%run_scoped3A_160 : memref<!tpu.dma_semaphore, #tpu.memory_space<semaphore_mem>>) src(%dma_wait3A_167 : memref<128xf32, #tpu.memory_space<vmem>>) dst(%dma_wait3A_172 : memref<10240xf32, #tpu.memory_space<vmem_shared>>)
        tpu.yield
      }) : () -> ()
    }
    %scan3A_26 = arith.constant 41 : i32
    %barrier3A_27 = arith.constant 0 : index
    tpu.barrier barrier_id(%barrier3A_27)
    "tpu.region"() ({
      %run_scoped3A = tpu.sem_alloc : memref<!tpu.dma_semaphore, #tpu.memory_space<semaphore_mem>>
      %dma_start3A = tpu.memref_slice %arg10[%mul3A_0] : memref<10240xf32, #tpu.memory_space<vmem_shared>> -> memref<640xf32, #tpu.memory_space<vmem_shared>>
      %dma_start3A_152 = tpu.memref_slice %arg10[%mul3A_0] : memref<10240xf32, #tpu.memory_space<vmem_shared>> -> memref<640xf32, #tpu.memory_space<vmem_shared>>
      tpu.enqueue_dma source(%dma_start3A_152 : memref<640xf32, #tpu.memory_space<vmem_shared>>) target(%arg14 : memref<640xf32, #tpu.memory_space<vmem>>) target_semaphore(%run_scoped3A : memref<!tpu.dma_semaphore, #tpu.memory_space<semaphore_mem>>)
      %dma_wait3A = tpu.memref_slice %arg10[%mul3A_0] : memref<10240xf32, #tpu.memory_space<vmem_shared>> -> memref<640xf32, #tpu.memory_space<vmem_shared>>
      %dma_wait3A_153 = tpu.memref_slice %arg10[%mul3A_0] : memref<10240xf32, #tpu.memory_space<vmem_shared>> -> memref<640xf32, #tpu.memory_space<vmem_shared>>
      tpu.wait_dma2 semaphore(%run_scoped3A : memref<!tpu.dma_semaphore, #tpu.memory_space<semaphore_mem>>) src(%dma_wait3A_153 : memref<640xf32, #tpu.memory_space<vmem_shared>>) dst(%arg14 : memref<640xf32, #tpu.memory_space<vmem>>)
      tpu.yield
    }) : () -> ()
    %scan3A_28 = arith.constant 0 : i32
    %scan3A_29 = arith.constant 40 : i32
    %scan3A_30 = arith.addi %scan3A_28, %scan3A_29 : i32
    %scan3A_31 = arith.constant 1 : i32
    scf.for %scan3A_152 = %scan3A_28 to %scan3A_30 step %scan3A_31  : i32 {
      %mul3A_153 = arith.constant 16 : i32
      %mul3A_154 = arith.muli %scan3A_152, %mul3A_153 : i32
      %add3A_155 = arith.constant 0 : i32
      %add3A_156 = arith.addi %add3A_155, %mul3A_154 : i32
      %get3A = arith.index_cast %add3A_156 : i32 to index
      %get3A_157 = tpu.vector_load %arg14[%get3A] {strides = array<i32>} : memref<640xf32, #tpu.memory_space<vmem>>, vector<16xf32>,
      %bitcast3A = vector.bitcast %get3A_157 : vector<16xf32> to vector<16xi32>
      %broadcast_in_dim3A = arith.constant 1597463007 : i32
      %broadcast_in_dim3A_158 = vector.broadcast %broadcast_in_dim3A : i32 to vector<16xi32>
      %broadcast_in_dim3A_159 = arith.constant 1 : i32
      %broadcast_in_dim3A_160 = vector.broadcast %broadcast_in_dim3A_159 : i32 to vector<16xi32>
      %shift_right_logical3A = arith.shrui %bitcast3A, %broadcast_in_dim3A_160 : vector<16xi32>
      %sub3A = arith.subi %broadcast_in_dim3A_158, %shift_right_logical3A : vector<16xi32>
      %bitcast3A_161 = vector.bitcast %sub3A : vector<16xi32> to vector<16xf32>
      %mul3A_162 = arith.constant 5.000000e-01 : f32
      %mul3A_163 = vector.broadcast %mul3A_162 : f32 to vector<16xf32>
      %mul3A_164 = arith.mulf %mul3A_163, %get3A_157 : vector<16xf32>
      %mul3A_165 = arith.mulf %mul3A_164, %bitcast3A_161 : vector<16xf32>
      %mul3A_166 = arith.mulf %mul3A_165, %bitcast3A_161 : vector<16xf32>
      %sub3A_167 = arith.constant 1.500000e+00 : f32
      %sub3A_168 = vector.broadcast %sub3A_167 : f32 to vector<16xf32>
      %sub3A_169 = arith.subf %sub3A_168, %mul3A_166 : vector<16xf32>
      %mul3A_170 = arith.mulf %bitcast3A_161, %sub3A_169 : vector<16xf32>
      %mul3A_171 = arith.constant 5.000000e-01 : f32
      %mul3A_172 = vector.broadcast %mul3A_171 : f32 to vector<16xf32>
      %mul3A_173 = arith.mulf %mul3A_172, %get3A_157 : vector<16xf32>
      %mul3A_174 = arith.mulf %mul3A_173, %mul3A_170 : vector<16xf32>
      %mul3A_175 = arith.mulf %mul3A_174, %mul3A_170 : vector<16xf32>
      %sub3A_176 = arith.constant 1.500000e+00 : f32
      %sub3A_177 = vector.broadcast %sub3A_176 : f32 to vector<16xf32>
      %sub3A_178 = arith.subf %sub3A_177, %mul3A_175 : vector<16xf32>
      %mul3A_179 = arith.mulf %mul3A_170, %sub3A_178 : vector<16xf32>
      %mul3A_180 = arith.constant 5.000000e-01 : f32
      %mul3A_181 = vector.broadcast %mul3A_180 : f32 to vector<16xf32>
      %mul3A_182 = arith.mulf %mul3A_181, %get3A_157 : vector<16xf32>
      %mul3A_183 = arith.mulf %mul3A_182, %mul3A_179 : vector<16xf32>
      %mul3A_184 = arith.mulf %mul3A_183, %mul3A_179 : vector<16xf32>
      %sub3A_185 = arith.constant 1.500000e+00 : f32
      %sub3A_186 = vector.broadcast %sub3A_185 : f32 to vector<16xf32>
      %sub3A_187 = arith.subf %sub3A_186, %mul3A_184 : vector<16xf32>
      %mul3A_188 = arith.mulf %mul3A_179, %sub3A_187 : vector<16xf32>
      %mul3A_189 = arith.constant 5.000000e-01 : f32
      %mul3A_190 = vector.broadcast %mul3A_189 : f32 to vector<16xf32>
      %mul3A_191 = arith.mulf %mul3A_190, %get3A_157 : vector<16xf32>
      %mul3A_192 = arith.mulf %mul3A_191, %mul3A_188 : vector<16xf32>
      %mul3A_193 = arith.mulf %mul3A_192, %mul3A_188 : vector<16xf32>
      %sub3A_194 = arith.constant 1.500000e+00 : f32
      %sub3A_195 = vector.broadcast %sub3A_194 : f32 to vector<16xf32>
      %sub3A_196 = arith.subf %sub3A_195, %mul3A_193 : vector<16xf32>
      %mul3A_197 = arith.mulf %mul3A_188, %sub3A_196 : vector<16xf32>
      %swap3A = arith.index_cast %add3A_156 : i32 to index
      %swap3A_198 = tpu.vector_load %arg14[%swap3A] {strides = array<i32>} : memref<640xf32, #tpu.memory_space<vmem>>, vector<16xf32>,
      tpu.vector_store %arg14[%swap3A], %mul3A_197 {strides = array<i32>} : memref<640xf32, #tpu.memory_space<vmem>>, vector<16xf32>,
    }
    %scan3A_32 = arith.constant 40 : i32
    "tpu.region"() ({
      %run_scoped3A = tpu.sem_alloc : memref<!tpu.dma_semaphore, #tpu.memory_space<semaphore_mem>>
      %dma_start3A = tpu.memref_slice %arg7[%arg0, %mul3A_0] : memref<2x10240xf32, #tpu.memory_space<hbm>> -> memref<1x640xf32, #tpu.memory_space<hbm>>
      %dma_start3A_152 = tpu.memref_squeeze %dma_start3A : memref<1x640xf32, #tpu.memory_space<hbm>> -> memref<640xf32, #tpu.memory_space<hbm>>
      %dma_start3A_153 = tpu.memref_slice %arg7[%arg0, %mul3A_0] : memref<2x10240xf32, #tpu.memory_space<hbm>> -> memref<1x640xf32, #tpu.memory_space<hbm>>
      %dma_start3A_154 = tpu.memref_squeeze %dma_start3A_153 : memref<1x640xf32, #tpu.memory_space<hbm>> -> memref<640xf32, #tpu.memory_space<hbm>>
      tpu.enqueue_dma source(%arg14 : memref<640xf32, #tpu.memory_space<vmem>>) target(%dma_start3A_154 : memref<640xf32, #tpu.memory_space<hbm>>) target_semaphore(%run_scoped3A : memref<!tpu.dma_semaphore, #tpu.memory_space<semaphore_mem>>)
      %dma_wait3A = tpu.memref_slice %arg7[%arg0, %mul3A_0] : memref<2x10240xf32, #tpu.memory_space<hbm>> -> memref<1x640xf32, #tpu.memory_space<hbm>>
      %dma_wait3A_155 = tpu.memref_squeeze %dma_wait3A : memref<1x640xf32, #tpu.memory_space<hbm>> -> memref<640xf32, #tpu.memory_space<hbm>>
      %dma_wait3A_156 = tpu.memref_slice %arg7[%arg0, %mul3A_0] : memref<2x10240xf32, #tpu.memory_space<hbm>> -> memref<1x640xf32, #tpu.memory_space<hbm>>
      %dma_wait3A_157 = tpu.memref_squeeze %dma_wait3A_156 : memref<1x640xf32, #tpu.memory_space<hbm>> -> memref<640xf32, #tpu.memory_space<hbm>>
      tpu.wait_dma2 semaphore(%run_scoped3A : memref<!tpu.dma_semaphore, #tpu.memory_space<semaphore_mem>>) src(%arg14 : memref<640xf32, #tpu.memory_space<vmem>>) dst(%dma_wait3A_157 : memref<640xf32, #tpu.memory_space<hbm>>)
      tpu.yield
    }) : () -> ()
    %add3A_33 = arith.constant 0 : i32
    %add3A_34 = arith.addi %mul3A_0, %add3A_33 : i32
    "tpu.region"() ({
      %run_scoped3A = tpu.sem_alloc : memref<!tpu.dma_semaphore, #tpu.memory_space<semaphore_mem>>
      %dma_start3A = arith.constant 0 : i32
      %dma_start3A_152 = arith.constant 0 : i32
      %dma_start3A_153 = tpu.memref_slice %arg15[%dma_start3A, %dma_start3A_152] : memref<512x64xf32, #tpu.memory_space<vmem>> -> memref<128x64xf32, #tpu.memory_space<vmem>>
      %dma_start3A_154 = arith.constant 0 : i32
      %dma_start3A_155 = tpu.memref_slice %arg8[%add3A_34, %dma_start3A_154] : memref<10240x64xf32, #tpu.memory_space<vmem_shared>> -> memref<128x64xf32, #tpu.memory_space<vmem_shared>>
      %dma_start3A_156 = arith.constant 0 : i32
      %dma_start3A_157 = arith.constant 0 : i32
      %dma_start3A_158 = tpu.memref_slice %arg15[%dma_start3A_156, %dma_start3A_157] : memref<512x64xf32, #tpu.memory_space<vmem>> -> memref<128x64xf32, #tpu.memory_space<vmem>>
      %dma_start3A_159 = arith.constant 0 : i32
      %dma_start3A_160 = tpu.memref_slice %arg8[%add3A_34, %dma_start3A_159] : memref<10240x64xf32, #tpu.memory_space<vmem_shared>> -> memref<128x64xf32, #tpu.memory_space<vmem_shared>>
      tpu.enqueue_dma source(%dma_start3A_160 : memref<128x64xf32, #tpu.memory_space<vmem_shared>>) target(%dma_start3A_158 : memref<128x64xf32, #tpu.memory_space<vmem>>) target_semaphore(%run_scoped3A : memref<!tpu.dma_semaphore, #tpu.memory_space<semaphore_mem>>)
      %dma_wait3A = arith.constant 0 : i32
      %dma_wait3A_161 = arith.constant 0 : i32
      %dma_wait3A_162 = tpu.memref_slice %arg15[%dma_wait3A, %dma_wait3A_161] : memref<512x64xf32, #tpu.memory_space<vmem>> -> memref<128x64xf32, #tpu.memory_space<vmem>>
      %dma_wait3A_163 = arith.constant 0 : i32
      %dma_wait3A_164 = tpu.memref_slice %arg8[%add3A_34, %dma_wait3A_163] : memref<10240x64xf32, #tpu.memory_space<vmem_shared>> -> memref<128x64xf32, #tpu.memory_space<vmem_shared>>
      %dma_wait3A_165 = arith.constant 0 : i32
      %dma_wait3A_166 = arith.constant 0 : i32
      %dma_wait3A_167 = tpu.memref_slice %arg15[%dma_wait3A_165, %dma_wait3A_166] : memref<512x64xf32, #tpu.memory_space<vmem>> -> memref<128x64xf32, #tpu.memory_space<vmem>>
      %dma_wait3A_168 = arith.constant 0 : i32
      %dma_wait3A_169 = tpu.memref_slice %arg8[%add3A_34, %dma_wait3A_168] : memref<10240x64xf32, #tpu.memory_space<vmem_shared>> -> memref<128x64xf32, #tpu.memory_space<vmem_shared>>
      tpu.wait_dma2 semaphore(%run_scoped3A : memref<!tpu.dma_semaphore, #tpu.memory_space<semaphore_mem>>) src(%dma_wait3A_169 : memref<128x64xf32, #tpu.memory_space<vmem_shared>>) dst(%dma_wait3A_167 : memref<128x64xf32, #tpu.memory_space<vmem>>)
      tpu.yield
    }) : () -> ()
    %scan3A_35 = arith.constant 0 : i32
    %scan3A_36 = arith.constant 128 : i32
    %scan3A_37 = arith.addi %scan3A_35, %scan3A_36 : i32
    %scan3A_38 = arith.constant 1 : i32
    scf.for %scan3A_152 = %scan3A_35 to %scan3A_37 step %scan3A_38  : i32 {
      %mul3A_153 = arith.constant 1 : i32
      %mul3A_154 = arith.muli %scan3A_152, %mul3A_153 : i32
      %add3A_155 = arith.constant 0 : i32
      %add3A_156 = arith.addi %add3A_155, %mul3A_154 : i32
      %broadcast_in_dim3A = arith.constant 0 : i32
      %broadcast_in_dim3A_157 = vector.broadcast %broadcast_in_dim3A : i32 to vector<16xi32>
      %add3A_158 = vector.broadcast %add3A_156 : i32 to vector<16xi32>
      %add3A_159 = arith.addi %broadcast_in_dim3A_157, %add3A_158 : vector<16xi32>
      %gather3A = tpu.vector_load_idx %arg14[%add3A_159] : memref<640xf32, #tpu.memory_space<vmem>>[vector<16xi32>], vector<16xf32>,
      %get3A = arith.index_cast %add3A_156 : i32 to index
      %get3A_160 = arith.constant 0 : index
      %get3A_161 = tpu.vector_load %arg15[%get3A, %get3A_160] {strides = array<i32>} : memref<512x64xf32, #tpu.memory_space<vmem>>, vector<16xf32>,
      %mul3A_162 = arith.mulf %get3A_161, %gather3A : vector<16xf32>
      %swap3A = arith.index_cast %add3A_156 : i32 to index
      %swap3A_163 = arith.constant 0 : index
      %swap3A_164 = tpu.vector_load %arg15[%swap3A, %swap3A_163] {strides = array<i32>} : memref<512x64xf32, #tpu.memory_space<vmem>>, vector<16xf32>,
      tpu.vector_store %arg15[%swap3A, %swap3A_163], %mul3A_162 {strides = array<i32>} : memref<512x64xf32, #tpu.memory_space<vmem>>, vector<16xf32>,
      %get3A_165 = arith.index_cast %add3A_156 : i32 to index
      %get3A_166 = arith.constant 16 : index
      %get3A_167 = tpu.vector_load %arg15[%get3A_165, %get3A_166] {strides = array<i32>} : memref<512x64xf32, #tpu.memory_space<vmem>>, vector<16xf32>,
      %mul3A_168 = arith.mulf %get3A_167, %gather3A : vector<16xf32>
      %swap3A_169 = arith.index_cast %add3A_156 : i32 to index
      %swap3A_170 = arith.constant 16 : index
      %swap3A_171 = tpu.vector_load %arg15[%swap3A_169, %swap3A_170] {strides = array<i32>} : memref<512x64xf32, #tpu.memory_space<vmem>>, vector<16xf32>,
      tpu.vector_store %arg15[%swap3A_169, %swap3A_170], %mul3A_168 {strides = array<i32>} : memref<512x64xf32, #tpu.memory_space<vmem>>, vector<16xf32>,
      %get3A_172 = arith.index_cast %add3A_156 : i32 to index
      %get3A_173 = arith.constant 32 : index
      %get3A_174 = tpu.vector_load %arg15[%get3A_172, %get3A_173] {strides = array<i32>} : memref<512x64xf32, #tpu.memory_space<vmem>>, vector<16xf32>,
      %mul3A_175 = arith.mulf %get3A_174, %gather3A : vector<16xf32>
      %swap3A_176 = arith.index_cast %add3A_156 : i32 to index
      %swap3A_177 = arith.constant 32 : index
      %swap3A_178 = tpu.vector_load %arg15[%swap3A_176, %swap3A_177] {strides = array<i32>} : memref<512x64xf32, #tpu.memory_space<vmem>>, vector<16xf32>,
      tpu.vector_store %arg15[%swap3A_176, %swap3A_177], %mul3A_175 {strides = array<i32>} : memref<512x64xf32, #tpu.memory_space<vmem>>, vector<16xf32>,
      %get3A_179 = arith.index_cast %add3A_156 : i32 to index
      %get3A_180 = arith.constant 48 : index
      %get3A_181 = tpu.vector_load %arg15[%get3A_179, %get3A_180] {strides = array<i32>} : memref<512x64xf32, #tpu.memory_space<vmem>>, vector<16xf32>,
      %mul3A_182 = arith.mulf %get3A_181, %gather3A : vector<16xf32>
      %swap3A_183 = arith.index_cast %add3A_156 : i32 to index
      %swap3A_184 = arith.constant 48 : index
      %swap3A_185 = tpu.vector_load %arg15[%swap3A_183, %swap3A_184] {strides = array<i32>} : memref<512x64xf32, #tpu.memory_space<vmem>>, vector<16xf32>,
      tpu.vector_store %arg15[%swap3A_183, %swap3A_184], %mul3A_182 {strides = array<i32>} : memref<512x64xf32, #tpu.memory_space<vmem>>, vector<16xf32>,
    }
    %scan3A_39 = arith.constant 128 : i32
    %add3A_40 = arith.constant 0 : i32
    %add3A_41 = arith.addi %mul3A_0, %add3A_40 : i32
    "tpu.region"() ({
      %run_scoped3A = tpu.sem_alloc : memref<!tpu.dma_semaphore, #tpu.memory_space<semaphore_mem>>
      %dma_start3A = arith.constant 0 : i32
      %dma_start3A_152 = arith.constant 0 : i32
      %dma_start3A_153 = tpu.memref_slice %arg15[%dma_start3A, %dma_start3A_152] : memref<512x64xf32, #tpu.memory_space<vmem>> -> memref<128x64xf32, #tpu.memory_space<vmem>>
      %dma_start3A_154 = arith.constant 0 : i32
      %dma_start3A_155 = tpu.memref_slice %arg8[%add3A_41, %dma_start3A_154] : memref<10240x64xf32, #tpu.memory_space<vmem_shared>> -> memref<128x64xf32, #tpu.memory_space<vmem_shared>>
      %dma_start3A_156 = arith.constant 0 : i32
      %dma_start3A_157 = tpu.memref_slice %arg8[%add3A_41, %dma_start3A_156] : memref<10240x64xf32, #tpu.memory_space<vmem_shared>> -> memref<128x64xf32, #tpu.memory_space<vmem_shared>>
      %dma_start3A_158 = arith.constant 0 : i32
      %dma_start3A_159 = arith.constant 0 : i32
      %dma_start3A_160 = tpu.memref_slice %arg15[%dma_start3A_158, %dma_start3A_159] : memref<512x64xf32, #tpu.memory_space<vmem>> -> memref<128x64xf32, #tpu.memory_space<vmem>>
      tpu.enqueue_dma source(%dma_start3A_160 : memref<128x64xf32, #tpu.memory_space<vmem>>) target(%dma_start3A_157 : memref<128x64xf32, #tpu.memory_space<vmem_shared>>) target_semaphore(%run_scoped3A : memref<!tpu.dma_semaphore, #tpu.memory_space<semaphore_mem>>)
      %dma_wait3A = arith.constant 0 : i32
      %dma_wait3A_161 = arith.constant 0 : i32
      %dma_wait3A_162 = tpu.memref_slice %arg15[%dma_wait3A, %dma_wait3A_161] : memref<512x64xf32, #tpu.memory_space<vmem>> -> memref<128x64xf32, #tpu.memory_space<vmem>>
      %dma_wait3A_163 = arith.constant 0 : i32
      %dma_wait3A_164 = tpu.memref_slice %arg8[%add3A_41, %dma_wait3A_163] : memref<10240x64xf32, #tpu.memory_space<vmem_shared>> -> memref<128x64xf32, #tpu.memory_space<vmem_shared>>
      %dma_wait3A_165 = arith.constant 0 : i32
      %dma_wait3A_166 = tpu.memref_slice %arg8[%add3A_41, %dma_wait3A_165] : memref<10240x64xf32, #tpu.memory_space<vmem_shared>> -> memref<128x64xf32, #tpu.memory_space<vmem_shared>>
      %dma_wait3A_167 = arith.constant 0 : i32
      %dma_wait3A_168 = arith.constant 0 : i32
      %dma_wait3A_169 = tpu.memref_slice %arg15[%dma_wait3A_167, %dma_wait3A_168] : memref<512x64xf32, #tpu.memory_space<vmem>> -> memref<128x64xf32, #tpu.memory_space<vmem>>
      tpu.wait_dma2 semaphore(%run_scoped3A : memref<!tpu.dma_semaphore, #tpu.memory_space<semaphore_mem>>) src(%dma_wait3A_169 : memref<128x64xf32, #tpu.memory_space<vmem>>) dst(%dma_wait3A_166 : memref<128x64xf32, #tpu.memory_space<vmem_shared>>)
      tpu.yield
    }) : () -> ()
    %add3A_42 = arith.constant 128 : i32
    %add3A_43 = arith.addi %mul3A_0, %add3A_42 : i32
    "tpu.region"() ({
      %run_scoped3A = tpu.sem_alloc : memref<!tpu.dma_semaphore, #tpu.memory_space<semaphore_mem>>
      %dma_start3A = arith.constant 0 : i32
      %dma_start3A_152 = arith.constant 0 : i32
      %dma_start3A_153 = tpu.memref_slice %arg15[%dma_start3A, %dma_start3A_152] : memref<512x64xf32, #tpu.memory_space<vmem>> -> memref<128x64xf32, #tpu.memory_space<vmem>>
      %dma_start3A_154 = arith.constant 0 : i32
      %dma_start3A_155 = tpu.memref_slice %arg8[%add3A_43, %dma_start3A_154] : memref<10240x64xf32, #tpu.memory_space<vmem_shared>> -> memref<128x64xf32, #tpu.memory_space<vmem_shared>>
      %dma_start3A_156 = arith.constant 0 : i32
      %dma_start3A_157 = arith.constant 0 : i32
      %dma_start3A_158 = tpu.memref_slice %arg15[%dma_start3A_156, %dma_start3A_157] : memref<512x64xf32, #tpu.memory_space<vmem>> -> memref<128x64xf32, #tpu.memory_space<vmem>>
      %dma_start3A_159 = arith.constant 0 : i32
      %dma_start3A_160 = tpu.memref_slice %arg8[%add3A_43, %dma_start3A_159] : memref<10240x64xf32, #tpu.memory_space<vmem_shared>> -> memref<128x64xf32, #tpu.memory_space<vmem_shared>>
      tpu.enqueue_dma source(%dma_start3A_160 : memref<128x64xf32, #tpu.memory_space<vmem_shared>>) target(%dma_start3A_158 : memref<128x64xf32, #tpu.memory_space<vmem>>) target_semaphore(%run_scoped3A : memref<!tpu.dma_semaphore, #tpu.memory_space<semaphore_mem>>)
      %dma_wait3A = arith.constant 0 : i32
      %dma_wait3A_161 = arith.constant 0 : i32
      %dma_wait3A_162 = tpu.memref_slice %arg15[%dma_wait3A, %dma_wait3A_161] : memref<512x64xf32, #tpu.memory_space<vmem>> -> memref<128x64xf32, #tpu.memory_space<vmem>>
      %dma_wait3A_163 = arith.constant 0 : i32
      %dma_wait3A_164 = tpu.memref_slice %arg8[%add3A_43, %dma_wait3A_163] : memref<10240x64xf32, #tpu.memory_space<vmem_shared>> -> memref<128x64xf32, #tpu.memory_space<vmem_shared>>
      %dma_wait3A_165 = arith.constant 0 : i32
      %dma_wait3A_166 = arith.constant 0 : i32
      %dma_wait3A_167 = tpu.memref_slice %arg15[%dma_wait3A_165, %dma_wait3A_166] : memref<512x64xf32, #tpu.memory_space<vmem>> -> memref<128x64xf32, #tpu.memory_space<vmem>>
      %dma_wait3A_168 = arith.constant 0 : i32
      %dma_wait3A_169 = tpu.memref_slice %arg8[%add3A_43, %dma_wait3A_168] : memref<10240x64xf32, #tpu.memory_space<vmem_shared>> -> memref<128x64xf32, #tpu.memory_space<vmem_shared>>
      tpu.wait_dma2 semaphore(%run_scoped3A : memref<!tpu.dma_semaphore, #tpu.memory_space<semaphore_mem>>) src(%dma_wait3A_169 : memref<128x64xf32, #tpu.memory_space<vmem_shared>>) dst(%dma_wait3A_167 : memref<128x64xf32, #tpu.memory_space<vmem>>)
      tpu.yield
    }) : () -> ()
    %scan3A_44 = arith.constant 0 : i32
    %scan3A_45 = arith.constant 128 : i32
    %scan3A_46 = arith.addi %scan3A_44, %scan3A_45 : i32
    %scan3A_47 = arith.constant 1 : i32
    scf.for %scan3A_152 = %scan3A_44 to %scan3A_46 step %scan3A_47  : i32 {
      %mul3A_153 = arith.constant 1 : i32
      %mul3A_154 = arith.muli %scan3A_152, %mul3A_153 : i32
      %add3A_155 = arith.constant 0 : i32
      %add3A_156 = arith.addi %add3A_155, %mul3A_154 : i32
      %broadcast_in_dim3A = arith.constant 128 : i32
      %broadcast_in_dim3A_157 = vector.broadcast %broadcast_in_dim3A : i32 to vector<16xi32>
      %add3A_158 = vector.broadcast %add3A_156 : i32 to vector<16xi32>
      %add3A_159 = arith.addi %broadcast_in_dim3A_157, %add3A_158 : vector<16xi32>
      %gather3A = tpu.vector_load_idx %arg14[%add3A_159] : memref<640xf32, #tpu.memory_space<vmem>>[vector<16xi32>], vector<16xf32>,
      %get3A = arith.index_cast %add3A_156 : i32 to index
      %get3A_160 = arith.constant 0 : index
      %get3A_161 = tpu.vector_load %arg15[%get3A, %get3A_160] {strides = array<i32>} : memref<512x64xf32, #tpu.memory_space<vmem>>, vector<16xf32>,
      %mul3A_162 = arith.mulf %get3A_161, %gather3A : vector<16xf32>
      %swap3A = arith.index_cast %add3A_156 : i32 to index
      %swap3A_163 = arith.constant 0 : index
      %swap3A_164 = tpu.vector_load %arg15[%swap3A, %swap3A_163] {strides = array<i32>} : memref<512x64xf32, #tpu.memory_space<vmem>>, vector<16xf32>,
      tpu.vector_store %arg15[%swap3A, %swap3A_163], %mul3A_162 {strides = array<i32>} : memref<512x64xf32, #tpu.memory_space<vmem>>, vector<16xf32>,
      %get3A_165 = arith.index_cast %add3A_156 : i32 to index
      %get3A_166 = arith.constant 16 : index
      %get3A_167 = tpu.vector_load %arg15[%get3A_165, %get3A_166] {strides = array<i32>} : memref<512x64xf32, #tpu.memory_space<vmem>>, vector<16xf32>,
      %mul3A_168 = arith.mulf %get3A_167, %gather3A : vector<16xf32>
      %swap3A_169 = arith.index_cast %add3A_156 : i32 to index
      %swap3A_170 = arith.constant 16 : index
      %swap3A_171 = tpu.vector_load %arg15[%swap3A_169, %swap3A_170] {strides = array<i32>} : memref<512x64xf32, #tpu.memory_space<vmem>>, vector<16xf32>,
      tpu.vector_store %arg15[%swap3A_169, %swap3A_170], %mul3A_168 {strides = array<i32>} : memref<512x64xf32, #tpu.memory_space<vmem>>, vector<16xf32>,
      %get3A_172 = arith.index_cast %add3A_156 : i32 to index
      %get3A_173 = arith.constant 32 : index
      %get3A_174 = tpu.vector_load %arg15[%get3A_172, %get3A_173] {strides = array<i32>} : memref<512x64xf32, #tpu.memory_space<vmem>>, vector<16xf32>,
      %mul3A_175 = arith.mulf %get3A_174, %gather3A : vector<16xf32>
      %swap3A_176 = arith.index_cast %add3A_156 : i32 to index
      %swap3A_177 = arith.constant 32 : index
      %swap3A_178 = tpu.vector_load %arg15[%swap3A_176, %swap3A_177] {strides = array<i32>} : memref<512x64xf32, #tpu.memory_space<vmem>>, vector<16xf32>,
      tpu.vector_store %arg15[%swap3A_176, %swap3A_177], %mul3A_175 {strides = array<i32>} : memref<512x64xf32, #tpu.memory_space<vmem>>, vector<16xf32>,
      %get3A_179 = arith.index_cast %add3A_156 : i32 to index
      %get3A_180 = arith.constant 48 : index
      %get3A_181 = tpu.vector_load %arg15[%get3A_179, %get3A_180] {strides = array<i32>} : memref<512x64xf32, #tpu.memory_space<vmem>>, vector<16xf32>,
      %mul3A_182 = arith.mulf %get3A_181, %gather3A : vector<16xf32>
      %swap3A_183 = arith.index_cast %add3A_156 : i32 to index
      %swap3A_184 = arith.constant 48 : index
      %swap3A_185 = tpu.vector_load %arg15[%swap3A_183, %swap3A_184] {strides = array<i32>} : memref<512x64xf32, #tpu.memory_space<vmem>>, vector<16xf32>,
      tpu.vector_store %arg15[%swap3A_183, %swap3A_184], %mul3A_182 {strides = array<i32>} : memref<512x64xf32, #tpu.memory_space<vmem>>, vector<16xf32>,
    }
    %scan3A_48 = arith.constant 128 : i32
    %add3A_49 = arith.constant 128 : i32
    %add3A_50 = arith.addi %mul3A_0, %add3A_49 : i32
    "tpu.region"() ({
      %run_scoped3A = tpu.sem_alloc : memref<!tpu.dma_semaphore, #tpu.memory_space<semaphore_mem>>
      %dma_start3A = arith.constant 0 : i32
      %dma_start3A_152 = arith.constant 0 : i32
      %dma_start3A_153 = tpu.memref_slice %arg15[%dma_start3A, %dma_start3A_152] : memref<512x64xf32, #tpu.memory_space<vmem>> -> memref<128x64xf32, #tpu.memory_space<vmem>>
      %dma_start3A_154 = arith.constant 0 : i32
      %dma_start3A_155 = tpu.memref_slice %arg8[%add3A_50, %dma_start3A_154] : memref<10240x64xf32, #tpu.memory_space<vmem_shared>> -> memref<128x64xf32, #tpu.memory_space<vmem_shared>>
      %dma_start3A_156 = arith.constant 0 : i32
      %dma_start3A_157 = tpu.memref_slice %arg8[%add3A_50, %dma_start3A_156] : memref<10240x64xf32, #tpu.memory_space<vmem_shared>> -> memref<128x64xf32, #tpu.memory_space<vmem_shared>>
      %dma_start3A_158 = arith.constant 0 : i32
      %dma_start3A_159 = arith.constant 0 : i32
      %dma_start3A_160 = tpu.memref_slice %arg15[%dma_start3A_158, %dma_start3A_159] : memref<512x64xf32, #tpu.memory_space<vmem>> -> memref<128x64xf32, #tpu.memory_space<vmem>>
      tpu.enqueue_dma source(%dma_start3A_160 : memref<128x64xf32, #tpu.memory_space<vmem>>) target(%dma_start3A_157 : memref<128x64xf32, #tpu.memory_space<vmem_shared>>) target_semaphore(%run_scoped3A : memref<!tpu.dma_semaphore, #tpu.memory_space<semaphore_mem>>)
      %dma_wait3A = arith.constant 0 : i32
      %dma_wait3A_161 = arith.constant 0 : i32
      %dma_wait3A_162 = tpu.memref_slice %arg15[%dma_wait3A, %dma_wait3A_161] : memref<512x64xf32, #tpu.memory_space<vmem>> -> memref<128x64xf32, #tpu.memory_space<vmem>>
      %dma_wait3A_163 = arith.constant 0 : i32
      %dma_wait3A_164 = tpu.memref_slice %arg8[%add3A_50, %dma_wait3A_163] : memref<10240x64xf32, #tpu.memory_space<vmem_shared>> -> memref<128x64xf32, #tpu.memory_space<vmem_shared>>
      %dma_wait3A_165 = arith.constant 0 : i32
      %dma_wait3A_166 = tpu.memref_slice %arg8[%add3A_50, %dma_wait3A_165] : memref<10240x64xf32, #tpu.memory_space<vmem_shared>> -> memref<128x64xf32, #tpu.memory_space<vmem_shared>>
      %dma_wait3A_167 = arith.constant 0 : i32
      %dma_wait3A_168 = arith.constant 0 : i32
      %dma_wait3A_169 = tpu.memref_slice %arg15[%dma_wait3A_167, %dma_wait3A_168] : memref<512x64xf32, #tpu.memory_space<vmem>> -> memref<128x64xf32, #tpu.memory_space<vmem>>
      tpu.wait_dma2 semaphore(%run_scoped3A : memref<!tpu.dma_semaphore, #tpu.memory_space<semaphore_mem>>) src(%dma_wait3A_169 : memref<128x64xf32, #tpu.memory_space<vmem>>) dst(%dma_wait3A_166 : memref<128x64xf32, #tpu.memory_space<vmem_shared>>)
      tpu.yield
    }) : () -> ()
    %add3A_51 = arith.constant 256 : i32
    %add3A_52 = arith.addi %mul3A_0, %add3A_51 : i32
    "tpu.region"() ({
      %run_scoped3A = tpu.sem_alloc : memref<!tpu.dma_semaphore, #tpu.memory_space<semaphore_mem>>
      %dma_start3A = arith.constant 0 : i32
      %dma_start3A_152 = arith.constant 0 : i32
      %dma_start3A_153 = tpu.memref_slice %arg15[%dma_start3A, %dma_start3A_152] : memref<512x64xf32, #tpu.memory_space<vmem>> -> memref<128x64xf32, #tpu.memory_space<vmem>>
      %dma_start3A_154 = arith.constant 0 : i32
      %dma_start3A_155 = tpu.memref_slice %arg8[%add3A_52, %dma_start3A_154] : memref<10240x64xf32, #tpu.memory_space<vmem_shared>> -> memref<128x64xf32, #tpu.memory_space<vmem_shared>>
      %dma_start3A_156 = arith.constant 0 : i32
      %dma_start3A_157 = arith.constant 0 : i32
      %dma_start3A_158 = tpu.memref_slice %arg15[%dma_start3A_156, %dma_start3A_157] : memref<512x64xf32, #tpu.memory_space<vmem>> -> memref<128x64xf32, #tpu.memory_space<vmem>>
      %dma_start3A_159 = arith.constant 0 : i32
      %dma_start3A_160 = tpu.memref_slice %arg8[%add3A_52, %dma_start3A_159] : memref<10240x64xf32, #tpu.memory_space<vmem_shared>> -> memref<128x64xf32, #tpu.memory_space<vmem_shared>>
      tpu.enqueue_dma source(%dma_start3A_160 : memref<128x64xf32, #tpu.memory_space<vmem_shared>>) target(%dma_start3A_158 : memref<128x64xf32, #tpu.memory_space<vmem>>) target_semaphore(%run_scoped3A : memref<!tpu.dma_semaphore, #tpu.memory_space<semaphore_mem>>)
      %dma_wait3A = arith.constant 0 : i32
      %dma_wait3A_161 = arith.constant 0 : i32
      %dma_wait3A_162 = tpu.memref_slice %arg15[%dma_wait3A, %dma_wait3A_161] : memref<512x64xf32, #tpu.memory_space<vmem>> -> memref<128x64xf32, #tpu.memory_space<vmem>>
      %dma_wait3A_163 = arith.constant 0 : i32
      %dma_wait3A_164 = tpu.memref_slice %arg8[%add3A_52, %dma_wait3A_163] : memref<10240x64xf32, #tpu.memory_space<vmem_shared>> -> memref<128x64xf32, #tpu.memory_space<vmem_shared>>
      %dma_wait3A_165 = arith.constant 0 : i32
      %dma_wait3A_166 = arith.constant 0 : i32
      %dma_wait3A_167 = tpu.memref_slice %arg15[%dma_wait3A_165, %dma_wait3A_166] : memref<512x64xf32, #tpu.memory_space<vmem>> -> memref<128x64xf32, #tpu.memory_space<vmem>>
      %dma_wait3A_168 = arith.constant 0 : i32
      %dma_wait3A_169 = tpu.memref_slice %arg8[%add3A_52, %dma_wait3A_168] : memref<10240x64xf32, #tpu.memory_space<vmem_shared>> -> memref<128x64xf32, #tpu.memory_space<vmem_shared>>
      tpu.wait_dma2 semaphore(%run_scoped3A : memref<!tpu.dma_semaphore, #tpu.memory_space<semaphore_mem>>) src(%dma_wait3A_169 : memref<128x64xf32, #tpu.memory_space<vmem_shared>>) dst(%dma_wait3A_167 : memref<128x64xf32, #tpu.memory_space<vmem>>)
      tpu.yield
    }) : () -> ()
    %scan3A_53 = arith.constant 0 : i32
    %scan3A_54 = arith.constant 128 : i32
    %scan3A_55 = arith.addi %scan3A_53, %scan3A_54 : i32
    %scan3A_56 = arith.constant 1 : i32
    scf.for %scan3A_152 = %scan3A_53 to %scan3A_55 step %scan3A_56  : i32 {
      %mul3A_153 = arith.constant 1 : i32
      %mul3A_154 = arith.muli %scan3A_152, %mul3A_153 : i32
      %add3A_155 = arith.constant 0 : i32
      %add3A_156 = arith.addi %add3A_155, %mul3A_154 : i32
      %broadcast_in_dim3A = arith.constant 256 : i32
      %broadcast_in_dim3A_157 = vector.broadcast %broadcast_in_dim3A : i32 to vector<16xi32>
      %add3A_158 = vector.broadcast %add3A_156 : i32 to vector<16xi32>
      %add3A_159 = arith.addi %broadcast_in_dim3A_157, %add3A_158 : vector<16xi32>
      %gather3A = tpu.vector_load_idx %arg14[%add3A_159] : memref<640xf32, #tpu.memory_space<vmem>>[vector<16xi32>], vector<16xf32>,
      %get3A = arith.index_cast %add3A_156 : i32 to index
      %get3A_160 = arith.constant 0 : index
      %get3A_161 = tpu.vector_load %arg15[%get3A, %get3A_160] {strides = array<i32>} : memref<512x64xf32, #tpu.memory_space<vmem>>, vector<16xf32>,
      %mul3A_162 = arith.mulf %get3A_161, %gather3A : vector<16xf32>
      %swap3A = arith.index_cast %add3A_156 : i32 to index
      %swap3A_163 = arith.constant 0 : index
      %swap3A_164 = tpu.vector_load %arg15[%swap3A, %swap3A_163] {strides = array<i32>} : memref<512x64xf32, #tpu.memory_space<vmem>>, vector<16xf32>,
      tpu.vector_store %arg15[%swap3A, %swap3A_163], %mul3A_162 {strides = array<i32>} : memref<512x64xf32, #tpu.memory_space<vmem>>, vector<16xf32>,
      %get3A_165 = arith.index_cast %add3A_156 : i32 to index
      %get3A_166 = arith.constant 16 : index
      %get3A_167 = tpu.vector_load %arg15[%get3A_165, %get3A_166] {strides = array<i32>} : memref<512x64xf32, #tpu.memory_space<vmem>>, vector<16xf32>,
      %mul3A_168 = arith.mulf %get3A_167, %gather3A : vector<16xf32>
      %swap3A_169 = arith.index_cast %add3A_156 : i32 to index
      %swap3A_170 = arith.constant 16 : index
      %swap3A_171 = tpu.vector_load %arg15[%swap3A_169, %swap3A_170] {strides = array<i32>} : memref<512x64xf32, #tpu.memory_space<vmem>>, vector<16xf32>,
      tpu.vector_store %arg15[%swap3A_169, %swap3A_170], %mul3A_168 {strides = array<i32>} : memref<512x64xf32, #tpu.memory_space<vmem>>, vector<16xf32>,
      %get3A_172 = arith.index_cast %add3A_156 : i32 to index
      %get3A_173 = arith.constant 32 : index
      %get3A_174 = tpu.vector_load %arg15[%get3A_172, %get3A_173] {strides = array<i32>} : memref<512x64xf32, #tpu.memory_space<vmem>>, vector<16xf32>,
      %mul3A_175 = arith.mulf %get3A_174, %gather3A : vector<16xf32>
      %swap3A_176 = arith.index_cast %add3A_156 : i32 to index
      %swap3A_177 = arith.constant 32 : index
      %swap3A_178 = tpu.vector_load %arg15[%swap3A_176, %swap3A_177] {strides = array<i32>} : memref<512x64xf32, #tpu.memory_space<vmem>>, vector<16xf32>,
      tpu.vector_store %arg15[%swap3A_176, %swap3A_177], %mul3A_175 {strides = array<i32>} : memref<512x64xf32, #tpu.memory_space<vmem>>, vector<16xf32>,
      %get3A_179 = arith.index_cast %add3A_156 : i32 to index
      %get3A_180 = arith.constant 48 : index
      %get3A_181 = tpu.vector_load %arg15[%get3A_179, %get3A_180] {strides = array<i32>} : memref<512x64xf32, #tpu.memory_space<vmem>>, vector<16xf32>,
      %mul3A_182 = arith.mulf %get3A_181, %gather3A : vector<16xf32>
      %swap3A_183 = arith.index_cast %add3A_156 : i32 to index
      %swap3A_184 = arith.constant 48 : index
      %swap3A_185 = tpu.vector_load %arg15[%swap3A_183, %swap3A_184] {strides = array<i32>} : memref<512x64xf32, #tpu.memory_space<vmem>>, vector<16xf32>,
      tpu.vector_store %arg15[%swap3A_183, %swap3A_184], %mul3A_182 {strides = array<i32>} : memref<512x64xf32, #tpu.memory_space<vmem>>, vector<16xf32>,
    }
    %scan3A_57 = arith.constant 128 : i32
    %add3A_58 = arith.constant 256 : i32
    %add3A_59 = arith.addi %mul3A_0, %add3A_58 : i32
    "tpu.region"() ({
      %run_scoped3A = tpu.sem_alloc : memref<!tpu.dma_semaphore, #tpu.memory_space<semaphore_mem>>
      %dma_start3A = arith.constant 0 : i32
      %dma_start3A_152 = arith.constant 0 : i32
      %dma_start3A_153 = tpu.memref_slice %arg15[%dma_start3A, %dma_start3A_152] : memref<512x64xf32, #tpu.memory_space<vmem>> -> memref<128x64xf32, #tpu.memory_space<vmem>>
      %dma_start3A_154 = arith.constant 0 : i32
      %dma_start3A_155 = tpu.memref_slice %arg8[%add3A_59, %dma_start3A_154] : memref<10240x64xf32, #tpu.memory_space<vmem_shared>> -> memref<128x64xf32, #tpu.memory_space<vmem_shared>>
      %dma_start3A_156 = arith.constant 0 : i32
      %dma_start3A_157 = tpu.memref_slice %arg8[%add3A_59, %dma_start3A_156] : memref<10240x64xf32, #tpu.memory_space<vmem_shared>> -> memref<128x64xf32, #tpu.memory_space<vmem_shared>>
      %dma_start3A_158 = arith.constant 0 : i32
      %dma_start3A_159 = arith.constant 0 : i32
      %dma_start3A_160 = tpu.memref_slice %arg15[%dma_start3A_158, %dma_start3A_159] : memref<512x64xf32, #tpu.memory_space<vmem>> -> memref<128x64xf32, #tpu.memory_space<vmem>>
      tpu.enqueue_dma source(%dma_start3A_160 : memref<128x64xf32, #tpu.memory_space<vmem>>) target(%dma_start3A_157 : memref<128x64xf32, #tpu.memory_space<vmem_shared>>) target_semaphore(%run_scoped3A : memref<!tpu.dma_semaphore, #tpu.memory_space<semaphore_mem>>)
      %dma_wait3A = arith.constant 0 : i32
      %dma_wait3A_161 = arith.constant 0 : i32
      %dma_wait3A_162 = tpu.memref_slice %arg15[%dma_wait3A, %dma_wait3A_161] : memref<512x64xf32, #tpu.memory_space<vmem>> -> memref<128x64xf32, #tpu.memory_space<vmem>>
      %dma_wait3A_163 = arith.constant 0 : i32
      %dma_wait3A_164 = tpu.memref_slice %arg8[%add3A_59, %dma_wait3A_163] : memref<10240x64xf32, #tpu.memory_space<vmem_shared>> -> memref<128x64xf32, #tpu.memory_space<vmem_shared>>
      %dma_wait3A_165 = arith.constant 0 : i32
      %dma_wait3A_166 = tpu.memref_slice %arg8[%add3A_59, %dma_wait3A_165] : memref<10240x64xf32, #tpu.memory_space<vmem_shared>> -> memref<128x64xf32, #tpu.memory_space<vmem_shared>>
      %dma_wait3A_167 = arith.constant 0 : i32
      %dma_wait3A_168 = arith.constant 0 : i32
      %dma_wait3A_169 = tpu.memref_slice %arg15[%dma_wait3A_167, %dma_wait3A_168] : memref<512x64xf32, #tpu.memory_space<vmem>> -> memref<128x64xf32, #tpu.memory_space<vmem>>
      tpu.wait_dma2 semaphore(%run_scoped3A : memref<!tpu.dma_semaphore, #tpu.memory_space<semaphore_mem>>) src(%dma_wait3A_169 : memref<128x64xf32, #tpu.memory_space<vmem>>) dst(%dma_wait3A_166 : memref<128x64xf32, #tpu.memory_space<vmem_shared>>)
      tpu.yield
    }) : () -> ()
    %add3A_60 = arith.constant 384 : i32
    %add3A_61 = arith.addi %mul3A_0, %add3A_60 : i32
    "tpu.region"() ({
      %run_scoped3A = tpu.sem_alloc : memref<!tpu.dma_semaphore, #tpu.memory_space<semaphore_mem>>
      %dma_start3A = arith.constant 0 : i32
      %dma_start3A_152 = arith.constant 0 : i32
      %dma_start3A_153 = tpu.memref_slice %arg15[%dma_start3A, %dma_start3A_152] : memref<512x64xf32, #tpu.memory_space<vmem>> -> memref<128x64xf32, #tpu.memory_space<vmem>>
      %dma_start3A_154 = arith.constant 0 : i32
      %dma_start3A_155 = tpu.memref_slice %arg8[%add3A_61, %dma_start3A_154] : memref<10240x64xf32, #tpu.memory_space<vmem_shared>> -> memref<128x64xf32, #tpu.memory_space<vmem_shared>>
      %dma_start3A_156 = arith.constant 0 : i32
      %dma_start3A_157 = arith.constant 0 : i32
      %dma_start3A_158 = tpu.memref_slice %arg15[%dma_start3A_156, %dma_start3A_157] : memref<512x64xf32, #tpu.memory_space<vmem>> -> memref<128x64xf32, #tpu.memory_space<vmem>>
      %dma_start3A_159 = arith.constant 0 : i32
      %dma_start3A_160 = tpu.memref_slice %arg8[%add3A_61, %dma_start3A_159] : memref<10240x64xf32, #tpu.memory_space<vmem_shared>> -> memref<128x64xf32, #tpu.memory_space<vmem_shared>>
      tpu.enqueue_dma source(%dma_start3A_160 : memref<128x64xf32, #tpu.memory_space<vmem_shared>>) target(%dma_start3A_158 : memref<128x64xf32, #tpu.memory_space<vmem>>) target_semaphore(%run_scoped3A : memref<!tpu.dma_semaphore, #tpu.memory_space<semaphore_mem>>)
      %dma_wait3A = arith.constant 0 : i32
      %dma_wait3A_161 = arith.constant 0 : i32
      %dma_wait3A_162 = tpu.memref_slice %arg15[%dma_wait3A, %dma_wait3A_161] : memref<512x64xf32, #tpu.memory_space<vmem>> -> memref<128x64xf32, #tpu.memory_space<vmem>>
      %dma_wait3A_163 = arith.constant 0 : i32
      %dma_wait3A_164 = tpu.memref_slice %arg8[%add3A_61, %dma_wait3A_163] : memref<10240x64xf32, #tpu.memory_space<vmem_shared>> -> memref<128x64xf32, #tpu.memory_space<vmem_shared>>
      %dma_wait3A_165 = arith.constant 0 : i32
      %dma_wait3A_166 = arith.constant 0 : i32
      %dma_wait3A_167 = tpu.memref_slice %arg15[%dma_wait3A_165, %dma_wait3A_166] : memref<512x64xf32, #tpu.memory_space<vmem>> -> memref<128x64xf32, #tpu.memory_space<vmem>>
      %dma_wait3A_168 = arith.constant 0 : i32
      %dma_wait3A_169 = tpu.memref_slice %arg8[%add3A_61, %dma_wait3A_168] : memref<10240x64xf32, #tpu.memory_space<vmem_shared>> -> memref<128x64xf32, #tpu.memory_space<vmem_shared>>
      tpu.wait_dma2 semaphore(%run_scoped3A : memref<!tpu.dma_semaphore, #tpu.memory_space<semaphore_mem>>) src(%dma_wait3A_169 : memref<128x64xf32, #tpu.memory_space<vmem_shared>>) dst(%dma_wait3A_167 : memref<128x64xf32, #tpu.memory_space<vmem>>)
      tpu.yield
    }) : () -> ()
    %scan3A_62 = arith.constant 0 : i32
    %scan3A_63 = arith.constant 128 : i32
    %scan3A_64 = arith.addi %scan3A_62, %scan3A_63 : i32
    %scan3A_65 = arith.constant 1 : i32
    scf.for %scan3A_152 = %scan3A_62 to %scan3A_64 step %scan3A_65  : i32 {
      %mul3A_153 = arith.constant 1 : i32
      %mul3A_154 = arith.muli %scan3A_152, %mul3A_153 : i32
      %add3A_155 = arith.constant 0 : i32
      %add3A_156 = arith.addi %add3A_155, %mul3A_154 : i32
      %broadcast_in_dim3A = arith.constant 384 : i32
      %broadcast_in_dim3A_157 = vector.broadcast %broadcast_in_dim3A : i32 to vector<16xi32>
      %add3A_158 = vector.broadcast %add3A_156 : i32 to vector<16xi32>
      %add3A_159 = arith.addi %broadcast_in_dim3A_157, %add3A_158 : vector<16xi32>
      %gather3A = tpu.vector_load_idx %arg14[%add3A_159] : memref<640xf32, #tpu.memory_space<vmem>>[vector<16xi32>], vector<16xf32>,
      %get3A = arith.index_cast %add3A_156 : i32 to index
      %get3A_160 = arith.constant 0 : index
      %get3A_161 = tpu.vector_load %arg15[%get3A, %get3A_160] {strides = array<i32>} : memref<512x64xf32, #tpu.memory_space<vmem>>, vector<16xf32>,
      %mul3A_162 = arith.mulf %get3A_161, %gather3A : vector<16xf32>
      %swap3A = arith.index_cast %add3A_156 : i32 to index
      %swap3A_163 = arith.constant 0 : index
      %swap3A_164 = tpu.vector_load %arg15[%swap3A, %swap3A_163] {strides = array<i32>} : memref<512x64xf32, #tpu.memory_space<vmem>>, vector<16xf32>,
      tpu.vector_store %arg15[%swap3A, %swap3A_163], %mul3A_162 {strides = array<i32>} : memref<512x64xf32, #tpu.memory_space<vmem>>, vector<16xf32>,
      %get3A_165 = arith.index_cast %add3A_156 : i32 to index
      %get3A_166 = arith.constant 16 : index
      %get3A_167 = tpu.vector_load %arg15[%get3A_165, %get3A_166] {strides = array<i32>} : memref<512x64xf32, #tpu.memory_space<vmem>>, vector<16xf32>,
      %mul3A_168 = arith.mulf %get3A_167, %gather3A : vector<16xf32>
      %swap3A_169 = arith.index_cast %add3A_156 : i32 to index
      %swap3A_170 = arith.constant 16 : index
      %swap3A_171 = tpu.vector_load %arg15[%swap3A_169, %swap3A_170] {strides = array<i32>} : memref<512x64xf32, #tpu.memory_space<vmem>>, vector<16xf32>,
      tpu.vector_store %arg15[%swap3A_169, %swap3A_170], %mul3A_168 {strides = array<i32>} : memref<512x64xf32, #tpu.memory_space<vmem>>, vector<16xf32>,
      %get3A_172 = arith.index_cast %add3A_156 : i32 to index
      %get3A_173 = arith.constant 32 : index
      %get3A_174 = tpu.vector_load %arg15[%get3A_172, %get3A_173] {strides = array<i32>} : memref<512x64xf32, #tpu.memory_space<vmem>>, vector<16xf32>,
      %mul3A_175 = arith.mulf %get3A_174, %gather3A : vector<16xf32>
      %swap3A_176 = arith.index_cast %add3A_156 : i32 to index
      %swap3A_177 = arith.constant 32 : index
      %swap3A_178 = tpu.vector_load %arg15[%swap3A_176, %swap3A_177] {strides = array<i32>} : memref<512x64xf32, #tpu.memory_space<vmem>>, vector<16xf32>,
      tpu.vector_store %arg15[%swap3A_176, %swap3A_177], %mul3A_175 {strides = array<i32>} : memref<512x64xf32, #tpu.memory_space<vmem>>, vector<16xf32>,
      %get3A_179 = arith.index_cast %add3A_156 : i32 to index
      %get3A_180 = arith.constant 48 : index
      %get3A_181 = tpu.vector_load %arg15[%get3A_179, %get3A_180] {strides = array<i32>} : memref<512x64xf32, #tpu.memory_space<vmem>>, vector<16xf32>,
      %mul3A_182 = arith.mulf %get3A_181, %gather3A : vector<16xf32>
      %swap3A_183 = arith.index_cast %add3A_156 : i32 to index
      %swap3A_184 = arith.constant 48 : index
      %swap3A_185 = tpu.vector_load %arg15[%swap3A_183, %swap3A_184] {strides = array<i32>} : memref<512x64xf32, #tpu.memory_space<vmem>>, vector<16xf32>,
      tpu.vector_store %arg15[%swap3A_183, %swap3A_184], %mul3A_182 {strides = array<i32>} : memref<512x64xf32, #tpu.memory_space<vmem>>, vector<16xf32>,
    }
    %scan3A_66 = arith.constant 128 : i32
    %add3A_67 = arith.constant 384 : i32
    %add3A_68 = arith.addi %mul3A_0, %add3A_67 : i32
    "tpu.region"() ({
      %run_scoped3A = tpu.sem_alloc : memref<!tpu.dma_semaphore, #tpu.memory_space<semaphore_mem>>
      %dma_start3A = arith.constant 0 : i32
      %dma_start3A_152 = arith.constant 0 : i32
      %dma_start3A_153 = tpu.memref_slice %arg15[%dma_start3A, %dma_start3A_152] : memref<512x64xf32, #tpu.memory_space<vmem>> -> memref<128x64xf32, #tpu.memory_space<vmem>>
      %dma_start3A_154 = arith.constant 0 : i32
      %dma_start3A_155 = tpu.memref_slice %arg8[%add3A_68, %dma_start3A_154] : memref<10240x64xf32, #tpu.memory_space<vmem_shared>> -> memref<128x64xf32, #tpu.memory_space<vmem_shared>>
      %dma_start3A_156 = arith.constant 0 : i32
      %dma_start3A_157 = tpu.memref_slice %arg8[%add3A_68, %dma_start3A_156] : memref<10240x64xf32, #tpu.memory_space<vmem_shared>> -> memref<128x64xf32, #tpu.memory_space<vmem_shared>>
      %dma_start3A_158 = arith.constant 0 : i32
      %dma_start3A_159 = arith.constant 0 : i32
      %dma_start3A_160 = tpu.memref_slice %arg15[%dma_start3A_158, %dma_start3A_159] : memref<512x64xf32, #tpu.memory_space<vmem>> -> memref<128x64xf32, #tpu.memory_space<vmem>>
      tpu.enqueue_dma source(%dma_start3A_160 : memref<128x64xf32, #tpu.memory_space<vmem>>) target(%dma_start3A_157 : memref<128x64xf32, #tpu.memory_space<vmem_shared>>) target_semaphore(%run_scoped3A : memref<!tpu.dma_semaphore, #tpu.memory_space<semaphore_mem>>)
      %dma_wait3A = arith.constant 0 : i32
      %dma_wait3A_161 = arith.constant 0 : i32
      %dma_wait3A_162 = tpu.memref_slice %arg15[%dma_wait3A, %dma_wait3A_161] : memref<512x64xf32, #tpu.memory_space<vmem>> -> memref<128x64xf32, #tpu.memory_space<vmem>>
      %dma_wait3A_163 = arith.constant 0 : i32
      %dma_wait3A_164 = tpu.memref_slice %arg8[%add3A_68, %dma_wait3A_163] : memref<10240x64xf32, #tpu.memory_space<vmem_shared>> -> memref<128x64xf32, #tpu.memory_space<vmem_shared>>
      %dma_wait3A_165 = arith.constant 0 : i32
      %dma_wait3A_166 = tpu.memref_slice %arg8[%add3A_68, %dma_wait3A_165] : memref<10240x64xf32, #tpu.memory_space<vmem_shared>> -> memref<128x64xf32, #tpu.memory_space<vmem_shared>>
      %dma_wait3A_167 = arith.constant 0 : i32
      %dma_wait3A_168 = arith.constant 0 : i32
      %dma_wait3A_169 = tpu.memref_slice %arg15[%dma_wait3A_167, %dma_wait3A_168] : memref<512x64xf32, #tpu.memory_space<vmem>> -> memref<128x64xf32, #tpu.memory_space<vmem>>
      tpu.wait_dma2 semaphore(%run_scoped3A : memref<!tpu.dma_semaphore, #tpu.memory_space<semaphore_mem>>) src(%dma_wait3A_169 : memref<128x64xf32, #tpu.memory_space<vmem>>) dst(%dma_wait3A_166 : memref<128x64xf32, #tpu.memory_space<vmem_shared>>)
      tpu.yield
    }) : () -> ()
    %add3A_69 = arith.constant 512 : i32
    %add3A_70 = arith.addi %mul3A_0, %add3A_69 : i32
    "tpu.region"() ({
      %run_scoped3A = tpu.sem_alloc : memref<!tpu.dma_semaphore, #tpu.memory_space<semaphore_mem>>
      %dma_start3A = arith.constant 0 : i32
      %dma_start3A_152 = arith.constant 0 : i32
      %dma_start3A_153 = tpu.memref_slice %arg15[%dma_start3A, %dma_start3A_152] : memref<512x64xf32, #tpu.memory_space<vmem>> -> memref<128x64xf32, #tpu.memory_space<vmem>>
      %dma_start3A_154 = arith.constant 0 : i32
      %dma_start3A_155 = tpu.memref_slice %arg8[%add3A_70, %dma_start3A_154] : memref<10240x64xf32, #tpu.memory_space<vmem_shared>> -> memref<128x64xf32, #tpu.memory_space<vmem_shared>>
      %dma_start3A_156 = arith.constant 0 : i32
      %dma_start3A_157 = arith.constant 0 : i32
      %dma_start3A_158 = tpu.memref_slice %arg15[%dma_start3A_156, %dma_start3A_157] : memref<512x64xf32, #tpu.memory_space<vmem>> -> memref<128x64xf32, #tpu.memory_space<vmem>>
      %dma_start3A_159 = arith.constant 0 : i32
      %dma_start3A_160 = tpu.memref_slice %arg8[%add3A_70, %dma_start3A_159] : memref<10240x64xf32, #tpu.memory_space<vmem_shared>> -> memref<128x64xf32, #tpu.memory_space<vmem_shared>>
      tpu.enqueue_dma source(%dma_start3A_160 : memref<128x64xf32, #tpu.memory_space<vmem_shared>>) target(%dma_start3A_158 : memref<128x64xf32, #tpu.memory_space<vmem>>) target_semaphore(%run_scoped3A : memref<!tpu.dma_semaphore, #tpu.memory_space<semaphore_mem>>)
      %dma_wait3A = arith.constant 0 : i32
      %dma_wait3A_161 = arith.constant 0 : i32
      %dma_wait3A_162 = tpu.memref_slice %arg15[%dma_wait3A, %dma_wait3A_161] : memref<512x64xf32, #tpu.memory_space<vmem>> -> memref<128x64xf32, #tpu.memory_space<vmem>>
      %dma_wait3A_163 = arith.constant 0 : i32
      %dma_wait3A_164 = tpu.memref_slice %arg8[%add3A_70, %dma_wait3A_163] : memref<10240x64xf32, #tpu.memory_space<vmem_shared>> -> memref<128x64xf32, #tpu.memory_space<vmem_shared>>
      %dma_wait3A_165 = arith.constant 0 : i32
      %dma_wait3A_166 = arith.constant 0 : i32
      %dma_wait3A_167 = tpu.memref_slice %arg15[%dma_wait3A_165, %dma_wait3A_166] : memref<512x64xf32, #tpu.memory_space<vmem>> -> memref<128x64xf32, #tpu.memory_space<vmem>>
      %dma_wait3A_168 = arith.constant 0 : i32
      %dma_wait3A_169 = tpu.memref_slice %arg8[%add3A_70, %dma_wait3A_168] : memref<10240x64xf32, #tpu.memory_space<vmem_shared>> -> memref<128x64xf32, #tpu.memory_space<vmem_shared>>
      tpu.wait_dma2 semaphore(%run_scoped3A : memref<!tpu.dma_semaphore, #tpu.memory_space<semaphore_mem>>) src(%dma_wait3A_169 : memref<128x64xf32, #tpu.memory_space<vmem_shared>>) dst(%dma_wait3A_167 : memref<128x64xf32, #tpu.memory_space<vmem>>)
      tpu.yield
    }) : () -> ()
    %scan3A_71 = arith.constant 0 : i32
    %scan3A_72 = arith.constant 128 : i32
    %scan3A_73 = arith.addi %scan3A_71, %scan3A_72 : i32
    %scan3A_74 = arith.constant 1 : i32
    scf.for %scan3A_152 = %scan3A_71 to %scan3A_73 step %scan3A_74  : i32 {
      %mul3A_153 = arith.constant 1 : i32
      %mul3A_154 = arith.muli %scan3A_152, %mul3A_153 : i32
      %add3A_155 = arith.constant 0 : i32
      %add3A_156 = arith.addi %add3A_155, %mul3A_154 : i32
      %broadcast_in_dim3A = arith.constant 512 : i32
      %broadcast_in_dim3A_157 = vector.broadcast %broadcast_in_dim3A : i32 to vector<16xi32>
      %add3A_158 = vector.broadcast %add3A_156 : i32 to vector<16xi32>
      %add3A_159 = arith.addi %broadcast_in_dim3A_157, %add3A_158 : vector<16xi32>
      %gather3A = tpu.vector_load_idx %arg14[%add3A_159] : memref<640xf32, #tpu.memory_space<vmem>>[vector<16xi32>], vector<16xf32>,
      %get3A = arith.index_cast %add3A_156 : i32 to index
      %get3A_160 = arith.constant 0 : index
      %get3A_161 = tpu.vector_load %arg15[%get3A, %get3A_160] {strides = array<i32>} : memref<512x64xf32, #tpu.memory_space<vmem>>, vector<16xf32>,
      %mul3A_162 = arith.mulf %get3A_161, %gather3A : vector<16xf32>
      %swap3A = arith.index_cast %add3A_156 : i32 to index
      %swap3A_163 = arith.constant 0 : index
      %swap3A_164 = tpu.vector_load %arg15[%swap3A, %swap3A_163] {strides = array<i32>} : memref<512x64xf32, #tpu.memory_space<vmem>>, vector<16xf32>,
      tpu.vector_store %arg15[%swap3A, %swap3A_163], %mul3A_162 {strides = array<i32>} : memref<512x64xf32, #tpu.memory_space<vmem>>, vector<16xf32>,
      %get3A_165 = arith.index_cast %add3A_156 : i32 to index
      %get3A_166 = arith.constant 16 : index
      %get3A_167 = tpu.vector_load %arg15[%get3A_165, %get3A_166] {strides = array<i32>} : memref<512x64xf32, #tpu.memory_space<vmem>>, vector<16xf32>,
      %mul3A_168 = arith.mulf %get3A_167, %gather3A : vector<16xf32>
      %swap3A_169 = arith.index_cast %add3A_156 : i32 to index
      %swap3A_170 = arith.constant 16 : index
      %swap3A_171 = tpu.vector_load %arg15[%swap3A_169, %swap3A_170] {strides = array<i32>} : memref<512x64xf32, #tpu.memory_space<vmem>>, vector<16xf32>,
      tpu.vector_store %arg15[%swap3A_169, %swap3A_170], %mul3A_168 {strides = array<i32>} : memref<512x64xf32, #tpu.memory_space<vmem>>, vector<16xf32>,
      %get3A_172 = arith.index_cast %add3A_156 : i32 to index
      %get3A_173 = arith.constant 32 : index
      %get3A_174 = tpu.vector_load %arg15[%get3A_172, %get3A_173] {strides = array<i32>} : memref<512x64xf32, #tpu.memory_space<vmem>>, vector<16xf32>,
      %mul3A_175 = arith.mulf %get3A_174, %gather3A : vector<16xf32>
      %swap3A_176 = arith.index_cast %add3A_156 : i32 to index
      %swap3A_177 = arith.constant 32 : index
      %swap3A_178 = tpu.vector_load %arg15[%swap3A_176, %swap3A_177] {strides = array<i32>} : memref<512x64xf32, #tpu.memory_space<vmem>>, vector<16xf32>,
      tpu.vector_store %arg15[%swap3A_176, %swap3A_177], %mul3A_175 {strides = array<i32>} : memref<512x64xf32, #tpu.memory_space<vmem>>, vector<16xf32>,
      %get3A_179 = arith.index_cast %add3A_156 : i32 to index
      %get3A_180 = arith.constant 48 : index
      %get3A_181 = tpu.vector_load %arg15[%get3A_179, %get3A_180] {strides = array<i32>} : memref<512x64xf32, #tpu.memory_space<vmem>>, vector<16xf32>,
      %mul3A_182 = arith.mulf %get3A_181, %gather3A : vector<16xf32>
      %swap3A_183 = arith.index_cast %add3A_156 : i32 to index
      %swap3A_184 = arith.constant 48 : index
      %swap3A_185 = tpu.vector_load %arg15[%swap3A_183, %swap3A_184] {strides = array<i32>} : memref<512x64xf32, #tpu.memory_space<vmem>>, vector<16xf32>,
      tpu.vector_store %arg15[%swap3A_183, %swap3A_184], %mul3A_182 {strides = array<i32>} : memref<512x64xf32, #tpu.memory_space<vmem>>, vector<16xf32>,
    }
    %scan3A_75 = arith.constant 128 : i32
    %add3A_76 = arith.constant 512 : i32
    %add3A_77 = arith.addi %mul3A_0, %add3A_76 : i32
    "tpu.region"() ({
      %run_scoped3A = tpu.sem_alloc : memref<!tpu.dma_semaphore, #tpu.memory_space<semaphore_mem>>
      %dma_start3A = arith.constant 0 : i32
      %dma_start3A_152 = arith.constant 0 : i32
      %dma_start3A_153 = tpu.memref_slice %arg15[%dma_start3A, %dma_start3A_152] : memref<512x64xf32, #tpu.memory_space<vmem>> -> memref<128x64xf32, #tpu.memory_space<vmem>>
      %dma_start3A_154 = arith.constant 0 : i32
      %dma_start3A_155 = tpu.memref_slice %arg8[%add3A_77, %dma_start3A_154] : memref<10240x64xf32, #tpu.memory_space<vmem_shared>> -> memref<128x64xf32, #tpu.memory_space<vmem_shared>>
      %dma_start3A_156 = arith.constant 0 : i32
      %dma_start3A_157 = tpu.memref_slice %arg8[%add3A_77, %dma_start3A_156] : memref<10240x64xf32, #tpu.memory_space<vmem_shared>> -> memref<128x64xf32, #tpu.memory_space<vmem_shared>>
      %dma_start3A_158 = arith.constant 0 : i32
      %dma_start3A_159 = arith.constant 0 : i32
      %dma_start3A_160 = tpu.memref_slice %arg15[%dma_start3A_158, %dma_start3A_159] : memref<512x64xf32, #tpu.memory_space<vmem>> -> memref<128x64xf32, #tpu.memory_space<vmem>>
      tpu.enqueue_dma source(%dma_start3A_160 : memref<128x64xf32, #tpu.memory_space<vmem>>) target(%dma_start3A_157 : memref<128x64xf32, #tpu.memory_space<vmem_shared>>) target_semaphore(%run_scoped3A : memref<!tpu.dma_semaphore, #tpu.memory_space<semaphore_mem>>)
      %dma_wait3A = arith.constant 0 : i32
      %dma_wait3A_161 = arith.constant 0 : i32
      %dma_wait3A_162 = tpu.memref_slice %arg15[%dma_wait3A, %dma_wait3A_161] : memref<512x64xf32, #tpu.memory_space<vmem>> -> memref<128x64xf32, #tpu.memory_space<vmem>>
      %dma_wait3A_163 = arith.constant 0 : i32
      %dma_wait3A_164 = tpu.memref_slice %arg8[%add3A_77, %dma_wait3A_163] : memref<10240x64xf32, #tpu.memory_space<vmem_shared>> -> memref<128x64xf32, #tpu.memory_space<vmem_shared>>
      %dma_wait3A_165 = arith.constant 0 : i32
      %dma_wait3A_166 = tpu.memref_slice %arg8[%add3A_77, %dma_wait3A_165] : memref<10240x64xf32, #tpu.memory_space<vmem_shared>> -> memref<128x64xf32, #tpu.memory_space<vmem_shared>>
      %dma_wait3A_167 = arith.constant 0 : i32
      %dma_wait3A_168 = arith.constant 0 : i32
      %dma_wait3A_169 = tpu.memref_slice %arg15[%dma_wait3A_167, %dma_wait3A_168] : memref<512x64xf32, #tpu.memory_space<vmem>> -> memref<128x64xf32, #tpu.memory_space<vmem>>
      tpu.wait_dma2 semaphore(%run_scoped3A : memref<!tpu.dma_semaphore, #tpu.memory_space<semaphore_mem>>) src(%dma_wait3A_169 : memref<128x64xf32, #tpu.memory_space<vmem>>) dst(%dma_wait3A_166 : memref<128x64xf32, #tpu.memory_space<vmem_shared>>)
      tpu.yield
    }) : () -> ()
    %barrier3A_78 = arith.constant 0 : index
    tpu.barrier barrier_id(%barrier3A_78)
    %scan3A_79 = arith.constant 0 : i32
    %scan3A_80 = arith.constant 41 : i32
    %scan3A_81 = arith.addi %scan3A_79, %scan3A_80 : i32
    %scan3A_82 = arith.constant 1 : i32
    scf.for %scan3A_152 = %scan3A_79 to %scan3A_81 step %scan3A_82  : i32 {
      %mul3A_153 = arith.constant 1 : i32
      %mul3A_154 = arith.muli %scan3A_152, %mul3A_153 : i32
      %add3A_155 = arith.constant 0 : i32
      %add3A_156 = arith.addi %add3A_155, %mul3A_154 : i32
      "tpu.region"() ({
        %run_scoped3A = tpu.sem_alloc : memref<!tpu.dma_semaphore, #tpu.memory_space<semaphore_mem>>
        %dma_start3A_335 = arith.constant 0 : i32
        %dma_start3A_336 = arith.constant 0 : i32
        %dma_start3A_337 = tpu.memref_slice %arg3[%arg1, %add3A_156, %dma_start3A_335, %dma_start3A_336] : memref<16x41x4x128xi32, #tpu.memory_space<hbm>> -> memref<1x1x4x128xi32, #tpu.memory_space<hbm>>
        %dma_start3A_338 = tpu.memref_squeeze %dma_start3A_337 : memref<1x1x4x128xi32, #tpu.memory_space<hbm>> -> memref<4x128xi32, #tpu.memory_space<hbm>>
        %dma_start3A_339 = arith.constant 0 : i32
        %dma_start3A_340 = arith.constant 0 : i32
        %dma_start3A_341 = tpu.memref_slice %arg3[%arg1, %add3A_156, %dma_start3A_339, %dma_start3A_340] : memref<16x41x4x128xi32, #tpu.memory_space<hbm>> -> memref<1x1x4x128xi32, #tpu.memory_space<hbm>>
        %dma_start3A_342 = tpu.memref_squeeze %dma_start3A_341 : memref<1x1x4x128xi32, #tpu.memory_space<hbm>> -> memref<4x128xi32, #tpu.memory_space<hbm>>
        tpu.enqueue_dma source(%dma_start3A_342 : memref<4x128xi32, #tpu.memory_space<hbm>>) target(%arg11 : memref<4x128xi32, #tpu.memory_space<vmem>>) target_semaphore(%run_scoped3A : memref<!tpu.dma_semaphore, #tpu.memory_space<semaphore_mem>>)
        %dma_wait3A_343 = arith.constant 0 : i32
        %dma_wait3A_344 = arith.constant 0 : i32
        %dma_wait3A_345 = tpu.memref_slice %arg3[%arg1, %add3A_156, %dma_wait3A_343, %dma_wait3A_344] : memref<16x41x4x128xi32, #tpu.memory_space<hbm>> -> memref<1x1x4x128xi32, #tpu.memory_space<hbm>>
        %dma_wait3A_346 = tpu.memref_squeeze %dma_wait3A_345 : memref<1x1x4x128xi32, #tpu.memory_space<hbm>> -> memref<4x128xi32, #tpu.memory_space<hbm>>
        %dma_wait3A_347 = arith.constant 0 : i32
        %dma_wait3A_348 = arith.constant 0 : i32
        %dma_wait3A_349 = tpu.memref_slice %arg3[%arg1, %add3A_156, %dma_wait3A_347, %dma_wait3A_348] : memref<16x41x4x128xi32, #tpu.memory_space<hbm>> -> memref<1x1x4x128xi32, #tpu.memory_space<hbm>>
        %dma_wait3A_350 = tpu.memref_squeeze %dma_wait3A_349 : memref<1x1x4x128xi32, #tpu.memory_space<hbm>> -> memref<4x128xi32, #tpu.memory_space<hbm>>
        tpu.wait_dma2 semaphore(%run_scoped3A : memref<!tpu.dma_semaphore, #tpu.memory_space<semaphore_mem>>) src(%dma_wait3A_350 : memref<4x128xi32, #tpu.memory_space<hbm>>) dst(%arg11 : memref<4x128xi32, #tpu.memory_space<vmem>>)
        tpu.yield
      }) : () -> ()
      "tpu.region"() ({
        %run_scoped3A = tpu.sem_alloc : memref<!tpu.dma_semaphore, #tpu.memory_space<semaphore_mem>>
        %dma_start3A_335 = arith.constant 0 : i32
        %dma_start3A_336 = arith.constant 0 : i32
        %dma_start3A_337 = tpu.memref_slice %arg4[%arg1, %add3A_156, %dma_start3A_335, %dma_start3A_336] : memref<16x41x4x128xi32, #tpu.memory_space<hbm>> -> memref<1x1x4x128xi32, #tpu.memory_space<hbm>>
        %dma_start3A_338 = tpu.memref_squeeze %dma_start3A_337 : memref<1x1x4x128xi32, #tpu.memory_space<hbm>> -> memref<4x128xi32, #tpu.memory_space<hbm>>
        %dma_start3A_339 = arith.constant 0 : i32
        %dma_start3A_340 = arith.constant 0 : i32
        %dma_start3A_341 = tpu.memref_slice %arg4[%arg1, %add3A_156, %dma_start3A_339, %dma_start3A_340] : memref<16x41x4x128xi32, #tpu.memory_space<hbm>> -> memref<1x1x4x128xi32, #tpu.memory_space<hbm>>
        %dma_start3A_342 = tpu.memref_squeeze %dma_start3A_341 : memref<1x1x4x128xi32, #tpu.memory_space<hbm>> -> memref<4x128xi32, #tpu.memory_space<hbm>>
        tpu.enqueue_dma source(%dma_start3A_342 : memref<4x128xi32, #tpu.memory_space<hbm>>) target(%arg12 : memref<4x128xi32, #tpu.memory_space<vmem>>) target_semaphore(%run_scoped3A : memref<!tpu.dma_semaphore, #tpu.memory_space<semaphore_mem>>)
        %dma_wait3A_343 = arith.constant 0 : i32
        %dma_wait3A_344 = arith.constant 0 : i32
        %dma_wait3A_345 = tpu.memref_slice %arg4[%arg1, %add3A_156, %dma_wait3A_343, %dma_wait3A_344] : memref<16x41x4x128xi32, #tpu.memory_space<hbm>> -> memref<1x1x4x128xi32, #tpu.memory_space<hbm>>
        %dma_wait3A_346 = tpu.memref_squeeze %dma_wait3A_345 : memref<1x1x4x128xi32, #tpu.memory_space<hbm>> -> memref<4x128xi32, #tpu.memory_space<hbm>>
        %dma_wait3A_347 = arith.constant 0 : i32
        %dma_wait3A_348 = arith.constant 0 : i32
        %dma_wait3A_349 = tpu.memref_slice %arg4[%arg1, %add3A_156, %dma_wait3A_347, %dma_wait3A_348] : memref<16x41x4x128xi32, #tpu.memory_space<hbm>> -> memref<1x1x4x128xi32, #tpu.memory_space<hbm>>
        %dma_wait3A_350 = tpu.memref_squeeze %dma_wait3A_349 : memref<1x1x4x128xi32, #tpu.memory_space<hbm>> -> memref<4x128xi32, #tpu.memory_space<hbm>>
        tpu.wait_dma2 semaphore(%run_scoped3A : memref<!tpu.dma_semaphore, #tpu.memory_space<semaphore_mem>>) src(%dma_wait3A_350 : memref<4x128xi32, #tpu.memory_space<hbm>>) dst(%arg12 : memref<4x128xi32, #tpu.memory_space<vmem>>)
        tpu.yield
      }) : () -> ()
      "tpu.region"() ({
        %run_scoped3A = tpu.sem_alloc : memref<!tpu.dma_semaphore, #tpu.memory_space<semaphore_mem>>
        %dma_start3A_335 = arith.constant 0 : i32
        %dma_start3A_336 = tpu.memref_slice %arg5[%arg1, %add3A_156, %dma_start3A_335] : memref<16x41x512xf32, #tpu.memory_space<hbm>> -> memref<1x1x512xf32, #tpu.memory_space<hbm>>
        %dma_start3A_337 = tpu.memref_squeeze %dma_start3A_336 : memref<1x1x512xf32, #tpu.memory_space<hbm>> -> memref<512xf32, #tpu.memory_space<hbm>>
        %dma_start3A_338 = arith.constant 0 : i32
        %dma_start3A_339 = tpu.memref_slice %arg5[%arg1, %add3A_156, %dma_start3A_338] : memref<16x41x512xf32, #tpu.memory_space<hbm>> -> memref<1x1x512xf32, #tpu.memory_space<hbm>>
        %dma_start3A_340 = tpu.memref_squeeze %dma_start3A_339 : memref<1x1x512xf32, #tpu.memory_space<hbm>> -> memref<512xf32, #tpu.memory_space<hbm>>
        tpu.enqueue_dma source(%dma_start3A_340 : memref<512xf32, #tpu.memory_space<hbm>>) target(%arg13 : memref<512xf32, #tpu.memory_space<vmem>>) target_semaphore(%run_scoped3A : memref<!tpu.dma_semaphore, #tpu.memory_space<semaphore_mem>>)
        %dma_wait3A_341 = arith.constant 0 : i32
        %dma_wait3A_342 = tpu.memref_slice %arg5[%arg1, %add3A_156, %dma_wait3A_341] : memref<16x41x512xf32, #tpu.memory_space<hbm>> -> memref<1x1x512xf32, #tpu.memory_space<hbm>>
        %dma_wait3A_343 = tpu.memref_squeeze %dma_wait3A_342 : memref<1x1x512xf32, #tpu.memory_space<hbm>> -> memref<512xf32, #tpu.memory_space<hbm>>
        %dma_wait3A_344 = arith.constant 0 : i32
        %dma_wait3A_345 = tpu.memref_slice %arg5[%arg1, %add3A_156, %dma_wait3A_344] : memref<16x41x512xf32, #tpu.memory_space<hbm>> -> memref<1x1x512xf32, #tpu.memory_space<hbm>>
        %dma_wait3A_346 = tpu.memref_squeeze %dma_wait3A_345 : memref<1x1x512xf32, #tpu.memory_space<hbm>> -> memref<512xf32, #tpu.memory_space<hbm>>
        tpu.wait_dma2 semaphore(%run_scoped3A : memref<!tpu.dma_semaphore, #tpu.memory_space<semaphore_mem>>) src(%dma_wait3A_346 : memref<512xf32, #tpu.memory_space<hbm>>) dst(%arg13 : memref<512xf32, #tpu.memory_space<vmem>>)
        tpu.yield
      }) : () -> ()
      %dma_start3A = arith.constant 0 : i32
      %dma_start3A_157 = arith.constant 0 : i32
      %dma_start3A_158 = arith.constant 0 : i32
      %dma_start3A_159 = tpu.memref_slice %arg15[%dma_start3A_157, %dma_start3A_158] : memref<512x64xf32, #tpu.memory_space<vmem>> -> memref<128x64xf32, #tpu.memory_space<vmem>>
      %dma_start3A_160 = arith.constant 0 : i32
      %dma_start3A_161 = tpu.memref_slice %arg11[%dma_start3A, %dma_start3A_160] : memref<4x128xi32, #tpu.memory_space<vmem>> -> memref<1x128xi32, #tpu.memory_space<vmem>>
      %dma_start3A_162 = tpu.memref_squeeze %dma_start3A_161 : memref<1x128xi32, #tpu.memory_space<vmem>> -> memref<128xi32, #tpu.memory_space<vmem>>
      %dma_start3A_163 = arith.constant 0 : i32
      %dma_start3A_164 = arith.constant 0 : i32
      %dma_start3A_165 = tpu.memref_slice %arg8[%dma_start3A_163, %dma_start3A_164] : memref<10240x64xf32, #tpu.memory_space<vmem_shared>> -> memref<10240x64xf32, #tpu.memory_space<vmem_shared>>
      tpu.enqueue_indirect_dma source(%dma_start3A_165 : memref<10240x64xf32, #tpu.memory_space<vmem_shared>>) target(%dma_start3A_159 : memref<128x64xf32, #tpu.memory_space<vmem>>) offsets(%dma_start3A_162 : memref<128xi32, #tpu.memory_space<vmem>>) semaphore(%arg20 : memref<!tpu.dma_semaphore, #tpu.memory_space<semaphore_mem>>)
      %dma_start3A_166 = arith.constant 1 : i32
      %dma_start3A_167 = arith.constant 128 : i32
      %dma_start3A_168 = arith.constant 0 : i32
      %dma_start3A_169 = tpu.memref_slice %arg15[%dma_start3A_167, %dma_start3A_168] : memref<512x64xf32, #tpu.memory_space<vmem>> -> memref<128x64xf32, #tpu.memory_space<vmem>>
      %dma_start3A_170 = arith.constant 0 : i32
      %dma_start3A_171 = tpu.memref_slice %arg11[%dma_start3A_166, %dma_start3A_170] : memref<4x128xi32, #tpu.memory_space<vmem>> -> memref<1x128xi32, #tpu.memory_space<vmem>>
      %dma_start3A_172 = tpu.memref_squeeze %dma_start3A_171 : memref<1x128xi32, #tpu.memory_space<vmem>> -> memref<128xi32, #tpu.memory_space<vmem>>
      %dma_start3A_173 = arith.constant 0 : i32
      %dma_start3A_174 = arith.constant 0 : i32
      %dma_start3A_175 = tpu.memref_slice %arg8[%dma_start3A_173, %dma_start3A_174] : memref<10240x64xf32, #tpu.memory_space<vmem_shared>> -> memref<10240x64xf32, #tpu.memory_space<vmem_shared>>
      tpu.enqueue_indirect_dma source(%dma_start3A_175 : memref<10240x64xf32, #tpu.memory_space<vmem_shared>>) target(%dma_start3A_169 : memref<128x64xf32, #tpu.memory_space<vmem>>) offsets(%dma_start3A_172 : memref<128xi32, #tpu.memory_space<vmem>>) semaphore(%arg21 : memref<!tpu.dma_semaphore, #tpu.memory_space<semaphore_mem>>)
      %dma_start3A_176 = arith.constant 2 : i32
      %dma_start3A_177 = arith.constant 256 : i32
      %dma_start3A_178 = arith.constant 0 : i32
      %dma_start3A_179 = tpu.memref_slice %arg15[%dma_start3A_177, %dma_start3A_178] : memref<512x64xf32, #tpu.memory_space<vmem>> -> memref<128x64xf32, #tpu.memory_space<vmem>>
      %dma_start3A_180 = arith.constant 0 : i32
      %dma_start3A_181 = tpu.memref_slice %arg11[%dma_start3A_176, %dma_start3A_180] : memref<4x128xi32, #tpu.memory_space<vmem>> -> memref<1x128xi32, #tpu.memory_space<vmem>>
      %dma_start3A_182 = tpu.memref_squeeze %dma_start3A_181 : memref<1x128xi32, #tpu.memory_space<vmem>> -> memref<128xi32, #tpu.memory_space<vmem>>
      %dma_start3A_183 = arith.constant 0 : i32
      %dma_start3A_184 = arith.constant 0 : i32
      %dma_start3A_185 = tpu.memref_slice %arg8[%dma_start3A_183, %dma_start3A_184] : memref<10240x64xf32, #tpu.memory_space<vmem_shared>> -> memref<10240x64xf32, #tpu.memory_space<vmem_shared>>
      tpu.enqueue_indirect_dma source(%dma_start3A_185 : memref<10240x64xf32, #tpu.memory_space<vmem_shared>>) target(%dma_start3A_179 : memref<128x64xf32, #tpu.memory_space<vmem>>) offsets(%dma_start3A_182 : memref<128xi32, #tpu.memory_space<vmem>>) semaphore(%arg22 : memref<!tpu.dma_semaphore, #tpu.memory_space<semaphore_mem>>)
      %dma_start3A_186 = arith.constant 3 : i32
      %dma_start3A_187 = arith.constant 384 : i32
      %dma_start3A_188 = arith.constant 0 : i32
      %dma_start3A_189 = tpu.memref_slice %arg15[%dma_start3A_187, %dma_start3A_188] : memref<512x64xf32, #tpu.memory_space<vmem>> -> memref<128x64xf32, #tpu.memory_space<vmem>>
      %dma_start3A_190 = arith.constant 0 : i32
      %dma_start3A_191 = tpu.memref_slice %arg11[%dma_start3A_186, %dma_start3A_190] : memref<4x128xi32, #tpu.memory_space<vmem>> -> memref<1x128xi32, #tpu.memory_space<vmem>>
      %dma_start3A_192 = tpu.memref_squeeze %dma_start3A_191 : memref<1x128xi32, #tpu.memory_space<vmem>> -> memref<128xi32, #tpu.memory_space<vmem>>
      %dma_start3A_193 = arith.constant 0 : i32
      %dma_start3A_194 = arith.constant 0 : i32
      %dma_start3A_195 = tpu.memref_slice %arg8[%dma_start3A_193, %dma_start3A_194] : memref<10240x64xf32, #tpu.memory_space<vmem_shared>> -> memref<10240x64xf32, #tpu.memory_space<vmem_shared>>
      tpu.enqueue_indirect_dma source(%dma_start3A_195 : memref<10240x64xf32, #tpu.memory_space<vmem_shared>>) target(%dma_start3A_189 : memref<128x64xf32, #tpu.memory_space<vmem>>) offsets(%dma_start3A_192 : memref<128xi32, #tpu.memory_space<vmem>>) semaphore(%arg23 : memref<!tpu.dma_semaphore, #tpu.memory_space<semaphore_mem>>)
      %dma_wait3A = arith.constant 0 : i32
      %dma_wait3A_196 = arith.constant 0 : i32
      %dma_wait3A_197 = arith.constant 0 : i32
      %dma_wait3A_198 = tpu.memref_slice %arg15[%dma_wait3A_196, %dma_wait3A_197] : memref<512x64xf32, #tpu.memory_space<vmem>> -> memref<128x64xf32, #tpu.memory_space<vmem>>
      %dma_wait3A_199 = arith.constant 0 : i32
      %dma_wait3A_200 = tpu.memref_slice %arg11[%dma_wait3A, %dma_wait3A_199] : memref<4x128xi32, #tpu.memory_space<vmem>> -> memref<1x128xi32, #tpu.memory_space<vmem>>
      %dma_wait3A_201 = tpu.memref_squeeze %dma_wait3A_200 : memref<1x128xi32, #tpu.memory_space<vmem>> -> memref<128xi32, #tpu.memory_space<vmem>>
      %dma_wait3A_202 = arith.constant 0 : i32
      %dma_wait3A_203 = arith.constant 0 : i32
      %dma_wait3A_204 = tpu.memref_slice %arg8[%dma_wait3A_202, %dma_wait3A_203] : memref<10240x64xf32, #tpu.memory_space<vmem_shared>> -> memref<10240x64xf32, #tpu.memory_space<vmem_shared>>
      tpu.wait_indirect_dma semaphore(%arg20 : memref<!tpu.dma_semaphore, #tpu.memory_space<semaphore_mem>>) src(%dma_wait3A_204 : memref<10240x64xf32, #tpu.memory_space<vmem_shared>>) dst(%dma_wait3A_198 : memref<128x64xf32, #tpu.memory_space<vmem>>)
      %scan3A_205 = arith.constant 0 : i32
      %scan3A_206 = arith.constant 32 : i32
      %scan3A_207 = arith.addi %scan3A_205, %scan3A_206 : i32
      %scan3A_208 = arith.constant 1 : i32
      scf.for %scan3A_335 = %scan3A_205 to %scan3A_207 step %scan3A_208  : i32 {
        %mul3A_336 = arith.constant 4 : i32
        %mul3A_337 = arith.muli %scan3A_335, %mul3A_336 : i32
        %add3A_338 = arith.constant 0 : i32
        %add3A_339 = arith.addi %add3A_338, %mul3A_337 : i32
        %add3A_340 = arith.constant 0 : i32
        %add3A_341 = arith.addi %add3A_340, %add3A_339 : i32
        %add3A_342 = arith.constant 0 : i32
        %add3A_343 = arith.addi %add3A_341, %add3A_342 : i32
        %broadcast_in_dim3A = arith.constant 0 : i32
        %broadcast_in_dim3A_344 = vector.broadcast %broadcast_in_dim3A : i32 to vector<16xi32>
        %add3A_345 = vector.broadcast %add3A_339 : i32 to vector<16xi32>
        %add3A_346 = arith.addi %broadcast_in_dim3A_344, %add3A_345 : vector<16xi32>
        %gather3A = tpu.vector_load_idx %arg13[%add3A_346] : memref<512xf32, #tpu.memory_space<vmem>>[vector<16xi32>], vector<16xf32>,
        %get3A = arith.index_cast %add3A_343 : i32 to index
        %get3A_347 = arith.constant 0 : index
        %get3A_348 = tpu.vector_load %arg15[%get3A, %get3A_347] {strides = array<i32>} : memref<512x64xf32, #tpu.memory_space<vmem>>, vector<16xf32>,
        %mul3A_349 = arith.mulf %get3A_348, %gather3A : vector<16xf32>
        %swap3A = arith.index_cast %add3A_343 : i32 to index
        %swap3A_350 = arith.constant 0 : index
        %swap3A_351 = tpu.vector_load %arg15[%swap3A, %swap3A_350] {strides = array<i32>} : memref<512x64xf32, #tpu.memory_space<vmem>>, vector<16xf32>,
        tpu.vector_store %arg15[%swap3A, %swap3A_350], %mul3A_349 {strides = array<i32>} : memref<512x64xf32, #tpu.memory_space<vmem>>, vector<16xf32>,
        %get3A_352 = arith.index_cast %add3A_343 : i32 to index
        %get3A_353 = arith.constant 16 : index
        %get3A_354 = tpu.vector_load %arg15[%get3A_352, %get3A_353] {strides = array<i32>} : memref<512x64xf32, #tpu.memory_space<vmem>>, vector<16xf32>,
        %mul3A_355 = arith.mulf %get3A_354, %gather3A : vector<16xf32>
        %swap3A_356 = arith.index_cast %add3A_343 : i32 to index
        %swap3A_357 = arith.constant 16 : index
        %swap3A_358 = tpu.vector_load %arg15[%swap3A_356, %swap3A_357] {strides = array<i32>} : memref<512x64xf32, #tpu.memory_space<vmem>>, vector<16xf32>,
        tpu.vector_store %arg15[%swap3A_356, %swap3A_357], %mul3A_355 {strides = array<i32>} : memref<512x64xf32, #tpu.memory_space<vmem>>, vector<16xf32>,
        %get3A_359 = arith.index_cast %add3A_343 : i32 to index
        %get3A_360 = arith.constant 32 : index
        %get3A_361 = tpu.vector_load %arg15[%get3A_359, %get3A_360] {strides = array<i32>} : memref<512x64xf32, #tpu.memory_space<vmem>>, vector<16xf32>,
        %mul3A_362 = arith.mulf %get3A_361, %gather3A : vector<16xf32>
        %swap3A_363 = arith.index_cast %add3A_343 : i32 to index
        %swap3A_364 = arith.constant 32 : index
        %swap3A_365 = tpu.vector_load %arg15[%swap3A_363, %swap3A_364] {strides = array<i32>} : memref<512x64xf32, #tpu.memory_space<vmem>>, vector<16xf32>,
        tpu.vector_store %arg15[%swap3A_363, %swap3A_364], %mul3A_362 {strides = array<i32>} : memref<512x64xf32, #tpu.memory_space<vmem>>, vector<16xf32>,
        %get3A_366 = arith.index_cast %add3A_343 : i32 to index
        %get3A_367 = arith.constant 48 : index
        %get3A_368 = tpu.vector_load %arg15[%get3A_366, %get3A_367] {strides = array<i32>} : memref<512x64xf32, #tpu.memory_space<vmem>>, vector<16xf32>,
        %mul3A_369 = arith.mulf %get3A_368, %gather3A : vector<16xf32>
        %swap3A_370 = arith.index_cast %add3A_343 : i32 to index
        %swap3A_371 = arith.constant 48 : index
        %swap3A_372 = tpu.vector_load %arg15[%swap3A_370, %swap3A_371] {strides = array<i32>} : memref<512x64xf32, #tpu.memory_space<vmem>>, vector<16xf32>,
        tpu.vector_store %arg15[%swap3A_370, %swap3A_371], %mul3A_369 {strides = array<i32>} : memref<512x64xf32, #tpu.memory_space<vmem>>, vector<16xf32>,
        %add3A_373 = arith.constant 0 : i32
        %add3A_374 = arith.addi %add3A_373, %add3A_339 : i32
        %add3A_375 = arith.constant 1 : i32
        %add3A_376 = arith.addi %add3A_374, %add3A_375 : i32
        %broadcast_in_dim3A_377 = arith.constant 1 : i32
        %broadcast_in_dim3A_378 = vector.broadcast %broadcast_in_dim3A_377 : i32 to vector<16xi32>
        %add3A_379 = vector.broadcast %add3A_339 : i32 to vector<16xi32>
        %add3A_380 = arith.addi %broadcast_in_dim3A_378, %add3A_379 : vector<16xi32>
        %gather3A_381 = tpu.vector_load_idx %arg13[%add3A_380] : memref<512xf32, #tpu.memory_space<vmem>>[vector<16xi32>], vector<16xf32>,
        %get3A_382 = arith.index_cast %add3A_376 : i32 to index
        %get3A_383 = arith.constant 0 : index
        %get3A_384 = tpu.vector_load %arg15[%get3A_382, %get3A_383] {strides = array<i32>} : memref<512x64xf32, #tpu.memory_space<vmem>>, vector<16xf32>,
        %mul3A_385 = arith.mulf %get3A_384, %gather3A_381 : vector<16xf32>
        %swap3A_386 = arith.index_cast %add3A_376 : i32 to index
        %swap3A_387 = arith.constant 0 : index
        %swap3A_388 = tpu.vector_load %arg15[%swap3A_386, %swap3A_387] {strides = array<i32>} : memref<512x64xf32, #tpu.memory_space<vmem>>, vector<16xf32>,
        tpu.vector_store %arg15[%swap3A_386, %swap3A_387], %mul3A_385 {strides = array<i32>} : memref<512x64xf32, #tpu.memory_space<vmem>>, vector<16xf32>,
        %get3A_389 = arith.index_cast %add3A_376 : i32 to index
        %get3A_390 = arith.constant 16 : index
        %get3A_391 = tpu.vector_load %arg15[%get3A_389, %get3A_390] {strides = array<i32>} : memref<512x64xf32, #tpu.memory_space<vmem>>, vector<16xf32>,
        %mul3A_392 = arith.mulf %get3A_391, %gather3A_381 : vector<16xf32>
        %swap3A_393 = arith.index_cast %add3A_376 : i32 to index
        %swap3A_394 = arith.constant 16 : index
        %swap3A_395 = tpu.vector_load %arg15[%swap3A_393, %swap3A_394] {strides = array<i32>} : memref<512x64xf32, #tpu.memory_space<vmem>>, vector<16xf32>,
        tpu.vector_store %arg15[%swap3A_393, %swap3A_394], %mul3A_392 {strides = array<i32>} : memref<512x64xf32, #tpu.memory_space<vmem>>, vector<16xf32>,
        %get3A_396 = arith.index_cast %add3A_376 : i32 to index
        %get3A_397 = arith.constant 32 : index
        %get3A_398 = tpu.vector_load %arg15[%get3A_396, %get3A_397] {strides = array<i32>} : memref<512x64xf32, #tpu.memory_space<vmem>>, vector<16xf32>,
        %mul3A_399 = arith.mulf %get3A_398, %gather3A_381 : vector<16xf32>
        %swap3A_400 = arith.index_cast %add3A_376 : i32 to index
        %swap3A_401 = arith.constant 32 : index
        %swap3A_402 = tpu.vector_load %arg15[%swap3A_400, %swap3A_401] {strides = array<i32>} : memref<512x64xf32, #tpu.memory_space<vmem>>, vector<16xf32>,
        tpu.vector_store %arg15[%swap3A_400, %swap3A_401], %mul3A_399 {strides = array<i32>} : memref<512x64xf32, #tpu.memory_space<vmem>>, vector<16xf32>,
        %get3A_403 = arith.index_cast %add3A_376 : i32 to index
        %get3A_404 = arith.constant 48 : index
        %get3A_405 = tpu.vector_load %arg15[%get3A_403, %get3A_404] {strides = array<i32>} : memref<512x64xf32, #tpu.memory_space<vmem>>, vector<16xf32>,
        %mul3A_406 = arith.mulf %get3A_405, %gather3A_381 : vector<16xf32>
        %swap3A_407 = arith.index_cast %add3A_376 : i32 to index
        %swap3A_408 = arith.constant 48 : index
        %swap3A_409 = tpu.vector_load %arg15[%swap3A_407, %swap3A_408] {strides = array<i32>} : memref<512x64xf32, #tpu.memory_space<vmem>>, vector<16xf32>,
        tpu.vector_store %arg15[%swap3A_407, %swap3A_408], %mul3A_406 {strides = array<i32>} : memref<512x64xf32, #tpu.memory_space<vmem>>, vector<16xf32>,
        %add3A_410 = arith.constant 0 : i32
        %add3A_411 = arith.addi %add3A_410, %add3A_339 : i32
        %add3A_412 = arith.constant 2 : i32
        %add3A_413 = arith.addi %add3A_411, %add3A_412 : i32
        %broadcast_in_dim3A_414 = arith.constant 2 : i32
        %broadcast_in_dim3A_415 = vector.broadcast %broadcast_in_dim3A_414 : i32 to vector<16xi32>
        %add3A_416 = vector.broadcast %add3A_339 : i32 to vector<16xi32>
        %add3A_417 = arith.addi %broadcast_in_dim3A_415, %add3A_416 : vector<16xi32>
        %gather3A_418 = tpu.vector_load_idx %arg13[%add3A_417] : memref<512xf32, #tpu.memory_space<vmem>>[vector<16xi32>], vector<16xf32>,
        %get3A_419 = arith.index_cast %add3A_413 : i32 to index
        %get3A_420 = arith.constant 0 : index
        %get3A_421 = tpu.vector_load %arg15[%get3A_419, %get3A_420] {strides = array<i32>} : memref<512x64xf32, #tpu.memory_space<vmem>>, vector<16xf32>,
        %mul3A_422 = arith.mulf %get3A_421, %gather3A_418 : vector<16xf32>
        %swap3A_423 = arith.index_cast %add3A_413 : i32 to index
        %swap3A_424 = arith.constant 0 : index
        %swap3A_425 = tpu.vector_load %arg15[%swap3A_423, %swap3A_424] {strides = array<i32>} : memref<512x64xf32, #tpu.memory_space<vmem>>, vector<16xf32>,
        tpu.vector_store %arg15[%swap3A_423, %swap3A_424], %mul3A_422 {strides = array<i32>} : memref<512x64xf32, #tpu.memory_space<vmem>>, vector<16xf32>,
        %get3A_426 = arith.index_cast %add3A_413 : i32 to index
        %get3A_427 = arith.constant 16 : index
        %get3A_428 = tpu.vector_load %arg15[%get3A_426, %get3A_427] {strides = array<i32>} : memref<512x64xf32, #tpu.memory_space<vmem>>, vector<16xf32>,
        %mul3A_429 = arith.mulf %get3A_428, %gather3A_418 : vector<16xf32>
        %swap3A_430 = arith.index_cast %add3A_413 : i32 to index
        %swap3A_431 = arith.constant 16 : index
        %swap3A_432 = tpu.vector_load %arg15[%swap3A_430, %swap3A_431] {strides = array<i32>} : memref<512x64xf32, #tpu.memory_space<vmem>>, vector<16xf32>,
        tpu.vector_store %arg15[%swap3A_430, %swap3A_431], %mul3A_429 {strides = array<i32>} : memref<512x64xf32, #tpu.memory_space<vmem>>, vector<16xf32>,
        %get3A_433 = arith.index_cast %add3A_413 : i32 to index
        %get3A_434 = arith.constant 32 : index
        %get3A_435 = tpu.vector_load %arg15[%get3A_433, %get3A_434] {strides = array<i32>} : memref<512x64xf32, #tpu.memory_space<vmem>>, vector<16xf32>,
        %mul3A_436 = arith.mulf %get3A_435, %gather3A_418 : vector<16xf32>
        %swap3A_437 = arith.index_cast %add3A_413 : i32 to index
        %swap3A_438 = arith.constant 32 : index
        %swap3A_439 = tpu.vector_load %arg15[%swap3A_437, %swap3A_438] {strides = array<i32>} : memref<512x64xf32, #tpu.memory_space<vmem>>, vector<16xf32>,
        tpu.vector_store %arg15[%swap3A_437, %swap3A_438], %mul3A_436 {strides = array<i32>} : memref<512x64xf32, #tpu.memory_space<vmem>>, vector<16xf32>,
        %get3A_440 = arith.index_cast %add3A_413 : i32 to index
        %get3A_441 = arith.constant 48 : index
        %get3A_442 = tpu.vector_load %arg15[%get3A_440, %get3A_441] {strides = array<i32>} : memref<512x64xf32, #tpu.memory_space<vmem>>, vector<16xf32>,
        %mul3A_443 = arith.mulf %get3A_442, %gather3A_418 : vector<16xf32>
        %swap3A_444 = arith.index_cast %add3A_413 : i32 to index
        %swap3A_445 = arith.constant 48 : index
        %swap3A_446 = tpu.vector_load %arg15[%swap3A_444, %swap3A_445] {strides = array<i32>} : memref<512x64xf32, #tpu.memory_space<vmem>>, vector<16xf32>,
        tpu.vector_store %arg15[%swap3A_444, %swap3A_445], %mul3A_443 {strides = array<i32>} : memref<512x64xf32, #tpu.memory_space<vmem>>, vector<16xf32>,
        %add3A_447 = arith.constant 0 : i32
        %add3A_448 = arith.addi %add3A_447, %add3A_339 : i32
        %add3A_449 = arith.constant 3 : i32
        %add3A_450 = arith.addi %add3A_448, %add3A_449 : i32
        %broadcast_in_dim3A_451 = arith.constant 3 : i32
        %broadcast_in_dim3A_452 = vector.broadcast %broadcast_in_dim3A_451 : i32 to vector<16xi32>
        %add3A_453 = vector.broadcast %add3A_339 : i32 to vector<16xi32>
        %add3A_454 = arith.addi %broadcast_in_dim3A_452, %add3A_453 : vector<16xi32>
        %gather3A_455 = tpu.vector_load_idx %arg13[%add3A_454] : memref<512xf32, #tpu.memory_space<vmem>>[vector<16xi32>], vector<16xf32>,
        %get3A_456 = arith.index_cast %add3A_450 : i32 to index
        %get3A_457 = arith.constant 0 : index
        %get3A_458 = tpu.vector_load %arg15[%get3A_456, %get3A_457] {strides = array<i32>} : memref<512x64xf32, #tpu.memory_space<vmem>>, vector<16xf32>,
        %mul3A_459 = arith.mulf %get3A_458, %gather3A_455 : vector<16xf32>
        %swap3A_460 = arith.index_cast %add3A_450 : i32 to index
        %swap3A_461 = arith.constant 0 : index
        %swap3A_462 = tpu.vector_load %arg15[%swap3A_460, %swap3A_461] {strides = array<i32>} : memref<512x64xf32, #tpu.memory_space<vmem>>, vector<16xf32>,
        tpu.vector_store %arg15[%swap3A_460, %swap3A_461], %mul3A_459 {strides = array<i32>} : memref<512x64xf32, #tpu.memory_space<vmem>>, vector<16xf32>,
        %get3A_463 = arith.index_cast %add3A_450 : i32 to index
        %get3A_464 = arith.constant 16 : index
        %get3A_465 = tpu.vector_load %arg15[%get3A_463, %get3A_464] {strides = array<i32>} : memref<512x64xf32, #tpu.memory_space<vmem>>, vector<16xf32>,
        %mul3A_466 = arith.mulf %get3A_465, %gather3A_455 : vector<16xf32>
        %swap3A_467 = arith.index_cast %add3A_450 : i32 to index
        %swap3A_468 = arith.constant 16 : index
        %swap3A_469 = tpu.vector_load %arg15[%swap3A_467, %swap3A_468] {strides = array<i32>} : memref<512x64xf32, #tpu.memory_space<vmem>>, vector<16xf32>,
        tpu.vector_store %arg15[%swap3A_467, %swap3A_468], %mul3A_466 {strides = array<i32>} : memref<512x64xf32, #tpu.memory_space<vmem>>, vector<16xf32>,
        %get3A_470 = arith.index_cast %add3A_450 : i32 to index
        %get3A_471 = arith.constant 32 : index
        %get3A_472 = tpu.vector_load %arg15[%get3A_470, %get3A_471] {strides = array<i32>} : memref<512x64xf32, #tpu.memory_space<vmem>>, vector<16xf32>,
        %mul3A_473 = arith.mulf %get3A_472, %gather3A_455 : vector<16xf32>
        %swap3A_474 = arith.index_cast %add3A_450 : i32 to index
        %swap3A_475 = arith.constant 32 : index
        %swap3A_476 = tpu.vector_load %arg15[%swap3A_474, %swap3A_475] {strides = array<i32>} : memref<512x64xf32, #tpu.memory_space<vmem>>, vector<16xf32>,
        tpu.vector_store %arg15[%swap3A_474, %swap3A_475], %mul3A_473 {strides = array<i32>} : memref<512x64xf32, #tpu.memory_space<vmem>>, vector<16xf32>,
        %get3A_477 = arith.index_cast %add3A_450 : i32 to index
        %get3A_478 = arith.constant 48 : index
        %get3A_479 = tpu.vector_load %arg15[%get3A_477, %get3A_478] {strides = array<i32>} : memref<512x64xf32, #tpu.memory_space<vmem>>, vector<16xf32>,
        %mul3A_480 = arith.mulf %get3A_479, %gather3A_455 : vector<16xf32>
        %swap3A_481 = arith.index_cast %add3A_450 : i32 to index
        %swap3A_482 = arith.constant 48 : index
        %swap3A_483 = tpu.vector_load %arg15[%swap3A_481, %swap3A_482] {strides = array<i32>} : memref<512x64xf32, #tpu.memory_space<vmem>>, vector<16xf32>,
        tpu.vector_store %arg15[%swap3A_481, %swap3A_482], %mul3A_480 {strides = array<i32>} : memref<512x64xf32, #tpu.memory_space<vmem>>, vector<16xf32>,
      }
      %scan3A_209 = arith.constant 32 : i32
      %dma_start3A_210 = arith.constant 0 : i32
      %dma_start3A_211 = arith.constant 0 : i32
      %dma_start3A_212 = arith.constant 0 : i32
      %dma_start3A_213 = tpu.memref_slice %arg15[%dma_start3A_211, %dma_start3A_212] : memref<512x64xf32, #tpu.memory_space<vmem>> -> memref<128x64xf32, #tpu.memory_space<vmem>>
      %dma_start3A_214 = arith.constant 0 : i32
      %dma_start3A_215 = tpu.memref_slice %arg12[%dma_start3A_210, %dma_start3A_214] : memref<4x128xi32, #tpu.memory_space<vmem>> -> memref<1x128xi32, #tpu.memory_space<vmem>>
      %dma_start3A_216 = tpu.memref_squeeze %dma_start3A_215 : memref<1x128xi32, #tpu.memory_space<vmem>> -> memref<128xi32, #tpu.memory_space<vmem>>
      %dma_start3A_217 = arith.constant 0 : i32
      %dma_start3A_218 = arith.constant 0 : i32
      %dma_start3A_219 = tpu.memref_slice %arg9[%dma_start3A_217, %dma_start3A_218] : memref<10240x64xf32, #tpu.memory_space<vmem_shared>> -> memref<10240x64xf32, #tpu.memory_space<vmem_shared>>
      tpu.enqueue_indirect_dma source(%dma_start3A_213 : memref<128x64xf32, #tpu.memory_space<vmem>>) target(%dma_start3A_219 : memref<10240x64xf32, #tpu.memory_space<vmem_shared>>) offsets(%dma_start3A_216 : memref<128xi32, #tpu.memory_space<vmem>>) semaphore(%arg16 : memref<!tpu.dma_semaphore, #tpu.memory_space<semaphore_mem>>) {add = true}
      %dma_wait3A_220 = arith.constant 1 : i32
      %dma_wait3A_221 = arith.constant 128 : i32
      %dma_wait3A_222 = arith.constant 0 : i32
      %dma_wait3A_223 = tpu.memref_slice %arg15[%dma_wait3A_221, %dma_wait3A_222] : memref<512x64xf32, #tpu.memory_space<vmem>> -> memref<128x64xf32, #tpu.memory_space<vmem>>
      %dma_wait3A_224 = arith.constant 0 : i32
      %dma_wait3A_225 = tpu.memref_slice %arg11[%dma_wait3A_220, %dma_wait3A_224] : memref<4x128xi32, #tpu.memory_space<vmem>> -> memref<1x128xi32, #tpu.memory_space<vmem>>
      %dma_wait3A_226 = tpu.memref_squeeze %dma_wait3A_225 : memref<1x128xi32, #tpu.memory_space<vmem>> -> memref<128xi32, #tpu.memory_space<vmem>>
      %dma_wait3A_227 = arith.constant 0 : i32
      %dma_wait3A_228 = arith.constant 0 : i32
      %dma_wait3A_229 = tpu.memref_slice %arg8[%dma_wait3A_227, %dma_wait3A_228] : memref<10240x64xf32, #tpu.memory_space<vmem_shared>> -> memref<10240x64xf32, #tpu.memory_space<vmem_shared>>
      tpu.wait_indirect_dma semaphore(%arg21 : memref<!tpu.dma_semaphore, #tpu.memory_space<semaphore_mem>>) src(%dma_wait3A_229 : memref<10240x64xf32, #tpu.memory_space<vmem_shared>>) dst(%dma_wait3A_223 : memref<128x64xf32, #tpu.memory_space<vmem>>)
      %scan3A_230 = arith.constant 0 : i32
      %scan3A_231 = arith.constant 32 : i32
      %scan3A_232 = arith.addi %scan3A_230, %scan3A_231 : i32
      %scan3A_233 = arith.constant 1 : i32
      scf.for %scan3A_335 = %scan3A_230 to %scan3A_232 step %scan3A_233  : i32 {
        %mul3A_336 = arith.constant 4 : i32
        %mul3A_337 = arith.muli %scan3A_335, %mul3A_336 : i32
        %add3A_338 = arith.constant 0 : i32
        %add3A_339 = arith.addi %add3A_338, %mul3A_337 : i32
        %add3A_340 = arith.constant 128 : i32
        %add3A_341 = arith.addi %add3A_340, %add3A_339 : i32
        %add3A_342 = arith.constant 0 : i32
        %add3A_343 = arith.addi %add3A_341, %add3A_342 : i32
        %broadcast_in_dim3A = arith.constant 128 : i32
        %broadcast_in_dim3A_344 = vector.broadcast %broadcast_in_dim3A : i32 to vector<16xi32>
        %add3A_345 = vector.broadcast %add3A_339 : i32 to vector<16xi32>
        %add3A_346 = arith.addi %broadcast_in_dim3A_344, %add3A_345 : vector<16xi32>
        %gather3A = tpu.vector_load_idx %arg13[%add3A_346] : memref<512xf32, #tpu.memory_space<vmem>>[vector<16xi32>], vector<16xf32>,
        %get3A = arith.index_cast %add3A_343 : i32 to index
        %get3A_347 = arith.constant 0 : index
        %get3A_348 = tpu.vector_load %arg15[%get3A, %get3A_347] {strides = array<i32>} : memref<512x64xf32, #tpu.memory_space<vmem>>, vector<16xf32>,
        %mul3A_349 = arith.mulf %get3A_348, %gather3A : vector<16xf32>
        %swap3A = arith.index_cast %add3A_343 : i32 to index
        %swap3A_350 = arith.constant 0 : index
        %swap3A_351 = tpu.vector_load %arg15[%swap3A, %swap3A_350] {strides = array<i32>} : memref<512x64xf32, #tpu.memory_space<vmem>>, vector<16xf32>,
        tpu.vector_store %arg15[%swap3A, %swap3A_350], %mul3A_349 {strides = array<i32>} : memref<512x64xf32, #tpu.memory_space<vmem>>, vector<16xf32>,
        %get3A_352 = arith.index_cast %add3A_343 : i32 to index
        %get3A_353 = arith.constant 16 : index
        %get3A_354 = tpu.vector_load %arg15[%get3A_352, %get3A_353] {strides = array<i32>} : memref<512x64xf32, #tpu.memory_space<vmem>>, vector<16xf32>,
        %mul3A_355 = arith.mulf %get3A_354, %gather3A : vector<16xf32>
        %swap3A_356 = arith.index_cast %add3A_343 : i32 to index
        %swap3A_357 = arith.constant 16 : index
        %swap3A_358 = tpu.vector_load %arg15[%swap3A_356, %swap3A_357] {strides = array<i32>} : memref<512x64xf32, #tpu.memory_space<vmem>>, vector<16xf32>,
        tpu.vector_store %arg15[%swap3A_356, %swap3A_357], %mul3A_355 {strides = array<i32>} : memref<512x64xf32, #tpu.memory_space<vmem>>, vector<16xf32>,
        %get3A_359 = arith.index_cast %add3A_343 : i32 to index
        %get3A_360 = arith.constant 32 : index
        %get3A_361 = tpu.vector_load %arg15[%get3A_359, %get3A_360] {strides = array<i32>} : memref<512x64xf32, #tpu.memory_space<vmem>>, vector<16xf32>,
        %mul3A_362 = arith.mulf %get3A_361, %gather3A : vector<16xf32>
        %swap3A_363 = arith.index_cast %add3A_343 : i32 to index
        %swap3A_364 = arith.constant 32 : index
        %swap3A_365 = tpu.vector_load %arg15[%swap3A_363, %swap3A_364] {strides = array<i32>} : memref<512x64xf32, #tpu.memory_space<vmem>>, vector<16xf32>,
        tpu.vector_store %arg15[%swap3A_363, %swap3A_364], %mul3A_362 {strides = array<i32>} : memref<512x64xf32, #tpu.memory_space<vmem>>, vector<16xf32>,
        %get3A_366 = arith.index_cast %add3A_343 : i32 to index
        %get3A_367 = arith.constant 48 : index
        %get3A_368 = tpu.vector_load %arg15[%get3A_366, %get3A_367] {strides = array<i32>} : memref<512x64xf32, #tpu.memory_space<vmem>>, vector<16xf32>,
        %mul3A_369 = arith.mulf %get3A_368, %gather3A : vector<16xf32>
        %swap3A_370 = arith.index_cast %add3A_343 : i32 to index
        %swap3A_371 = arith.constant 48 : index
        %swap3A_372 = tpu.vector_load %arg15[%swap3A_370, %swap3A_371] {strides = array<i32>} : memref<512x64xf32, #tpu.memory_space<vmem>>, vector<16xf32>,
        tpu.vector_store %arg15[%swap3A_370, %swap3A_371], %mul3A_369 {strides = array<i32>} : memref<512x64xf32, #tpu.memory_space<vmem>>, vector<16xf32>,
        %add3A_373 = arith.constant 128 : i32
        %add3A_374 = arith.addi %add3A_373, %add3A_339 : i32
        %add3A_375 = arith.constant 1 : i32
        %add3A_376 = arith.addi %add3A_374, %add3A_375 : i32
        %broadcast_in_dim3A_377 = arith.constant 129 : i32
        %broadcast_in_dim3A_378 = vector.broadcast %broadcast_in_dim3A_377 : i32 to vector<16xi32>
        %add3A_379 = vector.broadcast %add3A_339 : i32 to vector<16xi32>
        %add3A_380 = arith.addi %broadcast_in_dim3A_378, %add3A_379 : vector<16xi32>
        %gather3A_381 = tpu.vector_load_idx %arg13[%add3A_380] : memref<512xf32, #tpu.memory_space<vmem>>[vector<16xi32>], vector<16xf32>,
        %get3A_382 = arith.index_cast %add3A_376 : i32 to index
        %get3A_383 = arith.constant 0 : index
        %get3A_384 = tpu.vector_load %arg15[%get3A_382, %get3A_383] {strides = array<i32>} : memref<512x64xf32, #tpu.memory_space<vmem>>, vector<16xf32>,
        %mul3A_385 = arith.mulf %get3A_384, %gather3A_381 : vector<16xf32>
        %swap3A_386 = arith.index_cast %add3A_376 : i32 to index
        %swap3A_387 = arith.constant 0 : index
        %swap3A_388 = tpu.vector_load %arg15[%swap3A_386, %swap3A_387] {strides = array<i32>} : memref<512x64xf32, #tpu.memory_space<vmem>>, vector<16xf32>,
        tpu.vector_store %arg15[%swap3A_386, %swap3A_387], %mul3A_385 {strides = array<i32>} : memref<512x64xf32, #tpu.memory_space<vmem>>, vector<16xf32>,
        %get3A_389 = arith.index_cast %add3A_376 : i32 to index
        %get3A_390 = arith.constant 16 : index
        %get3A_391 = tpu.vector_load %arg15[%get3A_389, %get3A_390] {strides = array<i32>} : memref<512x64xf32, #tpu.memory_space<vmem>>, vector<16xf32>,
        %mul3A_392 = arith.mulf %get3A_391, %gather3A_381 : vector<16xf32>
        %swap3A_393 = arith.index_cast %add3A_376 : i32 to index
        %swap3A_394 = arith.constant 16 : index
        %swap3A_395 = tpu.vector_load %arg15[%swap3A_393, %swap3A_394] {strides = array<i32>} : memref<512x64xf32, #tpu.memory_space<vmem>>, vector<16xf32>,
        tpu.vector_store %arg15[%swap3A_393, %swap3A_394], %mul3A_392 {strides = array<i32>} : memref<512x64xf32, #tpu.memory_space<vmem>>, vector<16xf32>,
        %get3A_396 = arith.index_cast %add3A_376 : i32 to index
        %get3A_397 = arith.constant 32 : index
        %get3A_398 = tpu.vector_load %arg15[%get3A_396, %get3A_397] {strides = array<i32>} : memref<512x64xf32, #tpu.memory_space<vmem>>, vector<16xf32>,
        %mul3A_399 = arith.mulf %get3A_398, %gather3A_381 : vector<16xf32>
        %swap3A_400 = arith.index_cast %add3A_376 : i32 to index
        %swap3A_401 = arith.constant 32 : index
        %swap3A_402 = tpu.vector_load %arg15[%swap3A_400, %swap3A_401] {strides = array<i32>} : memref<512x64xf32, #tpu.memory_space<vmem>>, vector<16xf32>,
        tpu.vector_store %arg15[%swap3A_400, %swap3A_401], %mul3A_399 {strides = array<i32>} : memref<512x64xf32, #tpu.memory_space<vmem>>, vector<16xf32>,
        %get3A_403 = arith.index_cast %add3A_376 : i32 to index
        %get3A_404 = arith.constant 48 : index
        %get3A_405 = tpu.vector_load %arg15[%get3A_403, %get3A_404] {strides = array<i32>} : memref<512x64xf32, #tpu.memory_space<vmem>>, vector<16xf32>,
        %mul3A_406 = arith.mulf %get3A_405, %gather3A_381 : vector<16xf32>
        %swap3A_407 = arith.index_cast %add3A_376 : i32 to index
        %swap3A_408 = arith.constant 48 : index
        %swap3A_409 = tpu.vector_load %arg15[%swap3A_407, %swap3A_408] {strides = array<i32>} : memref<512x64xf32, #tpu.memory_space<vmem>>, vector<16xf32>,
        tpu.vector_store %arg15[%swap3A_407, %swap3A_408], %mul3A_406 {strides = array<i32>} : memref<512x64xf32, #tpu.memory_space<vmem>>, vector<16xf32>,
        %add3A_410 = arith.constant 128 : i32
        %add3A_411 = arith.addi %add3A_410, %add3A_339 : i32
        %add3A_412 = arith.constant 2 : i32
        %add3A_413 = arith.addi %add3A_411, %add3A_412 : i32
        %broadcast_in_dim3A_414 = arith.constant 130 : i32
        %broadcast_in_dim3A_415 = vector.broadcast %broadcast_in_dim3A_414 : i32 to vector<16xi32>
        %add3A_416 = vector.broadcast %add3A_339 : i32 to vector<16xi32>
        %add3A_417 = arith.addi %broadcast_in_dim3A_415, %add3A_416 : vector<16xi32>
        %gather3A_418 = tpu.vector_load_idx %arg13[%add3A_417] : memref<512xf32, #tpu.memory_space<vmem>>[vector<16xi32>], vector<16xf32>,
        %get3A_419 = arith.index_cast %add3A_413 : i32 to index
        %get3A_420 = arith.constant 0 : index
        %get3A_421 = tpu.vector_load %arg15[%get3A_419, %get3A_420] {strides = array<i32>} : memref<512x64xf32, #tpu.memory_space<vmem>>, vector<16xf32>,
        %mul3A_422 = arith.mulf %get3A_421, %gather3A_418 : vector<16xf32>
        %swap3A_423 = arith.index_cast %add3A_413 : i32 to index
        %swap3A_424 = arith.constant 0 : index
        %swap3A_425 = tpu.vector_load %arg15[%swap3A_423, %swap3A_424] {strides = array<i32>} : memref<512x64xf32, #tpu.memory_space<vmem>>, vector<16xf32>,
        tpu.vector_store %arg15[%swap3A_423, %swap3A_424], %mul3A_422 {strides = array<i32>} : memref<512x64xf32, #tpu.memory_space<vmem>>, vector<16xf32>,
        %get3A_426 = arith.index_cast %add3A_413 : i32 to index
        %get3A_427 = arith.constant 16 : index
        %get3A_428 = tpu.vector_load %arg15[%get3A_426, %get3A_427] {strides = array<i32>} : memref<512x64xf32, #tpu.memory_space<vmem>>, vector<16xf32>,
        %mul3A_429 = arith.mulf %get3A_428, %gather3A_418 : vector<16xf32>
        %swap3A_430 = arith.index_cast %add3A_413 : i32 to index
        %swap3A_431 = arith.constant 16 : index
        %swap3A_432 = tpu.vector_load %arg15[%swap3A_430, %swap3A_431] {strides = array<i32>} : memref<512x64xf32, #tpu.memory_space<vmem>>, vector<16xf32>,
        tpu.vector_store %arg15[%swap3A_430, %swap3A_431], %mul3A_429 {strides = array<i32>} : memref<512x64xf32, #tpu.memory_space<vmem>>, vector<16xf32>,
        %get3A_433 = arith.index_cast %add3A_413 : i32 to index
        %get3A_434 = arith.constant 32 : index
        %get3A_435 = tpu.vector_load %arg15[%get3A_433, %get3A_434] {strides = array<i32>} : memref<512x64xf32, #tpu.memory_space<vmem>>, vector<16xf32>,
        %mul3A_436 = arith.mulf %get3A_435, %gather3A_418 : vector<16xf32>
        %swap3A_437 = arith.index_cast %add3A_413 : i32 to index
        %swap3A_438 = arith.constant 32 : index
        %swap3A_439 = tpu.vector_load %arg15[%swap3A_437, %swap3A_438] {strides = array<i32>} : memref<512x64xf32, #tpu.memory_space<vmem>>, vector<16xf32>,
        tpu.vector_store %arg15[%swap3A_437, %swap3A_438], %mul3A_436 {strides = array<i32>} : memref<512x64xf32, #tpu.memory_space<vmem>>, vector<16xf32>,
        %get3A_440 = arith.index_cast %add3A_413 : i32 to index
        %get3A_441 = arith.constant 48 : index
        %get3A_442 = tpu.vector_load %arg15[%get3A_440, %get3A_441] {strides = array<i32>} : memref<512x64xf32, #tpu.memory_space<vmem>>, vector<16xf32>,
        %mul3A_443 = arith.mulf %get3A_442, %gather3A_418 : vector<16xf32>
        %swap3A_444 = arith.index_cast %add3A_413 : i32 to index
        %swap3A_445 = arith.constant 48 : index
        %swap3A_446 = tpu.vector_load %arg15[%swap3A_444, %swap3A_445] {strides = array<i32>} : memref<512x64xf32, #tpu.memory_space<vmem>>, vector<16xf32>,
        tpu.vector_store %arg15[%swap3A_444, %swap3A_445], %mul3A_443 {strides = array<i32>} : memref<512x64xf32, #tpu.memory_space<vmem>>, vector<16xf32>,
        %add3A_447 = arith.constant 128 : i32
        %add3A_448 = arith.addi %add3A_447, %add3A_339 : i32
        %add3A_449 = arith.constant 3 : i32
        %add3A_450 = arith.addi %add3A_448, %add3A_449 : i32
        %broadcast_in_dim3A_451 = arith.constant 131 : i32
        %broadcast_in_dim3A_452 = vector.broadcast %broadcast_in_dim3A_451 : i32 to vector<16xi32>
        %add3A_453 = vector.broadcast %add3A_339 : i32 to vector<16xi32>
        %add3A_454 = arith.addi %broadcast_in_dim3A_452, %add3A_453 : vector<16xi32>
        %gather3A_455 = tpu.vector_load_idx %arg13[%add3A_454] : memref<512xf32, #tpu.memory_space<vmem>>[vector<16xi32>], vector<16xf32>,
        %get3A_456 = arith.index_cast %add3A_450 : i32 to index
        %get3A_457 = arith.constant 0 : index
        %get3A_458 = tpu.vector_load %arg15[%get3A_456, %get3A_457] {strides = array<i32>} : memref<512x64xf32, #tpu.memory_space<vmem>>, vector<16xf32>,
        %mul3A_459 = arith.mulf %get3A_458, %gather3A_455 : vector<16xf32>
        %swap3A_460 = arith.index_cast %add3A_450 : i32 to index
        %swap3A_461 = arith.constant 0 : index
        %swap3A_462 = tpu.vector_load %arg15[%swap3A_460, %swap3A_461] {strides = array<i32>} : memref<512x64xf32, #tpu.memory_space<vmem>>, vector<16xf32>,
        tpu.vector_store %arg15[%swap3A_460, %swap3A_461], %mul3A_459 {strides = array<i32>} : memref<512x64xf32, #tpu.memory_space<vmem>>, vector<16xf32>,
        %get3A_463 = arith.index_cast %add3A_450 : i32 to index
        %get3A_464 = arith.constant 16 : index
        %get3A_465 = tpu.vector_load %arg15[%get3A_463, %get3A_464] {strides = array<i32>} : memref<512x64xf32, #tpu.memory_space<vmem>>, vector<16xf32>,
        %mul3A_466 = arith.mulf %get3A_465, %gather3A_455 : vector<16xf32>
        %swap3A_467 = arith.index_cast %add3A_450 : i32 to index
        %swap3A_468 = arith.constant 16 : index
        %swap3A_469 = tpu.vector_load %arg15[%swap3A_467, %swap3A_468] {strides = array<i32>} : memref<512x64xf32, #tpu.memory_space<vmem>>, vector<16xf32>,
        tpu.vector_store %arg15[%swap3A_467, %swap3A_468], %mul3A_466 {strides = array<i32>} : memref<512x64xf32, #tpu.memory_space<vmem>>, vector<16xf32>,
        %get3A_470 = arith.index_cast %add3A_450 : i32 to index
        %get3A_471 = arith.constant 32 : index
        %get3A_472 = tpu.vector_load %arg15[%get3A_470, %get3A_471] {strides = array<i32>} : memref<512x64xf32, #tpu.memory_space<vmem>>, vector<16xf32>,
        %mul3A_473 = arith.mulf %get3A_472, %gather3A_455 : vector<16xf32>
        %swap3A_474 = arith.index_cast %add3A_450 : i32 to index
        %swap3A_475 = arith.constant 32 : index
        %swap3A_476 = tpu.vector_load %arg15[%swap3A_474, %swap3A_475] {strides = array<i32>} : memref<512x64xf32, #tpu.memory_space<vmem>>, vector<16xf32>,
        tpu.vector_store %arg15[%swap3A_474, %swap3A_475], %mul3A_473 {strides = array<i32>} : memref<512x64xf32, #tpu.memory_space<vmem>>, vector<16xf32>,
        %get3A_477 = arith.index_cast %add3A_450 : i32 to index
        %get3A_478 = arith.constant 48 : index
        %get3A_479 = tpu.vector_load %arg15[%get3A_477, %get3A_478] {strides = array<i32>} : memref<512x64xf32, #tpu.memory_space<vmem>>, vector<16xf32>,
        %mul3A_480 = arith.mulf %get3A_479, %gather3A_455 : vector<16xf32>
        %swap3A_481 = arith.index_cast %add3A_450 : i32 to index
        %swap3A_482 = arith.constant 48 : index
        %swap3A_483 = tpu.vector_load %arg15[%swap3A_481, %swap3A_482] {strides = array<i32>} : memref<512x64xf32, #tpu.memory_space<vmem>>, vector<16xf32>,
        tpu.vector_store %arg15[%swap3A_481, %swap3A_482], %mul3A_480 {strides = array<i32>} : memref<512x64xf32, #tpu.memory_space<vmem>>, vector<16xf32>,
      }
      %scan3A_234 = arith.constant 32 : i32
      %dma_start3A_235 = arith.constant 1 : i32
      %dma_start3A_236 = arith.constant 128 : i32
      %dma_start3A_237 = arith.constant 0 : i32
      %dma_start3A_238 = tpu.memref_slice %arg15[%dma_start3A_236, %dma_start3A_237] : memref<512x64xf32, #tpu.memory_space<vmem>> -> memref<128x64xf32, #tpu.memory_space<vmem>>
      %dma_start3A_239 = arith.constant 0 : i32
      %dma_start3A_240 = tpu.memref_slice %arg12[%dma_start3A_235, %dma_start3A_239] : memref<4x128xi32, #tpu.memory_space<vmem>> -> memref<1x128xi32, #tpu.memory_space<vmem>>
      %dma_start3A_241 = tpu.memref_squeeze %dma_start3A_240 : memref<1x128xi32, #tpu.memory_space<vmem>> -> memref<128xi32, #tpu.memory_space<vmem>>
      %dma_start3A_242 = arith.constant 0 : i32
      %dma_start3A_243 = arith.constant 0 : i32
      %dma_start3A_244 = tpu.memref_slice %arg9[%dma_start3A_242, %dma_start3A_243] : memref<10240x64xf32, #tpu.memory_space<vmem_shared>> -> memref<10240x64xf32, #tpu.memory_space<vmem_shared>>
      tpu.enqueue_indirect_dma source(%dma_start3A_238 : memref<128x64xf32, #tpu.memory_space<vmem>>) target(%dma_start3A_244 : memref<10240x64xf32, #tpu.memory_space<vmem_shared>>) offsets(%dma_start3A_241 : memref<128xi32, #tpu.memory_space<vmem>>) semaphore(%arg17 : memref<!tpu.dma_semaphore, #tpu.memory_space<semaphore_mem>>) {add = true}
      %dma_wait3A_245 = arith.constant 2 : i32
      %dma_wait3A_246 = arith.constant 256 : i32
      %dma_wait3A_247 = arith.constant 0 : i32
      %dma_wait3A_248 = tpu.memref_slice %arg15[%dma_wait3A_246, %dma_wait3A_247] : memref<512x64xf32, #tpu.memory_space<vmem>> -> memref<128x64xf32, #tpu.memory_space<vmem>>
      %dma_wait3A_249 = arith.constant 0 : i32
      %dma_wait3A_250 = tpu.memref_slice %arg11[%dma_wait3A_245, %dma_wait3A_249] : memref<4x128xi32, #tpu.memory_space<vmem>> -> memref<1x128xi32, #tpu.memory_space<vmem>>
      %dma_wait3A_251 = tpu.memref_squeeze %dma_wait3A_250 : memref<1x128xi32, #tpu.memory_space<vmem>> -> memref<128xi32, #tpu.memory_space<vmem>>
      %dma_wait3A_252 = arith.constant 0 : i32
      %dma_wait3A_253 = arith.constant 0 : i32
      %dma_wait3A_254 = tpu.memref_slice %arg8[%dma_wait3A_252, %dma_wait3A_253] : memref<10240x64xf32, #tpu.memory_space<vmem_shared>> -> memref<10240x64xf32, #tpu.memory_space<vmem_shared>>
      tpu.wait_indirect_dma semaphore(%arg22 : memref<!tpu.dma_semaphore, #tpu.memory_space<semaphore_mem>>) src(%dma_wait3A_254 : memref<10240x64xf32, #tpu.memory_space<vmem_shared>>) dst(%dma_wait3A_248 : memref<128x64xf32, #tpu.memory_space<vmem>>)
      %scan3A_255 = arith.constant 0 : i32
      %scan3A_256 = arith.constant 32 : i32
      %scan3A_257 = arith.addi %scan3A_255, %scan3A_256 : i32
      %scan3A_258 = arith.constant 1 : i32
      scf.for %scan3A_335 = %scan3A_255 to %scan3A_257 step %scan3A_258  : i32 {
        %mul3A_336 = arith.constant 4 : i32
        %mul3A_337 = arith.muli %scan3A_335, %mul3A_336 : i32
        %add3A_338 = arith.constant 0 : i32
        %add3A_339 = arith.addi %add3A_338, %mul3A_337 : i32
        %add3A_340 = arith.constant 256 : i32
        %add3A_341 = arith.addi %add3A_340, %add3A_339 : i32
        %add3A_342 = arith.constant 0 : i32
        %add3A_343 = arith.addi %add3A_341, %add3A_342 : i32
        %broadcast_in_dim3A = arith.constant 256 : i32
        %broadcast_in_dim3A_344 = vector.broadcast %broadcast_in_dim3A : i32 to vector<16xi32>
        %add3A_345 = vector.broadcast %add3A_339 : i32 to vector<16xi32>
        %add3A_346 = arith.addi %broadcast_in_dim3A_344, %add3A_345 : vector<16xi32>
        %gather3A = tpu.vector_load_idx %arg13[%add3A_346] : memref<512xf32, #tpu.memory_space<vmem>>[vector<16xi32>], vector<16xf32>,
        %get3A = arith.index_cast %add3A_343 : i32 to index
        %get3A_347 = arith.constant 0 : index
        %get3A_348 = tpu.vector_load %arg15[%get3A, %get3A_347] {strides = array<i32>} : memref<512x64xf32, #tpu.memory_space<vmem>>, vector<16xf32>,
        %mul3A_349 = arith.mulf %get3A_348, %gather3A : vector<16xf32>
        %swap3A = arith.index_cast %add3A_343 : i32 to index
        %swap3A_350 = arith.constant 0 : index
        %swap3A_351 = tpu.vector_load %arg15[%swap3A, %swap3A_350] {strides = array<i32>} : memref<512x64xf32, #tpu.memory_space<vmem>>, vector<16xf32>,
        tpu.vector_store %arg15[%swap3A, %swap3A_350], %mul3A_349 {strides = array<i32>} : memref<512x64xf32, #tpu.memory_space<vmem>>, vector<16xf32>,
        %get3A_352 = arith.index_cast %add3A_343 : i32 to index
        %get3A_353 = arith.constant 16 : index
        %get3A_354 = tpu.vector_load %arg15[%get3A_352, %get3A_353] {strides = array<i32>} : memref<512x64xf32, #tpu.memory_space<vmem>>, vector<16xf32>,
        %mul3A_355 = arith.mulf %get3A_354, %gather3A : vector<16xf32>
        %swap3A_356 = arith.index_cast %add3A_343 : i32 to index
        %swap3A_357 = arith.constant 16 : index
        %swap3A_358 = tpu.vector_load %arg15[%swap3A_356, %swap3A_357] {strides = array<i32>} : memref<512x64xf32, #tpu.memory_space<vmem>>, vector<16xf32>,
        tpu.vector_store %arg15[%swap3A_356, %swap3A_357], %mul3A_355 {strides = array<i32>} : memref<512x64xf32, #tpu.memory_space<vmem>>, vector<16xf32>,
        %get3A_359 = arith.index_cast %add3A_343 : i32 to index
        %get3A_360 = arith.constant 32 : index
        %get3A_361 = tpu.vector_load %arg15[%get3A_359, %get3A_360] {strides = array<i32>} : memref<512x64xf32, #tpu.memory_space<vmem>>, vector<16xf32>,
        %mul3A_362 = arith.mulf %get3A_361, %gather3A : vector<16xf32>
        %swap3A_363 = arith.index_cast %add3A_343 : i32 to index
        %swap3A_364 = arith.constant 32 : index
        %swap3A_365 = tpu.vector_load %arg15[%swap3A_363, %swap3A_364] {strides = array<i32>} : memref<512x64xf32, #tpu.memory_space<vmem>>, vector<16xf32>,
        tpu.vector_store %arg15[%swap3A_363, %swap3A_364], %mul3A_362 {strides = array<i32>} : memref<512x64xf32, #tpu.memory_space<vmem>>, vector<16xf32>,
        %get3A_366 = arith.index_cast %add3A_343 : i32 to index
        %get3A_367 = arith.constant 48 : index
        %get3A_368 = tpu.vector_load %arg15[%get3A_366, %get3A_367] {strides = array<i32>} : memref<512x64xf32, #tpu.memory_space<vmem>>, vector<16xf32>,
        %mul3A_369 = arith.mulf %get3A_368, %gather3A : vector<16xf32>
        %swap3A_370 = arith.index_cast %add3A_343 : i32 to index
        %swap3A_371 = arith.constant 48 : index
        %swap3A_372 = tpu.vector_load %arg15[%swap3A_370, %swap3A_371] {strides = array<i32>} : memref<512x64xf32, #tpu.memory_space<vmem>>, vector<16xf32>,
        tpu.vector_store %arg15[%swap3A_370, %swap3A_371], %mul3A_369 {strides = array<i32>} : memref<512x64xf32, #tpu.memory_space<vmem>>, vector<16xf32>,
        %add3A_373 = arith.constant 256 : i32
        %add3A_374 = arith.addi %add3A_373, %add3A_339 : i32
        %add3A_375 = arith.constant 1 : i32
        %add3A_376 = arith.addi %add3A_374, %add3A_375 : i32
        %broadcast_in_dim3A_377 = arith.constant 257 : i32
        %broadcast_in_dim3A_378 = vector.broadcast %broadcast_in_dim3A_377 : i32 to vector<16xi32>
        %add3A_379 = vector.broadcast %add3A_339 : i32 to vector<16xi32>
        %add3A_380 = arith.addi %broadcast_in_dim3A_378, %add3A_379 : vector<16xi32>
        %gather3A_381 = tpu.vector_load_idx %arg13[%add3A_380] : memref<512xf32, #tpu.memory_space<vmem>>[vector<16xi32>], vector<16xf32>,
        %get3A_382 = arith.index_cast %add3A_376 : i32 to index
        %get3A_383 = arith.constant 0 : index
        %get3A_384 = tpu.vector_load %arg15[%get3A_382, %get3A_383] {strides = array<i32>} : memref<512x64xf32, #tpu.memory_space<vmem>>, vector<16xf32>,
        %mul3A_385 = arith.mulf %get3A_384, %gather3A_381 : vector<16xf32>
        %swap3A_386 = arith.index_cast %add3A_376 : i32 to index
        %swap3A_387 = arith.constant 0 : index
        %swap3A_388 = tpu.vector_load %arg15[%swap3A_386, %swap3A_387] {strides = array<i32>} : memref<512x64xf32, #tpu.memory_space<vmem>>, vector<16xf32>,
        tpu.vector_store %arg15[%swap3A_386, %swap3A_387], %mul3A_385 {strides = array<i32>} : memref<512x64xf32, #tpu.memory_space<vmem>>, vector<16xf32>,
        %get3A_389 = arith.index_cast %add3A_376 : i32 to index
        %get3A_390 = arith.constant 16 : index
        %get3A_391 = tpu.vector_load %arg15[%get3A_389, %get3A_390] {strides = array<i32>} : memref<512x64xf32, #tpu.memory_space<vmem>>, vector<16xf32>,
        %mul3A_392 = arith.mulf %get3A_391, %gather3A_381 : vector<16xf32>
        %swap3A_393 = arith.index_cast %add3A_376 : i32 to index
        %swap3A_394 = arith.constant 16 : index
        %swap3A_395 = tpu.vector_load %arg15[%swap3A_393, %swap3A_394] {strides = array<i32>} : memref<512x64xf32, #tpu.memory_space<vmem>>, vector<16xf32>,
        tpu.vector_store %arg15[%swap3A_393, %swap3A_394], %mul3A_392 {strides = array<i32>} : memref<512x64xf32, #tpu.memory_space<vmem>>, vector<16xf32>,
        %get3A_396 = arith.index_cast %add3A_376 : i32 to index
        %get3A_397 = arith.constant 32 : index
        %get3A_398 = tpu.vector_load %arg15[%get3A_396, %get3A_397] {strides = array<i32>} : memref<512x64xf32, #tpu.memory_space<vmem>>, vector<16xf32>,
        %mul3A_399 = arith.mulf %get3A_398, %gather3A_381 : vector<16xf32>
        %swap3A_400 = arith.index_cast %add3A_376 : i32 to index
        %swap3A_401 = arith.constant 32 : index
        %swap3A_402 = tpu.vector_load %arg15[%swap3A_400, %swap3A_401] {strides = array<i32>} : memref<512x64xf32, #tpu.memory_space<vmem>>, vector<16xf32>,
        tpu.vector_store %arg15[%swap3A_400, %swap3A_401], %mul3A_399 {strides = array<i32>} : memref<512x64xf32, #tpu.memory_space<vmem>>, vector<16xf32>,
        %get3A_403 = arith.index_cast %add3A_376 : i32 to index
        %get3A_404 = arith.constant 48 : index
        %get3A_405 = tpu.vector_load %arg15[%get3A_403, %get3A_404] {strides = array<i32>} : memref<512x64xf32, #tpu.memory_space<vmem>>, vector<16xf32>,
        %mul3A_406 = arith.mulf %get3A_405, %gather3A_381 : vector<16xf32>
        %swap3A_407 = arith.index_cast %add3A_376 : i32 to index
        %swap3A_408 = arith.constant 48 : index
        %swap3A_409 = tpu.vector_load %arg15[%swap3A_407, %swap3A_408] {strides = array<i32>} : memref<512x64xf32, #tpu.memory_space<vmem>>, vector<16xf32>,
        tpu.vector_store %arg15[%swap3A_407, %swap3A_408], %mul3A_406 {strides = array<i32>} : memref<512x64xf32, #tpu.memory_space<vmem>>, vector<16xf32>,
        %add3A_410 = arith.constant 256 : i32
        %add3A_411 = arith.addi %add3A_410, %add3A_339 : i32
        %add3A_412 = arith.constant 2 : i32
        %add3A_413 = arith.addi %add3A_411, %add3A_412 : i32
        %broadcast_in_dim3A_414 = arith.constant 258 : i32
        %broadcast_in_dim3A_415 = vector.broadcast %broadcast_in_dim3A_414 : i32 to vector<16xi32>
        %add3A_416 = vector.broadcast %add3A_339 : i32 to vector<16xi32>
        %add3A_417 = arith.addi %broadcast_in_dim3A_415, %add3A_416 : vector<16xi32>
        %gather3A_418 = tpu.vector_load_idx %arg13[%add3A_417] : memref<512xf32, #tpu.memory_space<vmem>>[vector<16xi32>], vector<16xf32>,
        %get3A_419 = arith.index_cast %add3A_413 : i32 to index
        %get3A_420 = arith.constant 0 : index
        %get3A_421 = tpu.vector_load %arg15[%get3A_419, %get3A_420] {strides = array<i32>} : memref<512x64xf32, #tpu.memory_space<vmem>>, vector<16xf32>,
        %mul3A_422 = arith.mulf %get3A_421, %gather3A_418 : vector<16xf32>
        %swap3A_423 = arith.index_cast %add3A_413 : i32 to index
        %swap3A_424 = arith.constant 0 : index
        %swap3A_425 = tpu.vector_load %arg15[%swap3A_423, %swap3A_424] {strides = array<i32>} : memref<512x64xf32, #tpu.memory_space<vmem>>, vector<16xf32>,
        tpu.vector_store %arg15[%swap3A_423, %swap3A_424], %mul3A_422 {strides = array<i32>} : memref<512x64xf32, #tpu.memory_space<vmem>>, vector<16xf32>,
        %get3A_426 = arith.index_cast %add3A_413 : i32 to index
        %get3A_427 = arith.constant 16 : index
        %get3A_428 = tpu.vector_load %arg15[%get3A_426, %get3A_427] {strides = array<i32>} : memref<512x64xf32, #tpu.memory_space<vmem>>, vector<16xf32>,
        %mul3A_429 = arith.mulf %get3A_428, %gather3A_418 : vector<16xf32>
        %swap3A_430 = arith.index_cast %add3A_413 : i32 to index
        %swap3A_431 = arith.constant 16 : index
        %swap3A_432 = tpu.vector_load %arg15[%swap3A_430, %swap3A_431] {strides = array<i32>} : memref<512x64xf32, #tpu.memory_space<vmem>>, vector<16xf32>,
        tpu.vector_store %arg15[%swap3A_430, %swap3A_431], %mul3A_429 {strides = array<i32>} : memref<512x64xf32, #tpu.memory_space<vmem>>, vector<16xf32>,
        %get3A_433 = arith.index_cast %add3A_413 : i32 to index
        %get3A_434 = arith.constant 32 : index
        %get3A_435 = tpu.vector_load %arg15[%get3A_433, %get3A_434] {strides = array<i32>} : memref<512x64xf32, #tpu.memory_space<vmem>>, vector<16xf32>,
        %mul3A_436 = arith.mulf %get3A_435, %gather3A_418 : vector<16xf32>
        %swap3A_437 = arith.index_cast %add3A_413 : i32 to index
        %swap3A_438 = arith.constant 32 : index
        %swap3A_439 = tpu.vector_load %arg15[%swap3A_437, %swap3A_438] {strides = array<i32>} : memref<512x64xf32, #tpu.memory_space<vmem>>, vector<16xf32>,
        tpu.vector_store %arg15[%swap3A_437, %swap3A_438], %mul3A_436 {strides = array<i32>} : memref<512x64xf32, #tpu.memory_space<vmem>>, vector<16xf32>,
        %get3A_440 = arith.index_cast %add3A_413 : i32 to index
        %get3A_441 = arith.constant 48 : index
        %get3A_442 = tpu.vector_load %arg15[%get3A_440, %get3A_441] {strides = array<i32>} : memref<512x64xf32, #tpu.memory_space<vmem>>, vector<16xf32>,
        %mul3A_443 = arith.mulf %get3A_442, %gather3A_418 : vector<16xf32>
        %swap3A_444 = arith.index_cast %add3A_413 : i32 to index
        %swap3A_445 = arith.constant 48 : index
        %swap3A_446 = tpu.vector_load %arg15[%swap3A_444, %swap3A_445] {strides = array<i32>} : memref<512x64xf32, #tpu.memory_space<vmem>>, vector<16xf32>,
        tpu.vector_store %arg15[%swap3A_444, %swap3A_445], %mul3A_443 {strides = array<i32>} : memref<512x64xf32, #tpu.memory_space<vmem>>, vector<16xf32>,
        %add3A_447 = arith.constant 256 : i32
        %add3A_448 = arith.addi %add3A_447, %add3A_339 : i32
        %add3A_449 = arith.constant 3 : i32
        %add3A_450 = arith.addi %add3A_448, %add3A_449 : i32
        %broadcast_in_dim3A_451 = arith.constant 259 : i32
        %broadcast_in_dim3A_452 = vector.broadcast %broadcast_in_dim3A_451 : i32 to vector<16xi32>
        %add3A_453 = vector.broadcast %add3A_339 : i32 to vector<16xi32>
        %add3A_454 = arith.addi %broadcast_in_dim3A_452, %add3A_453 : vector<16xi32>
        %gather3A_455 = tpu.vector_load_idx %arg13[%add3A_454] : memref<512xf32, #tpu.memory_space<vmem>>[vector<16xi32>], vector<16xf32>,
        %get3A_456 = arith.index_cast %add3A_450 : i32 to index
        %get3A_457 = arith.constant 0 : index
        %get3A_458 = tpu.vector_load %arg15[%get3A_456, %get3A_457] {strides = array<i32>} : memref<512x64xf32, #tpu.memory_space<vmem>>, vector<16xf32>,
        %mul3A_459 = arith.mulf %get3A_458, %gather3A_455 : vector<16xf32>
        %swap3A_460 = arith.index_cast %add3A_450 : i32 to index
        %swap3A_461 = arith.constant 0 : index
        %swap3A_462 = tpu.vector_load %arg15[%swap3A_460, %swap3A_461] {strides = array<i32>} : memref<512x64xf32, #tpu.memory_space<vmem>>, vector<16xf32>,
        tpu.vector_store %arg15[%swap3A_460, %swap3A_461], %mul3A_459 {strides = array<i32>} : memref<512x64xf32, #tpu.memory_space<vmem>>, vector<16xf32>,
        %get3A_463 = arith.index_cast %add3A_450 : i32 to index
        %get3A_464 = arith.constant 16 : index
        %get3A_465 = tpu.vector_load %arg15[%get3A_463, %get3A_464] {strides = array<i32>} : memref<512x64xf32, #tpu.memory_space<vmem>>, vector<16xf32>,
        %mul3A_466 = arith.mulf %get3A_465, %gather3A_455 : vector<16xf32>
        %swap3A_467 = arith.index_cast %add3A_450 : i32 to index
        %swap3A_468 = arith.constant 16 : index
        %swap3A_469 = tpu.vector_load %arg15[%swap3A_467, %swap3A_468] {strides = array<i32>} : memref<512x64xf32, #tpu.memory_space<vmem>>, vector<16xf32>,
        tpu.vector_store %arg15[%swap3A_467, %swap3A_468], %mul3A_466 {strides = array<i32>} : memref<512x64xf32, #tpu.memory_space<vmem>>, vector<16xf32>,
        %get3A_470 = arith.index_cast %add3A_450 : i32 to index
        %get3A_471 = arith.constant 32 : index
        %get3A_472 = tpu.vector_load %arg15[%get3A_470, %get3A_471] {strides = array<i32>} : memref<512x64xf32, #tpu.memory_space<vmem>>, vector<16xf32>,
        %mul3A_473 = arith.mulf %get3A_472, %gather3A_455 : vector<16xf32>
        %swap3A_474 = arith.index_cast %add3A_450 : i32 to index
        %swap3A_475 = arith.constant 32 : index
        %swap3A_476 = tpu.vector_load %arg15[%swap3A_474, %swap3A_475] {strides = array<i32>} : memref<512x64xf32, #tpu.memory_space<vmem>>, vector<16xf32>,
        tpu.vector_store %arg15[%swap3A_474, %swap3A_475], %mul3A_473 {strides = array<i32>} : memref<512x64xf32, #tpu.memory_space<vmem>>, vector<16xf32>,
        %get3A_477 = arith.index_cast %add3A_450 : i32 to index
        %get3A_478 = arith.constant 48 : index
        %get3A_479 = tpu.vector_load %arg15[%get3A_477, %get3A_478] {strides = array<i32>} : memref<512x64xf32, #tpu.memory_space<vmem>>, vector<16xf32>,
        %mul3A_480 = arith.mulf %get3A_479, %gather3A_455 : vector<16xf32>
        %swap3A_481 = arith.index_cast %add3A_450 : i32 to index
        %swap3A_482 = arith.constant 48 : index
        %swap3A_483 = tpu.vector_load %arg15[%swap3A_481, %swap3A_482] {strides = array<i32>} : memref<512x64xf32, #tpu.memory_space<vmem>>, vector<16xf32>,
        tpu.vector_store %arg15[%swap3A_481, %swap3A_482], %mul3A_480 {strides = array<i32>} : memref<512x64xf32, #tpu.memory_space<vmem>>, vector<16xf32>,
      }
      %scan3A_259 = arith.constant 32 : i32
      %dma_start3A_260 = arith.constant 2 : i32
      %dma_start3A_261 = arith.constant 256 : i32
      %dma_start3A_262 = arith.constant 0 : i32
      %dma_start3A_263 = tpu.memref_slice %arg15[%dma_start3A_261, %dma_start3A_262] : memref<512x64xf32, #tpu.memory_space<vmem>> -> memref<128x64xf32, #tpu.memory_space<vmem>>
      %dma_start3A_264 = arith.constant 0 : i32
      %dma_start3A_265 = tpu.memref_slice %arg12[%dma_start3A_260, %dma_start3A_264] : memref<4x128xi32, #tpu.memory_space<vmem>> -> memref<1x128xi32, #tpu.memory_space<vmem>>
      %dma_start3A_266 = tpu.memref_squeeze %dma_start3A_265 : memref<1x128xi32, #tpu.memory_space<vmem>> -> memref<128xi32, #tpu.memory_space<vmem>>
      %dma_start3A_267 = arith.constant 0 : i32
      %dma_start3A_268 = arith.constant 0 : i32
      %dma_start3A_269 = tpu.memref_slice %arg9[%dma_start3A_267, %dma_start3A_268] : memref<10240x64xf32, #tpu.memory_space<vmem_shared>> -> memref<10240x64xf32, #tpu.memory_space<vmem_shared>>
      tpu.enqueue_indirect_dma source(%dma_start3A_263 : memref<128x64xf32, #tpu.memory_space<vmem>>) target(%dma_start3A_269 : memref<10240x64xf32, #tpu.memory_space<vmem_shared>>) offsets(%dma_start3A_266 : memref<128xi32, #tpu.memory_space<vmem>>) semaphore(%arg18 : memref<!tpu.dma_semaphore, #tpu.memory_space<semaphore_mem>>) {add = true}
      %dma_wait3A_270 = arith.constant 3 : i32
      %dma_wait3A_271 = arith.constant 384 : i32
      %dma_wait3A_272 = arith.constant 0 : i32
      %dma_wait3A_273 = tpu.memref_slice %arg15[%dma_wait3A_271, %dma_wait3A_272] : memref<512x64xf32, #tpu.memory_space<vmem>> -> memref<128x64xf32, #tpu.memory_space<vmem>>
      %dma_wait3A_274 = arith.constant 0 : i32
      %dma_wait3A_275 = tpu.memref_slice %arg11[%dma_wait3A_270, %dma_wait3A_274] : memref<4x128xi32, #tpu.memory_space<vmem>> -> memref<1x128xi32, #tpu.memory_space<vmem>>
      %dma_wait3A_276 = tpu.memref_squeeze %dma_wait3A_275 : memref<1x128xi32, #tpu.memory_space<vmem>> -> memref<128xi32, #tpu.memory_space<vmem>>
      %dma_wait3A_277 = arith.constant 0 : i32
      %dma_wait3A_278 = arith.constant 0 : i32
      %dma_wait3A_279 = tpu.memref_slice %arg8[%dma_wait3A_277, %dma_wait3A_278] : memref<10240x64xf32, #tpu.memory_space<vmem_shared>> -> memref<10240x64xf32, #tpu.memory_space<vmem_shared>>
      tpu.wait_indirect_dma semaphore(%arg23 : memref<!tpu.dma_semaphore, #tpu.memory_space<semaphore_mem>>) src(%dma_wait3A_279 : memref<10240x64xf32, #tpu.memory_space<vmem_shared>>) dst(%dma_wait3A_273 : memref<128x64xf32, #tpu.memory_space<vmem>>)
      %scan3A_280 = arith.constant 0 : i32
      %scan3A_281 = arith.constant 32 : i32
      %scan3A_282 = arith.addi %scan3A_280, %scan3A_281 : i32
      %scan3A_283 = arith.constant 1 : i32
      scf.for %scan3A_335 = %scan3A_280 to %scan3A_282 step %scan3A_283  : i32 {
        %mul3A_336 = arith.constant 4 : i32
        %mul3A_337 = arith.muli %scan3A_335, %mul3A_336 : i32
        %add3A_338 = arith.constant 0 : i32
        %add3A_339 = arith.addi %add3A_338, %mul3A_337 : i32
        %add3A_340 = arith.constant 384 : i32
        %add3A_341 = arith.addi %add3A_340, %add3A_339 : i32
        %add3A_342 = arith.constant 0 : i32
        %add3A_343 = arith.addi %add3A_341, %add3A_342 : i32
        %broadcast_in_dim3A = arith.constant 384 : i32
        %broadcast_in_dim3A_344 = vector.broadcast %broadcast_in_dim3A : i32 to vector<16xi32>
        %add3A_345 = vector.broadcast %add3A_339 : i32 to vector<16xi32>
        %add3A_346 = arith.addi %broadcast_in_dim3A_344, %add3A_345 : vector<16xi32>
        %gather3A = tpu.vector_load_idx %arg13[%add3A_346] : memref<512xf32, #tpu.memory_space<vmem>>[vector<16xi32>], vector<16xf32>,
        %get3A = arith.index_cast %add3A_343 : i32 to index
        %get3A_347 = arith.constant 0 : index
        %get3A_348 = tpu.vector_load %arg15[%get3A, %get3A_347] {strides = array<i32>} : memref<512x64xf32, #tpu.memory_space<vmem>>, vector<16xf32>,
        %mul3A_349 = arith.mulf %get3A_348, %gather3A : vector<16xf32>
        %swap3A = arith.index_cast %add3A_343 : i32 to index
        %swap3A_350 = arith.constant 0 : index
        %swap3A_351 = tpu.vector_load %arg15[%swap3A, %swap3A_350] {strides = array<i32>} : memref<512x64xf32, #tpu.memory_space<vmem>>, vector<16xf32>,
        tpu.vector_store %arg15[%swap3A, %swap3A_350], %mul3A_349 {strides = array<i32>} : memref<512x64xf32, #tpu.memory_space<vmem>>, vector<16xf32>,
        %get3A_352 = arith.index_cast %add3A_343 : i32 to index
        %get3A_353 = arith.constant 16 : index
        %get3A_354 = tpu.vector_load %arg15[%get3A_352, %get3A_353] {strides = array<i32>} : memref<512x64xf32, #tpu.memory_space<vmem>>, vector<16xf32>,
        %mul3A_355 = arith.mulf %get3A_354, %gather3A : vector<16xf32>
        %swap3A_356 = arith.index_cast %add3A_343 : i32 to index
        %swap3A_357 = arith.constant 16 : index
        %swap3A_358 = tpu.vector_load %arg15[%swap3A_356, %swap3A_357] {strides = array<i32>} : memref<512x64xf32, #tpu.memory_space<vmem>>, vector<16xf32>,
        tpu.vector_store %arg15[%swap3A_356, %swap3A_357], %mul3A_355 {strides = array<i32>} : memref<512x64xf32, #tpu.memory_space<vmem>>, vector<16xf32>,
        %get3A_359 = arith.index_cast %add3A_343 : i32 to index
        %get3A_360 = arith.constant 32 : index
        %get3A_361 = tpu.vector_load %arg15[%get3A_359, %get3A_360] {strides = array<i32>} : memref<512x64xf32, #tpu.memory_space<vmem>>, vector<16xf32>,
        %mul3A_362 = arith.mulf %get3A_361, %gather3A : vector<16xf32>
        %swap3A_363 = arith.index_cast %add3A_343 : i32 to index
        %swap3A_364 = arith.constant 32 : index
        %swap3A_365 = tpu.vector_load %arg15[%swap3A_363, %swap3A_364] {strides = array<i32>} : memref<512x64xf32, #tpu.memory_space<vmem>>, vector<16xf32>,
        tpu.vector_store %arg15[%swap3A_363, %swap3A_364], %mul3A_362 {strides = array<i32>} : memref<512x64xf32, #tpu.memory_space<vmem>>, vector<16xf32>,
        %get3A_366 = arith.index_cast %add3A_343 : i32 to index
        %get3A_367 = arith.constant 48 : index
        %get3A_368 = tpu.vector_load %arg15[%get3A_366, %get3A_367] {strides = array<i32>} : memref<512x64xf32, #tpu.memory_space<vmem>>, vector<16xf32>,
        %mul3A_369 = arith.mulf %get3A_368, %gather3A : vector<16xf32>
        %swap3A_370 = arith.index_cast %add3A_343 : i32 to index
        %swap3A_371 = arith.constant 48 : index
        %swap3A_372 = tpu.vector_load %arg15[%swap3A_370, %swap3A_371] {strides = array<i32>} : memref<512x64xf32, #tpu.memory_space<vmem>>, vector<16xf32>,
        tpu.vector_store %arg15[%swap3A_370, %swap3A_371], %mul3A_369 {strides = array<i32>} : memref<512x64xf32, #tpu.memory_space<vmem>>, vector<16xf32>,
        %add3A_373 = arith.constant 384 : i32
        %add3A_374 = arith.addi %add3A_373, %add3A_339 : i32
        %add3A_375 = arith.constant 1 : i32
        %add3A_376 = arith.addi %add3A_374, %add3A_375 : i32
        %broadcast_in_dim3A_377 = arith.constant 385 : i32
        %broadcast_in_dim3A_378 = vector.broadcast %broadcast_in_dim3A_377 : i32 to vector<16xi32>
        %add3A_379 = vector.broadcast %add3A_339 : i32 to vector<16xi32>
        %add3A_380 = arith.addi %broadcast_in_dim3A_378, %add3A_379 : vector<16xi32>
        %gather3A_381 = tpu.vector_load_idx %arg13[%add3A_380] : memref<512xf32, #tpu.memory_space<vmem>>[vector<16xi32>], vector<16xf32>,
        %get3A_382 = arith.index_cast %add3A_376 : i32 to index
        %get3A_383 = arith.constant 0 : index
        %get3A_384 = tpu.vector_load %arg15[%get3A_382, %get3A_383] {strides = array<i32>} : memref<512x64xf32, #tpu.memory_space<vmem>>, vector<16xf32>,
        %mul3A_385 = arith.mulf %get3A_384, %gather3A_381 : vector<16xf32>
        %swap3A_386 = arith.index_cast %add3A_376 : i32 to index
        %swap3A_387 = arith.constant 0 : index
        %swap3A_388 = tpu.vector_load %arg15[%swap3A_386, %swap3A_387] {strides = array<i32>} : memref<512x64xf32, #tpu.memory_space<vmem>>, vector<16xf32>,
        tpu.vector_store %arg15[%swap3A_386, %swap3A_387], %mul3A_385 {strides = array<i32>} : memref<512x64xf32, #tpu.memory_space<vmem>>, vector<16xf32>,
        %get3A_389 = arith.index_cast %add3A_376 : i32 to index
        %get3A_390 = arith.constant 16 : index
        %get3A_391 = tpu.vector_load %arg15[%get3A_389, %get3A_390] {strides = array<i32>} : memref<512x64xf32, #tpu.memory_space<vmem>>, vector<16xf32>,
        %mul3A_392 = arith.mulf %get3A_391, %gather3A_381 : vector<16xf32>
        %swap3A_393 = arith.index_cast %add3A_376 : i32 to index
        %swap3A_394 = arith.constant 16 : index
        %swap3A_395 = tpu.vector_load %arg15[%swap3A_393, %swap3A_394] {strides = array<i32>} : memref<512x64xf32, #tpu.memory_space<vmem>>, vector<16xf32>,
        tpu.vector_store %arg15[%swap3A_393, %swap3A_394], %mul3A_392 {strides = array<i32>} : memref<512x64xf32, #tpu.memory_space<vmem>>, vector<16xf32>,
        %get3A_396 = arith.index_cast %add3A_376 : i32 to index
        %get3A_397 = arith.constant 32 : index
        %get3A_398 = tpu.vector_load %arg15[%get3A_396, %get3A_397] {strides = array<i32>} : memref<512x64xf32, #tpu.memory_space<vmem>>, vector<16xf32>,
        %mul3A_399 = arith.mulf %get3A_398, %gather3A_381 : vector<16xf32>
        %swap3A_400 = arith.index_cast %add3A_376 : i32 to index
        %swap3A_401 = arith.constant 32 : index
        %swap3A_402 = tpu.vector_load %arg15[%swap3A_400, %swap3A_401] {strides = array<i32>} : memref<512x64xf32, #tpu.memory_space<vmem>>, vector<16xf32>,
        tpu.vector_store %arg15[%swap3A_400, %swap3A_401], %mul3A_399 {strides = array<i32>} : memref<512x64xf32, #tpu.memory_space<vmem>>, vector<16xf32>,
        %get3A_403 = arith.index_cast %add3A_376 : i32 to index
        %get3A_404 = arith.constant 48 : index
        %get3A_405 = tpu.vector_load %arg15[%get3A_403, %get3A_404] {strides = array<i32>} : memref<512x64xf32, #tpu.memory_space<vmem>>, vector<16xf32>,
        %mul3A_406 = arith.mulf %get3A_405, %gather3A_381 : vector<16xf32>
        %swap3A_407 = arith.index_cast %add3A_376 : i32 to index
        %swap3A_408 = arith.constant 48 : index
        %swap3A_409 = tpu.vector_load %arg15[%swap3A_407, %swap3A_408] {strides = array<i32>} : memref<512x64xf32, #tpu.memory_space<vmem>>, vector<16xf32>,
        tpu.vector_store %arg15[%swap3A_407, %swap3A_408], %mul3A_406 {strides = array<i32>} : memref<512x64xf32, #tpu.memory_space<vmem>>, vector<16xf32>,
        %add3A_410 = arith.constant 384 : i32
        %add3A_411 = arith.addi %add3A_410, %add3A_339 : i32
        %add3A_412 = arith.constant 2 : i32
        %add3A_413 = arith.addi %add3A_411, %add3A_412 : i32
        %broadcast_in_dim3A_414 = arith.constant 386 : i32
        %broadcast_in_dim3A_415 = vector.broadcast %broadcast_in_dim3A_414 : i32 to vector<16xi32>
        %add3A_416 = vector.broadcast %add3A_339 : i32 to vector<16xi32>
        %add3A_417 = arith.addi %broadcast_in_dim3A_415, %add3A_416 : vector<16xi32>
        %gather3A_418 = tpu.vector_load_idx %arg13[%add3A_417] : memref<512xf32, #tpu.memory_space<vmem>>[vector<16xi32>], vector<16xf32>,
        %get3A_419 = arith.index_cast %add3A_413 : i32 to index
        %get3A_420 = arith.constant 0 : index
        %get3A_421 = tpu.vector_load %arg15[%get3A_419, %get3A_420] {strides = array<i32>} : memref<512x64xf32, #tpu.memory_space<vmem>>, vector<16xf32>,
        %mul3A_422 = arith.mulf %get3A_421, %gather3A_418 : vector<16xf32>
        %swap3A_423 = arith.index_cast %add3A_413 : i32 to index
        %swap3A_424 = arith.constant 0 : index
        %swap3A_425 = tpu.vector_load %arg15[%swap3A_423, %swap3A_424] {strides = array<i32>} : memref<512x64xf32, #tpu.memory_space<vmem>>, vector<16xf32>,
        tpu.vector_store %arg15[%swap3A_423, %swap3A_424], %mul3A_422 {strides = array<i32>} : memref<512x64xf32, #tpu.memory_space<vmem>>, vector<16xf32>,
        %get3A_426 = arith.index_cast %add3A_413 : i32 to index
        %get3A_427 = arith.constant 16 : index
        %get3A_428 = tpu.vector_load %arg15[%get3A_426, %get3A_427] {strides = array<i32>} : memref<512x64xf32, #tpu.memory_space<vmem>>, vector<16xf32>,
        %mul3A_429 = arith.mulf %get3A_428, %gather3A_418 : vector<16xf32>
        %swap3A_430 = arith.index_cast %add3A_413 : i32 to index
        %swap3A_431 = arith.constant 16 : index
        %swap3A_432 = tpu.vector_load %arg15[%swap3A_430, %swap3A_431] {strides = array<i32>} : memref<512x64xf32, #tpu.memory_space<vmem>>, vector<16xf32>,
        tpu.vector_store %arg15[%swap3A_430, %swap3A_431], %mul3A_429 {strides = array<i32>} : memref<512x64xf32, #tpu.memory_space<vmem>>, vector<16xf32>,
        %get3A_433 = arith.index_cast %add3A_413 : i32 to index
        %get3A_434 = arith.constant 32 : index
        %get3A_435 = tpu.vector_load %arg15[%get3A_433, %get3A_434] {strides = array<i32>} : memref<512x64xf32, #tpu.memory_space<vmem>>, vector<16xf32>,
        %mul3A_436 = arith.mulf %get3A_435, %gather3A_418 : vector<16xf32>
        %swap3A_437 = arith.index_cast %add3A_413 : i32 to index
        %swap3A_438 = arith.constant 32 : index
        %swap3A_439 = tpu.vector_load %arg15[%swap3A_437, %swap3A_438] {strides = array<i32>} : memref<512x64xf32, #tpu.memory_space<vmem>>, vector<16xf32>,
        tpu.vector_store %arg15[%swap3A_437, %swap3A_438], %mul3A_436 {strides = array<i32>} : memref<512x64xf32, #tpu.memory_space<vmem>>, vector<16xf32>,
        %get3A_440 = arith.index_cast %add3A_413 : i32 to index
        %get3A_441 = arith.constant 48 : index
        %get3A_442 = tpu.vector_load %arg15[%get3A_440, %get3A_441] {strides = array<i32>} : memref<512x64xf32, #tpu.memory_space<vmem>>, vector<16xf32>,
        %mul3A_443 = arith.mulf %get3A_442, %gather3A_418 : vector<16xf32>
        %swap3A_444 = arith.index_cast %add3A_413 : i32 to index
        %swap3A_445 = arith.constant 48 : index
        %swap3A_446 = tpu.vector_load %arg15[%swap3A_444, %swap3A_445] {strides = array<i32>} : memref<512x64xf32, #tpu.memory_space<vmem>>, vector<16xf32>,
        tpu.vector_store %arg15[%swap3A_444, %swap3A_445], %mul3A_443 {strides = array<i32>} : memref<512x64xf32, #tpu.memory_space<vmem>>, vector<16xf32>,
        %add3A_447 = arith.constant 384 : i32
        %add3A_448 = arith.addi %add3A_447, %add3A_339 : i32
        %add3A_449 = arith.constant 3 : i32
        %add3A_450 = arith.addi %add3A_448, %add3A_449 : i32
        %broadcast_in_dim3A_451 = arith.constant 387 : i32
        %broadcast_in_dim3A_452 = vector.broadcast %broadcast_in_dim3A_451 : i32 to vector<16xi32>
        %add3A_453 = vector.broadcast %add3A_339 : i32 to vector<16xi32>
        %add3A_454 = arith.addi %broadcast_in_dim3A_452, %add3A_453 : vector<16xi32>
        %gather3A_455 = tpu.vector_load_idx %arg13[%add3A_454] : memref<512xf32, #tpu.memory_space<vmem>>[vector<16xi32>], vector<16xf32>,
        %get3A_456 = arith.index_cast %add3A_450 : i32 to index
        %get3A_457 = arith.constant 0 : index
        %get3A_458 = tpu.vector_load %arg15[%get3A_456, %get3A_457] {strides = array<i32>} : memref<512x64xf32, #tpu.memory_space<vmem>>, vector<16xf32>,
        %mul3A_459 = arith.mulf %get3A_458, %gather3A_455 : vector<16xf32>
        %swap3A_460 = arith.index_cast %add3A_450 : i32 to index
        %swap3A_461 = arith.constant 0 : index
        %swap3A_462 = tpu.vector_load %arg15[%swap3A_460, %swap3A_461] {strides = array<i32>} : memref<512x64xf32, #tpu.memory_space<vmem>>, vector<16xf32>,
        tpu.vector_store %arg15[%swap3A_460, %swap3A_461], %mul3A_459 {strides = array<i32>} : memref<512x64xf32, #tpu.memory_space<vmem>>, vector<16xf32>,
        %get3A_463 = arith.index_cast %add3A_450 : i32 to index
        %get3A_464 = arith.constant 16 : index
        %get3A_465 = tpu.vector_load %arg15[%get3A_463, %get3A_464] {strides = array<i32>} : memref<512x64xf32, #tpu.memory_space<vmem>>, vector<16xf32>,
        %mul3A_466 = arith.mulf %get3A_465, %gather3A_455 : vector<16xf32>
        %swap3A_467 = arith.index_cast %add3A_450 : i32 to index
        %swap3A_468 = arith.constant 16 : index
        %swap3A_469 = tpu.vector_load %arg15[%swap3A_467, %swap3A_468] {strides = array<i32>} : memref<512x64xf32, #tpu.memory_space<vmem>>, vector<16xf32>,
        tpu.vector_store %arg15[%swap3A_467, %swap3A_468], %mul3A_466 {strides = array<i32>} : memref<512x64xf32, #tpu.memory_space<vmem>>, vector<16xf32>,
        %get3A_470 = arith.index_cast %add3A_450 : i32 to index
        %get3A_471 = arith.constant 32 : index
        %get3A_472 = tpu.vector_load %arg15[%get3A_470, %get3A_471] {strides = array<i32>} : memref<512x64xf32, #tpu.memory_space<vmem>>, vector<16xf32>,
        %mul3A_473 = arith.mulf %get3A_472, %gather3A_455 : vector<16xf32>
        %swap3A_474 = arith.index_cast %add3A_450 : i32 to index
        %swap3A_475 = arith.constant 32 : index
        %swap3A_476 = tpu.vector_load %arg15[%swap3A_474, %swap3A_475] {strides = array<i32>} : memref<512x64xf32, #tpu.memory_space<vmem>>, vector<16xf32>,
        tpu.vector_store %arg15[%swap3A_474, %swap3A_475], %mul3A_473 {strides = array<i32>} : memref<512x64xf32, #tpu.memory_space<vmem>>, vector<16xf32>,
        %get3A_477 = arith.index_cast %add3A_450 : i32 to index
        %get3A_478 = arith.constant 48 : index
        %get3A_479 = tpu.vector_load %arg15[%get3A_477, %get3A_478] {strides = array<i32>} : memref<512x64xf32, #tpu.memory_space<vmem>>, vector<16xf32>,
        %mul3A_480 = arith.mulf %get3A_479, %gather3A_455 : vector<16xf32>
        %swap3A_481 = arith.index_cast %add3A_450 : i32 to index
        %swap3A_482 = arith.constant 48 : index
        %swap3A_483 = tpu.vector_load %arg15[%swap3A_481, %swap3A_482] {strides = array<i32>} : memref<512x64xf32, #tpu.memory_space<vmem>>, vector<16xf32>,
        tpu.vector_store %arg15[%swap3A_481, %swap3A_482], %mul3A_480 {strides = array<i32>} : memref<512x64xf32, #tpu.memory_space<vmem>>, vector<16xf32>,
      }
      %scan3A_284 = arith.constant 32 : i32
      %dma_start3A_285 = arith.constant 3 : i32
      %dma_start3A_286 = arith.constant 384 : i32
      %dma_start3A_287 = arith.constant 0 : i32
      %dma_start3A_288 = tpu.memref_slice %arg15[%dma_start3A_286, %dma_start3A_287] : memref<512x64xf32, #tpu.memory_space<vmem>> -> memref<128x64xf32, #tpu.memory_space<vmem>>
      %dma_start3A_289 = arith.constant 0 : i32
      %dma_start3A_290 = tpu.memref_slice %arg12[%dma_start3A_285, %dma_start3A_289] : memref<4x128xi32, #tpu.memory_space<vmem>> -> memref<1x128xi32, #tpu.memory_space<vmem>>
      %dma_start3A_291 = tpu.memref_squeeze %dma_start3A_290 : memref<1x128xi32, #tpu.memory_space<vmem>> -> memref<128xi32, #tpu.memory_space<vmem>>
      %dma_start3A_292 = arith.constant 0 : i32
      %dma_start3A_293 = arith.constant 0 : i32
      %dma_start3A_294 = tpu.memref_slice %arg9[%dma_start3A_292, %dma_start3A_293] : memref<10240x64xf32, #tpu.memory_space<vmem_shared>> -> memref<10240x64xf32, #tpu.memory_space<vmem_shared>>
      tpu.enqueue_indirect_dma source(%dma_start3A_288 : memref<128x64xf32, #tpu.memory_space<vmem>>) target(%dma_start3A_294 : memref<10240x64xf32, #tpu.memory_space<vmem_shared>>) offsets(%dma_start3A_291 : memref<128xi32, #tpu.memory_space<vmem>>) semaphore(%arg19 : memref<!tpu.dma_semaphore, #tpu.memory_space<semaphore_mem>>) {add = true}
      %dma_wait3A_295 = arith.constant 0 : i32
      %dma_wait3A_296 = arith.constant 0 : i32
      %dma_wait3A_297 = arith.constant 0 : i32
      %dma_wait3A_298 = tpu.memref_slice %arg15[%dma_wait3A_296, %dma_wait3A_297] : memref<512x64xf32, #tpu.memory_space<vmem>> -> memref<128x64xf32, #tpu.memory_space<vmem>>
      %dma_wait3A_299 = arith.constant 0 : i32
      %dma_wait3A_300 = tpu.memref_slice %arg12[%dma_wait3A_295, %dma_wait3A_299] : memref<4x128xi32, #tpu.memory_space<vmem>> -> memref<1x128xi32, #tpu.memory_space<vmem>>
      %dma_wait3A_301 = tpu.memref_squeeze %dma_wait3A_300 : memref<1x128xi32, #tpu.memory_space<vmem>> -> memref<128xi32, #tpu.memory_space<vmem>>
      %dma_wait3A_302 = arith.constant 0 : i32
      %dma_wait3A_303 = arith.constant 0 : i32
      %dma_wait3A_304 = tpu.memref_slice %arg9[%dma_wait3A_302, %dma_wait3A_303] : memref<10240x64xf32, #tpu.memory_space<vmem_shared>> -> memref<10240x64xf32, #tpu.memory_space<vmem_shared>>
      tpu.wait_indirect_dma semaphore(%arg16 : memref<!tpu.dma_semaphore, #tpu.memory_space<semaphore_mem>>) src(%dma_wait3A_298 : memref<128x64xf32, #tpu.memory_space<vmem>>) dst(%dma_wait3A_304 : memref<10240x64xf32, #tpu.memory_space<vmem_shared>>)
      %dma_wait3A_305 = arith.constant 1 : i32
      %dma_wait3A_306 = arith.constant 128 : i32
      %dma_wait3A_307 = arith.constant 0 : i32
      %dma_wait3A_308 = tpu.memref_slice %arg15[%dma_wait3A_306, %dma_wait3A_307] : memref<512x64xf32, #tpu.memory_space<vmem>> -> memref<128x64xf32, #tpu.memory_space<vmem>>
      %dma_wait3A_309 = arith.constant 0 : i32
      %dma_wait3A_310 = tpu.memref_slice %arg12[%dma_wait3A_305, %dma_wait3A_309] : memref<4x128xi32, #tpu.memory_space<vmem>> -> memref<1x128xi32, #tpu.memory_space<vmem>>
      %dma_wait3A_311 = tpu.memref_squeeze %dma_wait3A_310 : memref<1x128xi32, #tpu.memory_space<vmem>> -> memref<128xi32, #tpu.memory_space<vmem>>
      %dma_wait3A_312 = arith.constant 0 : i32
      %dma_wait3A_313 = arith.constant 0 : i32
      %dma_wait3A_314 = tpu.memref_slice %arg9[%dma_wait3A_312, %dma_wait3A_313] : memref<10240x64xf32, #tpu.memory_space<vmem_shared>> -> memref<10240x64xf32, #tpu.memory_space<vmem_shared>>
      tpu.wait_indirect_dma semaphore(%arg17 : memref<!tpu.dma_semaphore, #tpu.memory_space<semaphore_mem>>) src(%dma_wait3A_308 : memref<128x64xf32, #tpu.memory_space<vmem>>) dst(%dma_wait3A_314 : memref<10240x64xf32, #tpu.memory_space<vmem_shared>>)
      %dma_wait3A_315 = arith.constant 2 : i32
      %dma_wait3A_316 = arith.constant 256 : i32
      %dma_wait3A_317 = arith.constant 0 : i32
      %dma_wait3A_318 = tpu.memref_slice %arg15[%dma_wait3A_316, %dma_wait3A_317] : memref<512x64xf32, #tpu.memory_space<vmem>> -> memref<128x64xf32, #tpu.memory_space<vmem>>
      %dma_wait3A_319 = arith.constant 0 : i32
      %dma_wait3A_320 = tpu.memref_slice %arg12[%dma_wait3A_315, %dma_wait3A_319] : memref<4x128xi32, #tpu.memory_space<vmem>> -> memref<1x128xi32, #tpu.memory_space<vmem>>
      %dma_wait3A_321 = tpu.memref_squeeze %dma_wait3A_320 : memref<1x128xi32, #tpu.memory_space<vmem>> -> memref<128xi32, #tpu.memory_space<vmem>>
      %dma_wait3A_322 = arith.constant 0 : i32
      %dma_wait3A_323 = arith.constant 0 : i32
      %dma_wait3A_324 = tpu.memref_slice %arg9[%dma_wait3A_322, %dma_wait3A_323] : memref<10240x64xf32, #tpu.memory_space<vmem_shared>> -> memref<10240x64xf32, #tpu.memory_space<vmem_shared>>
      tpu.wait_indirect_dma semaphore(%arg18 : memref<!tpu.dma_semaphore, #tpu.memory_space<semaphore_mem>>) src(%dma_wait3A_318 : memref<128x64xf32, #tpu.memory_space<vmem>>) dst(%dma_wait3A_324 : memref<10240x64xf32, #tpu.memory_space<vmem_shared>>)
      %dma_wait3A_325 = arith.constant 3 : i32
      %dma_wait3A_326 = arith.constant 384 : i32
      %dma_wait3A_327 = arith.constant 0 : i32
      %dma_wait3A_328 = tpu.memref_slice %arg15[%dma_wait3A_326, %dma_wait3A_327] : memref<512x64xf32, #tpu.memory_space<vmem>> -> memref<128x64xf32, #tpu.memory_space<vmem>>
      %dma_wait3A_329 = arith.constant 0 : i32
      %dma_wait3A_330 = tpu.memref_slice %arg12[%dma_wait3A_325, %dma_wait3A_329] : memref<4x128xi32, #tpu.memory_space<vmem>> -> memref<1x128xi32, #tpu.memory_space<vmem>>
      %dma_wait3A_331 = tpu.memref_squeeze %dma_wait3A_330 : memref<1x128xi32, #tpu.memory_space<vmem>> -> memref<128xi32, #tpu.memory_space<vmem>>
      %dma_wait3A_332 = arith.constant 0 : i32
      %dma_wait3A_333 = arith.constant 0 : i32
      %dma_wait3A_334 = tpu.memref_slice %arg9[%dma_wait3A_332, %dma_wait3A_333] : memref<10240x64xf32, #tpu.memory_space<vmem_shared>> -> memref<10240x64xf32, #tpu.memory_space<vmem_shared>>
      tpu.wait_indirect_dma semaphore(%arg19 : memref<!tpu.dma_semaphore, #tpu.memory_space<semaphore_mem>>) src(%dma_wait3A_328 : memref<128x64xf32, #tpu.memory_space<vmem>>) dst(%dma_wait3A_334 : memref<10240x64xf32, #tpu.memory_space<vmem_shared>>)
    }
    %scan3A_83 = arith.constant 41 : i32
    %barrier3A_84 = arith.constant 0 : index
    tpu.barrier barrier_id(%barrier3A_84)
    %add3A_85 = arith.constant 0 : i32
    %add3A_86 = arith.addi %mul3A_0, %add3A_85 : i32
    "tpu.region"() ({
      %run_scoped3A = tpu.sem_alloc : memref<!tpu.dma_semaphore, #tpu.memory_space<semaphore_mem>>
      %dma_start3A = arith.constant 0 : i32
      %dma_start3A_152 = arith.constant 0 : i32
      %dma_start3A_153 = tpu.memref_slice %arg15[%dma_start3A, %dma_start3A_152] : memref<512x64xf32, #tpu.memory_space<vmem>> -> memref<128x64xf32, #tpu.memory_space<vmem>>
      %dma_start3A_154 = arith.constant 0 : i32
      %dma_start3A_155 = tpu.memref_slice %arg9[%add3A_86, %dma_start3A_154] : memref<10240x64xf32, #tpu.memory_space<vmem_shared>> -> memref<128x64xf32, #tpu.memory_space<vmem_shared>>
      %dma_start3A_156 = arith.constant 0 : i32
      %dma_start3A_157 = arith.constant 0 : i32
      %dma_start3A_158 = tpu.memref_slice %arg15[%dma_start3A_156, %dma_start3A_157] : memref<512x64xf32, #tpu.memory_space<vmem>> -> memref<128x64xf32, #tpu.memory_space<vmem>>
      %dma_start3A_159 = arith.constant 0 : i32
      %dma_start3A_160 = tpu.memref_slice %arg9[%add3A_86, %dma_start3A_159] : memref<10240x64xf32, #tpu.memory_space<vmem_shared>> -> memref<128x64xf32, #tpu.memory_space<vmem_shared>>
      tpu.enqueue_dma source(%dma_start3A_160 : memref<128x64xf32, #tpu.memory_space<vmem_shared>>) target(%dma_start3A_158 : memref<128x64xf32, #tpu.memory_space<vmem>>) target_semaphore(%run_scoped3A : memref<!tpu.dma_semaphore, #tpu.memory_space<semaphore_mem>>)
      %dma_wait3A = arith.constant 0 : i32
      %dma_wait3A_161 = arith.constant 0 : i32
      %dma_wait3A_162 = tpu.memref_slice %arg15[%dma_wait3A, %dma_wait3A_161] : memref<512x64xf32, #tpu.memory_space<vmem>> -> memref<128x64xf32, #tpu.memory_space<vmem>>
      %dma_wait3A_163 = arith.constant 0 : i32
      %dma_wait3A_164 = tpu.memref_slice %arg9[%add3A_86, %dma_wait3A_163] : memref<10240x64xf32, #tpu.memory_space<vmem_shared>> -> memref<128x64xf32, #tpu.memory_space<vmem_shared>>
      %dma_wait3A_165 = arith.constant 0 : i32
      %dma_wait3A_166 = arith.constant 0 : i32
      %dma_wait3A_167 = tpu.memref_slice %arg15[%dma_wait3A_165, %dma_wait3A_166] : memref<512x64xf32, #tpu.memory_space<vmem>> -> memref<128x64xf32, #tpu.memory_space<vmem>>
      %dma_wait3A_168 = arith.constant 0 : i32
      %dma_wait3A_169 = tpu.memref_slice %arg9[%add3A_86, %dma_wait3A_168] : memref<10240x64xf32, #tpu.memory_space<vmem_shared>> -> memref<128x64xf32, #tpu.memory_space<vmem_shared>>
      tpu.wait_dma2 semaphore(%run_scoped3A : memref<!tpu.dma_semaphore, #tpu.memory_space<semaphore_mem>>) src(%dma_wait3A_169 : memref<128x64xf32, #tpu.memory_space<vmem_shared>>) dst(%dma_wait3A_167 : memref<128x64xf32, #tpu.memory_space<vmem>>)
      tpu.yield
    }) : () -> ()
    %scan3A_87 = arith.constant 0 : i32
    %scan3A_88 = arith.constant 128 : i32
    %scan3A_89 = arith.addi %scan3A_87, %scan3A_88 : i32
    %scan3A_90 = arith.constant 1 : i32
    scf.for %scan3A_152 = %scan3A_87 to %scan3A_89 step %scan3A_90  : i32 {
      %mul3A_153 = arith.constant 1 : i32
      %mul3A_154 = arith.muli %scan3A_152, %mul3A_153 : i32
      %add3A_155 = arith.constant 0 : i32
      %add3A_156 = arith.addi %add3A_155, %mul3A_154 : i32
      %broadcast_in_dim3A = arith.constant 0 : i32
      %broadcast_in_dim3A_157 = vector.broadcast %broadcast_in_dim3A : i32 to vector<16xi32>
      %add3A_158 = vector.broadcast %add3A_156 : i32 to vector<16xi32>
      %add3A_159 = arith.addi %broadcast_in_dim3A_157, %add3A_158 : vector<16xi32>
      %gather3A = tpu.vector_load_idx %arg14[%add3A_159] : memref<640xf32, #tpu.memory_space<vmem>>[vector<16xi32>], vector<16xf32>,
      %mul3A_160 = arith.mulf %gather3A, %gather3A : vector<16xf32>
      %get3A = arith.index_cast %add3A_156 : i32 to index
      %get3A_161 = arith.constant 0 : index
      %get3A_162 = tpu.vector_load %arg15[%get3A, %get3A_161] {strides = array<i32>} : memref<512x64xf32, #tpu.memory_space<vmem>>, vector<16xf32>,
      %mul3A_163 = arith.mulf %get3A_162, %mul3A_160 : vector<16xf32>
      %swap3A = arith.index_cast %add3A_156 : i32 to index
      %swap3A_164 = arith.constant 0 : index
      %swap3A_165 = tpu.vector_load %arg15[%swap3A, %swap3A_164] {strides = array<i32>} : memref<512x64xf32, #tpu.memory_space<vmem>>, vector<16xf32>,
      tpu.vector_store %arg15[%swap3A, %swap3A_164], %mul3A_163 {strides = array<i32>} : memref<512x64xf32, #tpu.memory_space<vmem>>, vector<16xf32>,
      %get3A_166 = arith.index_cast %add3A_156 : i32 to index
      %get3A_167 = arith.constant 16 : index
      %get3A_168 = tpu.vector_load %arg15[%get3A_166, %get3A_167] {strides = array<i32>} : memref<512x64xf32, #tpu.memory_space<vmem>>, vector<16xf32>,
      %mul3A_169 = arith.mulf %get3A_168, %mul3A_160 : vector<16xf32>
      %swap3A_170 = arith.index_cast %add3A_156 : i32 to index
      %swap3A_171 = arith.constant 16 : index
      %swap3A_172 = tpu.vector_load %arg15[%swap3A_170, %swap3A_171] {strides = array<i32>} : memref<512x64xf32, #tpu.memory_space<vmem>>, vector<16xf32>,
      tpu.vector_store %arg15[%swap3A_170, %swap3A_171], %mul3A_169 {strides = array<i32>} : memref<512x64xf32, #tpu.memory_space<vmem>>, vector<16xf32>,
      %get3A_173 = arith.index_cast %add3A_156 : i32 to index
      %get3A_174 = arith.constant 32 : index
      %get3A_175 = tpu.vector_load %arg15[%get3A_173, %get3A_174] {strides = array<i32>} : memref<512x64xf32, #tpu.memory_space<vmem>>, vector<16xf32>,
      %mul3A_176 = arith.mulf %get3A_175, %mul3A_160 : vector<16xf32>
      %swap3A_177 = arith.index_cast %add3A_156 : i32 to index
      %swap3A_178 = arith.constant 32 : index
      %swap3A_179 = tpu.vector_load %arg15[%swap3A_177, %swap3A_178] {strides = array<i32>} : memref<512x64xf32, #tpu.memory_space<vmem>>, vector<16xf32>,
      tpu.vector_store %arg15[%swap3A_177, %swap3A_178], %mul3A_176 {strides = array<i32>} : memref<512x64xf32, #tpu.memory_space<vmem>>, vector<16xf32>,
      %get3A_180 = arith.index_cast %add3A_156 : i32 to index
      %get3A_181 = arith.constant 48 : index
      %get3A_182 = tpu.vector_load %arg15[%get3A_180, %get3A_181] {strides = array<i32>} : memref<512x64xf32, #tpu.memory_space<vmem>>, vector<16xf32>,
      %mul3A_183 = arith.mulf %get3A_182, %mul3A_160 : vector<16xf32>
      %swap3A_184 = arith.index_cast %add3A_156 : i32 to index
      %swap3A_185 = arith.constant 48 : index
      %swap3A_186 = tpu.vector_load %arg15[%swap3A_184, %swap3A_185] {strides = array<i32>} : memref<512x64xf32, #tpu.memory_space<vmem>>, vector<16xf32>,
      tpu.vector_store %arg15[%swap3A_184, %swap3A_185], %mul3A_183 {strides = array<i32>} : memref<512x64xf32, #tpu.memory_space<vmem>>, vector<16xf32>,
    }
    %scan3A_91 = arith.constant 128 : i32
    %add3A_92 = arith.constant 0 : i32
    %add3A_93 = arith.addi %mul3A_0, %add3A_92 : i32
    "tpu.region"() ({
      %run_scoped3A = tpu.sem_alloc : memref<!tpu.dma_semaphore, #tpu.memory_space<semaphore_mem>>
      %dma_start3A = arith.constant 0 : i32
      %dma_start3A_152 = arith.constant 0 : i32
      %dma_start3A_153 = tpu.memref_slice %arg15[%dma_start3A, %dma_start3A_152] : memref<512x64xf32, #tpu.memory_space<vmem>> -> memref<128x64xf32, #tpu.memory_space<vmem>>
      %dma_start3A_154 = arith.constant 0 : i32
      %dma_start3A_155 = tpu.memref_slice %arg9[%add3A_93, %dma_start3A_154] : memref<10240x64xf32, #tpu.memory_space<vmem_shared>> -> memref<128x64xf32, #tpu.memory_space<vmem_shared>>
      %dma_start3A_156 = arith.constant 0 : i32
      %dma_start3A_157 = tpu.memref_slice %arg9[%add3A_93, %dma_start3A_156] : memref<10240x64xf32, #tpu.memory_space<vmem_shared>> -> memref<128x64xf32, #tpu.memory_space<vmem_shared>>
      %dma_start3A_158 = arith.constant 0 : i32
      %dma_start3A_159 = arith.constant 0 : i32
      %dma_start3A_160 = tpu.memref_slice %arg15[%dma_start3A_158, %dma_start3A_159] : memref<512x64xf32, #tpu.memory_space<vmem>> -> memref<128x64xf32, #tpu.memory_space<vmem>>
      tpu.enqueue_dma source(%dma_start3A_160 : memref<128x64xf32, #tpu.memory_space<vmem>>) target(%dma_start3A_157 : memref<128x64xf32, #tpu.memory_space<vmem_shared>>) target_semaphore(%run_scoped3A : memref<!tpu.dma_semaphore, #tpu.memory_space<semaphore_mem>>)
      %dma_wait3A = arith.constant 0 : i32
      %dma_wait3A_161 = arith.constant 0 : i32
      %dma_wait3A_162 = tpu.memref_slice %arg15[%dma_wait3A, %dma_wait3A_161] : memref<512x64xf32, #tpu.memory_space<vmem>> -> memref<128x64xf32, #tpu.memory_space<vmem>>
      %dma_wait3A_163 = arith.constant 0 : i32
      %dma_wait3A_164 = tpu.memref_slice %arg9[%add3A_93, %dma_wait3A_163] : memref<10240x64xf32, #tpu.memory_space<vmem_shared>> -> memref<128x64xf32, #tpu.memory_space<vmem_shared>>
      %dma_wait3A_165 = arith.constant 0 : i32
      %dma_wait3A_166 = tpu.memref_slice %arg9[%add3A_93, %dma_wait3A_165] : memref<10240x64xf32, #tpu.memory_space<vmem_shared>> -> memref<128x64xf32, #tpu.memory_space<vmem_shared>>
      %dma_wait3A_167 = arith.constant 0 : i32
      %dma_wait3A_168 = arith.constant 0 : i32
      %dma_wait3A_169 = tpu.memref_slice %arg15[%dma_wait3A_167, %dma_wait3A_168] : memref<512x64xf32, #tpu.memory_space<vmem>> -> memref<128x64xf32, #tpu.memory_space<vmem>>
      tpu.wait_dma2 semaphore(%run_scoped3A : memref<!tpu.dma_semaphore, #tpu.memory_space<semaphore_mem>>) src(%dma_wait3A_169 : memref<128x64xf32, #tpu.memory_space<vmem>>) dst(%dma_wait3A_166 : memref<128x64xf32, #tpu.memory_space<vmem_shared>>)
      tpu.yield
    }) : () -> ()
    %add3A_94 = arith.constant 128 : i32
    %add3A_95 = arith.addi %mul3A_0, %add3A_94 : i32
    "tpu.region"() ({
      %run_scoped3A = tpu.sem_alloc : memref<!tpu.dma_semaphore, #tpu.memory_space<semaphore_mem>>
      %dma_start3A = arith.constant 0 : i32
      %dma_start3A_152 = arith.constant 0 : i32
      %dma_start3A_153 = tpu.memref_slice %arg15[%dma_start3A, %dma_start3A_152] : memref<512x64xf32, #tpu.memory_space<vmem>> -> memref<128x64xf32, #tpu.memory_space<vmem>>
      %dma_start3A_154 = arith.constant 0 : i32
      %dma_start3A_155 = tpu.memref_slice %arg9[%add3A_95, %dma_start3A_154] : memref<10240x64xf32, #tpu.memory_space<vmem_shared>> -> memref<128x64xf32, #tpu.memory_space<vmem_shared>>
      %dma_start3A_156 = arith.constant 0 : i32
      %dma_start3A_157 = arith.constant 0 : i32
      %dma_start3A_158 = tpu.memref_slice %arg15[%dma_start3A_156, %dma_start3A_157] : memref<512x64xf32, #tpu.memory_space<vmem>> -> memref<128x64xf32, #tpu.memory_space<vmem>>
      %dma_start3A_159 = arith.constant 0 : i32
      %dma_start3A_160 = tpu.memref_slice %arg9[%add3A_95, %dma_start3A_159] : memref<10240x64xf32, #tpu.memory_space<vmem_shared>> -> memref<128x64xf32, #tpu.memory_space<vmem_shared>>
      tpu.enqueue_dma source(%dma_start3A_160 : memref<128x64xf32, #tpu.memory_space<vmem_shared>>) target(%dma_start3A_158 : memref<128x64xf32, #tpu.memory_space<vmem>>) target_semaphore(%run_scoped3A : memref<!tpu.dma_semaphore, #tpu.memory_space<semaphore_mem>>)
      %dma_wait3A = arith.constant 0 : i32
      %dma_wait3A_161 = arith.constant 0 : i32
      %dma_wait3A_162 = tpu.memref_slice %arg15[%dma_wait3A, %dma_wait3A_161] : memref<512x64xf32, #tpu.memory_space<vmem>> -> memref<128x64xf32, #tpu.memory_space<vmem>>
      %dma_wait3A_163 = arith.constant 0 : i32
      %dma_wait3A_164 = tpu.memref_slice %arg9[%add3A_95, %dma_wait3A_163] : memref<10240x64xf32, #tpu.memory_space<vmem_shared>> -> memref<128x64xf32, #tpu.memory_space<vmem_shared>>
      %dma_wait3A_165 = arith.constant 0 : i32
      %dma_wait3A_166 = arith.constant 0 : i32
      %dma_wait3A_167 = tpu.memref_slice %arg15[%dma_wait3A_165, %dma_wait3A_166] : memref<512x64xf32, #tpu.memory_space<vmem>> -> memref<128x64xf32, #tpu.memory_space<vmem>>
      %dma_wait3A_168 = arith.constant 0 : i32
      %dma_wait3A_169 = tpu.memref_slice %arg9[%add3A_95, %dma_wait3A_168] : memref<10240x64xf32, #tpu.memory_space<vmem_shared>> -> memref<128x64xf32, #tpu.memory_space<vmem_shared>>
      tpu.wait_dma2 semaphore(%run_scoped3A : memref<!tpu.dma_semaphore, #tpu.memory_space<semaphore_mem>>) src(%dma_wait3A_169 : memref<128x64xf32, #tpu.memory_space<vmem_shared>>) dst(%dma_wait3A_167 : memref<128x64xf32, #tpu.memory_space<vmem>>)
      tpu.yield
    }) : () -> ()
    %scan3A_96 = arith.constant 0 : i32
    %scan3A_97 = arith.constant 128 : i32
    %scan3A_98 = arith.addi %scan3A_96, %scan3A_97 : i32
    %scan3A_99 = arith.constant 1 : i32
    scf.for %scan3A_152 = %scan3A_96 to %scan3A_98 step %scan3A_99  : i32 {
      %mul3A_153 = arith.constant 1 : i32
      %mul3A_154 = arith.muli %scan3A_152, %mul3A_153 : i32
      %add3A_155 = arith.constant 0 : i32
      %add3A_156 = arith.addi %add3A_155, %mul3A_154 : i32
      %broadcast_in_dim3A = arith.constant 128 : i32
      %broadcast_in_dim3A_157 = vector.broadcast %broadcast_in_dim3A : i32 to vector<16xi32>
      %add3A_158 = vector.broadcast %add3A_156 : i32 to vector<16xi32>
      %add3A_159 = arith.addi %broadcast_in_dim3A_157, %add3A_158 : vector<16xi32>
      %gather3A = tpu.vector_load_idx %arg14[%add3A_159] : memref<640xf32, #tpu.memory_space<vmem>>[vector<16xi32>], vector<16xf32>,
      %mul3A_160 = arith.mulf %gather3A, %gather3A : vector<16xf32>
      %get3A = arith.index_cast %add3A_156 : i32 to index
      %get3A_161 = arith.constant 0 : index
      %get3A_162 = tpu.vector_load %arg15[%get3A, %get3A_161] {strides = array<i32>} : memref<512x64xf32, #tpu.memory_space<vmem>>, vector<16xf32>,
      %mul3A_163 = arith.mulf %get3A_162, %mul3A_160 : vector<16xf32>
      %swap3A = arith.index_cast %add3A_156 : i32 to index
      %swap3A_164 = arith.constant 0 : index
      %swap3A_165 = tpu.vector_load %arg15[%swap3A, %swap3A_164] {strides = array<i32>} : memref<512x64xf32, #tpu.memory_space<vmem>>, vector<16xf32>,
      tpu.vector_store %arg15[%swap3A, %swap3A_164], %mul3A_163 {strides = array<i32>} : memref<512x64xf32, #tpu.memory_space<vmem>>, vector<16xf32>,
      %get3A_166 = arith.index_cast %add3A_156 : i32 to index
      %get3A_167 = arith.constant 16 : index
      %get3A_168 = tpu.vector_load %arg15[%get3A_166, %get3A_167] {strides = array<i32>} : memref<512x64xf32, #tpu.memory_space<vmem>>, vector<16xf32>,
      %mul3A_169 = arith.mulf %get3A_168, %mul3A_160 : vector<16xf32>
      %swap3A_170 = arith.index_cast %add3A_156 : i32 to index
      %swap3A_171 = arith.constant 16 : index
      %swap3A_172 = tpu.vector_load %arg15[%swap3A_170, %swap3A_171] {strides = array<i32>} : memref<512x64xf32, #tpu.memory_space<vmem>>, vector<16xf32>,
      tpu.vector_store %arg15[%swap3A_170, %swap3A_171], %mul3A_169 {strides = array<i32>} : memref<512x64xf32, #tpu.memory_space<vmem>>, vector<16xf32>,
      %get3A_173 = arith.index_cast %add3A_156 : i32 to index
      %get3A_174 = arith.constant 32 : index
      %get3A_175 = tpu.vector_load %arg15[%get3A_173, %get3A_174] {strides = array<i32>} : memref<512x64xf32, #tpu.memory_space<vmem>>, vector<16xf32>,
      %mul3A_176 = arith.mulf %get3A_175, %mul3A_160 : vector<16xf32>
      %swap3A_177 = arith.index_cast %add3A_156 : i32 to index
      %swap3A_178 = arith.constant 32 : index
      %swap3A_179 = tpu.vector_load %arg15[%swap3A_177, %swap3A_178] {strides = array<i32>} : memref<512x64xf32, #tpu.memory_space<vmem>>, vector<16xf32>,
      tpu.vector_store %arg15[%swap3A_177, %swap3A_178], %mul3A_176 {strides = array<i32>} : memref<512x64xf32, #tpu.memory_space<vmem>>, vector<16xf32>,
      %get3A_180 = arith.index_cast %add3A_156 : i32 to index
      %get3A_181 = arith.constant 48 : index
      %get3A_182 = tpu.vector_load %arg15[%get3A_180, %get3A_181] {strides = array<i32>} : memref<512x64xf32, #tpu.memory_space<vmem>>, vector<16xf32>,
      %mul3A_183 = arith.mulf %get3A_182, %mul3A_160 : vector<16xf32>
      %swap3A_184 = arith.index_cast %add3A_156 : i32 to index
      %swap3A_185 = arith.constant 48 : index
      %swap3A_186 = tpu.vector_load %arg15[%swap3A_184, %swap3A_185] {strides = array<i32>} : memref<512x64xf32, #tpu.memory_space<vmem>>, vector<16xf32>,
      tpu.vector_store %arg15[%swap3A_184, %swap3A_185], %mul3A_183 {strides = array<i32>} : memref<512x64xf32, #tpu.memory_space<vmem>>, vector<16xf32>,
    }
    %scan3A_100 = arith.constant 128 : i32
    %add3A_101 = arith.constant 128 : i32
    %add3A_102 = arith.addi %mul3A_0, %add3A_101 : i32
    "tpu.region"() ({
      %run_scoped3A = tpu.sem_alloc : memref<!tpu.dma_semaphore, #tpu.memory_space<semaphore_mem>>
      %dma_start3A = arith.constant 0 : i32
      %dma_start3A_152 = arith.constant 0 : i32
      %dma_start3A_153 = tpu.memref_slice %arg15[%dma_start3A, %dma_start3A_152] : memref<512x64xf32, #tpu.memory_space<vmem>> -> memref<128x64xf32, #tpu.memory_space<vmem>>
      %dma_start3A_154 = arith.constant 0 : i32
      %dma_start3A_155 = tpu.memref_slice %arg9[%add3A_102, %dma_start3A_154] : memref<10240x64xf32, #tpu.memory_space<vmem_shared>> -> memref<128x64xf32, #tpu.memory_space<vmem_shared>>
      %dma_start3A_156 = arith.constant 0 : i32
      %dma_start3A_157 = tpu.memref_slice %arg9[%add3A_102, %dma_start3A_156] : memref<10240x64xf32, #tpu.memory_space<vmem_shared>> -> memref<128x64xf32, #tpu.memory_space<vmem_shared>>
      %dma_start3A_158 = arith.constant 0 : i32
      %dma_start3A_159 = arith.constant 0 : i32
      %dma_start3A_160 = tpu.memref_slice %arg15[%dma_start3A_158, %dma_start3A_159] : memref<512x64xf32, #tpu.memory_space<vmem>> -> memref<128x64xf32, #tpu.memory_space<vmem>>
      tpu.enqueue_dma source(%dma_start3A_160 : memref<128x64xf32, #tpu.memory_space<vmem>>) target(%dma_start3A_157 : memref<128x64xf32, #tpu.memory_space<vmem_shared>>) target_semaphore(%run_scoped3A : memref<!tpu.dma_semaphore, #tpu.memory_space<semaphore_mem>>)
      %dma_wait3A = arith.constant 0 : i32
      %dma_wait3A_161 = arith.constant 0 : i32
      %dma_wait3A_162 = tpu.memref_slice %arg15[%dma_wait3A, %dma_wait3A_161] : memref<512x64xf32, #tpu.memory_space<vmem>> -> memref<128x64xf32, #tpu.memory_space<vmem>>
      %dma_wait3A_163 = arith.constant 0 : i32
      %dma_wait3A_164 = tpu.memref_slice %arg9[%add3A_102, %dma_wait3A_163] : memref<10240x64xf32, #tpu.memory_space<vmem_shared>> -> memref<128x64xf32, #tpu.memory_space<vmem_shared>>
      %dma_wait3A_165 = arith.constant 0 : i32
      %dma_wait3A_166 = tpu.memref_slice %arg9[%add3A_102, %dma_wait3A_165] : memref<10240x64xf32, #tpu.memory_space<vmem_shared>> -> memref<128x64xf32, #tpu.memory_space<vmem_shared>>
      %dma_wait3A_167 = arith.constant 0 : i32
      %dma_wait3A_168 = arith.constant 0 : i32
      %dma_wait3A_169 = tpu.memref_slice %arg15[%dma_wait3A_167, %dma_wait3A_168] : memref<512x64xf32, #tpu.memory_space<vmem>> -> memref<128x64xf32, #tpu.memory_space<vmem>>
      tpu.wait_dma2 semaphore(%run_scoped3A : memref<!tpu.dma_semaphore, #tpu.memory_space<semaphore_mem>>) src(%dma_wait3A_169 : memref<128x64xf32, #tpu.memory_space<vmem>>) dst(%dma_wait3A_166 : memref<128x64xf32, #tpu.memory_space<vmem_shared>>)
      tpu.yield
    }) : () -> ()
    %add3A_103 = arith.constant 256 : i32
    %add3A_104 = arith.addi %mul3A_0, %add3A_103 : i32
    "tpu.region"() ({
      %run_scoped3A = tpu.sem_alloc : memref<!tpu.dma_semaphore, #tpu.memory_space<semaphore_mem>>
      %dma_start3A = arith.constant 0 : i32
      %dma_start3A_152 = arith.constant 0 : i32
      %dma_start3A_153 = tpu.memref_slice %arg15[%dma_start3A, %dma_start3A_152] : memref<512x64xf32, #tpu.memory_space<vmem>> -> memref<128x64xf32, #tpu.memory_space<vmem>>
      %dma_start3A_154 = arith.constant 0 : i32
      %dma_start3A_155 = tpu.memref_slice %arg9[%add3A_104, %dma_start3A_154] : memref<10240x64xf32, #tpu.memory_space<vmem_shared>> -> memref<128x64xf32, #tpu.memory_space<vmem_shared>>
      %dma_start3A_156 = arith.constant 0 : i32
      %dma_start3A_157 = arith.constant 0 : i32
      %dma_start3A_158 = tpu.memref_slice %arg15[%dma_start3A_156, %dma_start3A_157] : memref<512x64xf32, #tpu.memory_space<vmem>> -> memref<128x64xf32, #tpu.memory_space<vmem>>
      %dma_start3A_159 = arith.constant 0 : i32
      %dma_start3A_160 = tpu.memref_slice %arg9[%add3A_104, %dma_start3A_159] : memref<10240x64xf32, #tpu.memory_space<vmem_shared>> -> memref<128x64xf32, #tpu.memory_space<vmem_shared>>
      tpu.enqueue_dma source(%dma_start3A_160 : memref<128x64xf32, #tpu.memory_space<vmem_shared>>) target(%dma_start3A_158 : memref<128x64xf32, #tpu.memory_space<vmem>>) target_semaphore(%run_scoped3A : memref<!tpu.dma_semaphore, #tpu.memory_space<semaphore_mem>>)
      %dma_wait3A = arith.constant 0 : i32
      %dma_wait3A_161 = arith.constant 0 : i32
      %dma_wait3A_162 = tpu.memref_slice %arg15[%dma_wait3A, %dma_wait3A_161] : memref<512x64xf32, #tpu.memory_space<vmem>> -> memref<128x64xf32, #tpu.memory_space<vmem>>
      %dma_wait3A_163 = arith.constant 0 : i32
      %dma_wait3A_164 = tpu.memref_slice %arg9[%add3A_104, %dma_wait3A_163] : memref<10240x64xf32, #tpu.memory_space<vmem_shared>> -> memref<128x64xf32, #tpu.memory_space<vmem_shared>>
      %dma_wait3A_165 = arith.constant 0 : i32
      %dma_wait3A_166 = arith.constant 0 : i32
      %dma_wait3A_167 = tpu.memref_slice %arg15[%dma_wait3A_165, %dma_wait3A_166] : memref<512x64xf32, #tpu.memory_space<vmem>> -> memref<128x64xf32, #tpu.memory_space<vmem>>
      %dma_wait3A_168 = arith.constant 0 : i32
      %dma_wait3A_169 = tpu.memref_slice %arg9[%add3A_104, %dma_wait3A_168] : memref<10240x64xf32, #tpu.memory_space<vmem_shared>> -> memref<128x64xf32, #tpu.memory_space<vmem_shared>>
      tpu.wait_dma2 semaphore(%run_scoped3A : memref<!tpu.dma_semaphore, #tpu.memory_space<semaphore_mem>>) src(%dma_wait3A_169 : memref<128x64xf32, #tpu.memory_space<vmem_shared>>) dst(%dma_wait3A_167 : memref<128x64xf32, #tpu.memory_space<vmem>>)
      tpu.yield
    }) : () -> ()
    %scan3A_105 = arith.constant 0 : i32
    %scan3A_106 = arith.constant 128 : i32
    %scan3A_107 = arith.addi %scan3A_105, %scan3A_106 : i32
    %scan3A_108 = arith.constant 1 : i32
    scf.for %scan3A_152 = %scan3A_105 to %scan3A_107 step %scan3A_108  : i32 {
      %mul3A_153 = arith.constant 1 : i32
      %mul3A_154 = arith.muli %scan3A_152, %mul3A_153 : i32
      %add3A_155 = arith.constant 0 : i32
      %add3A_156 = arith.addi %add3A_155, %mul3A_154 : i32
      %broadcast_in_dim3A = arith.constant 256 : i32
      %broadcast_in_dim3A_157 = vector.broadcast %broadcast_in_dim3A : i32 to vector<16xi32>
      %add3A_158 = vector.broadcast %add3A_156 : i32 to vector<16xi32>
      %add3A_159 = arith.addi %broadcast_in_dim3A_157, %add3A_158 : vector<16xi32>
      %gather3A = tpu.vector_load_idx %arg14[%add3A_159] : memref<640xf32, #tpu.memory_space<vmem>>[vector<16xi32>], vector<16xf32>,
      %mul3A_160 = arith.mulf %gather3A, %gather3A : vector<16xf32>
      %get3A = arith.index_cast %add3A_156 : i32 to index
      %get3A_161 = arith.constant 0 : index
      %get3A_162 = tpu.vector_load %arg15[%get3A, %get3A_161] {strides = array<i32>} : memref<512x64xf32, #tpu.memory_space<vmem>>, vector<16xf32>,
      %mul3A_163 = arith.mulf %get3A_162, %mul3A_160 : vector<16xf32>
      %swap3A = arith.index_cast %add3A_156 : i32 to index
      %swap3A_164 = arith.constant 0 : index
      %swap3A_165 = tpu.vector_load %arg15[%swap3A, %swap3A_164] {strides = array<i32>} : memref<512x64xf32, #tpu.memory_space<vmem>>, vector<16xf32>,
      tpu.vector_store %arg15[%swap3A, %swap3A_164], %mul3A_163 {strides = array<i32>} : memref<512x64xf32, #tpu.memory_space<vmem>>, vector<16xf32>,
      %get3A_166 = arith.index_cast %add3A_156 : i32 to index
      %get3A_167 = arith.constant 16 : index
      %get3A_168 = tpu.vector_load %arg15[%get3A_166, %get3A_167] {strides = array<i32>} : memref<512x64xf32, #tpu.memory_space<vmem>>, vector<16xf32>,
      %mul3A_169 = arith.mulf %get3A_168, %mul3A_160 : vector<16xf32>
      %swap3A_170 = arith.index_cast %add3A_156 : i32 to index
      %swap3A_171 = arith.constant 16 : index
      %swap3A_172 = tpu.vector_load %arg15[%swap3A_170, %swap3A_171] {strides = array<i32>} : memref<512x64xf32, #tpu.memory_space<vmem>>, vector<16xf32>,
      tpu.vector_store %arg15[%swap3A_170, %swap3A_171], %mul3A_169 {strides = array<i32>} : memref<512x64xf32, #tpu.memory_space<vmem>>, vector<16xf32>,
      %get3A_173 = arith.index_cast %add3A_156 : i32 to index
      %get3A_174 = arith.constant 32 : index
      %get3A_175 = tpu.vector_load %arg15[%get3A_173, %get3A_174] {strides = array<i32>} : memref<512x64xf32, #tpu.memory_space<vmem>>, vector<16xf32>,
      %mul3A_176 = arith.mulf %get3A_175, %mul3A_160 : vector<16xf32>
      %swap3A_177 = arith.index_cast %add3A_156 : i32 to index
      %swap3A_178 = arith.constant 32 : index
      %swap3A_179 = tpu.vector_load %arg15[%swap3A_177, %swap3A_178] {strides = array<i32>} : memref<512x64xf32, #tpu.memory_space<vmem>>, vector<16xf32>,
      tpu.vector_store %arg15[%swap3A_177, %swap3A_178], %mul3A_176 {strides = array<i32>} : memref<512x64xf32, #tpu.memory_space<vmem>>, vector<16xf32>,
      %get3A_180 = arith.index_cast %add3A_156 : i32 to index
      %get3A_181 = arith.constant 48 : index
      %get3A_182 = tpu.vector_load %arg15[%get3A_180, %get3A_181] {strides = array<i32>} : memref<512x64xf32, #tpu.memory_space<vmem>>, vector<16xf32>,
      %mul3A_183 = arith.mulf %get3A_182, %mul3A_160 : vector<16xf32>
      %swap3A_184 = arith.index_cast %add3A_156 : i32 to index
      %swap3A_185 = arith.constant 48 : index
      %swap3A_186 = tpu.vector_load %arg15[%swap3A_184, %swap3A_185] {strides = array<i32>} : memref<512x64xf32, #tpu.memory_space<vmem>>, vector<16xf32>,
      tpu.vector_store %arg15[%swap3A_184, %swap3A_185], %mul3A_183 {strides = array<i32>} : memref<512x64xf32, #tpu.memory_space<vmem>>, vector<16xf32>,
    }
    %scan3A_109 = arith.constant 128 : i32
    %add3A_110 = arith.constant 256 : i32
    %add3A_111 = arith.addi %mul3A_0, %add3A_110 : i32
    "tpu.region"() ({
      %run_scoped3A = tpu.sem_alloc : memref<!tpu.dma_semaphore, #tpu.memory_space<semaphore_mem>>
      %dma_start3A = arith.constant 0 : i32
      %dma_start3A_152 = arith.constant 0 : i32
      %dma_start3A_153 = tpu.memref_slice %arg15[%dma_start3A, %dma_start3A_152] : memref<512x64xf32, #tpu.memory_space<vmem>> -> memref<128x64xf32, #tpu.memory_space<vmem>>
      %dma_start3A_154 = arith.constant 0 : i32
      %dma_start3A_155 = tpu.memref_slice %arg9[%add3A_111, %dma_start3A_154] : memref<10240x64xf32, #tpu.memory_space<vmem_shared>> -> memref<128x64xf32, #tpu.memory_space<vmem_shared>>
      %dma_start3A_156 = arith.constant 0 : i32
      %dma_start3A_157 = tpu.memref_slice %arg9[%add3A_111, %dma_start3A_156] : memref<10240x64xf32, #tpu.memory_space<vmem_shared>> -> memref<128x64xf32, #tpu.memory_space<vmem_shared>>
      %dma_start3A_158 = arith.constant 0 : i32
      %dma_start3A_159 = arith.constant 0 : i32
      %dma_start3A_160 = tpu.memref_slice %arg15[%dma_start3A_158, %dma_start3A_159] : memref<512x64xf32, #tpu.memory_space<vmem>> -> memref<128x64xf32, #tpu.memory_space<vmem>>
      tpu.enqueue_dma source(%dma_start3A_160 : memref<128x64xf32, #tpu.memory_space<vmem>>) target(%dma_start3A_157 : memref<128x64xf32, #tpu.memory_space<vmem_shared>>) target_semaphore(%run_scoped3A : memref<!tpu.dma_semaphore, #tpu.memory_space<semaphore_mem>>)
      %dma_wait3A = arith.constant 0 : i32
      %dma_wait3A_161 = arith.constant 0 : i32
      %dma_wait3A_162 = tpu.memref_slice %arg15[%dma_wait3A, %dma_wait3A_161] : memref<512x64xf32, #tpu.memory_space<vmem>> -> memref<128x64xf32, #tpu.memory_space<vmem>>
      %dma_wait3A_163 = arith.constant 0 : i32
      %dma_wait3A_164 = tpu.memref_slice %arg9[%add3A_111, %dma_wait3A_163] : memref<10240x64xf32, #tpu.memory_space<vmem_shared>> -> memref<128x64xf32, #tpu.memory_space<vmem_shared>>
      %dma_wait3A_165 = arith.constant 0 : i32
      %dma_wait3A_166 = tpu.memref_slice %arg9[%add3A_111, %dma_wait3A_165] : memref<10240x64xf32, #tpu.memory_space<vmem_shared>> -> memref<128x64xf32, #tpu.memory_space<vmem_shared>>
      %dma_wait3A_167 = arith.constant 0 : i32
      %dma_wait3A_168 = arith.constant 0 : i32
      %dma_wait3A_169 = tpu.memref_slice %arg15[%dma_wait3A_167, %dma_wait3A_168] : memref<512x64xf32, #tpu.memory_space<vmem>> -> memref<128x64xf32, #tpu.memory_space<vmem>>
      tpu.wait_dma2 semaphore(%run_scoped3A : memref<!tpu.dma_semaphore, #tpu.memory_space<semaphore_mem>>) src(%dma_wait3A_169 : memref<128x64xf32, #tpu.memory_space<vmem>>) dst(%dma_wait3A_166 : memref<128x64xf32, #tpu.memory_space<vmem_shared>>)
      tpu.yield
    }) : () -> ()
    %add3A_112 = arith.constant 384 : i32
    %add3A_113 = arith.addi %mul3A_0, %add3A_112 : i32
    "tpu.region"() ({
      %run_scoped3A = tpu.sem_alloc : memref<!tpu.dma_semaphore, #tpu.memory_space<semaphore_mem>>
      %dma_start3A = arith.constant 0 : i32
      %dma_start3A_152 = arith.constant 0 : i32
      %dma_start3A_153 = tpu.memref_slice %arg15[%dma_start3A, %dma_start3A_152] : memref<512x64xf32, #tpu.memory_space<vmem>> -> memref<128x64xf32, #tpu.memory_space<vmem>>
      %dma_start3A_154 = arith.constant 0 : i32
      %dma_start3A_155 = tpu.memref_slice %arg9[%add3A_113, %dma_start3A_154] : memref<10240x64xf32, #tpu.memory_space<vmem_shared>> -> memref<128x64xf32, #tpu.memory_space<vmem_shared>>
      %dma_start3A_156 = arith.constant 0 : i32
      %dma_start3A_157 = arith.constant 0 : i32
      %dma_start3A_158 = tpu.memref_slice %arg15[%dma_start3A_156, %dma_start3A_157] : memref<512x64xf32, #tpu.memory_space<vmem>> -> memref<128x64xf32, #tpu.memory_space<vmem>>
      %dma_start3A_159 = arith.constant 0 : i32
      %dma_start3A_160 = tpu.memref_slice %arg9[%add3A_113, %dma_start3A_159] : memref<10240x64xf32, #tpu.memory_space<vmem_shared>> -> memref<128x64xf32, #tpu.memory_space<vmem_shared>>
      tpu.enqueue_dma source(%dma_start3A_160 : memref<128x64xf32, #tpu.memory_space<vmem_shared>>) target(%dma_start3A_158 : memref<128x64xf32, #tpu.memory_space<vmem>>) target_semaphore(%run_scoped3A : memref<!tpu.dma_semaphore, #tpu.memory_space<semaphore_mem>>)
      %dma_wait3A = arith.constant 0 : i32
      %dma_wait3A_161 = arith.constant 0 : i32
      %dma_wait3A_162 = tpu.memref_slice %arg15[%dma_wait3A, %dma_wait3A_161] : memref<512x64xf32, #tpu.memory_space<vmem>> -> memref<128x64xf32, #tpu.memory_space<vmem>>
      %dma_wait3A_163 = arith.constant 0 : i32
      %dma_wait3A_164 = tpu.memref_slice %arg9[%add3A_113, %dma_wait3A_163] : memref<10240x64xf32, #tpu.memory_space<vmem_shared>> -> memref<128x64xf32, #tpu.memory_space<vmem_shared>>
      %dma_wait3A_165 = arith.constant 0 : i32
      %dma_wait3A_166 = arith.constant 0 : i32
      %dma_wait3A_167 = tpu.memref_slice %arg15[%dma_wait3A_165, %dma_wait3A_166] : memref<512x64xf32, #tpu.memory_space<vmem>> -> memref<128x64xf32, #tpu.memory_space<vmem>>
      %dma_wait3A_168 = arith.constant 0 : i32
      %dma_wait3A_169 = tpu.memref_slice %arg9[%add3A_113, %dma_wait3A_168] : memref<10240x64xf32, #tpu.memory_space<vmem_shared>> -> memref<128x64xf32, #tpu.memory_space<vmem_shared>>
      tpu.wait_dma2 semaphore(%run_scoped3A : memref<!tpu.dma_semaphore, #tpu.memory_space<semaphore_mem>>) src(%dma_wait3A_169 : memref<128x64xf32, #tpu.memory_space<vmem_shared>>) dst(%dma_wait3A_167 : memref<128x64xf32, #tpu.memory_space<vmem>>)
      tpu.yield
    }) : () -> ()
    %scan3A_114 = arith.constant 0 : i32
    %scan3A_115 = arith.constant 128 : i32
    %scan3A_116 = arith.addi %scan3A_114, %scan3A_115 : i32
    %scan3A_117 = arith.constant 1 : i32
    scf.for %scan3A_152 = %scan3A_114 to %scan3A_116 step %scan3A_117  : i32 {
      %mul3A_153 = arith.constant 1 : i32
      %mul3A_154 = arith.muli %scan3A_152, %mul3A_153 : i32
      %add3A_155 = arith.constant 0 : i32
      %add3A_156 = arith.addi %add3A_155, %mul3A_154 : i32
      %broadcast_in_dim3A = arith.constant 384 : i32
      %broadcast_in_dim3A_157 = vector.broadcast %broadcast_in_dim3A : i32 to vector<16xi32>
      %add3A_158 = vector.broadcast %add3A_156 : i32 to vector<16xi32>
      %add3A_159 = arith.addi %broadcast_in_dim3A_157, %add3A_158 : vector<16xi32>
      %gather3A = tpu.vector_load_idx %arg14[%add3A_159] : memref<640xf32, #tpu.memory_space<vmem>>[vector<16xi32>], vector<16xf32>,
      %mul3A_160 = arith.mulf %gather3A, %gather3A : vector<16xf32>
      %get3A = arith.index_cast %add3A_156 : i32 to index
      %get3A_161 = arith.constant 0 : index
      %get3A_162 = tpu.vector_load %arg15[%get3A, %get3A_161] {strides = array<i32>} : memref<512x64xf32, #tpu.memory_space<vmem>>, vector<16xf32>,
      %mul3A_163 = arith.mulf %get3A_162, %mul3A_160 : vector<16xf32>
      %swap3A = arith.index_cast %add3A_156 : i32 to index
      %swap3A_164 = arith.constant 0 : index
      %swap3A_165 = tpu.vector_load %arg15[%swap3A, %swap3A_164] {strides = array<i32>} : memref<512x64xf32, #tpu.memory_space<vmem>>, vector<16xf32>,
      tpu.vector_store %arg15[%swap3A, %swap3A_164], %mul3A_163 {strides = array<i32>} : memref<512x64xf32, #tpu.memory_space<vmem>>, vector<16xf32>,
      %get3A_166 = arith.index_cast %add3A_156 : i32 to index
      %get3A_167 = arith.constant 16 : index
      %get3A_168 = tpu.vector_load %arg15[%get3A_166, %get3A_167] {strides = array<i32>} : memref<512x64xf32, #tpu.memory_space<vmem>>, vector<16xf32>,
      %mul3A_169 = arith.mulf %get3A_168, %mul3A_160 : vector<16xf32>
      %swap3A_170 = arith.index_cast %add3A_156 : i32 to index
      %swap3A_171 = arith.constant 16 : index
      %swap3A_172 = tpu.vector_load %arg15[%swap3A_170, %swap3A_171] {strides = array<i32>} : memref<512x64xf32, #tpu.memory_space<vmem>>, vector<16xf32>,
      tpu.vector_store %arg15[%swap3A_170, %swap3A_171], %mul3A_169 {strides = array<i32>} : memref<512x64xf32, #tpu.memory_space<vmem>>, vector<16xf32>,
      %get3A_173 = arith.index_cast %add3A_156 : i32 to index
      %get3A_174 = arith.constant 32 : index
      %get3A_175 = tpu.vector_load %arg15[%get3A_173, %get3A_174] {strides = array<i32>} : memref<512x64xf32, #tpu.memory_space<vmem>>, vector<16xf32>,
      %mul3A_176 = arith.mulf %get3A_175, %mul3A_160 : vector<16xf32>
      %swap3A_177 = arith.index_cast %add3A_156 : i32 to index
      %swap3A_178 = arith.constant 32 : index
      %swap3A_179 = tpu.vector_load %arg15[%swap3A_177, %swap3A_178] {strides = array<i32>} : memref<512x64xf32, #tpu.memory_space<vmem>>, vector<16xf32>,
      tpu.vector_store %arg15[%swap3A_177, %swap3A_178], %mul3A_176 {strides = array<i32>} : memref<512x64xf32, #tpu.memory_space<vmem>>, vector<16xf32>,
      %get3A_180 = arith.index_cast %add3A_156 : i32 to index
      %get3A_181 = arith.constant 48 : index
      %get3A_182 = tpu.vector_load %arg15[%get3A_180, %get3A_181] {strides = array<i32>} : memref<512x64xf32, #tpu.memory_space<vmem>>, vector<16xf32>,
      %mul3A_183 = arith.mulf %get3A_182, %mul3A_160 : vector<16xf32>
      %swap3A_184 = arith.index_cast %add3A_156 : i32 to index
      %swap3A_185 = arith.constant 48 : index
      %swap3A_186 = tpu.vector_load %arg15[%swap3A_184, %swap3A_185] {strides = array<i32>} : memref<512x64xf32, #tpu.memory_space<vmem>>, vector<16xf32>,
      tpu.vector_store %arg15[%swap3A_184, %swap3A_185], %mul3A_183 {strides = array<i32>} : memref<512x64xf32, #tpu.memory_space<vmem>>, vector<16xf32>,
    }
    %scan3A_118 = arith.constant 128 : i32
    %add3A_119 = arith.constant 384 : i32
    %add3A_120 = arith.addi %mul3A_0, %add3A_119 : i32
    "tpu.region"() ({
      %run_scoped3A = tpu.sem_alloc : memref<!tpu.dma_semaphore, #tpu.memory_space<semaphore_mem>>
      %dma_start3A = arith.constant 0 : i32
      %dma_start3A_152 = arith.constant 0 : i32
      %dma_start3A_153 = tpu.memref_slice %arg15[%dma_start3A, %dma_start3A_152] : memref<512x64xf32, #tpu.memory_space<vmem>> -> memref<128x64xf32, #tpu.memory_space<vmem>>
      %dma_start3A_154 = arith.constant 0 : i32
      %dma_start3A_155 = tpu.memref_slice %arg9[%add3A_120, %dma_start3A_154] : memref<10240x64xf32, #tpu.memory_space<vmem_shared>> -> memref<128x64xf32, #tpu.memory_space<vmem_shared>>
      %dma_start3A_156 = arith.constant 0 : i32
      %dma_start3A_157 = tpu.memref_slice %arg9[%add3A_120, %dma_start3A_156] : memref<10240x64xf32, #tpu.memory_space<vmem_shared>> -> memref<128x64xf32, #tpu.memory_space<vmem_shared>>
      %dma_start3A_158 = arith.constant 0 : i32
      %dma_start3A_159 = arith.constant 0 : i32
      %dma_start3A_160 = tpu.memref_slice %arg15[%dma_start3A_158, %dma_start3A_159] : memref<512x64xf32, #tpu.memory_space<vmem>> -> memref<128x64xf32, #tpu.memory_space<vmem>>
      tpu.enqueue_dma source(%dma_start3A_160 : memref<128x64xf32, #tpu.memory_space<vmem>>) target(%dma_start3A_157 : memref<128x64xf32, #tpu.memory_space<vmem_shared>>) target_semaphore(%run_scoped3A : memref<!tpu.dma_semaphore, #tpu.memory_space<semaphore_mem>>)
      %dma_wait3A = arith.constant 0 : i32
      %dma_wait3A_161 = arith.constant 0 : i32
      %dma_wait3A_162 = tpu.memref_slice %arg15[%dma_wait3A, %dma_wait3A_161] : memref<512x64xf32, #tpu.memory_space<vmem>> -> memref<128x64xf32, #tpu.memory_space<vmem>>
      %dma_wait3A_163 = arith.constant 0 : i32
      %dma_wait3A_164 = tpu.memref_slice %arg9[%add3A_120, %dma_wait3A_163] : memref<10240x64xf32, #tpu.memory_space<vmem_shared>> -> memref<128x64xf32, #tpu.memory_space<vmem_shared>>
      %dma_wait3A_165 = arith.constant 0 : i32
      %dma_wait3A_166 = tpu.memref_slice %arg9[%add3A_120, %dma_wait3A_165] : memref<10240x64xf32, #tpu.memory_space<vmem_shared>> -> memref<128x64xf32, #tpu.memory_space<vmem_shared>>
      %dma_wait3A_167 = arith.constant 0 : i32
      %dma_wait3A_168 = arith.constant 0 : i32
      %dma_wait3A_169 = tpu.memref_slice %arg15[%dma_wait3A_167, %dma_wait3A_168] : memref<512x64xf32, #tpu.memory_space<vmem>> -> memref<128x64xf32, #tpu.memory_space<vmem>>
      tpu.wait_dma2 semaphore(%run_scoped3A : memref<!tpu.dma_semaphore, #tpu.memory_space<semaphore_mem>>) src(%dma_wait3A_169 : memref<128x64xf32, #tpu.memory_space<vmem>>) dst(%dma_wait3A_166 : memref<128x64xf32, #tpu.memory_space<vmem_shared>>)
      tpu.yield
    }) : () -> ()
    %add3A_121 = arith.constant 512 : i32
    %add3A_122 = arith.addi %mul3A_0, %add3A_121 : i32
    "tpu.region"() ({
      %run_scoped3A = tpu.sem_alloc : memref<!tpu.dma_semaphore, #tpu.memory_space<semaphore_mem>>
      %dma_start3A = arith.constant 0 : i32
      %dma_start3A_152 = arith.constant 0 : i32
      %dma_start3A_153 = tpu.memref_slice %arg15[%dma_start3A, %dma_start3A_152] : memref<512x64xf32, #tpu.memory_space<vmem>> -> memref<128x64xf32, #tpu.memory_space<vmem>>
      %dma_start3A_154 = arith.constant 0 : i32
      %dma_start3A_155 = tpu.memref_slice %arg9[%add3A_122, %dma_start3A_154] : memref<10240x64xf32, #tpu.memory_space<vmem_shared>> -> memref<128x64xf32, #tpu.memory_space<vmem_shared>>
      %dma_start3A_156 = arith.constant 0 : i32
      %dma_start3A_157 = arith.constant 0 : i32
      %dma_start3A_158 = tpu.memref_slice %arg15[%dma_start3A_156, %dma_start3A_157] : memref<512x64xf32, #tpu.memory_space<vmem>> -> memref<128x64xf32, #tpu.memory_space<vmem>>
      %dma_start3A_159 = arith.constant 0 : i32
      %dma_start3A_160 = tpu.memref_slice %arg9[%add3A_122, %dma_start3A_159] : memref<10240x64xf32, #tpu.memory_space<vmem_shared>> -> memref<128x64xf32, #tpu.memory_space<vmem_shared>>
      tpu.enqueue_dma source(%dma_start3A_160 : memref<128x64xf32, #tpu.memory_space<vmem_shared>>) target(%dma_start3A_158 : memref<128x64xf32, #tpu.memory_space<vmem>>) target_semaphore(%run_scoped3A : memref<!tpu.dma_semaphore, #tpu.memory_space<semaphore_mem>>)
      %dma_wait3A = arith.constant 0 : i32
      %dma_wait3A_161 = arith.constant 0 : i32
      %dma_wait3A_162 = tpu.memref_slice %arg15[%dma_wait3A, %dma_wait3A_161] : memref<512x64xf32, #tpu.memory_space<vmem>> -> memref<128x64xf32, #tpu.memory_space<vmem>>
      %dma_wait3A_163 = arith.constant 0 : i32
      %dma_wait3A_164 = tpu.memref_slice %arg9[%add3A_122, %dma_wait3A_163] : memref<10240x64xf32, #tpu.memory_space<vmem_shared>> -> memref<128x64xf32, #tpu.memory_space<vmem_shared>>
      %dma_wait3A_165 = arith.constant 0 : i32
      %dma_wait3A_166 = arith.constant 0 : i32
      %dma_wait3A_167 = tpu.memref_slice %arg15[%dma_wait3A_165, %dma_wait3A_166] : memref<512x64xf32, #tpu.memory_space<vmem>> -> memref<128x64xf32, #tpu.memory_space<vmem>>
      %dma_wait3A_168 = arith.constant 0 : i32
      %dma_wait3A_169 = tpu.memref_slice %arg9[%add3A_122, %dma_wait3A_168] : memref<10240x64xf32, #tpu.memory_space<vmem_shared>> -> memref<128x64xf32, #tpu.memory_space<vmem_shared>>
      tpu.wait_dma2 semaphore(%run_scoped3A : memref<!tpu.dma_semaphore, #tpu.memory_space<semaphore_mem>>) src(%dma_wait3A_169 : memref<128x64xf32, #tpu.memory_space<vmem_shared>>) dst(%dma_wait3A_167 : memref<128x64xf32, #tpu.memory_space<vmem>>)
      tpu.yield
    }) : () -> ()
    %scan3A_123 = arith.constant 0 : i32
    %scan3A_124 = arith.constant 128 : i32
    %scan3A_125 = arith.addi %scan3A_123, %scan3A_124 : i32
    %scan3A_126 = arith.constant 1 : i32
    scf.for %scan3A_152 = %scan3A_123 to %scan3A_125 step %scan3A_126  : i32 {
      %mul3A_153 = arith.constant 1 : i32
      %mul3A_154 = arith.muli %scan3A_152, %mul3A_153 : i32
      %add3A_155 = arith.constant 0 : i32
      %add3A_156 = arith.addi %add3A_155, %mul3A_154 : i32
      %broadcast_in_dim3A = arith.constant 512 : i32
      %broadcast_in_dim3A_157 = vector.broadcast %broadcast_in_dim3A : i32 to vector<16xi32>
      %add3A_158 = vector.broadcast %add3A_156 : i32 to vector<16xi32>
      %add3A_159 = arith.addi %broadcast_in_dim3A_157, %add3A_158 : vector<16xi32>
      %gather3A = tpu.vector_load_idx %arg14[%add3A_159] : memref<640xf32, #tpu.memory_space<vmem>>[vector<16xi32>], vector<16xf32>,
      %mul3A_160 = arith.mulf %gather3A, %gather3A : vector<16xf32>
      %get3A = arith.index_cast %add3A_156 : i32 to index
      %get3A_161 = arith.constant 0 : index
      %get3A_162 = tpu.vector_load %arg15[%get3A, %get3A_161] {strides = array<i32>} : memref<512x64xf32, #tpu.memory_space<vmem>>, vector<16xf32>,
      %mul3A_163 = arith.mulf %get3A_162, %mul3A_160 : vector<16xf32>
      %swap3A = arith.index_cast %add3A_156 : i32 to index
      %swap3A_164 = arith.constant 0 : index
      %swap3A_165 = tpu.vector_load %arg15[%swap3A, %swap3A_164] {strides = array<i32>} : memref<512x64xf32, #tpu.memory_space<vmem>>, vector<16xf32>,
      tpu.vector_store %arg15[%swap3A, %swap3A_164], %mul3A_163 {strides = array<i32>} : memref<512x64xf32, #tpu.memory_space<vmem>>, vector<16xf32>,
      %get3A_166 = arith.index_cast %add3A_156 : i32 to index
      %get3A_167 = arith.constant 16 : index
      %get3A_168 = tpu.vector_load %arg15[%get3A_166, %get3A_167] {strides = array<i32>} : memref<512x64xf32, #tpu.memory_space<vmem>>, vector<16xf32>,
      %mul3A_169 = arith.mulf %get3A_168, %mul3A_160 : vector<16xf32>
      %swap3A_170 = arith.index_cast %add3A_156 : i32 to index
      %swap3A_171 = arith.constant 16 : index
      %swap3A_172 = tpu.vector_load %arg15[%swap3A_170, %swap3A_171] {strides = array<i32>} : memref<512x64xf32, #tpu.memory_space<vmem>>, vector<16xf32>,
      tpu.vector_store %arg15[%swap3A_170, %swap3A_171], %mul3A_169 {strides = array<i32>} : memref<512x64xf32, #tpu.memory_space<vmem>>, vector<16xf32>,
      %get3A_173 = arith.index_cast %add3A_156 : i32 to index
      %get3A_174 = arith.constant 32 : index
      %get3A_175 = tpu.vector_load %arg15[%get3A_173, %get3A_174] {strides = array<i32>} : memref<512x64xf32, #tpu.memory_space<vmem>>, vector<16xf32>,
      %mul3A_176 = arith.mulf %get3A_175, %mul3A_160 : vector<16xf32>
      %swap3A_177 = arith.index_cast %add3A_156 : i32 to index
      %swap3A_178 = arith.constant 32 : index
      %swap3A_179 = tpu.vector_load %arg15[%swap3A_177, %swap3A_178] {strides = array<i32>} : memref<512x64xf32, #tpu.memory_space<vmem>>, vector<16xf32>,
      tpu.vector_store %arg15[%swap3A_177, %swap3A_178], %mul3A_176 {strides = array<i32>} : memref<512x64xf32, #tpu.memory_space<vmem>>, vector<16xf32>,
      %get3A_180 = arith.index_cast %add3A_156 : i32 to index
      %get3A_181 = arith.constant 48 : index
      %get3A_182 = tpu.vector_load %arg15[%get3A_180, %get3A_181] {strides = array<i32>} : memref<512x64xf32, #tpu.memory_space<vmem>>, vector<16xf32>,
      %mul3A_183 = arith.mulf %get3A_182, %mul3A_160 : vector<16xf32>
      %swap3A_184 = arith.index_cast %add3A_156 : i32 to index
      %swap3A_185 = arith.constant 48 : index
      %swap3A_186 = tpu.vector_load %arg15[%swap3A_184, %swap3A_185] {strides = array<i32>} : memref<512x64xf32, #tpu.memory_space<vmem>>, vector<16xf32>,
      tpu.vector_store %arg15[%swap3A_184, %swap3A_185], %mul3A_183 {strides = array<i32>} : memref<512x64xf32, #tpu.memory_space<vmem>>, vector<16xf32>,
    }
    %scan3A_127 = arith.constant 128 : i32
    %add3A_128 = arith.constant 512 : i32
    %add3A_129 = arith.addi %mul3A_0, %add3A_128 : i32
    "tpu.region"() ({
      %run_scoped3A = tpu.sem_alloc : memref<!tpu.dma_semaphore, #tpu.memory_space<semaphore_mem>>
      %dma_start3A = arith.constant 0 : i32
      %dma_start3A_152 = arith.constant 0 : i32
      %dma_start3A_153 = tpu.memref_slice %arg15[%dma_start3A, %dma_start3A_152] : memref<512x64xf32, #tpu.memory_space<vmem>> -> memref<128x64xf32, #tpu.memory_space<vmem>>
      %dma_start3A_154 = arith.constant 0 : i32
      %dma_start3A_155 = tpu.memref_slice %arg9[%add3A_129, %dma_start3A_154] : memref<10240x64xf32, #tpu.memory_space<vmem_shared>> -> memref<128x64xf32, #tpu.memory_space<vmem_shared>>
      %dma_start3A_156 = arith.constant 0 : i32
      %dma_start3A_157 = tpu.memref_slice %arg9[%add3A_129, %dma_start3A_156] : memref<10240x64xf32, #tpu.memory_space<vmem_shared>> -> memref<128x64xf32, #tpu.memory_space<vmem_shared>>
      %dma_start3A_158 = arith.constant 0 : i32
      %dma_start3A_159 = arith.constant 0 : i32
      %dma_start3A_160 = tpu.memref_slice %arg15[%dma_start3A_158, %dma_start3A_159] : memref<512x64xf32, #tpu.memory_space<vmem>> -> memref<128x64xf32, #tpu.memory_space<vmem>>
      tpu.enqueue_dma source(%dma_start3A_160 : memref<128x64xf32, #tpu.memory_space<vmem>>) target(%dma_start3A_157 : memref<128x64xf32, #tpu.memory_space<vmem_shared>>) target_semaphore(%run_scoped3A : memref<!tpu.dma_semaphore, #tpu.memory_space<semaphore_mem>>)
      %dma_wait3A = arith.constant 0 : i32
      %dma_wait3A_161 = arith.constant 0 : i32
      %dma_wait3A_162 = tpu.memref_slice %arg15[%dma_wait3A, %dma_wait3A_161] : memref<512x64xf32, #tpu.memory_space<vmem>> -> memref<128x64xf32, #tpu.memory_space<vmem>>
      %dma_wait3A_163 = arith.constant 0 : i32
      %dma_wait3A_164 = tpu.memref_slice %arg9[%add3A_129, %dma_wait3A_163] : memref<10240x64xf32, #tpu.memory_space<vmem_shared>> -> memref<128x64xf32, #tpu.memory_space<vmem_shared>>
      %dma_wait3A_165 = arith.constant 0 : i32
      %dma_wait3A_166 = tpu.memref_slice %arg9[%add3A_129, %dma_wait3A_165] : memref<10240x64xf32, #tpu.memory_space<vmem_shared>> -> memref<128x64xf32, #tpu.memory_space<vmem_shared>>
      %dma_wait3A_167 = arith.constant 0 : i32
      %dma_wait3A_168 = arith.constant 0 : i32
      %dma_wait3A_169 = tpu.memref_slice %arg15[%dma_wait3A_167, %dma_wait3A_168] : memref<512x64xf32, #tpu.memory_space<vmem>> -> memref<128x64xf32, #tpu.memory_space<vmem>>
      tpu.wait_dma2 semaphore(%run_scoped3A : memref<!tpu.dma_semaphore, #tpu.memory_space<semaphore_mem>>) src(%dma_wait3A_169 : memref<128x64xf32, #tpu.memory_space<vmem>>) dst(%dma_wait3A_166 : memref<128x64xf32, #tpu.memory_space<vmem_shared>>)
      tpu.yield
    }) : () -> ()
    %scan3A_130 = arith.constant 0 : i32
    %scan3A_131 = arith.constant 128 : i32
    %scan3A_132 = arith.addi %scan3A_130, %scan3A_131 : i32
    %scan3A_133 = arith.constant 1 : i32
    scf.for %scan3A_152 = %scan3A_130 to %scan3A_132 step %scan3A_133  : i32 {
      %mul3A_153 = arith.constant 1 : i32
      %mul3A_154 = arith.muli %scan3A_152, %mul3A_153 : i32
      %add3A_155 = arith.constant 0 : i32
      %add3A_156 = arith.addi %add3A_155, %mul3A_154 : i32
      %broadcast_in_dim3A = arith.constant 0.000000e+00 : f32
      %broadcast_in_dim3A_157 = vector.broadcast %broadcast_in_dim3A : f32 to vector<16xf32>
      %swap3A = arith.index_cast %add3A_156 : i32 to index
      %swap3A_158 = arith.constant 0 : index
      %swap3A_159 = tpu.vector_load %arg15[%swap3A, %swap3A_158] {strides = array<i32>} : memref<512x64xf32, #tpu.memory_space<vmem>>, vector<16xf32>,
      tpu.vector_store %arg15[%swap3A, %swap3A_158], %broadcast_in_dim3A_157 {strides = array<i32>} : memref<512x64xf32, #tpu.memory_space<vmem>>, vector<16xf32>,
      %broadcast_in_dim3A_160 = arith.constant 0.000000e+00 : f32
      %broadcast_in_dim3A_161 = vector.broadcast %broadcast_in_dim3A_160 : f32 to vector<16xf32>
      %swap3A_162 = arith.index_cast %add3A_156 : i32 to index
      %swap3A_163 = arith.constant 16 : index
      %swap3A_164 = tpu.vector_load %arg15[%swap3A_162, %swap3A_163] {strides = array<i32>} : memref<512x64xf32, #tpu.memory_space<vmem>>, vector<16xf32>,
      tpu.vector_store %arg15[%swap3A_162, %swap3A_163], %broadcast_in_dim3A_161 {strides = array<i32>} : memref<512x64xf32, #tpu.memory_space<vmem>>, vector<16xf32>,
      %broadcast_in_dim3A_165 = arith.constant 0.000000e+00 : f32
      %broadcast_in_dim3A_166 = vector.broadcast %broadcast_in_dim3A_165 : f32 to vector<16xf32>
      %swap3A_167 = arith.index_cast %add3A_156 : i32 to index
      %swap3A_168 = arith.constant 32 : index
      %swap3A_169 = tpu.vector_load %arg15[%swap3A_167, %swap3A_168] {strides = array<i32>} : memref<512x64xf32, #tpu.memory_space<vmem>>, vector<16xf32>,
      tpu.vector_store %arg15[%swap3A_167, %swap3A_168], %broadcast_in_dim3A_166 {strides = array<i32>} : memref<512x64xf32, #tpu.memory_space<vmem>>, vector<16xf32>,
      %broadcast_in_dim3A_170 = arith.constant 0.000000e+00 : f32
      %broadcast_in_dim3A_171 = vector.broadcast %broadcast_in_dim3A_170 : f32 to vector<16xf32>
      %swap3A_172 = arith.index_cast %add3A_156 : i32 to index
      %swap3A_173 = arith.constant 48 : index
      %swap3A_174 = tpu.vector_load %arg15[%swap3A_172, %swap3A_173] {strides = array<i32>} : memref<512x64xf32, #tpu.memory_space<vmem>>, vector<16xf32>,
      tpu.vector_store %arg15[%swap3A_172, %swap3A_173], %broadcast_in_dim3A_171 {strides = array<i32>} : memref<512x64xf32, #tpu.memory_space<vmem>>, vector<16xf32>,
    }
    %scan3A_134 = arith.constant 128 : i32
    %add3A_135 = arith.constant 0 : i32
    %add3A_136 = arith.addi %mul3A_0, %add3A_135 : i32
    "tpu.region"() ({
      %run_scoped3A = tpu.sem_alloc : memref<!tpu.dma_semaphore, #tpu.memory_space<semaphore_mem>>
      %dma_start3A = arith.constant 0 : i32
      %dma_start3A_152 = arith.constant 0 : i32
      %dma_start3A_153 = tpu.memref_slice %arg15[%dma_start3A, %dma_start3A_152] : memref<512x64xf32, #tpu.memory_space<vmem>> -> memref<128x64xf32, #tpu.memory_space<vmem>>
      %dma_start3A_154 = arith.constant 0 : i32
      %dma_start3A_155 = tpu.memref_slice %arg8[%add3A_136, %dma_start3A_154] : memref<10240x64xf32, #tpu.memory_space<vmem_shared>> -> memref<128x64xf32, #tpu.memory_space<vmem_shared>>
      %dma_start3A_156 = arith.constant 0 : i32
      %dma_start3A_157 = tpu.memref_slice %arg8[%add3A_136, %dma_start3A_156] : memref<10240x64xf32, #tpu.memory_space<vmem_shared>> -> memref<128x64xf32, #tpu.memory_space<vmem_shared>>
      %dma_start3A_158 = arith.constant 0 : i32
      %dma_start3A_159 = arith.constant 0 : i32
      %dma_start3A_160 = tpu.memref_slice %arg15[%dma_start3A_158, %dma_start3A_159] : memref<512x64xf32, #tpu.memory_space<vmem>> -> memref<128x64xf32, #tpu.memory_space<vmem>>
      tpu.enqueue_dma source(%dma_start3A_160 : memref<128x64xf32, #tpu.memory_space<vmem>>) target(%dma_start3A_157 : memref<128x64xf32, #tpu.memory_space<vmem_shared>>) target_semaphore(%run_scoped3A : memref<!tpu.dma_semaphore, #tpu.memory_space<semaphore_mem>>)
      %dma_wait3A = arith.constant 0 : i32
      %dma_wait3A_161 = arith.constant 0 : i32
      %dma_wait3A_162 = tpu.memref_slice %arg15[%dma_wait3A, %dma_wait3A_161] : memref<512x64xf32, #tpu.memory_space<vmem>> -> memref<128x64xf32, #tpu.memory_space<vmem>>
      %dma_wait3A_163 = arith.constant 0 : i32
      %dma_wait3A_164 = tpu.memref_slice %arg8[%add3A_136, %dma_wait3A_163] : memref<10240x64xf32, #tpu.memory_space<vmem_shared>> -> memref<128x64xf32, #tpu.memory_space<vmem_shared>>
      %dma_wait3A_165 = arith.constant 0 : i32
      %dma_wait3A_166 = tpu.memref_slice %arg8[%add3A_136, %dma_wait3A_165] : memref<10240x64xf32, #tpu.memory_space<vmem_shared>> -> memref<128x64xf32, #tpu.memory_space<vmem_shared>>
      %dma_wait3A_167 = arith.constant 0 : i32
      %dma_wait3A_168 = arith.constant 0 : i32
      %dma_wait3A_169 = tpu.memref_slice %arg15[%dma_wait3A_167, %dma_wait3A_168] : memref<512x64xf32, #tpu.memory_space<vmem>> -> memref<128x64xf32, #tpu.memory_space<vmem>>
      tpu.wait_dma2 semaphore(%run_scoped3A : memref<!tpu.dma_semaphore, #tpu.memory_space<semaphore_mem>>) src(%dma_wait3A_169 : memref<128x64xf32, #tpu.memory_space<vmem>>) dst(%dma_wait3A_166 : memref<128x64xf32, #tpu.memory_space<vmem_shared>>)
      tpu.yield
    }) : () -> ()
    %add3A_137 = arith.constant 128 : i32
    %add3A_138 = arith.addi %mul3A_0, %add3A_137 : i32
    "tpu.region"() ({
      %run_scoped3A = tpu.sem_alloc : memref<!tpu.dma_semaphore, #tpu.memory_space<semaphore_mem>>
      %dma_start3A = arith.constant 0 : i32
      %dma_start3A_152 = arith.constant 0 : i32
      %dma_start3A_153 = tpu.memref_slice %arg15[%dma_start3A, %dma_start3A_152] : memref<512x64xf32, #tpu.memory_space<vmem>> -> memref<128x64xf32, #tpu.memory_space<vmem>>
      %dma_start3A_154 = arith.constant 0 : i32
      %dma_start3A_155 = tpu.memref_slice %arg8[%add3A_138, %dma_start3A_154] : memref<10240x64xf32, #tpu.memory_space<vmem_shared>> -> memref<128x64xf32, #tpu.memory_space<vmem_shared>>
      %dma_start3A_156 = arith.constant 0 : i32
      %dma_start3A_157 = tpu.memref_slice %arg8[%add3A_138, %dma_start3A_156] : memref<10240x64xf32, #tpu.memory_space<vmem_shared>> -> memref<128x64xf32, #tpu.memory_space<vmem_shared>>
      %dma_start3A_158 = arith.constant 0 : i32
      %dma_start3A_159 = arith.constant 0 : i32
      %dma_start3A_160 = tpu.memref_slice %arg15[%dma_start3A_158, %dma_start3A_159] : memref<512x64xf32, #tpu.memory_space<vmem>> -> memref<128x64xf32, #tpu.memory_space<vmem>>
      tpu.enqueue_dma source(%dma_start3A_160 : memref<128x64xf32, #tpu.memory_space<vmem>>) target(%dma_start3A_157 : memref<128x64xf32, #tpu.memory_space<vmem_shared>>) target_semaphore(%run_scoped3A : memref<!tpu.dma_semaphore, #tpu.memory_space<semaphore_mem>>)
      %dma_wait3A = arith.constant 0 : i32
      %dma_wait3A_161 = arith.constant 0 : i32
      %dma_wait3A_162 = tpu.memref_slice %arg15[%dma_wait3A, %dma_wait3A_161] : memref<512x64xf32, #tpu.memory_space<vmem>> -> memref<128x64xf32, #tpu.memory_space<vmem>>
      %dma_wait3A_163 = arith.constant 0 : i32
      %dma_wait3A_164 = tpu.memref_slice %arg8[%add3A_138, %dma_wait3A_163] : memref<10240x64xf32, #tpu.memory_space<vmem_shared>> -> memref<128x64xf32, #tpu.memory_space<vmem_shared>>
      %dma_wait3A_165 = arith.constant 0 : i32
      %dma_wait3A_166 = tpu.memref_slice %arg8[%add3A_138, %dma_wait3A_165] : memref<10240x64xf32, #tpu.memory_space<vmem_shared>> -> memref<128x64xf32, #tpu.memory_space<vmem_shared>>
      %dma_wait3A_167 = arith.constant 0 : i32
      %dma_wait3A_168 = arith.constant 0 : i32
      %dma_wait3A_169 = tpu.memref_slice %arg15[%dma_wait3A_167, %dma_wait3A_168] : memref<512x64xf32, #tpu.memory_space<vmem>> -> memref<128x64xf32, #tpu.memory_space<vmem>>
      tpu.wait_dma2 semaphore(%run_scoped3A : memref<!tpu.dma_semaphore, #tpu.memory_space<semaphore_mem>>) src(%dma_wait3A_169 : memref<128x64xf32, #tpu.memory_space<vmem>>) dst(%dma_wait3A_166 : memref<128x64xf32, #tpu.memory_space<vmem_shared>>)
      tpu.yield
    }) : () -> ()
    %add3A_139 = arith.constant 256 : i32
    %add3A_140 = arith.addi %mul3A_0, %add3A_139 : i32
    "tpu.region"() ({
      %run_scoped3A = tpu.sem_alloc : memref<!tpu.dma_semaphore, #tpu.memory_space<semaphore_mem>>
      %dma_start3A = arith.constant 0 : i32
      %dma_start3A_152 = arith.constant 0 : i32
      %dma_start3A_153 = tpu.memref_slice %arg15[%dma_start3A, %dma_start3A_152] : memref<512x64xf32, #tpu.memory_space<vmem>> -> memref<128x64xf32, #tpu.memory_space<vmem>>
      %dma_start3A_154 = arith.constant 0 : i32
      %dma_start3A_155 = tpu.memref_slice %arg8[%add3A_140, %dma_start3A_154] : memref<10240x64xf32, #tpu.memory_space<vmem_shared>> -> memref<128x64xf32, #tpu.memory_space<vmem_shared>>
      %dma_start3A_156 = arith.constant 0 : i32
      %dma_start3A_157 = tpu.memref_slice %arg8[%add3A_140, %dma_start3A_156] : memref<10240x64xf32, #tpu.memory_space<vmem_shared>> -> memref<128x64xf32, #tpu.memory_space<vmem_shared>>
      %dma_start3A_158 = arith.constant 0 : i32
      %dma_start3A_159 = arith.constant 0 : i32
      %dma_start3A_160 = tpu.memref_slice %arg15[%dma_start3A_158, %dma_start3A_159] : memref<512x64xf32, #tpu.memory_space<vmem>> -> memref<128x64xf32, #tpu.memory_space<vmem>>
      tpu.enqueue_dma source(%dma_start3A_160 : memref<128x64xf32, #tpu.memory_space<vmem>>) target(%dma_start3A_157 : memref<128x64xf32, #tpu.memory_space<vmem_shared>>) target_semaphore(%run_scoped3A : memref<!tpu.dma_semaphore, #tpu.memory_space<semaphore_mem>>)
      %dma_wait3A = arith.constant 0 : i32
      %dma_wait3A_161 = arith.constant 0 : i32
      %dma_wait3A_162 = tpu.memref_slice %arg15[%dma_wait3A, %dma_wait3A_161] : memref<512x64xf32, #tpu.memory_space<vmem>> -> memref<128x64xf32, #tpu.memory_space<vmem>>
      %dma_wait3A_163 = arith.constant 0 : i32
      %dma_wait3A_164 = tpu.memref_slice %arg8[%add3A_140, %dma_wait3A_163] : memref<10240x64xf32, #tpu.memory_space<vmem_shared>> -> memref<128x64xf32, #tpu.memory_space<vmem_shared>>
      %dma_wait3A_165 = arith.constant 0 : i32
      %dma_wait3A_166 = tpu.memref_slice %arg8[%add3A_140, %dma_wait3A_165] : memref<10240x64xf32, #tpu.memory_space<vmem_shared>> -> memref<128x64xf32, #tpu.memory_space<vmem_shared>>
      %dma_wait3A_167 = arith.constant 0 : i32
      %dma_wait3A_168 = arith.constant 0 : i32
      %dma_wait3A_169 = tpu.memref_slice %arg15[%dma_wait3A_167, %dma_wait3A_168] : memref<512x64xf32, #tpu.memory_space<vmem>> -> memref<128x64xf32, #tpu.memory_space<vmem>>
      tpu.wait_dma2 semaphore(%run_scoped3A : memref<!tpu.dma_semaphore, #tpu.memory_space<semaphore_mem>>) src(%dma_wait3A_169 : memref<128x64xf32, #tpu.memory_space<vmem>>) dst(%dma_wait3A_166 : memref<128x64xf32, #tpu.memory_space<vmem_shared>>)
      tpu.yield
    }) : () -> ()
    %add3A_141 = arith.constant 384 : i32
    %add3A_142 = arith.addi %mul3A_0, %add3A_141 : i32
    "tpu.region"() ({
      %run_scoped3A = tpu.sem_alloc : memref<!tpu.dma_semaphore, #tpu.memory_space<semaphore_mem>>
      %dma_start3A = arith.constant 0 : i32
      %dma_start3A_152 = arith.constant 0 : i32
      %dma_start3A_153 = tpu.memref_slice %arg15[%dma_start3A, %dma_start3A_152] : memref<512x64xf32, #tpu.memory_space<vmem>> -> memref<128x64xf32, #tpu.memory_space<vmem>>
      %dma_start3A_154 = arith.constant 0 : i32
      %dma_start3A_155 = tpu.memref_slice %arg8[%add3A_142, %dma_start3A_154] : memref<10240x64xf32, #tpu.memory_space<vmem_shared>> -> memref<128x64xf32, #tpu.memory_space<vmem_shared>>
      %dma_start3A_156 = arith.constant 0 : i32
      %dma_start3A_157 = tpu.memref_slice %arg8[%add3A_142, %dma_start3A_156] : memref<10240x64xf32, #tpu.memory_space<vmem_shared>> -> memref<128x64xf32, #tpu.memory_space<vmem_shared>>
      %dma_start3A_158 = arith.constant 0 : i32
      %dma_start3A_159 = arith.constant 0 : i32
      %dma_start3A_160 = tpu.memref_slice %arg15[%dma_start3A_158, %dma_start3A_159] : memref<512x64xf32, #tpu.memory_space<vmem>> -> memref<128x64xf32, #tpu.memory_space<vmem>>
      tpu.enqueue_dma source(%dma_start3A_160 : memref<128x64xf32, #tpu.memory_space<vmem>>) target(%dma_start3A_157 : memref<128x64xf32, #tpu.memory_space<vmem_shared>>) target_semaphore(%run_scoped3A : memref<!tpu.dma_semaphore, #tpu.memory_space<semaphore_mem>>)
      %dma_wait3A = arith.constant 0 : i32
      %dma_wait3A_161 = arith.constant 0 : i32
      %dma_wait3A_162 = tpu.memref_slice %arg15[%dma_wait3A, %dma_wait3A_161] : memref<512x64xf32, #tpu.memory_space<vmem>> -> memref<128x64xf32, #tpu.memory_space<vmem>>
      %dma_wait3A_163 = arith.constant 0 : i32
      %dma_wait3A_164 = tpu.memref_slice %arg8[%add3A_142, %dma_wait3A_163] : memref<10240x64xf32, #tpu.memory_space<vmem_shared>> -> memref<128x64xf32, #tpu.memory_space<vmem_shared>>
      %dma_wait3A_165 = arith.constant 0 : i32
      %dma_wait3A_166 = tpu.memref_slice %arg8[%add3A_142, %dma_wait3A_165] : memref<10240x64xf32, #tpu.memory_space<vmem_shared>> -> memref<128x64xf32, #tpu.memory_space<vmem_shared>>
      %dma_wait3A_167 = arith.constant 0 : i32
      %dma_wait3A_168 = arith.constant 0 : i32
      %dma_wait3A_169 = tpu.memref_slice %arg15[%dma_wait3A_167, %dma_wait3A_168] : memref<512x64xf32, #tpu.memory_space<vmem>> -> memref<128x64xf32, #tpu.memory_space<vmem>>
      tpu.wait_dma2 semaphore(%run_scoped3A : memref<!tpu.dma_semaphore, #tpu.memory_space<semaphore_mem>>) src(%dma_wait3A_169 : memref<128x64xf32, #tpu.memory_space<vmem>>) dst(%dma_wait3A_166 : memref<128x64xf32, #tpu.memory_space<vmem_shared>>)
      tpu.yield
    }) : () -> ()
    %add3A_143 = arith.constant 512 : i32
    %add3A_144 = arith.addi %mul3A_0, %add3A_143 : i32
    "tpu.region"() ({
      %run_scoped3A = tpu.sem_alloc : memref<!tpu.dma_semaphore, #tpu.memory_space<semaphore_mem>>
      %dma_start3A = arith.constant 0 : i32
      %dma_start3A_152 = arith.constant 0 : i32
      %dma_start3A_153 = tpu.memref_slice %arg15[%dma_start3A, %dma_start3A_152] : memref<512x64xf32, #tpu.memory_space<vmem>> -> memref<128x64xf32, #tpu.memory_space<vmem>>
      %dma_start3A_154 = arith.constant 0 : i32
      %dma_start3A_155 = tpu.memref_slice %arg8[%add3A_144, %dma_start3A_154] : memref<10240x64xf32, #tpu.memory_space<vmem_shared>> -> memref<128x64xf32, #tpu.memory_space<vmem_shared>>
      %dma_start3A_156 = arith.constant 0 : i32
      %dma_start3A_157 = tpu.memref_slice %arg8[%add3A_144, %dma_start3A_156] : memref<10240x64xf32, #tpu.memory_space<vmem_shared>> -> memref<128x64xf32, #tpu.memory_space<vmem_shared>>
      %dma_start3A_158 = arith.constant 0 : i32
      %dma_start3A_159 = arith.constant 0 : i32
      %dma_start3A_160 = tpu.memref_slice %arg15[%dma_start3A_158, %dma_start3A_159] : memref<512x64xf32, #tpu.memory_space<vmem>> -> memref<128x64xf32, #tpu.memory_space<vmem>>
      tpu.enqueue_dma source(%dma_start3A_160 : memref<128x64xf32, #tpu.memory_space<vmem>>) target(%dma_start3A_157 : memref<128x64xf32, #tpu.memory_space<vmem_shared>>) target_semaphore(%run_scoped3A : memref<!tpu.dma_semaphore, #tpu.memory_space<semaphore_mem>>)
      %dma_wait3A = arith.constant 0 : i32
      %dma_wait3A_161 = arith.constant 0 : i32
      %dma_wait3A_162 = tpu.memref_slice %arg15[%dma_wait3A, %dma_wait3A_161] : memref<512x64xf32, #tpu.memory_space<vmem>> -> memref<128x64xf32, #tpu.memory_space<vmem>>
      %dma_wait3A_163 = arith.constant 0 : i32
      %dma_wait3A_164 = tpu.memref_slice %arg8[%add3A_144, %dma_wait3A_163] : memref<10240x64xf32, #tpu.memory_space<vmem_shared>> -> memref<128x64xf32, #tpu.memory_space<vmem_shared>>
      %dma_wait3A_165 = arith.constant 0 : i32
      %dma_wait3A_166 = tpu.memref_slice %arg8[%add3A_144, %dma_wait3A_165] : memref<10240x64xf32, #tpu.memory_space<vmem_shared>> -> memref<128x64xf32, #tpu.memory_space<vmem_shared>>
      %dma_wait3A_167 = arith.constant 0 : i32
      %dma_wait3A_168 = arith.constant 0 : i32
      %dma_wait3A_169 = tpu.memref_slice %arg15[%dma_wait3A_167, %dma_wait3A_168] : memref<512x64xf32, #tpu.memory_space<vmem>> -> memref<128x64xf32, #tpu.memory_space<vmem>>
      tpu.wait_dma2 semaphore(%run_scoped3A : memref<!tpu.dma_semaphore, #tpu.memory_space<semaphore_mem>>) src(%dma_wait3A_169 : memref<128x64xf32, #tpu.memory_space<vmem>>) dst(%dma_wait3A_166 : memref<128x64xf32, #tpu.memory_space<vmem_shared>>)
      tpu.yield
    }) : () -> ()
    %barrier3A_145 = arith.constant 0 : index
    tpu.barrier barrier_id(%barrier3A_145)
    %scan3A_146 = arith.constant 0 : i32
    %scan3A_147 = arith.constant 41 : i32
    %scan3A_148 = arith.addi %scan3A_146, %scan3A_147 : i32
    %scan3A_149 = arith.constant 1 : i32
    scf.for %scan3A_152 = %scan3A_146 to %scan3A_148 step %scan3A_149  : i32 {
      %mul3A_153 = arith.constant 1 : i32
      %mul3A_154 = arith.muli %scan3A_152, %mul3A_153 : i32
      %add3A_155 = arith.constant 0 : i32
      %add3A_156 = arith.addi %add3A_155, %mul3A_154 : i32
      "tpu.region"() ({
        %run_scoped3A = tpu.sem_alloc : memref<!tpu.dma_semaphore, #tpu.memory_space<semaphore_mem>>
        %dma_start3A_335 = arith.constant 0 : i32
        %dma_start3A_336 = arith.constant 0 : i32
        %dma_start3A_337 = tpu.memref_slice %arg3[%arg1, %add3A_156, %dma_start3A_335, %dma_start3A_336] : memref<16x41x4x128xi32, #tpu.memory_space<hbm>> -> memref<1x1x4x128xi32, #tpu.memory_space<hbm>>
        %dma_start3A_338 = tpu.memref_squeeze %dma_start3A_337 : memref<1x1x4x128xi32, #tpu.memory_space<hbm>> -> memref<4x128xi32, #tpu.memory_space<hbm>>
        %dma_start3A_339 = arith.constant 0 : i32
        %dma_start3A_340 = arith.constant 0 : i32
        %dma_start3A_341 = tpu.memref_slice %arg3[%arg1, %add3A_156, %dma_start3A_339, %dma_start3A_340] : memref<16x41x4x128xi32, #tpu.memory_space<hbm>> -> memref<1x1x4x128xi32, #tpu.memory_space<hbm>>
        %dma_start3A_342 = tpu.memref_squeeze %dma_start3A_341 : memref<1x1x4x128xi32, #tpu.memory_space<hbm>> -> memref<4x128xi32, #tpu.memory_space<hbm>>
        tpu.enqueue_dma source(%dma_start3A_342 : memref<4x128xi32, #tpu.memory_space<hbm>>) target(%arg11 : memref<4x128xi32, #tpu.memory_space<vmem>>) target_semaphore(%run_scoped3A : memref<!tpu.dma_semaphore, #tpu.memory_space<semaphore_mem>>)
        %dma_wait3A_343 = arith.constant 0 : i32
        %dma_wait3A_344 = arith.constant 0 : i32
        %dma_wait3A_345 = tpu.memref_slice %arg3[%arg1, %add3A_156, %dma_wait3A_343, %dma_wait3A_344] : memref<16x41x4x128xi32, #tpu.memory_space<hbm>> -> memref<1x1x4x128xi32, #tpu.memory_space<hbm>>
        %dma_wait3A_346 = tpu.memref_squeeze %dma_wait3A_345 : memref<1x1x4x128xi32, #tpu.memory_space<hbm>> -> memref<4x128xi32, #tpu.memory_space<hbm>>
        %dma_wait3A_347 = arith.constant 0 : i32
        %dma_wait3A_348 = arith.constant 0 : i32
        %dma_wait3A_349 = tpu.memref_slice %arg3[%arg1, %add3A_156, %dma_wait3A_347, %dma_wait3A_348] : memref<16x41x4x128xi32, #tpu.memory_space<hbm>> -> memref<1x1x4x128xi32, #tpu.memory_space<hbm>>
        %dma_wait3A_350 = tpu.memref_squeeze %dma_wait3A_349 : memref<1x1x4x128xi32, #tpu.memory_space<hbm>> -> memref<4x128xi32, #tpu.memory_space<hbm>>
        tpu.wait_dma2 semaphore(%run_scoped3A : memref<!tpu.dma_semaphore, #tpu.memory_space<semaphore_mem>>) src(%dma_wait3A_350 : memref<4x128xi32, #tpu.memory_space<hbm>>) dst(%arg11 : memref<4x128xi32, #tpu.memory_space<vmem>>)
        tpu.yield
      }) : () -> ()
      "tpu.region"() ({
        %run_scoped3A = tpu.sem_alloc : memref<!tpu.dma_semaphore, #tpu.memory_space<semaphore_mem>>
        %dma_start3A_335 = arith.constant 0 : i32
        %dma_start3A_336 = arith.constant 0 : i32
        %dma_start3A_337 = tpu.memref_slice %arg4[%arg1, %add3A_156, %dma_start3A_335, %dma_start3A_336] : memref<16x41x4x128xi32, #tpu.memory_space<hbm>> -> memref<1x1x4x128xi32, #tpu.memory_space<hbm>>
        %dma_start3A_338 = tpu.memref_squeeze %dma_start3A_337 : memref<1x1x4x128xi32, #tpu.memory_space<hbm>> -> memref<4x128xi32, #tpu.memory_space<hbm>>
        %dma_start3A_339 = arith.constant 0 : i32
        %dma_start3A_340 = arith.constant 0 : i32
        %dma_start3A_341 = tpu.memref_slice %arg4[%arg1, %add3A_156, %dma_start3A_339, %dma_start3A_340] : memref<16x41x4x128xi32, #tpu.memory_space<hbm>> -> memref<1x1x4x128xi32, #tpu.memory_space<hbm>>
        %dma_start3A_342 = tpu.memref_squeeze %dma_start3A_341 : memref<1x1x4x128xi32, #tpu.memory_space<hbm>> -> memref<4x128xi32, #tpu.memory_space<hbm>>
        tpu.enqueue_dma source(%dma_start3A_342 : memref<4x128xi32, #tpu.memory_space<hbm>>) target(%arg12 : memref<4x128xi32, #tpu.memory_space<vmem>>) target_semaphore(%run_scoped3A : memref<!tpu.dma_semaphore, #tpu.memory_space<semaphore_mem>>)
        %dma_wait3A_343 = arith.constant 0 : i32
        %dma_wait3A_344 = arith.constant 0 : i32
        %dma_wait3A_345 = tpu.memref_slice %arg4[%arg1, %add3A_156, %dma_wait3A_343, %dma_wait3A_344] : memref<16x41x4x128xi32, #tpu.memory_space<hbm>> -> memref<1x1x4x128xi32, #tpu.memory_space<hbm>>
        %dma_wait3A_346 = tpu.memref_squeeze %dma_wait3A_345 : memref<1x1x4x128xi32, #tpu.memory_space<hbm>> -> memref<4x128xi32, #tpu.memory_space<hbm>>
        %dma_wait3A_347 = arith.constant 0 : i32
        %dma_wait3A_348 = arith.constant 0 : i32
        %dma_wait3A_349 = tpu.memref_slice %arg4[%arg1, %add3A_156, %dma_wait3A_347, %dma_wait3A_348] : memref<16x41x4x128xi32, #tpu.memory_space<hbm>> -> memref<1x1x4x128xi32, #tpu.memory_space<hbm>>
        %dma_wait3A_350 = tpu.memref_squeeze %dma_wait3A_349 : memref<1x1x4x128xi32, #tpu.memory_space<hbm>> -> memref<4x128xi32, #tpu.memory_space<hbm>>
        tpu.wait_dma2 semaphore(%run_scoped3A : memref<!tpu.dma_semaphore, #tpu.memory_space<semaphore_mem>>) src(%dma_wait3A_350 : memref<4x128xi32, #tpu.memory_space<hbm>>) dst(%arg12 : memref<4x128xi32, #tpu.memory_space<vmem>>)
        tpu.yield
      }) : () -> ()
      "tpu.region"() ({
        %run_scoped3A = tpu.sem_alloc : memref<!tpu.dma_semaphore, #tpu.memory_space<semaphore_mem>>
        %dma_start3A_335 = arith.constant 0 : i32
        %dma_start3A_336 = tpu.memref_slice %arg5[%arg1, %add3A_156, %dma_start3A_335] : memref<16x41x512xf32, #tpu.memory_space<hbm>> -> memref<1x1x512xf32, #tpu.memory_space<hbm>>
        %dma_start3A_337 = tpu.memref_squeeze %dma_start3A_336 : memref<1x1x512xf32, #tpu.memory_space<hbm>> -> memref<512xf32, #tpu.memory_space<hbm>>
        %dma_start3A_338 = arith.constant 0 : i32
        %dma_start3A_339 = tpu.memref_slice %arg5[%arg1, %add3A_156, %dma_start3A_338] : memref<16x41x512xf32, #tpu.memory_space<hbm>> -> memref<1x1x512xf32, #tpu.memory_space<hbm>>
        %dma_start3A_340 = tpu.memref_squeeze %dma_start3A_339 : memref<1x1x512xf32, #tpu.memory_space<hbm>> -> memref<512xf32, #tpu.memory_space<hbm>>
        tpu.enqueue_dma source(%dma_start3A_340 : memref<512xf32, #tpu.memory_space<hbm>>) target(%arg13 : memref<512xf32, #tpu.memory_space<vmem>>) target_semaphore(%run_scoped3A : memref<!tpu.dma_semaphore, #tpu.memory_space<semaphore_mem>>)
        %dma_wait3A_341 = arith.constant 0 : i32
        %dma_wait3A_342 = tpu.memref_slice %arg5[%arg1, %add3A_156, %dma_wait3A_341] : memref<16x41x512xf32, #tpu.memory_space<hbm>> -> memref<1x1x512xf32, #tpu.memory_space<hbm>>
        %dma_wait3A_343 = tpu.memref_squeeze %dma_wait3A_342 : memref<1x1x512xf32, #tpu.memory_space<hbm>> -> memref<512xf32, #tpu.memory_space<hbm>>
        %dma_wait3A_344 = arith.constant 0 : i32
        %dma_wait3A_345 = tpu.memref_slice %arg5[%arg1, %add3A_156, %dma_wait3A_344] : memref<16x41x512xf32, #tpu.memory_space<hbm>> -> memref<1x1x512xf32, #tpu.memory_space<hbm>>
        %dma_wait3A_346 = tpu.memref_squeeze %dma_wait3A_345 : memref<1x1x512xf32, #tpu.memory_space<hbm>> -> memref<512xf32, #tpu.memory_space<hbm>>
        tpu.wait_dma2 semaphore(%run_scoped3A : memref<!tpu.dma_semaphore, #tpu.memory_space<semaphore_mem>>) src(%dma_wait3A_346 : memref<512xf32, #tpu.memory_space<hbm>>) dst(%arg13 : memref<512xf32, #tpu.memory_space<vmem>>)
        tpu.yield
      }) : () -> ()
      %dma_start3A = arith.constant 0 : i32
      %dma_start3A_157 = arith.constant 0 : i32
      %dma_start3A_158 = arith.constant 0 : i32
      %dma_start3A_159 = tpu.memref_slice %arg15[%dma_start3A_157, %dma_start3A_158] : memref<512x64xf32, #tpu.memory_space<vmem>> -> memref<128x64xf32, #tpu.memory_space<vmem>>
      %dma_start3A_160 = arith.constant 0 : i32
      %dma_start3A_161 = tpu.memref_slice %arg11[%dma_start3A, %dma_start3A_160] : memref<4x128xi32, #tpu.memory_space<vmem>> -> memref<1x128xi32, #tpu.memory_space<vmem>>
      %dma_start3A_162 = tpu.memref_squeeze %dma_start3A_161 : memref<1x128xi32, #tpu.memory_space<vmem>> -> memref<128xi32, #tpu.memory_space<vmem>>
      %dma_start3A_163 = arith.constant 0 : i32
      %dma_start3A_164 = arith.constant 0 : i32
      %dma_start3A_165 = tpu.memref_slice %arg9[%dma_start3A_163, %dma_start3A_164] : memref<10240x64xf32, #tpu.memory_space<vmem_shared>> -> memref<10240x64xf32, #tpu.memory_space<vmem_shared>>
      tpu.enqueue_indirect_dma source(%dma_start3A_165 : memref<10240x64xf32, #tpu.memory_space<vmem_shared>>) target(%dma_start3A_159 : memref<128x64xf32, #tpu.memory_space<vmem>>) offsets(%dma_start3A_162 : memref<128xi32, #tpu.memory_space<vmem>>) semaphore(%arg20 : memref<!tpu.dma_semaphore, #tpu.memory_space<semaphore_mem>>)
      %dma_start3A_166 = arith.constant 1 : i32
      %dma_start3A_167 = arith.constant 128 : i32
      %dma_start3A_168 = arith.constant 0 : i32
      %dma_start3A_169 = tpu.memref_slice %arg15[%dma_start3A_167, %dma_start3A_168] : memref<512x64xf32, #tpu.memory_space<vmem>> -> memref<128x64xf32, #tpu.memory_space<vmem>>
      %dma_start3A_170 = arith.constant 0 : i32
      %dma_start3A_171 = tpu.memref_slice %arg11[%dma_start3A_166, %dma_start3A_170] : memref<4x128xi32, #tpu.memory_space<vmem>> -> memref<1x128xi32, #tpu.memory_space<vmem>>
      %dma_start3A_172 = tpu.memref_squeeze %dma_start3A_171 : memref<1x128xi32, #tpu.memory_space<vmem>> -> memref<128xi32, #tpu.memory_space<vmem>>
      %dma_start3A_173 = arith.constant 0 : i32
      %dma_start3A_174 = arith.constant 0 : i32
      %dma_start3A_175 = tpu.memref_slice %arg9[%dma_start3A_173, %dma_start3A_174] : memref<10240x64xf32, #tpu.memory_space<vmem_shared>> -> memref<10240x64xf32, #tpu.memory_space<vmem_shared>>
      tpu.enqueue_indirect_dma source(%dma_start3A_175 : memref<10240x64xf32, #tpu.memory_space<vmem_shared>>) target(%dma_start3A_169 : memref<128x64xf32, #tpu.memory_space<vmem>>) offsets(%dma_start3A_172 : memref<128xi32, #tpu.memory_space<vmem>>) semaphore(%arg21 : memref<!tpu.dma_semaphore, #tpu.memory_space<semaphore_mem>>)
      %dma_start3A_176 = arith.constant 2 : i32
      %dma_start3A_177 = arith.constant 256 : i32
      %dma_start3A_178 = arith.constant 0 : i32
      %dma_start3A_179 = tpu.memref_slice %arg15[%dma_start3A_177, %dma_start3A_178] : memref<512x64xf32, #tpu.memory_space<vmem>> -> memref<128x64xf32, #tpu.memory_space<vmem>>
      %dma_start3A_180 = arith.constant 0 : i32
      %dma_start3A_181 = tpu.memref_slice %arg11[%dma_start3A_176, %dma_start3A_180] : memref<4x128xi32, #tpu.memory_space<vmem>> -> memref<1x128xi32, #tpu.memory_space<vmem>>
      %dma_start3A_182 = tpu.memref_squeeze %dma_start3A_181 : memref<1x128xi32, #tpu.memory_space<vmem>> -> memref<128xi32, #tpu.memory_space<vmem>>
      %dma_start3A_183 = arith.constant 0 : i32
      %dma_start3A_184 = arith.constant 0 : i32
      %dma_start3A_185 = tpu.memref_slice %arg9[%dma_start3A_183, %dma_start3A_184] : memref<10240x64xf32, #tpu.memory_space<vmem_shared>> -> memref<10240x64xf32, #tpu.memory_space<vmem_shared>>
      tpu.enqueue_indirect_dma source(%dma_start3A_185 : memref<10240x64xf32, #tpu.memory_space<vmem_shared>>) target(%dma_start3A_179 : memref<128x64xf32, #tpu.memory_space<vmem>>) offsets(%dma_start3A_182 : memref<128xi32, #tpu.memory_space<vmem>>) semaphore(%arg22 : memref<!tpu.dma_semaphore, #tpu.memory_space<semaphore_mem>>)
      %dma_start3A_186 = arith.constant 3 : i32
      %dma_start3A_187 = arith.constant 384 : i32
      %dma_start3A_188 = arith.constant 0 : i32
      %dma_start3A_189 = tpu.memref_slice %arg15[%dma_start3A_187, %dma_start3A_188] : memref<512x64xf32, #tpu.memory_space<vmem>> -> memref<128x64xf32, #tpu.memory_space<vmem>>
      %dma_start3A_190 = arith.constant 0 : i32
      %dma_start3A_191 = tpu.memref_slice %arg11[%dma_start3A_186, %dma_start3A_190] : memref<4x128xi32, #tpu.memory_space<vmem>> -> memref<1x128xi32, #tpu.memory_space<vmem>>
      %dma_start3A_192 = tpu.memref_squeeze %dma_start3A_191 : memref<1x128xi32, #tpu.memory_space<vmem>> -> memref<128xi32, #tpu.memory_space<vmem>>
      %dma_start3A_193 = arith.constant 0 : i32
      %dma_start3A_194 = arith.constant 0 : i32
      %dma_start3A_195 = tpu.memref_slice %arg9[%dma_start3A_193, %dma_start3A_194] : memref<10240x64xf32, #tpu.memory_space<vmem_shared>> -> memref<10240x64xf32, #tpu.memory_space<vmem_shared>>
      tpu.enqueue_indirect_dma source(%dma_start3A_195 : memref<10240x64xf32, #tpu.memory_space<vmem_shared>>) target(%dma_start3A_189 : memref<128x64xf32, #tpu.memory_space<vmem>>) offsets(%dma_start3A_192 : memref<128xi32, #tpu.memory_space<vmem>>) semaphore(%arg23 : memref<!tpu.dma_semaphore, #tpu.memory_space<semaphore_mem>>)
      %dma_wait3A = arith.constant 0 : i32
      %dma_wait3A_196 = arith.constant 0 : i32
      %dma_wait3A_197 = arith.constant 0 : i32
      %dma_wait3A_198 = tpu.memref_slice %arg15[%dma_wait3A_196, %dma_wait3A_197] : memref<512x64xf32, #tpu.memory_space<vmem>> -> memref<128x64xf32, #tpu.memory_space<vmem>>
      %dma_wait3A_199 = arith.constant 0 : i32
      %dma_wait3A_200 = tpu.memref_slice %arg11[%dma_wait3A, %dma_wait3A_199] : memref<4x128xi32, #tpu.memory_space<vmem>> -> memref<1x128xi32, #tpu.memory_space<vmem>>
      %dma_wait3A_201 = tpu.memref_squeeze %dma_wait3A_200 : memref<1x128xi32, #tpu.memory_space<vmem>> -> memref<128xi32, #tpu.memory_space<vmem>>
      %dma_wait3A_202 = arith.constant 0 : i32
      %dma_wait3A_203 = arith.constant 0 : i32
      %dma_wait3A_204 = tpu.memref_slice %arg9[%dma_wait3A_202, %dma_wait3A_203] : memref<10240x64xf32, #tpu.memory_space<vmem_shared>> -> memref<10240x64xf32, #tpu.memory_space<vmem_shared>>
      tpu.wait_indirect_dma semaphore(%arg20 : memref<!tpu.dma_semaphore, #tpu.memory_space<semaphore_mem>>) src(%dma_wait3A_204 : memref<10240x64xf32, #tpu.memory_space<vmem_shared>>) dst(%dma_wait3A_198 : memref<128x64xf32, #tpu.memory_space<vmem>>)
      %scan3A_205 = arith.constant 0 : i32
      %scan3A_206 = arith.constant 32 : i32
      %scan3A_207 = arith.addi %scan3A_205, %scan3A_206 : i32
      %scan3A_208 = arith.constant 1 : i32
      scf.for %scan3A_335 = %scan3A_205 to %scan3A_207 step %scan3A_208  : i32 {
        %mul3A_336 = arith.constant 4 : i32
        %mul3A_337 = arith.muli %scan3A_335, %mul3A_336 : i32
        %add3A_338 = arith.constant 0 : i32
        %add3A_339 = arith.addi %add3A_338, %mul3A_337 : i32
        %add3A_340 = arith.constant 0 : i32
        %add3A_341 = arith.addi %add3A_340, %add3A_339 : i32
        %add3A_342 = arith.constant 0 : i32
        %add3A_343 = arith.addi %add3A_341, %add3A_342 : i32
        %broadcast_in_dim3A = arith.constant 0 : i32
        %broadcast_in_dim3A_344 = vector.broadcast %broadcast_in_dim3A : i32 to vector<16xi32>
        %add3A_345 = vector.broadcast %add3A_339 : i32 to vector<16xi32>
        %add3A_346 = arith.addi %broadcast_in_dim3A_344, %add3A_345 : vector<16xi32>
        %gather3A = tpu.vector_load_idx %arg13[%add3A_346] : memref<512xf32, #tpu.memory_space<vmem>>[vector<16xi32>], vector<16xf32>,
        %get3A = arith.index_cast %add3A_343 : i32 to index
        %get3A_347 = arith.constant 0 : index
        %get3A_348 = tpu.vector_load %arg15[%get3A, %get3A_347] {strides = array<i32>} : memref<512x64xf32, #tpu.memory_space<vmem>>, vector<16xf32>,
        %mul3A_349 = arith.mulf %get3A_348, %gather3A : vector<16xf32>
        %swap3A = arith.index_cast %add3A_343 : i32 to index
        %swap3A_350 = arith.constant 0 : index
        %swap3A_351 = tpu.vector_load %arg15[%swap3A, %swap3A_350] {strides = array<i32>} : memref<512x64xf32, #tpu.memory_space<vmem>>, vector<16xf32>,
        tpu.vector_store %arg15[%swap3A, %swap3A_350], %mul3A_349 {strides = array<i32>} : memref<512x64xf32, #tpu.memory_space<vmem>>, vector<16xf32>,
        %get3A_352 = arith.index_cast %add3A_343 : i32 to index
        %get3A_353 = arith.constant 16 : index
        %get3A_354 = tpu.vector_load %arg15[%get3A_352, %get3A_353] {strides = array<i32>} : memref<512x64xf32, #tpu.memory_space<vmem>>, vector<16xf32>,
        %mul3A_355 = arith.mulf %get3A_354, %gather3A : vector<16xf32>
        %swap3A_356 = arith.index_cast %add3A_343 : i32 to index
        %swap3A_357 = arith.constant 16 : index
        %swap3A_358 = tpu.vector_load %arg15[%swap3A_356, %swap3A_357] {strides = array<i32>} : memref<512x64xf32, #tpu.memory_space<vmem>>, vector<16xf32>,
        tpu.vector_store %arg15[%swap3A_356, %swap3A_357], %mul3A_355 {strides = array<i32>} : memref<512x64xf32, #tpu.memory_space<vmem>>, vector<16xf32>,
        %get3A_359 = arith.index_cast %add3A_343 : i32 to index
        %get3A_360 = arith.constant 32 : index
        %get3A_361 = tpu.vector_load %arg15[%get3A_359, %get3A_360] {strides = array<i32>} : memref<512x64xf32, #tpu.memory_space<vmem>>, vector<16xf32>,
        %mul3A_362 = arith.mulf %get3A_361, %gather3A : vector<16xf32>
        %swap3A_363 = arith.index_cast %add3A_343 : i32 to index
        %swap3A_364 = arith.constant 32 : index
        %swap3A_365 = tpu.vector_load %arg15[%swap3A_363, %swap3A_364] {strides = array<i32>} : memref<512x64xf32, #tpu.memory_space<vmem>>, vector<16xf32>,
        tpu.vector_store %arg15[%swap3A_363, %swap3A_364], %mul3A_362 {strides = array<i32>} : memref<512x64xf32, #tpu.memory_space<vmem>>, vector<16xf32>,
        %get3A_366 = arith.index_cast %add3A_343 : i32 to index
        %get3A_367 = arith.constant 48 : index
        %get3A_368 = tpu.vector_load %arg15[%get3A_366, %get3A_367] {strides = array<i32>} : memref<512x64xf32, #tpu.memory_space<vmem>>, vector<16xf32>,
        %mul3A_369 = arith.mulf %get3A_368, %gather3A : vector<16xf32>
        %swap3A_370 = arith.index_cast %add3A_343 : i32 to index
        %swap3A_371 = arith.constant 48 : index
        %swap3A_372 = tpu.vector_load %arg15[%swap3A_370, %swap3A_371] {strides = array<i32>} : memref<512x64xf32, #tpu.memory_space<vmem>>, vector<16xf32>,
        tpu.vector_store %arg15[%swap3A_370, %swap3A_371], %mul3A_369 {strides = array<i32>} : memref<512x64xf32, #tpu.memory_space<vmem>>, vector<16xf32>,
        %add3A_373 = arith.constant 0 : i32
        %add3A_374 = arith.addi %add3A_373, %add3A_339 : i32
        %add3A_375 = arith.constant 1 : i32
        %add3A_376 = arith.addi %add3A_374, %add3A_375 : i32
        %broadcast_in_dim3A_377 = arith.constant 1 : i32
        %broadcast_in_dim3A_378 = vector.broadcast %broadcast_in_dim3A_377 : i32 to vector<16xi32>
        %add3A_379 = vector.broadcast %add3A_339 : i32 to vector<16xi32>
        %add3A_380 = arith.addi %broadcast_in_dim3A_378, %add3A_379 : vector<16xi32>
        %gather3A_381 = tpu.vector_load_idx %arg13[%add3A_380] : memref<512xf32, #tpu.memory_space<vmem>>[vector<16xi32>], vector<16xf32>,
        %get3A_382 = arith.index_cast %add3A_376 : i32 to index
        %get3A_383 = arith.constant 0 : index
        %get3A_384 = tpu.vector_load %arg15[%get3A_382, %get3A_383] {strides = array<i32>} : memref<512x64xf32, #tpu.memory_space<vmem>>, vector<16xf32>,
        %mul3A_385 = arith.mulf %get3A_384, %gather3A_381 : vector<16xf32>
        %swap3A_386 = arith.index_cast %add3A_376 : i32 to index
        %swap3A_387 = arith.constant 0 : index
        %swap3A_388 = tpu.vector_load %arg15[%swap3A_386, %swap3A_387] {strides = array<i32>} : memref<512x64xf32, #tpu.memory_space<vmem>>, vector<16xf32>,
        tpu.vector_store %arg15[%swap3A_386, %swap3A_387], %mul3A_385 {strides = array<i32>} : memref<512x64xf32, #tpu.memory_space<vmem>>, vector<16xf32>,
        %get3A_389 = arith.index_cast %add3A_376 : i32 to index
        %get3A_390 = arith.constant 16 : index
        %get3A_391 = tpu.vector_load %arg15[%get3A_389, %get3A_390] {strides = array<i32>} : memref<512x64xf32, #tpu.memory_space<vmem>>, vector<16xf32>,
        %mul3A_392 = arith.mulf %get3A_391, %gather3A_381 : vector<16xf32>
        %swap3A_393 = arith.index_cast %add3A_376 : i32 to index
        %swap3A_394 = arith.constant 16 : index
        %swap3A_395 = tpu.vector_load %arg15[%swap3A_393, %swap3A_394] {strides = array<i32>} : memref<512x64xf32, #tpu.memory_space<vmem>>, vector<16xf32>,
        tpu.vector_store %arg15[%swap3A_393, %swap3A_394], %mul3A_392 {strides = array<i32>} : memref<512x64xf32, #tpu.memory_space<vmem>>, vector<16xf32>,
        %get3A_396 = arith.index_cast %add3A_376 : i32 to index
        %get3A_397 = arith.constant 32 : index
        %get3A_398 = tpu.vector_load %arg15[%get3A_396, %get3A_397] {strides = array<i32>} : memref<512x64xf32, #tpu.memory_space<vmem>>, vector<16xf32>,
        %mul3A_399 = arith.mulf %get3A_398, %gather3A_381 : vector<16xf32>
        %swap3A_400 = arith.index_cast %add3A_376 : i32 to index
        %swap3A_401 = arith.constant 32 : index
        %swap3A_402 = tpu.vector_load %arg15[%swap3A_400, %swap3A_401] {strides = array<i32>} : memref<512x64xf32, #tpu.memory_space<vmem>>, vector<16xf32>,
        tpu.vector_store %arg15[%swap3A_400, %swap3A_401], %mul3A_399 {strides = array<i32>} : memref<512x64xf32, #tpu.memory_space<vmem>>, vector<16xf32>,
        %get3A_403 = arith.index_cast %add3A_376 : i32 to index
        %get3A_404 = arith.constant 48 : index
        %get3A_405 = tpu.vector_load %arg15[%get3A_403, %get3A_404] {strides = array<i32>} : memref<512x64xf32, #tpu.memory_space<vmem>>, vector<16xf32>,
        %mul3A_406 = arith.mulf %get3A_405, %gather3A_381 : vector<16xf32>
        %swap3A_407 = arith.index_cast %add3A_376 : i32 to index
        %swap3A_408 = arith.constant 48 : index
        %swap3A_409 = tpu.vector_load %arg15[%swap3A_407, %swap3A_408] {strides = array<i32>} : memref<512x64xf32, #tpu.memory_space<vmem>>, vector<16xf32>,
        tpu.vector_store %arg15[%swap3A_407, %swap3A_408], %mul3A_406 {strides = array<i32>} : memref<512x64xf32, #tpu.memory_space<vmem>>, vector<16xf32>,
        %add3A_410 = arith.constant 0 : i32
        %add3A_411 = arith.addi %add3A_410, %add3A_339 : i32
        %add3A_412 = arith.constant 2 : i32
        %add3A_413 = arith.addi %add3A_411, %add3A_412 : i32
        %broadcast_in_dim3A_414 = arith.constant 2 : i32
        %broadcast_in_dim3A_415 = vector.broadcast %broadcast_in_dim3A_414 : i32 to vector<16xi32>
        %add3A_416 = vector.broadcast %add3A_339 : i32 to vector<16xi32>
        %add3A_417 = arith.addi %broadcast_in_dim3A_415, %add3A_416 : vector<16xi32>
        %gather3A_418 = tpu.vector_load_idx %arg13[%add3A_417] : memref<512xf32, #tpu.memory_space<vmem>>[vector<16xi32>], vector<16xf32>,
        %get3A_419 = arith.index_cast %add3A_413 : i32 to index
        %get3A_420 = arith.constant 0 : index
        %get3A_421 = tpu.vector_load %arg15[%get3A_419, %get3A_420] {strides = array<i32>} : memref<512x64xf32, #tpu.memory_space<vmem>>, vector<16xf32>,
        %mul3A_422 = arith.mulf %get3A_421, %gather3A_418 : vector<16xf32>
        %swap3A_423 = arith.index_cast %add3A_413 : i32 to index
        %swap3A_424 = arith.constant 0 : index
        %swap3A_425 = tpu.vector_load %arg15[%swap3A_423, %swap3A_424] {strides = array<i32>} : memref<512x64xf32, #tpu.memory_space<vmem>>, vector<16xf32>,
        tpu.vector_store %arg15[%swap3A_423, %swap3A_424], %mul3A_422 {strides = array<i32>} : memref<512x64xf32, #tpu.memory_space<vmem>>, vector<16xf32>,
        %get3A_426 = arith.index_cast %add3A_413 : i32 to index
        %get3A_427 = arith.constant 16 : index
        %get3A_428 = tpu.vector_load %arg15[%get3A_426, %get3A_427] {strides = array<i32>} : memref<512x64xf32, #tpu.memory_space<vmem>>, vector<16xf32>,
        %mul3A_429 = arith.mulf %get3A_428, %gather3A_418 : vector<16xf32>
        %swap3A_430 = arith.index_cast %add3A_413 : i32 to index
        %swap3A_431 = arith.constant 16 : index
        %swap3A_432 = tpu.vector_load %arg15[%swap3A_430, %swap3A_431] {strides = array<i32>} : memref<512x64xf32, #tpu.memory_space<vmem>>, vector<16xf32>,
        tpu.vector_store %arg15[%swap3A_430, %swap3A_431], %mul3A_429 {strides = array<i32>} : memref<512x64xf32, #tpu.memory_space<vmem>>, vector<16xf32>,
        %get3A_433 = arith.index_cast %add3A_413 : i32 to index
        %get3A_434 = arith.constant 32 : index
        %get3A_435 = tpu.vector_load %arg15[%get3A_433, %get3A_434] {strides = array<i32>} : memref<512x64xf32, #tpu.memory_space<vmem>>, vector<16xf32>,
        %mul3A_436 = arith.mulf %get3A_435, %gather3A_418 : vector<16xf32>
        %swap3A_437 = arith.index_cast %add3A_413 : i32 to index
        %swap3A_438 = arith.constant 32 : index
        %swap3A_439 = tpu.vector_load %arg15[%swap3A_437, %swap3A_438] {strides = array<i32>} : memref<512x64xf32, #tpu.memory_space<vmem>>, vector<16xf32>,
        tpu.vector_store %arg15[%swap3A_437, %swap3A_438], %mul3A_436 {strides = array<i32>} : memref<512x64xf32, #tpu.memory_space<vmem>>, vector<16xf32>,
        %get3A_440 = arith.index_cast %add3A_413 : i32 to index
        %get3A_441 = arith.constant 48 : index
        %get3A_442 = tpu.vector_load %arg15[%get3A_440, %get3A_441] {strides = array<i32>} : memref<512x64xf32, #tpu.memory_space<vmem>>, vector<16xf32>,
        %mul3A_443 = arith.mulf %get3A_442, %gather3A_418 : vector<16xf32>
        %swap3A_444 = arith.index_cast %add3A_413 : i32 to index
        %swap3A_445 = arith.constant 48 : index
        %swap3A_446 = tpu.vector_load %arg15[%swap3A_444, %swap3A_445] {strides = array<i32>} : memref<512x64xf32, #tpu.memory_space<vmem>>, vector<16xf32>,
        tpu.vector_store %arg15[%swap3A_444, %swap3A_445], %mul3A_443 {strides = array<i32>} : memref<512x64xf32, #tpu.memory_space<vmem>>, vector<16xf32>,
        %add3A_447 = arith.constant 0 : i32
        %add3A_448 = arith.addi %add3A_447, %add3A_339 : i32
        %add3A_449 = arith.constant 3 : i32
        %add3A_450 = arith.addi %add3A_448, %add3A_449 : i32
        %broadcast_in_dim3A_451 = arith.constant 3 : i32
        %broadcast_in_dim3A_452 = vector.broadcast %broadcast_in_dim3A_451 : i32 to vector<16xi32>
        %add3A_453 = vector.broadcast %add3A_339 : i32 to vector<16xi32>
        %add3A_454 = arith.addi %broadcast_in_dim3A_452, %add3A_453 : vector<16xi32>
        %gather3A_455 = tpu.vector_load_idx %arg13[%add3A_454] : memref<512xf32, #tpu.memory_space<vmem>>[vector<16xi32>], vector<16xf32>,
        %get3A_456 = arith.index_cast %add3A_450 : i32 to index
        %get3A_457 = arith.constant 0 : index
        %get3A_458 = tpu.vector_load %arg15[%get3A_456, %get3A_457] {strides = array<i32>} : memref<512x64xf32, #tpu.memory_space<vmem>>, vector<16xf32>,
        %mul3A_459 = arith.mulf %get3A_458, %gather3A_455 : vector<16xf32>
        %swap3A_460 = arith.index_cast %add3A_450 : i32 to index
        %swap3A_461 = arith.constant 0 : index
        %swap3A_462 = tpu.vector_load %arg15[%swap3A_460, %swap3A_461] {strides = array<i32>} : memref<512x64xf32, #tpu.memory_space<vmem>>, vector<16xf32>,
        tpu.vector_store %arg15[%swap3A_460, %swap3A_461], %mul3A_459 {strides = array<i32>} : memref<512x64xf32, #tpu.memory_space<vmem>>, vector<16xf32>,
        %get3A_463 = arith.index_cast %add3A_450 : i32 to index
        %get3A_464 = arith.constant 16 : index
        %get3A_465 = tpu.vector_load %arg15[%get3A_463, %get3A_464] {strides = array<i32>} : memref<512x64xf32, #tpu.memory_space<vmem>>, vector<16xf32>,
        %mul3A_466 = arith.mulf %get3A_465, %gather3A_455 : vector<16xf32>
        %swap3A_467 = arith.index_cast %add3A_450 : i32 to index
        %swap3A_468 = arith.constant 16 : index
        %swap3A_469 = tpu.vector_load %arg15[%swap3A_467, %swap3A_468] {strides = array<i32>} : memref<512x64xf32, #tpu.memory_space<vmem>>, vector<16xf32>,
        tpu.vector_store %arg15[%swap3A_467, %swap3A_468], %mul3A_466 {strides = array<i32>} : memref<512x64xf32, #tpu.memory_space<vmem>>, vector<16xf32>,
        %get3A_470 = arith.index_cast %add3A_450 : i32 to index
        %get3A_471 = arith.constant 32 : index
        %get3A_472 = tpu.vector_load %arg15[%get3A_470, %get3A_471] {strides = array<i32>} : memref<512x64xf32, #tpu.memory_space<vmem>>, vector<16xf32>,
        %mul3A_473 = arith.mulf %get3A_472, %gather3A_455 : vector<16xf32>
        %swap3A_474 = arith.index_cast %add3A_450 : i32 to index
        %swap3A_475 = arith.constant 32 : index
        %swap3A_476 = tpu.vector_load %arg15[%swap3A_474, %swap3A_475] {strides = array<i32>} : memref<512x64xf32, #tpu.memory_space<vmem>>, vector<16xf32>,
        tpu.vector_store %arg15[%swap3A_474, %swap3A_475], %mul3A_473 {strides = array<i32>} : memref<512x64xf32, #tpu.memory_space<vmem>>, vector<16xf32>,
        %get3A_477 = arith.index_cast %add3A_450 : i32 to index
        %get3A_478 = arith.constant 48 : index
        %get3A_479 = tpu.vector_load %arg15[%get3A_477, %get3A_478] {strides = array<i32>} : memref<512x64xf32, #tpu.memory_space<vmem>>, vector<16xf32>,
        %mul3A_480 = arith.mulf %get3A_479, %gather3A_455 : vector<16xf32>
        %swap3A_481 = arith.index_cast %add3A_450 : i32 to index
        %swap3A_482 = arith.constant 48 : index
        %swap3A_483 = tpu.vector_load %arg15[%swap3A_481, %swap3A_482] {strides = array<i32>} : memref<512x64xf32, #tpu.memory_space<vmem>>, vector<16xf32>,
        tpu.vector_store %arg15[%swap3A_481, %swap3A_482], %mul3A_480 {strides = array<i32>} : memref<512x64xf32, #tpu.memory_space<vmem>>, vector<16xf32>,
      }
      %scan3A_209 = arith.constant 32 : i32
      %dma_start3A_210 = arith.constant 0 : i32
      %dma_start3A_211 = arith.constant 0 : i32
      %dma_start3A_212 = arith.constant 0 : i32
      %dma_start3A_213 = tpu.memref_slice %arg15[%dma_start3A_211, %dma_start3A_212] : memref<512x64xf32, #tpu.memory_space<vmem>> -> memref<128x64xf32, #tpu.memory_space<vmem>>
      %dma_start3A_214 = arith.constant 0 : i32
      %dma_start3A_215 = tpu.memref_slice %arg12[%dma_start3A_210, %dma_start3A_214] : memref<4x128xi32, #tpu.memory_space<vmem>> -> memref<1x128xi32, #tpu.memory_space<vmem>>
      %dma_start3A_216 = tpu.memref_squeeze %dma_start3A_215 : memref<1x128xi32, #tpu.memory_space<vmem>> -> memref<128xi32, #tpu.memory_space<vmem>>
      %dma_start3A_217 = arith.constant 0 : i32
      %dma_start3A_218 = arith.constant 0 : i32
      %dma_start3A_219 = tpu.memref_slice %arg8[%dma_start3A_217, %dma_start3A_218] : memref<10240x64xf32, #tpu.memory_space<vmem_shared>> -> memref<10240x64xf32, #tpu.memory_space<vmem_shared>>
      tpu.enqueue_indirect_dma source(%dma_start3A_213 : memref<128x64xf32, #tpu.memory_space<vmem>>) target(%dma_start3A_219 : memref<10240x64xf32, #tpu.memory_space<vmem_shared>>) offsets(%dma_start3A_216 : memref<128xi32, #tpu.memory_space<vmem>>) semaphore(%arg16 : memref<!tpu.dma_semaphore, #tpu.memory_space<semaphore_mem>>) {add = true}
      %dma_wait3A_220 = arith.constant 1 : i32
      %dma_wait3A_221 = arith.constant 128 : i32
      %dma_wait3A_222 = arith.constant 0 : i32
      %dma_wait3A_223 = tpu.memref_slice %arg15[%dma_wait3A_221, %dma_wait3A_222] : memref<512x64xf32, #tpu.memory_space<vmem>> -> memref<128x64xf32, #tpu.memory_space<vmem>>
      %dma_wait3A_224 = arith.constant 0 : i32
      %dma_wait3A_225 = tpu.memref_slice %arg11[%dma_wait3A_220, %dma_wait3A_224] : memref<4x128xi32, #tpu.memory_space<vmem>> -> memref<1x128xi32, #tpu.memory_space<vmem>>
      %dma_wait3A_226 = tpu.memref_squeeze %dma_wait3A_225 : memref<1x128xi32, #tpu.memory_space<vmem>> -> memref<128xi32, #tpu.memory_space<vmem>>
      %dma_wait3A_227 = arith.constant 0 : i32
      %dma_wait3A_228 = arith.constant 0 : i32
      %dma_wait3A_229 = tpu.memref_slice %arg9[%dma_wait3A_227, %dma_wait3A_228] : memref<10240x64xf32, #tpu.memory_space<vmem_shared>> -> memref<10240x64xf32, #tpu.memory_space<vmem_shared>>
      tpu.wait_indirect_dma semaphore(%arg21 : memref<!tpu.dma_semaphore, #tpu.memory_space<semaphore_mem>>) src(%dma_wait3A_229 : memref<10240x64xf32, #tpu.memory_space<vmem_shared>>) dst(%dma_wait3A_223 : memref<128x64xf32, #tpu.memory_space<vmem>>)
      %scan3A_230 = arith.constant 0 : i32
      %scan3A_231 = arith.constant 32 : i32
      %scan3A_232 = arith.addi %scan3A_230, %scan3A_231 : i32
      %scan3A_233 = arith.constant 1 : i32
      scf.for %scan3A_335 = %scan3A_230 to %scan3A_232 step %scan3A_233  : i32 {
        %mul3A_336 = arith.constant 4 : i32
        %mul3A_337 = arith.muli %scan3A_335, %mul3A_336 : i32
        %add3A_338 = arith.constant 0 : i32
        %add3A_339 = arith.addi %add3A_338, %mul3A_337 : i32
        %add3A_340 = arith.constant 128 : i32
        %add3A_341 = arith.addi %add3A_340, %add3A_339 : i32
        %add3A_342 = arith.constant 0 : i32
        %add3A_343 = arith.addi %add3A_341, %add3A_342 : i32
        %broadcast_in_dim3A = arith.constant 128 : i32
        %broadcast_in_dim3A_344 = vector.broadcast %broadcast_in_dim3A : i32 to vector<16xi32>
        %add3A_345 = vector.broadcast %add3A_339 : i32 to vector<16xi32>
        %add3A_346 = arith.addi %broadcast_in_dim3A_344, %add3A_345 : vector<16xi32>
        %gather3A = tpu.vector_load_idx %arg13[%add3A_346] : memref<512xf32, #tpu.memory_space<vmem>>[vector<16xi32>], vector<16xf32>,
        %get3A = arith.index_cast %add3A_343 : i32 to index
        %get3A_347 = arith.constant 0 : index
        %get3A_348 = tpu.vector_load %arg15[%get3A, %get3A_347] {strides = array<i32>} : memref<512x64xf32, #tpu.memory_space<vmem>>, vector<16xf32>,
        %mul3A_349 = arith.mulf %get3A_348, %gather3A : vector<16xf32>
        %swap3A = arith.index_cast %add3A_343 : i32 to index
        %swap3A_350 = arith.constant 0 : index
        %swap3A_351 = tpu.vector_load %arg15[%swap3A, %swap3A_350] {strides = array<i32>} : memref<512x64xf32, #tpu.memory_space<vmem>>, vector<16xf32>,
        tpu.vector_store %arg15[%swap3A, %swap3A_350], %mul3A_349 {strides = array<i32>} : memref<512x64xf32, #tpu.memory_space<vmem>>, vector<16xf32>,
        %get3A_352 = arith.index_cast %add3A_343 : i32 to index
        %get3A_353 = arith.constant 16 : index
        %get3A_354 = tpu.vector_load %arg15[%get3A_352, %get3A_353] {strides = array<i32>} : memref<512x64xf32, #tpu.memory_space<vmem>>, vector<16xf32>,
        %mul3A_355 = arith.mulf %get3A_354, %gather3A : vector<16xf32>
        %swap3A_356 = arith.index_cast %add3A_343 : i32 to index
        %swap3A_357 = arith.constant 16 : index
        %swap3A_358 = tpu.vector_load %arg15[%swap3A_356, %swap3A_357] {strides = array<i32>} : memref<512x64xf32, #tpu.memory_space<vmem>>, vector<16xf32>,
        tpu.vector_store %arg15[%swap3A_356, %swap3A_357], %mul3A_355 {strides = array<i32>} : memref<512x64xf32, #tpu.memory_space<vmem>>, vector<16xf32>,
        %get3A_359 = arith.index_cast %add3A_343 : i32 to index
        %get3A_360 = arith.constant 32 : index
        %get3A_361 = tpu.vector_load %arg15[%get3A_359, %get3A_360] {strides = array<i32>} : memref<512x64xf32, #tpu.memory_space<vmem>>, vector<16xf32>,
        %mul3A_362 = arith.mulf %get3A_361, %gather3A : vector<16xf32>
        %swap3A_363 = arith.index_cast %add3A_343 : i32 to index
        %swap3A_364 = arith.constant 32 : index
        %swap3A_365 = tpu.vector_load %arg15[%swap3A_363, %swap3A_364] {strides = array<i32>} : memref<512x64xf32, #tpu.memory_space<vmem>>, vector<16xf32>,
        tpu.vector_store %arg15[%swap3A_363, %swap3A_364], %mul3A_362 {strides = array<i32>} : memref<512x64xf32, #tpu.memory_space<vmem>>, vector<16xf32>,
        %get3A_366 = arith.index_cast %add3A_343 : i32 to index
        %get3A_367 = arith.constant 48 : index
        %get3A_368 = tpu.vector_load %arg15[%get3A_366, %get3A_367] {strides = array<i32>} : memref<512x64xf32, #tpu.memory_space<vmem>>, vector<16xf32>,
        %mul3A_369 = arith.mulf %get3A_368, %gather3A : vector<16xf32>
        %swap3A_370 = arith.index_cast %add3A_343 : i32 to index
        %swap3A_371 = arith.constant 48 : index
        %swap3A_372 = tpu.vector_load %arg15[%swap3A_370, %swap3A_371] {strides = array<i32>} : memref<512x64xf32, #tpu.memory_space<vmem>>, vector<16xf32>,
        tpu.vector_store %arg15[%swap3A_370, %swap3A_371], %mul3A_369 {strides = array<i32>} : memref<512x64xf32, #tpu.memory_space<vmem>>, vector<16xf32>,
        %add3A_373 = arith.constant 128 : i32
        %add3A_374 = arith.addi %add3A_373, %add3A_339 : i32
        %add3A_375 = arith.constant 1 : i32
        %add3A_376 = arith.addi %add3A_374, %add3A_375 : i32
        %broadcast_in_dim3A_377 = arith.constant 129 : i32
        %broadcast_in_dim3A_378 = vector.broadcast %broadcast_in_dim3A_377 : i32 to vector<16xi32>
        %add3A_379 = vector.broadcast %add3A_339 : i32 to vector<16xi32>
        %add3A_380 = arith.addi %broadcast_in_dim3A_378, %add3A_379 : vector<16xi32>
        %gather3A_381 = tpu.vector_load_idx %arg13[%add3A_380] : memref<512xf32, #tpu.memory_space<vmem>>[vector<16xi32>], vector<16xf32>,
        %get3A_382 = arith.index_cast %add3A_376 : i32 to index
        %get3A_383 = arith.constant 0 : index
        %get3A_384 = tpu.vector_load %arg15[%get3A_382, %get3A_383] {strides = array<i32>} : memref<512x64xf32, #tpu.memory_space<vmem>>, vector<16xf32>,
        %mul3A_385 = arith.mulf %get3A_384, %gather3A_381 : vector<16xf32>
        %swap3A_386 = arith.index_cast %add3A_376 : i32 to index
        %swap3A_387 = arith.constant 0 : index
        %swap3A_388 = tpu.vector_load %arg15[%swap3A_386, %swap3A_387] {strides = array<i32>} : memref<512x64xf32, #tpu.memory_space<vmem>>, vector<16xf32>,
        tpu.vector_store %arg15[%swap3A_386, %swap3A_387], %mul3A_385 {strides = array<i32>} : memref<512x64xf32, #tpu.memory_space<vmem>>, vector<16xf32>,
        %get3A_389 = arith.index_cast %add3A_376 : i32 to index
        %get3A_390 = arith.constant 16 : index
        %get3A_391 = tpu.vector_load %arg15[%get3A_389, %get3A_390] {strides = array<i32>} : memref<512x64xf32, #tpu.memory_space<vmem>>, vector<16xf32>,
        %mul3A_392 = arith.mulf %get3A_391, %gather3A_381 : vector<16xf32>
        %swap3A_393 = arith.index_cast %add3A_376 : i32 to index
        %swap3A_394 = arith.constant 16 : index
        %swap3A_395 = tpu.vector_load %arg15[%swap3A_393, %swap3A_394] {strides = array<i32>} : memref<512x64xf32, #tpu.memory_space<vmem>>, vector<16xf32>,
        tpu.vector_store %arg15[%swap3A_393, %swap3A_394], %mul3A_392 {strides = array<i32>} : memref<512x64xf32, #tpu.memory_space<vmem>>, vector<16xf32>,
        %get3A_396 = arith.index_cast %add3A_376 : i32 to index
        %get3A_397 = arith.constant 32 : index
        %get3A_398 = tpu.vector_load %arg15[%get3A_396, %get3A_397] {strides = array<i32>} : memref<512x64xf32, #tpu.memory_space<vmem>>, vector<16xf32>,
        %mul3A_399 = arith.mulf %get3A_398, %gather3A_381 : vector<16xf32>
        %swap3A_400 = arith.index_cast %add3A_376 : i32 to index
        %swap3A_401 = arith.constant 32 : index
        %swap3A_402 = tpu.vector_load %arg15[%swap3A_400, %swap3A_401] {strides = array<i32>} : memref<512x64xf32, #tpu.memory_space<vmem>>, vector<16xf32>,
        tpu.vector_store %arg15[%swap3A_400, %swap3A_401], %mul3A_399 {strides = array<i32>} : memref<512x64xf32, #tpu.memory_space<vmem>>, vector<16xf32>,
        %get3A_403 = arith.index_cast %add3A_376 : i32 to index
        %get3A_404 = arith.constant 48 : index
        %get3A_405 = tpu.vector_load %arg15[%get3A_403, %get3A_404] {strides = array<i32>} : memref<512x64xf32, #tpu.memory_space<vmem>>, vector<16xf32>,
        %mul3A_406 = arith.mulf %get3A_405, %gather3A_381 : vector<16xf32>
        %swap3A_407 = arith.index_cast %add3A_376 : i32 to index
        %swap3A_408 = arith.constant 48 : index
        %swap3A_409 = tpu.vector_load %arg15[%swap3A_407, %swap3A_408] {strides = array<i32>} : memref<512x64xf32, #tpu.memory_space<vmem>>, vector<16xf32>,
        tpu.vector_store %arg15[%swap3A_407, %swap3A_408], %mul3A_406 {strides = array<i32>} : memref<512x64xf32, #tpu.memory_space<vmem>>, vector<16xf32>,
        %add3A_410 = arith.constant 128 : i32
        %add3A_411 = arith.addi %add3A_410, %add3A_339 : i32
        %add3A_412 = arith.constant 2 : i32
        %add3A_413 = arith.addi %add3A_411, %add3A_412 : i32
        %broadcast_in_dim3A_414 = arith.constant 130 : i32
        %broadcast_in_dim3A_415 = vector.broadcast %broadcast_in_dim3A_414 : i32 to vector<16xi32>
        %add3A_416 = vector.broadcast %add3A_339 : i32 to vector<16xi32>
        %add3A_417 = arith.addi %broadcast_in_dim3A_415, %add3A_416 : vector<16xi32>
        %gather3A_418 = tpu.vector_load_idx %arg13[%add3A_417] : memref<512xf32, #tpu.memory_space<vmem>>[vector<16xi32>], vector<16xf32>,
        %get3A_419 = arith.index_cast %add3A_413 : i32 to index
        %get3A_420 = arith.constant 0 : index
        %get3A_421 = tpu.vector_load %arg15[%get3A_419, %get3A_420] {strides = array<i32>} : memref<512x64xf32, #tpu.memory_space<vmem>>, vector<16xf32>,
        %mul3A_422 = arith.mulf %get3A_421, %gather3A_418 : vector<16xf32>
        %swap3A_423 = arith.index_cast %add3A_413 : i32 to index
        %swap3A_424 = arith.constant 0 : index
        %swap3A_425 = tpu.vector_load %arg15[%swap3A_423, %swap3A_424] {strides = array<i32>} : memref<512x64xf32, #tpu.memory_space<vmem>>, vector<16xf32>,
        tpu.vector_store %arg15[%swap3A_423, %swap3A_424], %mul3A_422 {strides = array<i32>} : memref<512x64xf32, #tpu.memory_space<vmem>>, vector<16xf32>,
        %get3A_426 = arith.index_cast %add3A_413 : i32 to index
        %get3A_427 = arith.constant 16 : index
        %get3A_428 = tpu.vector_load %arg15[%get3A_426, %get3A_427] {strides = array<i32>} : memref<512x64xf32, #tpu.memory_space<vmem>>, vector<16xf32>,
        %mul3A_429 = arith.mulf %get3A_428, %gather3A_418 : vector<16xf32>
        %swap3A_430 = arith.index_cast %add3A_413 : i32 to index
        %swap3A_431 = arith.constant 16 : index
        %swap3A_432 = tpu.vector_load %arg15[%swap3A_430, %swap3A_431] {strides = array<i32>} : memref<512x64xf32, #tpu.memory_space<vmem>>, vector<16xf32>,
        tpu.vector_store %arg15[%swap3A_430, %swap3A_431], %mul3A_429 {strides = array<i32>} : memref<512x64xf32, #tpu.memory_space<vmem>>, vector<16xf32>,
        %get3A_433 = arith.index_cast %add3A_413 : i32 to index
        %get3A_434 = arith.constant 32 : index
        %get3A_435 = tpu.vector_load %arg15[%get3A_433, %get3A_434] {strides = array<i32>} : memref<512x64xf32, #tpu.memory_space<vmem>>, vector<16xf32>,
        %mul3A_436 = arith.mulf %get3A_435, %gather3A_418 : vector<16xf32>
        %swap3A_437 = arith.index_cast %add3A_413 : i32 to index
        %swap3A_438 = arith.constant 32 : index
        %swap3A_439 = tpu.vector_load %arg15[%swap3A_437, %swap3A_438] {strides = array<i32>} : memref<512x64xf32, #tpu.memory_space<vmem>>, vector<16xf32>,
        tpu.vector_store %arg15[%swap3A_437, %swap3A_438], %mul3A_436 {strides = array<i32>} : memref<512x64xf32, #tpu.memory_space<vmem>>, vector<16xf32>,
        %get3A_440 = arith.index_cast %add3A_413 : i32 to index
        %get3A_441 = arith.constant 48 : index
        %get3A_442 = tpu.vector_load %arg15[%get3A_440, %get3A_441] {strides = array<i32>} : memref<512x64xf32, #tpu.memory_space<vmem>>, vector<16xf32>,
        %mul3A_443 = arith.mulf %get3A_442, %gather3A_418 : vector<16xf32>
        %swap3A_444 = arith.index_cast %add3A_413 : i32 to index
        %swap3A_445 = arith.constant 48 : index
        %swap3A_446 = tpu.vector_load %arg15[%swap3A_444, %swap3A_445] {strides = array<i32>} : memref<512x64xf32, #tpu.memory_space<vmem>>, vector<16xf32>,
        tpu.vector_store %arg15[%swap3A_444, %swap3A_445], %mul3A_443 {strides = array<i32>} : memref<512x64xf32, #tpu.memory_space<vmem>>, vector<16xf32>,
        %add3A_447 = arith.constant 128 : i32
        %add3A_448 = arith.addi %add3A_447, %add3A_339 : i32
        %add3A_449 = arith.constant 3 : i32
        %add3A_450 = arith.addi %add3A_448, %add3A_449 : i32
        %broadcast_in_dim3A_451 = arith.constant 131 : i32
        %broadcast_in_dim3A_452 = vector.broadcast %broadcast_in_dim3A_451 : i32 to vector<16xi32>
        %add3A_453 = vector.broadcast %add3A_339 : i32 to vector<16xi32>
        %add3A_454 = arith.addi %broadcast_in_dim3A_452, %add3A_453 : vector<16xi32>
        %gather3A_455 = tpu.vector_load_idx %arg13[%add3A_454] : memref<512xf32, #tpu.memory_space<vmem>>[vector<16xi32>], vector<16xf32>,
        %get3A_456 = arith.index_cast %add3A_450 : i32 to index
        %get3A_457 = arith.constant 0 : index
        %get3A_458 = tpu.vector_load %arg15[%get3A_456, %get3A_457] {strides = array<i32>} : memref<512x64xf32, #tpu.memory_space<vmem>>, vector<16xf32>,
        %mul3A_459 = arith.mulf %get3A_458, %gather3A_455 : vector<16xf32>
        %swap3A_460 = arith.index_cast %add3A_450 : i32 to index
        %swap3A_461 = arith.constant 0 : index
        %swap3A_462 = tpu.vector_load %arg15[%swap3A_460, %swap3A_461] {strides = array<i32>} : memref<512x64xf32, #tpu.memory_space<vmem>>, vector<16xf32>,
        tpu.vector_store %arg15[%swap3A_460, %swap3A_461], %mul3A_459 {strides = array<i32>} : memref<512x64xf32, #tpu.memory_space<vmem>>, vector<16xf32>,
        %get3A_463 = arith.index_cast %add3A_450 : i32 to index
        %get3A_464 = arith.constant 16 : index
        %get3A_465 = tpu.vector_load %arg15[%get3A_463, %get3A_464] {strides = array<i32>} : memref<512x64xf32, #tpu.memory_space<vmem>>, vector<16xf32>,
        %mul3A_466 = arith.mulf %get3A_465, %gather3A_455 : vector<16xf32>
        %swap3A_467 = arith.index_cast %add3A_450 : i32 to index
        %swap3A_468 = arith.constant 16 : index
        %swap3A_469 = tpu.vector_load %arg15[%swap3A_467, %swap3A_468] {strides = array<i32>} : memref<512x64xf32, #tpu.memory_space<vmem>>, vector<16xf32>,
        tpu.vector_store %arg15[%swap3A_467, %swap3A_468], %mul3A_466 {strides = array<i32>} : memref<512x64xf32, #tpu.memory_space<vmem>>, vector<16xf32>,
        %get3A_470 = arith.index_cast %add3A_450 : i32 to index
        %get3A_471 = arith.constant 32 : index
        %get3A_472 = tpu.vector_load %arg15[%get3A_470, %get3A_471] {strides = array<i32>} : memref<512x64xf32, #tpu.memory_space<vmem>>, vector<16xf32>,
        %mul3A_473 = arith.mulf %get3A_472, %gather3A_455 : vector<16xf32>
        %swap3A_474 = arith.index_cast %add3A_450 : i32 to index
        %swap3A_475 = arith.constant 32 : index
        %swap3A_476 = tpu.vector_load %arg15[%swap3A_474, %swap3A_475] {strides = array<i32>} : memref<512x64xf32, #tpu.memory_space<vmem>>, vector<16xf32>,
        tpu.vector_store %arg15[%swap3A_474, %swap3A_475], %mul3A_473 {strides = array<i32>} : memref<512x64xf32, #tpu.memory_space<vmem>>, vector<16xf32>,
        %get3A_477 = arith.index_cast %add3A_450 : i32 to index
        %get3A_478 = arith.constant 48 : index
        %get3A_479 = tpu.vector_load %arg15[%get3A_477, %get3A_478] {strides = array<i32>} : memref<512x64xf32, #tpu.memory_space<vmem>>, vector<16xf32>,
        %mul3A_480 = arith.mulf %get3A_479, %gather3A_455 : vector<16xf32>
        %swap3A_481 = arith.index_cast %add3A_450 : i32 to index
        %swap3A_482 = arith.constant 48 : index
        %swap3A_483 = tpu.vector_load %arg15[%swap3A_481, %swap3A_482] {strides = array<i32>} : memref<512x64xf32, #tpu.memory_space<vmem>>, vector<16xf32>,
        tpu.vector_store %arg15[%swap3A_481, %swap3A_482], %mul3A_480 {strides = array<i32>} : memref<512x64xf32, #tpu.memory_space<vmem>>, vector<16xf32>,
      }
      %scan3A_234 = arith.constant 32 : i32
      %dma_start3A_235 = arith.constant 1 : i32
      %dma_start3A_236 = arith.constant 128 : i32
      %dma_start3A_237 = arith.constant 0 : i32
      %dma_start3A_238 = tpu.memref_slice %arg15[%dma_start3A_236, %dma_start3A_237] : memref<512x64xf32, #tpu.memory_space<vmem>> -> memref<128x64xf32, #tpu.memory_space<vmem>>
      %dma_start3A_239 = arith.constant 0 : i32
      %dma_start3A_240 = tpu.memref_slice %arg12[%dma_start3A_235, %dma_start3A_239] : memref<4x128xi32, #tpu.memory_space<vmem>> -> memref<1x128xi32, #tpu.memory_space<vmem>>
      %dma_start3A_241 = tpu.memref_squeeze %dma_start3A_240 : memref<1x128xi32, #tpu.memory_space<vmem>> -> memref<128xi32, #tpu.memory_space<vmem>>
      %dma_start3A_242 = arith.constant 0 : i32
      %dma_start3A_243 = arith.constant 0 : i32
      %dma_start3A_244 = tpu.memref_slice %arg8[%dma_start3A_242, %dma_start3A_243] : memref<10240x64xf32, #tpu.memory_space<vmem_shared>> -> memref<10240x64xf32, #tpu.memory_space<vmem_shared>>
      tpu.enqueue_indirect_dma source(%dma_start3A_238 : memref<128x64xf32, #tpu.memory_space<vmem>>) target(%dma_start3A_244 : memref<10240x64xf32, #tpu.memory_space<vmem_shared>>) offsets(%dma_start3A_241 : memref<128xi32, #tpu.memory_space<vmem>>) semaphore(%arg17 : memref<!tpu.dma_semaphore, #tpu.memory_space<semaphore_mem>>) {add = true}
      %dma_wait3A_245 = arith.constant 2 : i32
      %dma_wait3A_246 = arith.constant 256 : i32
      %dma_wait3A_247 = arith.constant 0 : i32
      %dma_wait3A_248 = tpu.memref_slice %arg15[%dma_wait3A_246, %dma_wait3A_247] : memref<512x64xf32, #tpu.memory_space<vmem>> -> memref<128x64xf32, #tpu.memory_space<vmem>>
      %dma_wait3A_249 = arith.constant 0 : i32
      %dma_wait3A_250 = tpu.memref_slice %arg11[%dma_wait3A_245, %dma_wait3A_249] : memref<4x128xi32, #tpu.memory_space<vmem>> -> memref<1x128xi32, #tpu.memory_space<vmem>>
      %dma_wait3A_251 = tpu.memref_squeeze %dma_wait3A_250 : memref<1x128xi32, #tpu.memory_space<vmem>> -> memref<128xi32, #tpu.memory_space<vmem>>
      %dma_wait3A_252 = arith.constant 0 : i32
      %dma_wait3A_253 = arith.constant 0 : i32
      %dma_wait3A_254 = tpu.memref_slice %arg9[%dma_wait3A_252, %dma_wait3A_253] : memref<10240x64xf32, #tpu.memory_space<vmem_shared>> -> memref<10240x64xf32, #tpu.memory_space<vmem_shared>>
      tpu.wait_indirect_dma semaphore(%arg22 : memref<!tpu.dma_semaphore, #tpu.memory_space<semaphore_mem>>) src(%dma_wait3A_254 : memref<10240x64xf32, #tpu.memory_space<vmem_shared>>) dst(%dma_wait3A_248 : memref<128x64xf32, #tpu.memory_space<vmem>>)
      %scan3A_255 = arith.constant 0 : i32
      %scan3A_256 = arith.constant 32 : i32
      %scan3A_257 = arith.addi %scan3A_255, %scan3A_256 : i32
      %scan3A_258 = arith.constant 1 : i32
      scf.for %scan3A_335 = %scan3A_255 to %scan3A_257 step %scan3A_258  : i32 {
        %mul3A_336 = arith.constant 4 : i32
        %mul3A_337 = arith.muli %scan3A_335, %mul3A_336 : i32
        %add3A_338 = arith.constant 0 : i32
        %add3A_339 = arith.addi %add3A_338, %mul3A_337 : i32
        %add3A_340 = arith.constant 256 : i32
        %add3A_341 = arith.addi %add3A_340, %add3A_339 : i32
        %add3A_342 = arith.constant 0 : i32
        %add3A_343 = arith.addi %add3A_341, %add3A_342 : i32
        %broadcast_in_dim3A = arith.constant 256 : i32
        %broadcast_in_dim3A_344 = vector.broadcast %broadcast_in_dim3A : i32 to vector<16xi32>
        %add3A_345 = vector.broadcast %add3A_339 : i32 to vector<16xi32>
        %add3A_346 = arith.addi %broadcast_in_dim3A_344, %add3A_345 : vector<16xi32>
        %gather3A = tpu.vector_load_idx %arg13[%add3A_346] : memref<512xf32, #tpu.memory_space<vmem>>[vector<16xi32>], vector<16xf32>,
        %get3A = arith.index_cast %add3A_343 : i32 to index
        %get3A_347 = arith.constant 0 : index
        %get3A_348 = tpu.vector_load %arg15[%get3A, %get3A_347] {strides = array<i32>} : memref<512x64xf32, #tpu.memory_space<vmem>>, vector<16xf32>,
        %mul3A_349 = arith.mulf %get3A_348, %gather3A : vector<16xf32>
        %swap3A = arith.index_cast %add3A_343 : i32 to index
        %swap3A_350 = arith.constant 0 : index
        %swap3A_351 = tpu.vector_load %arg15[%swap3A, %swap3A_350] {strides = array<i32>} : memref<512x64xf32, #tpu.memory_space<vmem>>, vector<16xf32>,
        tpu.vector_store %arg15[%swap3A, %swap3A_350], %mul3A_349 {strides = array<i32>} : memref<512x64xf32, #tpu.memory_space<vmem>>, vector<16xf32>,
        %get3A_352 = arith.index_cast %add3A_343 : i32 to index
        %get3A_353 = arith.constant 16 : index
        %get3A_354 = tpu.vector_load %arg15[%get3A_352, %get3A_353] {strides = array<i32>} : memref<512x64xf32, #tpu.memory_space<vmem>>, vector<16xf32>,
        %mul3A_355 = arith.mulf %get3A_354, %gather3A : vector<16xf32>
        %swap3A_356 = arith.index_cast %add3A_343 : i32 to index
        %swap3A_357 = arith.constant 16 : index
        %swap3A_358 = tpu.vector_load %arg15[%swap3A_356, %swap3A_357] {strides = array<i32>} : memref<512x64xf32, #tpu.memory_space<vmem>>, vector<16xf32>,
        tpu.vector_store %arg15[%swap3A_356, %swap3A_357], %mul3A_355 {strides = array<i32>} : memref<512x64xf32, #tpu.memory_space<vmem>>, vector<16xf32>,
        %get3A_359 = arith.index_cast %add3A_343 : i32 to index
        %get3A_360 = arith.constant 32 : index
        %get3A_361 = tpu.vector_load %arg15[%get3A_359, %get3A_360] {strides = array<i32>} : memref<512x64xf32, #tpu.memory_space<vmem>>, vector<16xf32>,
        %mul3A_362 = arith.mulf %get3A_361, %gather3A : vector<16xf32>
        %swap3A_363 = arith.index_cast %add3A_343 : i32 to index
        %swap3A_364 = arith.constant 32 : index
        %swap3A_365 = tpu.vector_load %arg15[%swap3A_363, %swap3A_364] {strides = array<i32>} : memref<512x64xf32, #tpu.memory_space<vmem>>, vector<16xf32>,
        tpu.vector_store %arg15[%swap3A_363, %swap3A_364], %mul3A_362 {strides = array<i32>} : memref<512x64xf32, #tpu.memory_space<vmem>>, vector<16xf32>,
        %get3A_366 = arith.index_cast %add3A_343 : i32 to index
        %get3A_367 = arith.constant 48 : index
        %get3A_368 = tpu.vector_load %arg15[%get3A_366, %get3A_367] {strides = array<i32>} : memref<512x64xf32, #tpu.memory_space<vmem>>, vector<16xf32>,
        %mul3A_369 = arith.mulf %get3A_368, %gather3A : vector<16xf32>
        %swap3A_370 = arith.index_cast %add3A_343 : i32 to index
        %swap3A_371 = arith.constant 48 : index
        %swap3A_372 = tpu.vector_load %arg15[%swap3A_370, %swap3A_371] {strides = array<i32>} : memref<512x64xf32, #tpu.memory_space<vmem>>, vector<16xf32>,
        tpu.vector_store %arg15[%swap3A_370, %swap3A_371], %mul3A_369 {strides = array<i32>} : memref<512x64xf32, #tpu.memory_space<vmem>>, vector<16xf32>,
        %add3A_373 = arith.constant 256 : i32
        %add3A_374 = arith.addi %add3A_373, %add3A_339 : i32
        %add3A_375 = arith.constant 1 : i32
        %add3A_376 = arith.addi %add3A_374, %add3A_375 : i32
        %broadcast_in_dim3A_377 = arith.constant 257 : i32
        %broadcast_in_dim3A_378 = vector.broadcast %broadcast_in_dim3A_377 : i32 to vector<16xi32>
        %add3A_379 = vector.broadcast %add3A_339 : i32 to vector<16xi32>
        %add3A_380 = arith.addi %broadcast_in_dim3A_378, %add3A_379 : vector<16xi32>
        %gather3A_381 = tpu.vector_load_idx %arg13[%add3A_380] : memref<512xf32, #tpu.memory_space<vmem>>[vector<16xi32>], vector<16xf32>,
        %get3A_382 = arith.index_cast %add3A_376 : i32 to index
        %get3A_383 = arith.constant 0 : index
        %get3A_384 = tpu.vector_load %arg15[%get3A_382, %get3A_383] {strides = array<i32>} : memref<512x64xf32, #tpu.memory_space<vmem>>, vector<16xf32>,
        %mul3A_385 = arith.mulf %get3A_384, %gather3A_381 : vector<16xf32>
        %swap3A_386 = arith.index_cast %add3A_376 : i32 to index
        %swap3A_387 = arith.constant 0 : index
        %swap3A_388 = tpu.vector_load %arg15[%swap3A_386, %swap3A_387] {strides = array<i32>} : memref<512x64xf32, #tpu.memory_space<vmem>>, vector<16xf32>,
        tpu.vector_store %arg15[%swap3A_386, %swap3A_387], %mul3A_385 {strides = array<i32>} : memref<512x64xf32, #tpu.memory_space<vmem>>, vector<16xf32>,
        %get3A_389 = arith.index_cast %add3A_376 : i32 to index
        %get3A_390 = arith.constant 16 : index
        %get3A_391 = tpu.vector_load %arg15[%get3A_389, %get3A_390] {strides = array<i32>} : memref<512x64xf32, #tpu.memory_space<vmem>>, vector<16xf32>,
        %mul3A_392 = arith.mulf %get3A_391, %gather3A_381 : vector<16xf32>
        %swap3A_393 = arith.index_cast %add3A_376 : i32 to index
        %swap3A_394 = arith.constant 16 : index
        %swap3A_395 = tpu.vector_load %arg15[%swap3A_393, %swap3A_394] {strides = array<i32>} : memref<512x64xf32, #tpu.memory_space<vmem>>, vector<16xf32>,
        tpu.vector_store %arg15[%swap3A_393, %swap3A_394], %mul3A_392 {strides = array<i32>} : memref<512x64xf32, #tpu.memory_space<vmem>>, vector<16xf32>,
        %get3A_396 = arith.index_cast %add3A_376 : i32 to index
        %get3A_397 = arith.constant 32 : index
        %get3A_398 = tpu.vector_load %arg15[%get3A_396, %get3A_397] {strides = array<i32>} : memref<512x64xf32, #tpu.memory_space<vmem>>, vector<16xf32>,
        %mul3A_399 = arith.mulf %get3A_398, %gather3A_381 : vector<16xf32>
        %swap3A_400 = arith.index_cast %add3A_376 : i32 to index
        %swap3A_401 = arith.constant 32 : index
        %swap3A_402 = tpu.vector_load %arg15[%swap3A_400, %swap3A_401] {strides = array<i32>} : memref<512x64xf32, #tpu.memory_space<vmem>>, vector<16xf32>,
        tpu.vector_store %arg15[%swap3A_400, %swap3A_401], %mul3A_399 {strides = array<i32>} : memref<512x64xf32, #tpu.memory_space<vmem>>, vector<16xf32>,
        %get3A_403 = arith.index_cast %add3A_376 : i32 to index
        %get3A_404 = arith.constant 48 : index
        %get3A_405 = tpu.vector_load %arg15[%get3A_403, %get3A_404] {strides = array<i32>} : memref<512x64xf32, #tpu.memory_space<vmem>>, vector<16xf32>,
        %mul3A_406 = arith.mulf %get3A_405, %gather3A_381 : vector<16xf32>
        %swap3A_407 = arith.index_cast %add3A_376 : i32 to index
        %swap3A_408 = arith.constant 48 : index
        %swap3A_409 = tpu.vector_load %arg15[%swap3A_407, %swap3A_408] {strides = array<i32>} : memref<512x64xf32, #tpu.memory_space<vmem>>, vector<16xf32>,
        tpu.vector_store %arg15[%swap3A_407, %swap3A_408], %mul3A_406 {strides = array<i32>} : memref<512x64xf32, #tpu.memory_space<vmem>>, vector<16xf32>,
        %add3A_410 = arith.constant 256 : i32
        %add3A_411 = arith.addi %add3A_410, %add3A_339 : i32
        %add3A_412 = arith.constant 2 : i32
        %add3A_413 = arith.addi %add3A_411, %add3A_412 : i32
        %broadcast_in_dim3A_414 = arith.constant 258 : i32
        %broadcast_in_dim3A_415 = vector.broadcast %broadcast_in_dim3A_414 : i32 to vector<16xi32>
        %add3A_416 = vector.broadcast %add3A_339 : i32 to vector<16xi32>
        %add3A_417 = arith.addi %broadcast_in_dim3A_415, %add3A_416 : vector<16xi32>
        %gather3A_418 = tpu.vector_load_idx %arg13[%add3A_417] : memref<512xf32, #tpu.memory_space<vmem>>[vector<16xi32>], vector<16xf32>,
        %get3A_419 = arith.index_cast %add3A_413 : i32 to index
        %get3A_420 = arith.constant 0 : index
        %get3A_421 = tpu.vector_load %arg15[%get3A_419, %get3A_420] {strides = array<i32>} : memref<512x64xf32, #tpu.memory_space<vmem>>, vector<16xf32>,
        %mul3A_422 = arith.mulf %get3A_421, %gather3A_418 : vector<16xf32>
        %swap3A_423 = arith.index_cast %add3A_413 : i32 to index
        %swap3A_424 = arith.constant 0 : index
        %swap3A_425 = tpu.vector_load %arg15[%swap3A_423, %swap3A_424] {strides = array<i32>} : memref<512x64xf32, #tpu.memory_space<vmem>>, vector<16xf32>,
        tpu.vector_store %arg15[%swap3A_423, %swap3A_424], %mul3A_422 {strides = array<i32>} : memref<512x64xf32, #tpu.memory_space<vmem>>, vector<16xf32>,
        %get3A_426 = arith.index_cast %add3A_413 : i32 to index
        %get3A_427 = arith.constant 16 : index
        %get3A_428 = tpu.vector_load %arg15[%get3A_426, %get3A_427] {strides = array<i32>} : memref<512x64xf32, #tpu.memory_space<vmem>>, vector<16xf32>,
        %mul3A_429 = arith.mulf %get3A_428, %gather3A_418 : vector<16xf32>
        %swap3A_430 = arith.index_cast %add3A_413 : i32 to index
        %swap3A_431 = arith.constant 16 : index
        %swap3A_432 = tpu.vector_load %arg15[%swap3A_430, %swap3A_431] {strides = array<i32>} : memref<512x64xf32, #tpu.memory_space<vmem>>, vector<16xf32>,
        tpu.vector_store %arg15[%swap3A_430, %swap3A_431], %mul3A_429 {strides = array<i32>} : memref<512x64xf32, #tpu.memory_space<vmem>>, vector<16xf32>,
        %get3A_433 = arith.index_cast %add3A_413 : i32 to index
        %get3A_434 = arith.constant 32 : index
        %get3A_435 = tpu.vector_load %arg15[%get3A_433, %get3A_434] {strides = array<i32>} : memref<512x64xf32, #tpu.memory_space<vmem>>, vector<16xf32>,
        %mul3A_436 = arith.mulf %get3A_435, %gather3A_418 : vector<16xf32>
        %swap3A_437 = arith.index_cast %add3A_413 : i32 to index
        %swap3A_438 = arith.constant 32 : index
        %swap3A_439 = tpu.vector_load %arg15[%swap3A_437, %swap3A_438] {strides = array<i32>} : memref<512x64xf32, #tpu.memory_space<vmem>>, vector<16xf32>,
        tpu.vector_store %arg15[%swap3A_437, %swap3A_438], %mul3A_436 {strides = array<i32>} : memref<512x64xf32, #tpu.memory_space<vmem>>, vector<16xf32>,
        %get3A_440 = arith.index_cast %add3A_413 : i32 to index
        %get3A_441 = arith.constant 48 : index
        %get3A_442 = tpu.vector_load %arg15[%get3A_440, %get3A_441] {strides = array<i32>} : memref<512x64xf32, #tpu.memory_space<vmem>>, vector<16xf32>,
        %mul3A_443 = arith.mulf %get3A_442, %gather3A_418 : vector<16xf32>
        %swap3A_444 = arith.index_cast %add3A_413 : i32 to index
        %swap3A_445 = arith.constant 48 : index
        %swap3A_446 = tpu.vector_load %arg15[%swap3A_444, %swap3A_445] {strides = array<i32>} : memref<512x64xf32, #tpu.memory_space<vmem>>, vector<16xf32>,
        tpu.vector_store %arg15[%swap3A_444, %swap3A_445], %mul3A_443 {strides = array<i32>} : memref<512x64xf32, #tpu.memory_space<vmem>>, vector<16xf32>,
        %add3A_447 = arith.constant 256 : i32
        %add3A_448 = arith.addi %add3A_447, %add3A_339 : i32
        %add3A_449 = arith.constant 3 : i32
        %add3A_450 = arith.addi %add3A_448, %add3A_449 : i32
        %broadcast_in_dim3A_451 = arith.constant 259 : i32
        %broadcast_in_dim3A_452 = vector.broadcast %broadcast_in_dim3A_451 : i32 to vector<16xi32>
        %add3A_453 = vector.broadcast %add3A_339 : i32 to vector<16xi32>
        %add3A_454 = arith.addi %broadcast_in_dim3A_452, %add3A_453 : vector<16xi32>
        %gather3A_455 = tpu.vector_load_idx %arg13[%add3A_454] : memref<512xf32, #tpu.memory_space<vmem>>[vector<16xi32>], vector<16xf32>,
        %get3A_456 = arith.index_cast %add3A_450 : i32 to index
        %get3A_457 = arith.constant 0 : index
        %get3A_458 = tpu.vector_load %arg15[%get3A_456, %get3A_457] {strides = array<i32>} : memref<512x64xf32, #tpu.memory_space<vmem>>, vector<16xf32>,
        %mul3A_459 = arith.mulf %get3A_458, %gather3A_455 : vector<16xf32>
        %swap3A_460 = arith.index_cast %add3A_450 : i32 to index
        %swap3A_461 = arith.constant 0 : index
        %swap3A_462 = tpu.vector_load %arg15[%swap3A_460, %swap3A_461] {strides = array<i32>} : memref<512x64xf32, #tpu.memory_space<vmem>>, vector<16xf32>,
        tpu.vector_store %arg15[%swap3A_460, %swap3A_461], %mul3A_459 {strides = array<i32>} : memref<512x64xf32, #tpu.memory_space<vmem>>, vector<16xf32>,
        %get3A_463 = arith.index_cast %add3A_450 : i32 to index
        %get3A_464 = arith.constant 16 : index
        %get3A_465 = tpu.vector_load %arg15[%get3A_463, %get3A_464] {strides = array<i32>} : memref<512x64xf32, #tpu.memory_space<vmem>>, vector<16xf32>,
        %mul3A_466 = arith.mulf %get3A_465, %gather3A_455 : vector<16xf32>
        %swap3A_467 = arith.index_cast %add3A_450 : i32 to index
        %swap3A_468 = arith.constant 16 : index
        %swap3A_469 = tpu.vector_load %arg15[%swap3A_467, %swap3A_468] {strides = array<i32>} : memref<512x64xf32, #tpu.memory_space<vmem>>, vector<16xf32>,
        tpu.vector_store %arg15[%swap3A_467, %swap3A_468], %mul3A_466 {strides = array<i32>} : memref<512x64xf32, #tpu.memory_space<vmem>>, vector<16xf32>,
        %get3A_470 = arith.index_cast %add3A_450 : i32 to index
        %get3A_471 = arith.constant 32 : index
        %get3A_472 = tpu.vector_load %arg15[%get3A_470, %get3A_471] {strides = array<i32>} : memref<512x64xf32, #tpu.memory_space<vmem>>, vector<16xf32>,
        %mul3A_473 = arith.mulf %get3A_472, %gather3A_455 : vector<16xf32>
        %swap3A_474 = arith.index_cast %add3A_450 : i32 to index
        %swap3A_475 = arith.constant 32 : index
        %swap3A_476 = tpu.vector_load %arg15[%swap3A_474, %swap3A_475] {strides = array<i32>} : memref<512x64xf32, #tpu.memory_space<vmem>>, vector<16xf32>,
        tpu.vector_store %arg15[%swap3A_474, %swap3A_475], %mul3A_473 {strides = array<i32>} : memref<512x64xf32, #tpu.memory_space<vmem>>, vector<16xf32>,
        %get3A_477 = arith.index_cast %add3A_450 : i32 to index
        %get3A_478 = arith.constant 48 : index
        %get3A_479 = tpu.vector_load %arg15[%get3A_477, %get3A_478] {strides = array<i32>} : memref<512x64xf32, #tpu.memory_space<vmem>>, vector<16xf32>,
        %mul3A_480 = arith.mulf %get3A_479, %gather3A_455 : vector<16xf32>
        %swap3A_481 = arith.index_cast %add3A_450 : i32 to index
        %swap3A_482 = arith.constant 48 : index
        %swap3A_483 = tpu.vector_load %arg15[%swap3A_481, %swap3A_482] {strides = array<i32>} : memref<512x64xf32, #tpu.memory_space<vmem>>, vector<16xf32>,
        tpu.vector_store %arg15[%swap3A_481, %swap3A_482], %mul3A_480 {strides = array<i32>} : memref<512x64xf32, #tpu.memory_space<vmem>>, vector<16xf32>,
      }
      %scan3A_259 = arith.constant 32 : i32
      %dma_start3A_260 = arith.constant 2 : i32
      %dma_start3A_261 = arith.constant 256 : i32
      %dma_start3A_262 = arith.constant 0 : i32
      %dma_start3A_263 = tpu.memref_slice %arg15[%dma_start3A_261, %dma_start3A_262] : memref<512x64xf32, #tpu.memory_space<vmem>> -> memref<128x64xf32, #tpu.memory_space<vmem>>
      %dma_start3A_264 = arith.constant 0 : i32
      %dma_start3A_265 = tpu.memref_slice %arg12[%dma_start3A_260, %dma_start3A_264] : memref<4x128xi32, #tpu.memory_space<vmem>> -> memref<1x128xi32, #tpu.memory_space<vmem>>
      %dma_start3A_266 = tpu.memref_squeeze %dma_start3A_265 : memref<1x128xi32, #tpu.memory_space<vmem>> -> memref<128xi32, #tpu.memory_space<vmem>>
      %dma_start3A_267 = arith.constant 0 : i32
      %dma_start3A_268 = arith.constant 0 : i32
      %dma_start3A_269 = tpu.memref_slice %arg8[%dma_start3A_267, %dma_start3A_268] : memref<10240x64xf32, #tpu.memory_space<vmem_shared>> -> memref<10240x64xf32, #tpu.memory_space<vmem_shared>>
      tpu.enqueue_indirect_dma source(%dma_start3A_263 : memref<128x64xf32, #tpu.memory_space<vmem>>) target(%dma_start3A_269 : memref<10240x64xf32, #tpu.memory_space<vmem_shared>>) offsets(%dma_start3A_266 : memref<128xi32, #tpu.memory_space<vmem>>) semaphore(%arg18 : memref<!tpu.dma_semaphore, #tpu.memory_space<semaphore_mem>>) {add = true}
      %dma_wait3A_270 = arith.constant 3 : i32
      %dma_wait3A_271 = arith.constant 384 : i32
      %dma_wait3A_272 = arith.constant 0 : i32
      %dma_wait3A_273 = tpu.memref_slice %arg15[%dma_wait3A_271, %dma_wait3A_272] : memref<512x64xf32, #tpu.memory_space<vmem>> -> memref<128x64xf32, #tpu.memory_space<vmem>>
      %dma_wait3A_274 = arith.constant 0 : i32
      %dma_wait3A_275 = tpu.memref_slice %arg11[%dma_wait3A_270, %dma_wait3A_274] : memref<4x128xi32, #tpu.memory_space<vmem>> -> memref<1x128xi32, #tpu.memory_space<vmem>>
      %dma_wait3A_276 = tpu.memref_squeeze %dma_wait3A_275 : memref<1x128xi32, #tpu.memory_space<vmem>> -> memref<128xi32, #tpu.memory_space<vmem>>
      %dma_wait3A_277 = arith.constant 0 : i32
      %dma_wait3A_278 = arith.constant 0 : i32
      %dma_wait3A_279 = tpu.memref_slice %arg9[%dma_wait3A_277, %dma_wait3A_278] : memref<10240x64xf32, #tpu.memory_space<vmem_shared>> -> memref<10240x64xf32, #tpu.memory_space<vmem_shared>>
      tpu.wait_indirect_dma semaphore(%arg23 : memref<!tpu.dma_semaphore, #tpu.memory_space<semaphore_mem>>) src(%dma_wait3A_279 : memref<10240x64xf32, #tpu.memory_space<vmem_shared>>) dst(%dma_wait3A_273 : memref<128x64xf32, #tpu.memory_space<vmem>>)
      %scan3A_280 = arith.constant 0 : i32
      %scan3A_281 = arith.constant 32 : i32
      %scan3A_282 = arith.addi %scan3A_280, %scan3A_281 : i32
      %scan3A_283 = arith.constant 1 : i32
      scf.for %scan3A_335 = %scan3A_280 to %scan3A_282 step %scan3A_283  : i32 {
        %mul3A_336 = arith.constant 4 : i32
        %mul3A_337 = arith.muli %scan3A_335, %mul3A_336 : i32
        %add3A_338 = arith.constant 0 : i32
        %add3A_339 = arith.addi %add3A_338, %mul3A_337 : i32
        %add3A_340 = arith.constant 384 : i32
        %add3A_341 = arith.addi %add3A_340, %add3A_339 : i32
        %add3A_342 = arith.constant 0 : i32
        %add3A_343 = arith.addi %add3A_341, %add3A_342 : i32
        %broadcast_in_dim3A = arith.constant 384 : i32
        %broadcast_in_dim3A_344 = vector.broadcast %broadcast_in_dim3A : i32 to vector<16xi32>
        %add3A_345 = vector.broadcast %add3A_339 : i32 to vector<16xi32>
        %add3A_346 = arith.addi %broadcast_in_dim3A_344, %add3A_345 : vector<16xi32>
        %gather3A = tpu.vector_load_idx %arg13[%add3A_346] : memref<512xf32, #tpu.memory_space<vmem>>[vector<16xi32>], vector<16xf32>,
        %get3A = arith.index_cast %add3A_343 : i32 to index
        %get3A_347 = arith.constant 0 : index
        %get3A_348 = tpu.vector_load %arg15[%get3A, %get3A_347] {strides = array<i32>} : memref<512x64xf32, #tpu.memory_space<vmem>>, vector<16xf32>,
        %mul3A_349 = arith.mulf %get3A_348, %gather3A : vector<16xf32>
        %swap3A = arith.index_cast %add3A_343 : i32 to index
        %swap3A_350 = arith.constant 0 : index
        %swap3A_351 = tpu.vector_load %arg15[%swap3A, %swap3A_350] {strides = array<i32>} : memref<512x64xf32, #tpu.memory_space<vmem>>, vector<16xf32>,
        tpu.vector_store %arg15[%swap3A, %swap3A_350], %mul3A_349 {strides = array<i32>} : memref<512x64xf32, #tpu.memory_space<vmem>>, vector<16xf32>,
        %get3A_352 = arith.index_cast %add3A_343 : i32 to index
        %get3A_353 = arith.constant 16 : index
        %get3A_354 = tpu.vector_load %arg15[%get3A_352, %get3A_353] {strides = array<i32>} : memref<512x64xf32, #tpu.memory_space<vmem>>, vector<16xf32>,
        %mul3A_355 = arith.mulf %get3A_354, %gather3A : vector<16xf32>
        %swap3A_356 = arith.index_cast %add3A_343 : i32 to index
        %swap3A_357 = arith.constant 16 : index
        %swap3A_358 = tpu.vector_load %arg15[%swap3A_356, %swap3A_357] {strides = array<i32>} : memref<512x64xf32, #tpu.memory_space<vmem>>, vector<16xf32>,
        tpu.vector_store %arg15[%swap3A_356, %swap3A_357], %mul3A_355 {strides = array<i32>} : memref<512x64xf32, #tpu.memory_space<vmem>>, vector<16xf32>,
        %get3A_359 = arith.index_cast %add3A_343 : i32 to index
        %get3A_360 = arith.constant 32 : index
        %get3A_361 = tpu.vector_load %arg15[%get3A_359, %get3A_360] {strides = array<i32>} : memref<512x64xf32, #tpu.memory_space<vmem>>, vector<16xf32>,
        %mul3A_362 = arith.mulf %get3A_361, %gather3A : vector<16xf32>
        %swap3A_363 = arith.index_cast %add3A_343 : i32 to index
        %swap3A_364 = arith.constant 32 : index
        %swap3A_365 = tpu.vector_load %arg15[%swap3A_363, %swap3A_364] {strides = array<i32>} : memref<512x64xf32, #tpu.memory_space<vmem>>, vector<16xf32>,
        tpu.vector_store %arg15[%swap3A_363, %swap3A_364], %mul3A_362 {strides = array<i32>} : memref<512x64xf32, #tpu.memory_space<vmem>>, vector<16xf32>,
        %get3A_366 = arith.index_cast %add3A_343 : i32 to index
        %get3A_367 = arith.constant 48 : index
        %get3A_368 = tpu.vector_load %arg15[%get3A_366, %get3A_367] {strides = array<i32>} : memref<512x64xf32, #tpu.memory_space<vmem>>, vector<16xf32>,
        %mul3A_369 = arith.mulf %get3A_368, %gather3A : vector<16xf32>
        %swap3A_370 = arith.index_cast %add3A_343 : i32 to index
        %swap3A_371 = arith.constant 48 : index
        %swap3A_372 = tpu.vector_load %arg15[%swap3A_370, %swap3A_371] {strides = array<i32>} : memref<512x64xf32, #tpu.memory_space<vmem>>, vector<16xf32>,
        tpu.vector_store %arg15[%swap3A_370, %swap3A_371], %mul3A_369 {strides = array<i32>} : memref<512x64xf32, #tpu.memory_space<vmem>>, vector<16xf32>,
        %add3A_373 = arith.constant 384 : i32
        %add3A_374 = arith.addi %add3A_373, %add3A_339 : i32
        %add3A_375 = arith.constant 1 : i32
        %add3A_376 = arith.addi %add3A_374, %add3A_375 : i32
        %broadcast_in_dim3A_377 = arith.constant 385 : i32
        %broadcast_in_dim3A_378 = vector.broadcast %broadcast_in_dim3A_377 : i32 to vector<16xi32>
        %add3A_379 = vector.broadcast %add3A_339 : i32 to vector<16xi32>
        %add3A_380 = arith.addi %broadcast_in_dim3A_378, %add3A_379 : vector<16xi32>
        %gather3A_381 = tpu.vector_load_idx %arg13[%add3A_380] : memref<512xf32, #tpu.memory_space<vmem>>[vector<16xi32>], vector<16xf32>,
        %get3A_382 = arith.index_cast %add3A_376 : i32 to index
        %get3A_383 = arith.constant 0 : index
        %get3A_384 = tpu.vector_load %arg15[%get3A_382, %get3A_383] {strides = array<i32>} : memref<512x64xf32, #tpu.memory_space<vmem>>, vector<16xf32>,
        %mul3A_385 = arith.mulf %get3A_384, %gather3A_381 : vector<16xf32>
        %swap3A_386 = arith.index_cast %add3A_376 : i32 to index
        %swap3A_387 = arith.constant 0 : index
        %swap3A_388 = tpu.vector_load %arg15[%swap3A_386, %swap3A_387] {strides = array<i32>} : memref<512x64xf32, #tpu.memory_space<vmem>>, vector<16xf32>,
        tpu.vector_store %arg15[%swap3A_386, %swap3A_387], %mul3A_385 {strides = array<i32>} : memref<512x64xf32, #tpu.memory_space<vmem>>, vector<16xf32>,
        %get3A_389 = arith.index_cast %add3A_376 : i32 to index
        %get3A_390 = arith.constant 16 : index
        %get3A_391 = tpu.vector_load %arg15[%get3A_389, %get3A_390] {strides = array<i32>} : memref<512x64xf32, #tpu.memory_space<vmem>>, vector<16xf32>,
        %mul3A_392 = arith.mulf %get3A_391, %gather3A_381 : vector<16xf32>
        %swap3A_393 = arith.index_cast %add3A_376 : i32 to index
        %swap3A_394 = arith.constant 16 : index
        %swap3A_395 = tpu.vector_load %arg15[%swap3A_393, %swap3A_394] {strides = array<i32>} : memref<512x64xf32, #tpu.memory_space<vmem>>, vector<16xf32>,
        tpu.vector_store %arg15[%swap3A_393, %swap3A_394], %mul3A_392 {strides = array<i32>} : memref<512x64xf32, #tpu.memory_space<vmem>>, vector<16xf32>,
        %get3A_396 = arith.index_cast %add3A_376 : i32 to index
        %get3A_397 = arith.constant 32 : index
        %get3A_398 = tpu.vector_load %arg15[%get3A_396, %get3A_397] {strides = array<i32>} : memref<512x64xf32, #tpu.memory_space<vmem>>, vector<16xf32>,
        %mul3A_399 = arith.mulf %get3A_398, %gather3A_381 : vector<16xf32>
        %swap3A_400 = arith.index_cast %add3A_376 : i32 to index
        %swap3A_401 = arith.constant 32 : index
        %swap3A_402 = tpu.vector_load %arg15[%swap3A_400, %swap3A_401] {strides = array<i32>} : memref<512x64xf32, #tpu.memory_space<vmem>>, vector<16xf32>,
        tpu.vector_store %arg15[%swap3A_400, %swap3A_401], %mul3A_399 {strides = array<i32>} : memref<512x64xf32, #tpu.memory_space<vmem>>, vector<16xf32>,
        %get3A_403 = arith.index_cast %add3A_376 : i32 to index
        %get3A_404 = arith.constant 48 : index
        %get3A_405 = tpu.vector_load %arg15[%get3A_403, %get3A_404] {strides = array<i32>} : memref<512x64xf32, #tpu.memory_space<vmem>>, vector<16xf32>,
        %mul3A_406 = arith.mulf %get3A_405, %gather3A_381 : vector<16xf32>
        %swap3A_407 = arith.index_cast %add3A_376 : i32 to index
        %swap3A_408 = arith.constant 48 : index
        %swap3A_409 = tpu.vector_load %arg15[%swap3A_407, %swap3A_408] {strides = array<i32>} : memref<512x64xf32, #tpu.memory_space<vmem>>, vector<16xf32>,
        tpu.vector_store %arg15[%swap3A_407, %swap3A_408], %mul3A_406 {strides = array<i32>} : memref<512x64xf32, #tpu.memory_space<vmem>>, vector<16xf32>,
        %add3A_410 = arith.constant 384 : i32
        %add3A_411 = arith.addi %add3A_410, %add3A_339 : i32
        %add3A_412 = arith.constant 2 : i32
        %add3A_413 = arith.addi %add3A_411, %add3A_412 : i32
        %broadcast_in_dim3A_414 = arith.constant 386 : i32
        %broadcast_in_dim3A_415 = vector.broadcast %broadcast_in_dim3A_414 : i32 to vector<16xi32>
        %add3A_416 = vector.broadcast %add3A_339 : i32 to vector<16xi32>
        %add3A_417 = arith.addi %broadcast_in_dim3A_415, %add3A_416 : vector<16xi32>
        %gather3A_418 = tpu.vector_load_idx %arg13[%add3A_417] : memref<512xf32, #tpu.memory_space<vmem>>[vector<16xi32>], vector<16xf32>,
        %get3A_419 = arith.index_cast %add3A_413 : i32 to index
        %get3A_420 = arith.constant 0 : index
        %get3A_421 = tpu.vector_load %arg15[%get3A_419, %get3A_420] {strides = array<i32>} : memref<512x64xf32, #tpu.memory_space<vmem>>, vector<16xf32>,
        %mul3A_422 = arith.mulf %get3A_421, %gather3A_418 : vector<16xf32>
        %swap3A_423 = arith.index_cast %add3A_413 : i32 to index
        %swap3A_424 = arith.constant 0 : index
        %swap3A_425 = tpu.vector_load %arg15[%swap3A_423, %swap3A_424] {strides = array<i32>} : memref<512x64xf32, #tpu.memory_space<vmem>>, vector<16xf32>,
        tpu.vector_store %arg15[%swap3A_423, %swap3A_424], %mul3A_422 {strides = array<i32>} : memref<512x64xf32, #tpu.memory_space<vmem>>, vector<16xf32>,
        %get3A_426 = arith.index_cast %add3A_413 : i32 to index
        %get3A_427 = arith.constant 16 : index
        %get3A_428 = tpu.vector_load %arg15[%get3A_426, %get3A_427] {strides = array<i32>} : memref<512x64xf32, #tpu.memory_space<vmem>>, vector<16xf32>,
        %mul3A_429 = arith.mulf %get3A_428, %gather3A_418 : vector<16xf32>
        %swap3A_430 = arith.index_cast %add3A_413 : i32 to index
        %swap3A_431 = arith.constant 16 : index
        %swap3A_432 = tpu.vector_load %arg15[%swap3A_430, %swap3A_431] {strides = array<i32>} : memref<512x64xf32, #tpu.memory_space<vmem>>, vector<16xf32>,
        tpu.vector_store %arg15[%swap3A_430, %swap3A_431], %mul3A_429 {strides = array<i32>} : memref<512x64xf32, #tpu.memory_space<vmem>>, vector<16xf32>,
        %get3A_433 = arith.index_cast %add3A_413 : i32 to index
        %get3A_434 = arith.constant 32 : index
        %get3A_435 = tpu.vector_load %arg15[%get3A_433, %get3A_434] {strides = array<i32>} : memref<512x64xf32, #tpu.memory_space<vmem>>, vector<16xf32>,
        %mul3A_436 = arith.mulf %get3A_435, %gather3A_418 : vector<16xf32>
        %swap3A_437 = arith.index_cast %add3A_413 : i32 to index
        %swap3A_438 = arith.constant 32 : index
        %swap3A_439 = tpu.vector_load %arg15[%swap3A_437, %swap3A_438] {strides = array<i32>} : memref<512x64xf32, #tpu.memory_space<vmem>>, vector<16xf32>,
        tpu.vector_store %arg15[%swap3A_437, %swap3A_438], %mul3A_436 {strides = array<i32>} : memref<512x64xf32, #tpu.memory_space<vmem>>, vector<16xf32>,
        %get3A_440 = arith.index_cast %add3A_413 : i32 to index
        %get3A_441 = arith.constant 48 : index
        %get3A_442 = tpu.vector_load %arg15[%get3A_440, %get3A_441] {strides = array<i32>} : memref<512x64xf32, #tpu.memory_space<vmem>>, vector<16xf32>,
        %mul3A_443 = arith.mulf %get3A_442, %gather3A_418 : vector<16xf32>
        %swap3A_444 = arith.index_cast %add3A_413 : i32 to index
        %swap3A_445 = arith.constant 48 : index
        %swap3A_446 = tpu.vector_load %arg15[%swap3A_444, %swap3A_445] {strides = array<i32>} : memref<512x64xf32, #tpu.memory_space<vmem>>, vector<16xf32>,
        tpu.vector_store %arg15[%swap3A_444, %swap3A_445], %mul3A_443 {strides = array<i32>} : memref<512x64xf32, #tpu.memory_space<vmem>>, vector<16xf32>,
        %add3A_447 = arith.constant 384 : i32
        %add3A_448 = arith.addi %add3A_447, %add3A_339 : i32
        %add3A_449 = arith.constant 3 : i32
        %add3A_450 = arith.addi %add3A_448, %add3A_449 : i32
        %broadcast_in_dim3A_451 = arith.constant 387 : i32
        %broadcast_in_dim3A_452 = vector.broadcast %broadcast_in_dim3A_451 : i32 to vector<16xi32>
        %add3A_453 = vector.broadcast %add3A_339 : i32 to vector<16xi32>
        %add3A_454 = arith.addi %broadcast_in_dim3A_452, %add3A_453 : vector<16xi32>
        %gather3A_455 = tpu.vector_load_idx %arg13[%add3A_454] : memref<512xf32, #tpu.memory_space<vmem>>[vector<16xi32>], vector<16xf32>,
        %get3A_456 = arith.index_cast %add3A_450 : i32 to index
        %get3A_457 = arith.constant 0 : index
        %get3A_458 = tpu.vector_load %arg15[%get3A_456, %get3A_457] {strides = array<i32>} : memref<512x64xf32, #tpu.memory_space<vmem>>, vector<16xf32>,
        %mul3A_459 = arith.mulf %get3A_458, %gather3A_455 : vector<16xf32>
        %swap3A_460 = arith.index_cast %add3A_450 : i32 to index
        %swap3A_461 = arith.constant 0 : index
        %swap3A_462 = tpu.vector_load %arg15[%swap3A_460, %swap3A_461] {strides = array<i32>} : memref<512x64xf32, #tpu.memory_space<vmem>>, vector<16xf32>,
        tpu.vector_store %arg15[%swap3A_460, %swap3A_461], %mul3A_459 {strides = array<i32>} : memref<512x64xf32, #tpu.memory_space<vmem>>, vector<16xf32>,
        %get3A_463 = arith.index_cast %add3A_450 : i32 to index
        %get3A_464 = arith.constant 16 : index
        %get3A_465 = tpu.vector_load %arg15[%get3A_463, %get3A_464] {strides = array<i32>} : memref<512x64xf32, #tpu.memory_space<vmem>>, vector<16xf32>,
        %mul3A_466 = arith.mulf %get3A_465, %gather3A_455 : vector<16xf32>
        %swap3A_467 = arith.index_cast %add3A_450 : i32 to index
        %swap3A_468 = arith.constant 16 : index
        %swap3A_469 = tpu.vector_load %arg15[%swap3A_467, %swap3A_468] {strides = array<i32>} : memref<512x64xf32, #tpu.memory_space<vmem>>, vector<16xf32>,
        tpu.vector_store %arg15[%swap3A_467, %swap3A_468], %mul3A_466 {strides = array<i32>} : memref<512x64xf32, #tpu.memory_space<vmem>>, vector<16xf32>,
        %get3A_470 = arith.index_cast %add3A_450 : i32 to index
        %get3A_471 = arith.constant 32 : index
        %get3A_472 = tpu.vector_load %arg15[%get3A_470, %get3A_471] {strides = array<i32>} : memref<512x64xf32, #tpu.memory_space<vmem>>, vector<16xf32>,
        %mul3A_473 = arith.mulf %get3A_472, %gather3A_455 : vector<16xf32>
        %swap3A_474 = arith.index_cast %add3A_450 : i32 to index
        %swap3A_475 = arith.constant 32 : index
        %swap3A_476 = tpu.vector_load %arg15[%swap3A_474, %swap3A_475] {strides = array<i32>} : memref<512x64xf32, #tpu.memory_space<vmem>>, vector<16xf32>,
        tpu.vector_store %arg15[%swap3A_474, %swap3A_475], %mul3A_473 {strides = array<i32>} : memref<512x64xf32, #tpu.memory_space<vmem>>, vector<16xf32>,
        %get3A_477 = arith.index_cast %add3A_450 : i32 to index
        %get3A_478 = arith.constant 48 : index
        %get3A_479 = tpu.vector_load %arg15[%get3A_477, %get3A_478] {strides = array<i32>} : memref<512x64xf32, #tpu.memory_space<vmem>>, vector<16xf32>,
        %mul3A_480 = arith.mulf %get3A_479, %gather3A_455 : vector<16xf32>
        %swap3A_481 = arith.index_cast %add3A_450 : i32 to index
        %swap3A_482 = arith.constant 48 : index
        %swap3A_483 = tpu.vector_load %arg15[%swap3A_481, %swap3A_482] {strides = array<i32>} : memref<512x64xf32, #tpu.memory_space<vmem>>, vector<16xf32>,
        tpu.vector_store %arg15[%swap3A_481, %swap3A_482], %mul3A_480 {strides = array<i32>} : memref<512x64xf32, #tpu.memory_space<vmem>>, vector<16xf32>,
      }
      %scan3A_284 = arith.constant 32 : i32
      %dma_start3A_285 = arith.constant 3 : i32
      %dma_start3A_286 = arith.constant 384 : i32
      %dma_start3A_287 = arith.constant 0 : i32
      %dma_start3A_288 = tpu.memref_slice %arg15[%dma_start3A_286, %dma_start3A_287] : memref<512x64xf32, #tpu.memory_space<vmem>> -> memref<128x64xf32, #tpu.memory_space<vmem>>
      %dma_start3A_289 = arith.constant 0 : i32
      %dma_start3A_290 = tpu.memref_slice %arg12[%dma_start3A_285, %dma_start3A_289] : memref<4x128xi32, #tpu.memory_space<vmem>> -> memref<1x128xi32, #tpu.memory_space<vmem>>
      %dma_start3A_291 = tpu.memref_squeeze %dma_start3A_290 : memref<1x128xi32, #tpu.memory_space<vmem>> -> memref<128xi32, #tpu.memory_space<vmem>>
      %dma_start3A_292 = arith.constant 0 : i32
      %dma_start3A_293 = arith.constant 0 : i32
      %dma_start3A_294 = tpu.memref_slice %arg8[%dma_start3A_292, %dma_start3A_293] : memref<10240x64xf32, #tpu.memory_space<vmem_shared>> -> memref<10240x64xf32, #tpu.memory_space<vmem_shared>>
      tpu.enqueue_indirect_dma source(%dma_start3A_288 : memref<128x64xf32, #tpu.memory_space<vmem>>) target(%dma_start3A_294 : memref<10240x64xf32, #tpu.memory_space<vmem_shared>>) offsets(%dma_start3A_291 : memref<128xi32, #tpu.memory_space<vmem>>) semaphore(%arg19 : memref<!tpu.dma_semaphore, #tpu.memory_space<semaphore_mem>>) {add = true}
      %dma_wait3A_295 = arith.constant 0 : i32
      %dma_wait3A_296 = arith.constant 0 : i32
      %dma_wait3A_297 = arith.constant 0 : i32
      %dma_wait3A_298 = tpu.memref_slice %arg15[%dma_wait3A_296, %dma_wait3A_297] : memref<512x64xf32, #tpu.memory_space<vmem>> -> memref<128x64xf32, #tpu.memory_space<vmem>>
      %dma_wait3A_299 = arith.constant 0 : i32
      %dma_wait3A_300 = tpu.memref_slice %arg12[%dma_wait3A_295, %dma_wait3A_299] : memref<4x128xi32, #tpu.memory_space<vmem>> -> memref<1x128xi32, #tpu.memory_space<vmem>>
      %dma_wait3A_301 = tpu.memref_squeeze %dma_wait3A_300 : memref<1x128xi32, #tpu.memory_space<vmem>> -> memref<128xi32, #tpu.memory_space<vmem>>
      %dma_wait3A_302 = arith.constant 0 : i32
      %dma_wait3A_303 = arith.constant 0 : i32
      %dma_wait3A_304 = tpu.memref_slice %arg8[%dma_wait3A_302, %dma_wait3A_303] : memref<10240x64xf32, #tpu.memory_space<vmem_shared>> -> memref<10240x64xf32, #tpu.memory_space<vmem_shared>>
      tpu.wait_indirect_dma semaphore(%arg16 : memref<!tpu.dma_semaphore, #tpu.memory_space<semaphore_mem>>) src(%dma_wait3A_298 : memref<128x64xf32, #tpu.memory_space<vmem>>) dst(%dma_wait3A_304 : memref<10240x64xf32, #tpu.memory_space<vmem_shared>>)
      %dma_wait3A_305 = arith.constant 1 : i32
      %dma_wait3A_306 = arith.constant 128 : i32
      %dma_wait3A_307 = arith.constant 0 : i32
      %dma_wait3A_308 = tpu.memref_slice %arg15[%dma_wait3A_306, %dma_wait3A_307] : memref<512x64xf32, #tpu.memory_space<vmem>> -> memref<128x64xf32, #tpu.memory_space<vmem>>
      %dma_wait3A_309 = arith.constant 0 : i32
      %dma_wait3A_310 = tpu.memref_slice %arg12[%dma_wait3A_305, %dma_wait3A_309] : memref<4x128xi32, #tpu.memory_space<vmem>> -> memref<1x128xi32, #tpu.memory_space<vmem>>
      %dma_wait3A_311 = tpu.memref_squeeze %dma_wait3A_310 : memref<1x128xi32, #tpu.memory_space<vmem>> -> memref<128xi32, #tpu.memory_space<vmem>>
      %dma_wait3A_312 = arith.constant 0 : i32
      %dma_wait3A_313 = arith.constant 0 : i32
      %dma_wait3A_314 = tpu.memref_slice %arg8[%dma_wait3A_312, %dma_wait3A_313] : memref<10240x64xf32, #tpu.memory_space<vmem_shared>> -> memref<10240x64xf32, #tpu.memory_space<vmem_shared>>
      tpu.wait_indirect_dma semaphore(%arg17 : memref<!tpu.dma_semaphore, #tpu.memory_space<semaphore_mem>>) src(%dma_wait3A_308 : memref<128x64xf32, #tpu.memory_space<vmem>>) dst(%dma_wait3A_314 : memref<10240x64xf32, #tpu.memory_space<vmem_shared>>)
      %dma_wait3A_315 = arith.constant 2 : i32
      %dma_wait3A_316 = arith.constant 256 : i32
      %dma_wait3A_317 = arith.constant 0 : i32
      %dma_wait3A_318 = tpu.memref_slice %arg15[%dma_wait3A_316, %dma_wait3A_317] : memref<512x64xf32, #tpu.memory_space<vmem>> -> memref<128x64xf32, #tpu.memory_space<vmem>>
      %dma_wait3A_319 = arith.constant 0 : i32
      %dma_wait3A_320 = tpu.memref_slice %arg12[%dma_wait3A_315, %dma_wait3A_319] : memref<4x128xi32, #tpu.memory_space<vmem>> -> memref<1x128xi32, #tpu.memory_space<vmem>>
      %dma_wait3A_321 = tpu.memref_squeeze %dma_wait3A_320 : memref<1x128xi32, #tpu.memory_space<vmem>> -> memref<128xi32, #tpu.memory_space<vmem>>
      %dma_wait3A_322 = arith.constant 0 : i32
      %dma_wait3A_323 = arith.constant 0 : i32
      %dma_wait3A_324 = tpu.memref_slice %arg8[%dma_wait3A_322, %dma_wait3A_323] : memref<10240x64xf32, #tpu.memory_space<vmem_shared>> -> memref<10240x64xf32, #tpu.memory_space<vmem_shared>>
      tpu.wait_indirect_dma semaphore(%arg18 : memref<!tpu.dma_semaphore, #tpu.memory_space<semaphore_mem>>) src(%dma_wait3A_318 : memref<128x64xf32, #tpu.memory_space<vmem>>) dst(%dma_wait3A_324 : memref<10240x64xf32, #tpu.memory_space<vmem_shared>>)
      %dma_wait3A_325 = arith.constant 3 : i32
      %dma_wait3A_326 = arith.constant 384 : i32
      %dma_wait3A_327 = arith.constant 0 : i32
      %dma_wait3A_328 = tpu.memref_slice %arg15[%dma_wait3A_326, %dma_wait3A_327] : memref<512x64xf32, #tpu.memory_space<vmem>> -> memref<128x64xf32, #tpu.memory_space<vmem>>
      %dma_wait3A_329 = arith.constant 0 : i32
      %dma_wait3A_330 = tpu.memref_slice %arg12[%dma_wait3A_325, %dma_wait3A_329] : memref<4x128xi32, #tpu.memory_space<vmem>> -> memref<1x128xi32, #tpu.memory_space<vmem>>
      %dma_wait3A_331 = tpu.memref_squeeze %dma_wait3A_330 : memref<1x128xi32, #tpu.memory_space<vmem>> -> memref<128xi32, #tpu.memory_space<vmem>>
      %dma_wait3A_332 = arith.constant 0 : i32
      %dma_wait3A_333 = arith.constant 0 : i32
      %dma_wait3A_334 = tpu.memref_slice %arg8[%dma_wait3A_332, %dma_wait3A_333] : memref<10240x64xf32, #tpu.memory_space<vmem_shared>> -> memref<10240x64xf32, #tpu.memory_space<vmem_shared>>
      tpu.wait_indirect_dma semaphore(%arg19 : memref<!tpu.dma_semaphore, #tpu.memory_space<semaphore_mem>>) src(%dma_wait3A_328 : memref<128x64xf32, #tpu.memory_space<vmem>>) dst(%dma_wait3A_334 : memref<10240x64xf32, #tpu.memory_space<vmem_shared>>)
    }
    %scan3A_150 = arith.constant 41 : i32
    %barrier3A_151 = arith.constant 0 : index
    tpu.barrier barrier_id(%barrier3A_151)
    "tpu.region"() ({
      %run_scoped3A = tpu.sem_alloc : memref<!tpu.dma_semaphore, #tpu.memory_space<semaphore_mem>>
      %dma_start3A = arith.constant 0 : i32
      %dma_start3A_152 = tpu.memref_slice %arg6[%add3A, %dma_start3A] : memref<20480x64xf32, #tpu.memory_space<hbm>> -> memref<640x64xf32, #tpu.memory_space<hbm>>
      %dma_start3A_153 = arith.constant 0 : i32
      %dma_start3A_154 = tpu.memref_slice %arg8[%mul3A_0, %dma_start3A_153] : memref<10240x64xf32, #tpu.memory_space<vmem_shared>> -> memref<640x64xf32, #tpu.memory_space<vmem_shared>>
      tpu.enqueue_dma source(%dma_start3A_154 : memref<640x64xf32, #tpu.memory_space<vmem_shared>>) target(%dma_start3A_152 : memref<640x64xf32, #tpu.memory_space<hbm>>) target_semaphore(%run_scoped3A : memref<!tpu.dma_semaphore, #tpu.memory_space<semaphore_mem>>)
      %dma_wait3A = arith.constant 0 : i32
      %dma_wait3A_155 = tpu.memref_slice %arg6[%add3A, %dma_wait3A] : memref<20480x64xf32, #tpu.memory_space<hbm>> -> memref<640x64xf32, #tpu.memory_space<hbm>>
      %dma_wait3A_156 = arith.constant 0 : i32
      %dma_wait3A_157 = tpu.memref_slice %arg8[%mul3A_0, %dma_wait3A_156] : memref<10240x64xf32, #tpu.memory_space<vmem_shared>> -> memref<640x64xf32, #tpu.memory_space<vmem_shared>>
      tpu.wait_dma2 semaphore(%run_scoped3A : memref<!tpu.dma_semaphore, #tpu.memory_space<semaphore_mem>>) src(%dma_wait3A_157 : memref<640x64xf32, #tpu.memory_space<vmem_shared>>) dst(%dma_wait3A_155 : memref<640x64xf32, #tpu.memory_space<hbm>>)
      tpu.yield
    }) : () -> ()
    return
  }
}

module attributes {stable_mosaic.version = 14 : i64} {
  func.func @_tc_body(%arg0: i32, %arg1: memref<2x1024x64xf32, #tpu.memory_space<vmem>>, %arg2: memref<1x1x1024xi32, #tpu.memory_space<vmem>>, %arg3: memref<1x1x1024xf32, #tpu.memory_space<vmem>>, %arg4: memref<64x128xf32, #tpu.memory_space<vmem>>, %arg5: memref<64x128xf32, #tpu.memory_space<vmem>>, %arg6: memref<1x128xf32, #tpu.memory_space<vmem>>, %arg7: memref<128x16xf32, #tpu.memory_space<vmem>>, %arg8: memref<1x16xf32, #tpu.memory_space<vmem>>, %arg9: memref<128x16xf32, #tpu.memory_space<vmem>>, %arg10: memref<128x128xf32, #tpu.memory_space<vmem>>, %arg11: memref<128x1xf32, #tpu.memory_space<vmem>>) attributes {dimension_semantics = [#tpu.dimension_semantics<arbitrary>], iteration_bounds = array<i64: 10>, scalar_prefetch = 0 : i64, scratch_operands = 2 : i64, tpu.core_type = #tpu.core_type<tc>, window_params = [{transform_indices = @transform_0, window_bounds = array<i64: 2, 1024, 64>}, {transform_indices = @transform_1, window_bounds = array<i64: 1, 1, 1024>}, {transform_indices = @transform_2, window_bounds = array<i64: 1, 1, 1024>}, {pipeline_mode = #tpu.pipeline_mode<synchronous>, transform_indices = @transform_3, window_bounds = array<i64: 64, 128>}, {pipeline_mode = #tpu.pipeline_mode<synchronous>, transform_indices = @transform_4, window_bounds = array<i64: 64, 128>}, {pipeline_mode = #tpu.pipeline_mode<synchronous>, transform_indices = @transform_5, window_bounds = array<i64: 1, 128>}, {pipeline_mode = #tpu.pipeline_mode<synchronous>, transform_indices = @transform_6, window_bounds = array<i64: 128, 16>}, {pipeline_mode = #tpu.pipeline_mode<synchronous>, transform_indices = @transform_7, window_bounds = array<i64: 1, 16>}, {pipeline_mode = #tpu.pipeline_mode<synchronous>, transform_indices = @transform_8, window_bounds = array<i64: 128, 16>}]} {
    %eq3A = arith.constant 0 : i32
    %eq3A_0 = arith.cmpi eq, %arg0, %eq3A : i32
    %convert_element_type3A = arith.extui %eq3A_0 : i1 to i32
    %cond3A = arith.constant 0 : i32
    %cond3A_1 = arith.cmpi ne, %convert_element_type3A, %cond3A : i32
    scf.if %cond3A_1 {
      %broadcast_in_dim3A_60 = arith.constant 0.000000e+00 : f32
      %broadcast_in_dim3A_61 = vector.broadcast %broadcast_in_dim3A_60 : f32 to vector<128x128xf32>
      %swap3A_62 = arith.constant 0 : index
      %swap3A_63 = arith.constant 0 : index
      %swap3A_64 = vector.load %arg10[%swap3A_62, %swap3A_63] : memref<128x128xf32, #tpu.memory_space<vmem>>, vector<128x128xf32>
      tpu.vector_store %arg10[%swap3A_62, %swap3A_63], %broadcast_in_dim3A_61 {strides = array<i32>} : memref<128x128xf32, #tpu.memory_space<vmem>>, vector<128x128xf32>,
      %broadcast_in_dim3A_65 = arith.constant 0.000000e+00 : f32
      %broadcast_in_dim3A_66 = vector.broadcast %broadcast_in_dim3A_65 : f32 to vector<128x1xf32>
      %swap3A_67 = arith.constant 0 : index
      %swap3A_68 = arith.constant 0 : index
      %swap3A_69 = vector.load %arg11[%swap3A_67, %swap3A_68] : memref<128x1xf32, #tpu.memory_space<vmem>>, vector<128x1xf32>
      tpu.vector_store %arg11[%swap3A_67, %swap3A_68], %broadcast_in_dim3A_66 {strides = array<i32>} : memref<128x1xf32, #tpu.memory_space<vmem>>, vector<128x1xf32>,
    } else {
    }
    %get3A = arith.constant 0 : index
    %get3A_2 = arith.constant 0 : index
    %get3A_3 = arith.constant 0 : index
    %get3A_4 = vector.load %arg3[%get3A, %get3A_2, %get3A_3] : memref<1x1x1024xf32, #tpu.memory_space<vmem>>, vector<1x1x1024xf32>
    %get3A_5 = vector.shape_cast %get3A_4 : vector<1x1x1024xf32> to vector<1024xf32>
    %broadcast_in_dim3A = vector.shape_cast %get3A_5 : vector<1024xf32> to vector<1024x1xf32>
    %get3A_6 = arith.constant 0 : index
    %get3A_7 = arith.constant 0 : index
    %get3A_8 = arith.constant 0 : index
    %get3A_9 = vector.load %arg1[%get3A_6, %get3A_7, %get3A_8] : memref<2x1024x64xf32, #tpu.memory_space<vmem>>, vector<1x1024x64xf32>
    %get3A_10 = vector.shape_cast %get3A_9 : vector<1x1024x64xf32> to vector<1024x64xf32>
    %mul3A = vector.broadcast %broadcast_in_dim3A : vector<1024x1xf32> to vector<1024x64xf32>
    %mul3A_11 = arith.mulf %get3A_10, %mul3A : vector<1024x64xf32>
    %get3A_12 = arith.constant 0 : index
    %get3A_13 = arith.constant 0 : index
    %get3A_14 = vector.load %arg4[%get3A_12, %get3A_13] : memref<64x128xf32, #tpu.memory_space<vmem>>, vector<64x128xf32>
    %dot_general3A = arith.constant dense<0.000000e+00> : vector<1024x128xf32>
    %dot_general3A_15 = tpu.matmul %mul3A_11, %get3A_14, %dot_general3A {dimension_numbers = #tpu.dot_dimension_numbers<[1], [0], [0], [1], [0, 0, 1, 1], [], []>, transpose_lhs_hint = false} : vector<1024x64xf32>, vector<64x128xf32>, vector<1024x128xf32> -> vector<1024x128xf32>
    %get3A_16 = arith.constant 1 : index
    %get3A_17 = arith.constant 0 : index
    %get3A_18 = arith.constant 0 : index
    %get3A_19 = vector.load %arg1[%get3A_16, %get3A_17, %get3A_18] : memref<2x1024x64xf32, #tpu.memory_space<vmem>>, vector<1x1024x64xf32>
    %get3A_20 = vector.shape_cast %get3A_19 : vector<1x1024x64xf32> to vector<1024x64xf32>
    %mul3A_21 = vector.broadcast %broadcast_in_dim3A : vector<1024x1xf32> to vector<1024x64xf32>
    %mul3A_22 = arith.mulf %get3A_20, %mul3A_21 : vector<1024x64xf32>
    %get3A_23 = arith.constant 0 : index
    %get3A_24 = arith.constant 0 : index
    %get3A_25 = vector.load %arg5[%get3A_23, %get3A_24] : memref<64x128xf32, #tpu.memory_space<vmem>>, vector<64x128xf32>
    %dot_general3A_26 = arith.constant dense<0.000000e+00> : vector<1024x128xf32>
    %dot_general3A_27 = tpu.matmul %mul3A_22, %get3A_25, %dot_general3A_26 {dimension_numbers = #tpu.dot_dimension_numbers<[1], [0], [0], [1], [0, 0, 1, 1], [], []>, transpose_lhs_hint = false} : vector<1024x64xf32>, vector<64x128xf32>, vector<1024x128xf32> -> vector<1024x128xf32>
    %add3A = arith.addf %dot_general3A_15, %dot_general3A_27 : vector<1024x128xf32>
    %get3A_28 = arith.constant 0 : index
    %get3A_29 = arith.constant 0 : index
    %get3A_30 = arith.constant 0 : index
    %get3A_31 = vector.load %arg2[%get3A_28, %get3A_29, %get3A_30] : memref<1x1x1024xi32, #tpu.memory_space<vmem>>, vector<1x1x1024xi32>
    %get3A_32 = vector.shape_cast %get3A_31 : vector<1x1x1024xi32> to vector<1024xi32>
    %iota3A = tpu.iota {dimensions = array<i32: 0>} : vector<128x1024xi32>
    %broadcast_in_dim3A_33 = vector.shape_cast %get3A_32 : vector<1024xi32> to vector<1x1024xi32>
    %eq3A_34 = vector.broadcast %broadcast_in_dim3A_33 : vector<1x1024xi32> to vector<128x1024xi32>
    %eq3A_35 = arith.cmpi eq, %iota3A, %eq3A_34 : vector<128x1024xi32>
    %convert_element_type3A_36 = arith.extui %eq3A_35 : vector<128x1024xi1> to vector<128x1024xi32>
    %convert_element_type3A_37 = arith.sitofp %convert_element_type3A_36 : vector<128x1024xi32> to vector<128x1024xf32>
    %get3A_38 = arith.constant 0 : index
    %get3A_39 = arith.constant 0 : index
    %get3A_40 = vector.load %arg10[%get3A_38, %get3A_39] : memref<128x128xf32, #tpu.memory_space<vmem>>, vector<128x128xf32>
    %dot_general3A_41 = arith.constant dense<0.000000e+00> : vector<128x128xf32>
    %dot_general3A_42 = tpu.matmul %convert_element_type3A_37, %add3A, %dot_general3A_41 {dimension_numbers = #tpu.dot_dimension_numbers<[1], [0], [0], [1], [0, 0, 1, 1], [], []>, transpose_lhs_hint = false} : vector<128x1024xf32>, vector<1024x128xf32>, vector<128x128xf32> -> vector<128x128xf32>
    %add3A_43 = arith.addf %get3A_40, %dot_general3A_42 : vector<128x128xf32>
    %swap3A = arith.constant 0 : index
    %swap3A_44 = arith.constant 0 : index
    %swap3A_45 = vector.load %arg10[%swap3A, %swap3A_44] : memref<128x128xf32, #tpu.memory_space<vmem>>, vector<128x128xf32>
    tpu.vector_store %arg10[%swap3A, %swap3A_44], %add3A_43 {strides = array<i32>} : memref<128x128xf32, #tpu.memory_space<vmem>>, vector<128x128xf32>,
    %get3A_46 = arith.constant 0 : index
    %get3A_47 = arith.constant 0 : index
    %get3A_48 = vector.load %arg11[%get3A_46, %get3A_47] : memref<128x1xf32, #tpu.memory_space<vmem>>, vector<128x1xf32>
    %reduce_sum3A = arith.constant dense<0.000000e+00> : vector<128xf32>
    %reduce_sum3A_49 = vector.multi_reduction <add>, %convert_element_type3A_37, %reduce_sum3A [1] : vector<128x1024xf32> to vector<128xf32>
    %broadcast_in_dim3A_50 = vector.shape_cast %reduce_sum3A_49 : vector<128xf32> to vector<128x1xf32>
    %add3A_51 = arith.addf %get3A_48, %broadcast_in_dim3A_50 : vector<128x1xf32>
    %swap3A_52 = arith.constant 0 : index
    %swap3A_53 = arith.constant 0 : index
    %swap3A_54 = vector.load %arg11[%swap3A_52, %swap3A_53] : memref<128x1xf32, #tpu.memory_space<vmem>>, vector<128x1xf32>
    tpu.vector_store %arg11[%swap3A_52, %swap3A_53], %add3A_51 {strides = array<i32>} : memref<128x1xf32, #tpu.memory_space<vmem>>, vector<128x1xf32>,
    %eq3A_55 = arith.constant 9 : i32
    %eq3A_56 = arith.cmpi eq, %arg0, %eq3A_55 : i32
    %convert_element_type3A_57 = arith.extui %eq3A_56 : i1 to i32
    %cond3A_58 = arith.constant 0 : i32
    %cond3A_59 = arith.cmpi ne, %convert_element_type3A_57, %cond3A_58 : i32
    scf.if %cond3A_59 {
      %get3A_60 = arith.constant 0 : index
      %get3A_61 = arith.constant 0 : index
      %get3A_62 = vector.load %arg10[%get3A_60, %get3A_61] : memref<128x128xf32, #tpu.memory_space<vmem>>, vector<128x128xf32>
      %get3A_63 = arith.constant 0 : index
      %get3A_64 = arith.constant 0 : index
      %get3A_65 = vector.load %arg11[%get3A_63, %get3A_64] : memref<128x1xf32, #tpu.memory_space<vmem>>, vector<128x1xf32>
      %max3A = arith.constant 1.000000e+00 : f32
      %max3A_66 = vector.broadcast %max3A : f32 to vector<128x1xf32>
      %max3A_67 = arith.maximumf %get3A_65, %max3A_66 : vector<128x1xf32>
      %div3A = vector.broadcast %max3A_67 : vector<128x1xf32> to vector<128x128xf32>
      %div3A_68 = arith.divf %get3A_62, %div3A : vector<128x128xf32>
      %get3A_69 = arith.constant 0 : index
      %get3A_70 = arith.constant 0 : index
      %get3A_71 = vector.load %arg6[%get3A_69, %get3A_70] : memref<1x128xf32, #tpu.memory_space<vmem>>, vector<1x128xf32>
      %add3A_72 = vector.broadcast %get3A_71 : vector<1x128xf32> to vector<128x128xf32>
      %add3A_73 = arith.addf %div3A_68, %add3A_72 : vector<128x128xf32>
      %get3A_74 = arith.constant 0 : index
      %get3A_75 = arith.constant 0 : index
      %get3A_76 = vector.load %arg7[%get3A_74, %get3A_75] : memref<128x16xf32, #tpu.memory_space<vmem>>, vector<128x16xf32>
      %dot_general3A_77 = arith.constant dense<0.000000e+00> : vector<128x16xf32>
      %dot_general3A_78 = tpu.matmul %add3A_73, %get3A_76, %dot_general3A_77 {dimension_numbers = #tpu.dot_dimension_numbers<[1], [0], [0], [1], [0, 0, 1, 1], [], []>, transpose_lhs_hint = false} : vector<128x128xf32>, vector<128x16xf32>, vector<128x16xf32> -> vector<128x16xf32>
      %get3A_79 = arith.constant 0 : index
      %get3A_80 = arith.constant 0 : index
      %get3A_81 = vector.load %arg8[%get3A_79, %get3A_80] : memref<1x16xf32, #tpu.memory_space<vmem>>, vector<1x16xf32>
      %add3A_82 = vector.broadcast %get3A_81 : vector<1x16xf32> to vector<128x16xf32>
      %add3A_83 = arith.addf %dot_general3A_78, %add3A_82 : vector<128x16xf32>
      %swap3A_84 = arith.constant 0 : index
      %swap3A_85 = arith.constant 0 : index
      %swap3A_86 = vector.load %arg9[%swap3A_84, %swap3A_85] : memref<128x16xf32, #tpu.memory_space<vmem>>, vector<128x16xf32>
      tpu.vector_store %arg9[%swap3A_84, %swap3A_85], %add3A_83 {strides = array<i32>} : memref<128x16xf32, #tpu.memory_space<vmem>>, vector<128x16xf32>,
    } else {
    }
    return
  }
  func.func @transform_0(%arg0: i32) -> (i32, i32, i32) {
    %c0_i32 = arith.constant 0 : i32
    %c0_i32_0 = arith.constant 0 : i32
    %c0_i32_1 = arith.constant 0 : i32
    return %c0_i32, %arg0, %c0_i32_0 : i32, i32, i32
  }
  func.func @transform_1(%arg0: i32) -> (i32, i32, i32) {
    %c0_i32 = arith.constant 0 : i32
    %c0_i32_0 = arith.constant 0 : i32
    %c0_i32_1 = arith.constant 0 : i32
    return %arg0, %c0_i32, %c0_i32_0 : i32, i32, i32
  }
  func.func @transform_2(%arg0: i32) -> (i32, i32, i32) {
    %c0_i32 = arith.constant 0 : i32
    %c0_i32_0 = arith.constant 0 : i32
    %c0_i32_1 = arith.constant 0 : i32
    return %arg0, %c0_i32, %c0_i32_0 : i32, i32, i32
  }
  func.func @transform_3(%arg0: i32) -> (i32, i32) {
    %c0_i32 = arith.constant 0 : i32
    %c0_i32_0 = arith.constant 0 : i32
    %c0_i32_1 = arith.constant 0 : i32
    return %c0_i32, %c0_i32_0 : i32, i32
  }
  func.func @transform_4(%arg0: i32) -> (i32, i32) {
    %c0_i32 = arith.constant 0 : i32
    %c0_i32_0 = arith.constant 0 : i32
    %c0_i32_1 = arith.constant 0 : i32
    return %c0_i32, %c0_i32_0 : i32, i32
  }
  func.func @transform_5(%arg0: i32) -> (i32, i32) {
    %c0_i32 = arith.constant 0 : i32
    %c0_i32_0 = arith.constant 0 : i32
    %c0_i32_1 = arith.constant 0 : i32
    return %c0_i32, %c0_i32_0 : i32, i32
  }
  func.func @transform_6(%arg0: i32) -> (i32, i32) {
    %c0_i32 = arith.constant 0 : i32
    %c0_i32_0 = arith.constant 0 : i32
    %c0_i32_1 = arith.constant 0 : i32
    return %c0_i32, %c0_i32_0 : i32, i32
  }
  func.func @transform_7(%arg0: i32) -> (i32, i32) {
    %c0_i32 = arith.constant 0 : i32
    %c0_i32_0 = arith.constant 0 : i32
    %c0_i32_1 = arith.constant 0 : i32
    return %c0_i32, %c0_i32_0 : i32, i32
  }
  func.func @transform_8(%arg0: i32) -> (i32, i32) {
    %c0_i32 = arith.constant 0 : i32
    %c0_i32_0 = arith.constant 0 : i32
    %c0_i32_1 = arith.constant 0 : i32
    return %c0_i32, %c0_i32_0 : i32, i32
  }
}

</mosaic_0001>

<sc_bundles>
// kernel: kernel.4.cloned.1.call-start
scs
__scs_entry_jumppad:
0x0: {  	(pc) =	sbr.rel $0x88, $3  }
0x1: {  	(tag) =	ssettag $0x0;
	lr =	simm.s32 $0x1  }
0x2: {  	[smem:$0x3F99] =	sst lr;
	_ =	strace $0xD0000000  }
0x3: {  	_ = 	snop  }
0x4: {  	_ = 	snop  }
0x5: {  	_ = 	snop  }
0x6: {  	_ = 	snop  }
0x7: {  	_ = 	snop  }
__scs_overlays_trampoline_lowered:
0x8: {  	[smem:$0x3FA8] =	sst s0  }
0x9: {  	[smem:$0x3FA9] =	sst s1  }
0xa: {  	[smem:$0x3FAA] =	sst s2  }
0xb: {  	[smem:$0x3FAB] =	sst s3  }
0xc: {  	[smem:$0x3FAC] =	sst s4  }
0xd: {  	[smem:$0x3FAD] =	sst s5  }
0xe: {  	[smem:$0x3FAE] =	sst s6  }
0xf: {  	[smem:$0x3FAF] =	sst s7  }
0x10: {  	[smem:$0x3FB0] =	sst s8  }
0x11: {  	[smem:$0x3FB1] =	sst s9;
	s0 =	simm.s32 @!p0 $0x0  }
0x12: {  	s1 =	sld [smem:$0x3F97];
	s0 =	simm.s32 @p0 $0x1  }
0x13: {  	[smem:$0x3FB2] =	sst s0;
	s0 =	simm.s32 @!p1 $0x0  }
0x14: {  	s2 =	sld [smem:$0x3F96];
	s0 =	simm.s32 @p1 $0x1  }
0x15: {  	[smem:$0x3FB3] =	sst s0;
	s0 =	simm.s32 @!p2 $0x0  }
0x16: {  	s3 =	sld [smem:$0x3FDB];
	s0 =	simm.s32 @p2 $0x1  }
0x17: {  	s4 =	simm.s32 $0x1BF5;
	[smem:$0x3FB5] =	sst s0  }
0x18: {  	s0 =	sld [smem:$0x3F98];
	_ =	swait.ge [sflag:s4], $0x0  }
0x19: {  	s7 =	sld [smem:$0x3F99]  }
0x1a: {  	s8 =	sadd.s32 $0xFFFFE003, lr  }
0x1b: {  	s9 =	sadd.s32 $0xFFFFFEF7, lr;
	s5 =	simm.s32 $0xFFFFFFFF;
	p2 =	slt.u32 s8, $0xFFFFF086  }
0x1c: {  	p1 =	slt.u32 s9, $0xF7A;
	s5 =	simm.s32 @!p2 $0x0  }
0x1d: {  	s5 =	simm.s32 @p1 $0x1;
	p0 =	seq.s32 s7, s2  }
0x1e: {  	s7 =	smul.u32 @!p0 $0xF7A, s2;
	p2 =	seq.s32 @!p0 s5, $0x0  }
0x1f: {  	s9 =	smul.u32 $0xF7A, s1;
	s8 =	simm.s32 @!p0 $0x1BF5;
	p2 =	por !p2, p0  }
0x20: {  	[sflag:s8] =	ssyncset.s32 @!p0 $0xFFFFF086;
	s6 =	sadd.s32 @!p0 s3, s7;
	s7 =	simm.s32 @!p0 $0x108  }
0x21: {  	s3 =	sadd.s32 s3, s9;
	s6 =	sadd.s32 @!p0 $0x88, s6;
	s7 =	simm.s32 @p2 $0x1082  }
0x22: {  	[simem:s7], [sflag:s8] =	dma.local @!p0 [hbm:s6], $0xF7A  }
0x23: {  	s9 =	sor.u32 $0xD0000000, s2;
	s6 =	simm.s32 $0x108;
	_ =	swait.ge @!p0 [sflag:s8], $0x0  }
0x24: {  	s3 =	sadd.s32 $0x88, s3;
	s6 =	simm.s32 @!p1 $0x1082;
	[sflag:s4] =	ssyncset.s32 $0xFFFFF086  }
0x25: {  	[simem:s6], [sflag:s4] =	dma.local [hbm:s3], $0xF7A  }
0x26: {  	[smem:$0x3F99] =	sst s1;
	(tag) =	ssettag s2;
	_ =	strace s9  }
0x27: {  	s1 =	sld [smem:$0x3FA9]  }
0x28: {  	s2 =	sld [smem:$0x3FAA]  }
0x29: {  	s4 =	sld [smem:$0x3FAC]  }
0x2a: {  	p0 =	seq.s32 s5, $0x0;
	s5 =	sld [smem:$0x3FAD]  }
0x2b: {  	s6 =	sld [smem:$0x3FAE]  }
0x2c: {  	s7 =	sld [smem:$0x3FAF]  }
0x2d: {  	s3 =	simm.s32 $0x108;
	s8 =	sld [smem:$0x3FB0]  }
0x2e: {  	s3 =	simm.s32 @!p0 $0x1082;
	s9 =	sld [smem:$0x3FB1]  }
0x2f: {  	lr =	sadd.s32 s0, s3;
	s0 =	sld [smem:$0x3FA8]  }
0x30: {  	s3 =	sld [smem:$0x3FAB]  }
0x31: {  	[smem:$0x3FB4] =	sst s10  }
0x32: {  	s10 =	sld [smem:$0x3FB2];
	_ =	sdelay $0x3  }
0x33: {  	p0 =	seq.s32 s10, $0x1;
	s10 =	sld [smem:$0x3FB4];
	_ =	sdelay $0x3  }
0x34: {  	[smem:$0x3FB4] =	sst s10  }
0x35: {  	s10 =	sld [smem:$0x3FB3];
	_ =	sdelay $0x3  }
0x36: {  	p1 =	seq.s32 s10, $0x1;
	s10 =	sld [smem:$0x3FB4];
	_ =	sdelay $0x3  }
0x37: {  	[smem:$0x3FB4] =	sst s10  }
0x38: {  	s10 =	sld [smem:$0x3FB5]  }
0x39: {  	_ = 	snop;
	(pc) =	sbr.ind lr, $3  }
0x3a: {  	_ = 	snop  }
0x3b: {  	_ = 	snop  }
0x3c: {  	p2 =	seq.s32 s10, $0x1;
	s10 =	sld [smem:$0x3FB4]  }
0x3d: {  	_ =	shalt  }
0x3e: {  	_ =	shalt  }
0x3f: {  	_ =	shalt  }
0x40: {  	_ =	shalt  }
0x41: {  	_ =	shalt  }
0x42: {  	_ =	shalt  }
0x43: {  	_ =	shalt  }
0x44: {  	_ =	shalt  }
0x45: {  	_ =	shalt  }
0x46: {  	_ =	shalt  }
0x47: {  	_ =	shalt  }
0x48: {  	_ =	shalt  }
0x49: {  	_ =	shalt  }
0x4a: {  	_ =	shalt  }
0x4b: {  	_ =	shalt  }
0x4c: {  	_ =	shalt  }
0x4d: {  	_ =	shalt  }
0x4e: {  	_ =	shalt  }
0x4f: {  	_ =	shalt  }
0x50: {  	_ =	shalt  }
0x51: {  	_ =	shalt  }
0x52: {  	_ =	shalt  }
0x53: {  	_ =	shalt  }
0x54: {  	_ =	shalt  }
0x55: {  	_ =	shalt  }
0x56: {  	_ =	shalt  }
0x57: {  	_ =	shalt  }
0x58: {  	_ =	shalt  }
0x59: {  	_ =	shalt  }
0x5a: {  	_ =	shalt  }
0x5b: {  	_ =	shalt  }
0x5c: {  	_ =	shalt  }
0x5d: {  	_ =	shalt  }
0x5e: {  	_ =	shalt  }
0x5f: {  	_ =	shalt  }
0x60: {  	_ =	shalt  }
0x61: {  	_ =	shalt  }
0x62: {  	_ =	shalt  }
0x63: {  	_ =	shalt  }
0x64: {  	_ =	shalt  }
0x65: {  	_ =	shalt  }
0x66: {  	_ =	shalt  }
0x67: {  	_ =	shalt  }
0x68: {  	_ =	shalt  }
0x69: {  	_ =	shalt  }
0x6a: {  	_ =	shalt  }
0x6b: {  	_ =	shalt  }
0x6c: {  	_ =	shalt  }
0x6d: {  	_ =	shalt  }
0x6e: {  	_ =	shalt  }
0x6f: {  	_ =	shalt  }
0x70: {  	_ =	shalt  }
0x71: {  	_ =	shalt  }
0x72: {  	_ =	shalt  }
0x73: {  	_ =	shalt  }
0x74: {  	_ =	shalt  }
0x75: {  	_ =	shalt  }
0x76: {  	_ =	shalt  }
0x77: {  	_ =	shalt  }
0x78: {  	_ =	shalt  }
0x79: {  	_ =	shalt  }
0x7a: {  	_ =	shalt  }
0x7b: {  	_ =	shalt  }
0x7c: {  	_ =	shalt  }
0x7d: {  	_ =	shalt  }
0x7e: {  	_ =	shalt  }
0x7f: {  	_ =	shalt  }
0x80: {  	_ =	shalt  }
0x81: {  	_ =	shalt  }
0x82: {  	_ =	shalt  }
0x83: {  	_ =	shalt  }
0x84: {  	_ =	shalt  }
0x85: {  	_ =	shalt  }
0x86: {  	_ =	shalt  }
0x87: {  	_ =	shalt  }
.Lfunc_end0:
.L_simem_size_0:
called_computation_lowered:
.L_overlay_start_0:
0x88: {  	s2 =	sld [smem:$0x3FD9]  }
0x89: {  	s3 =	sld [smem:$0x3FFE];
	_ =	sdelay $0x1  }
0x8a: {  	s1 =	srdreg.scid  }
0x8b: {  	s0 =	sand.u32 $0x1, s1  }
0x8c: {  	s16 =	sshll.u32 s0, $0xA;
	s2 =	sadd.s32 s3, s2  }
0x8d: {  	s2 =	sadd.s32 s2, s16  }
0x8e: {  	[smem:$0x3FC0] =	sst s2  }
0x8f: {  	_ = 	snop  }
0x90: {  	(tm) =	ssettm $0x1  }
0x91: {  	s17 =	sld [smem:$0x3FFB];
	_ =	sdelay $0x3  }
0x92: {  	_ =	strace s17  }
0x93: {  	s2 =	sld [smem:$0x3FFC];
	_ =	sdelay $0x3  }
0x94: {  	_ =	strace s2  }
0x95: {  	s2 =	sld [smem:$0x3FFD];
	_ =	sdelay $0x3  }
0x96: {  	_ =	strace s2  }
0x97: {  	_ =	strace $0x8FFFFFFF  }
0x98: {  	s18 =	sld [smem:$0x3FDB];
	_ =	sdelay $0x1  }
0x99: {  	s19 =	simm.s32 $_scs_section_size  }
0x9a: {  	s4 =	simm.s32 $_size__tile_overlayer_lowered;
	s5 =	simm.s32 $_tile_overlayer_lowered  }
0x9b: {  	s22 =	simm.s32 $0x1BFF;
	s21 =	sshll.u32 s5, $0x1;
	s2 =	sadd.s32 s19, s18  }
0x9c: {  	s6 =	simm.s32 $0x0;
	s20 =	sshll.u32 s4, $0x1;
	s4 =	sadd.s32 s21, s2  }
0x9d: {  	[timem:s6], [sflag:s22] =	dma.local [hbm:s4], s20  }
0x9e: {  	_ =	swait.ge [sflag:s22], s20  }
0x9f: {  	s3 =	ssub.s32 $0x0, s20;
	[sflag:s22] =	ssyncset.done $0x0  }
0xa0: {  	[sflag:s22] =	ssyncadd.s32 s3;
	_ =	sdelay $0x1  }
0xa1: {  	s23 =	simm.s32 $0x1B8B  }
0xa2: {  	_ =	swait.ge [sflag:s23], $0x1  }
0xa3: {  	[sflag:s23] =	ssyncset.done $0x0  }
0xa4: {  	s25 =	simm.s32 $0x1B8E;
	s24 =	sld [smem:$0x3FFE];
	[sflag:s23] =	ssyncadd.s32 $0xFFFFFFFF  }
0xa5: {  	s26 =	simm.s32 $execute0_lowered;
	[smem:$0x3FD2] =	sst s25  }
0xa6: {  	s4 =	sshll.u32 s26, $0x1;
	_ =	strace $0x80000046;
	[dreg:$0x1] =	wrdreg $0xFFFFFFFF  }
0xa7: {  	s28 =	simm.s32 $_size_execute0_lowered;
	s2 =	sadd.s32 s2, s4;
	[dreg:$0x0] =	wrdreg $0x0  }
0xa8: {  	s4 =	sshll.u32 s28, $0x1;
	[dreg:$0x2] =	wrdreg s2  }
0xa9: {  	[dreg:$0x3] =	wrdreg s4  }
0xaa: {  	[dreg:$0x4] =	wrdreg $0xC0  }
0xab: {  	_ =	task [dreg:s6], $0x5FFFF  }
0xac: {  	[dreg:$0x1] =	wrdreg $0xFFFFFFFF  }
0xad: {  	[dreg:$0x0] =	wrdreg $0x60  }
0xae: {  	[dreg:$0x2] =	wrdreg s24  }
0xaf: {  	[dreg:$0x3] =	wrdreg $0x0  }
0xb0: {  	[dreg:$0x4] =	wrdreg $0xA0000  }
0xb1: {  	[dreg:$0x5] =	wrdreg $0x140000  }
0xb2: {  	[dreg:$0x6] =	wrdreg $0x9  }
0xb3: {  	_ =	task.clear_ibuf [dreg:s6], $0x7FFFF;
	_ =	strace $0x90000046  }
0xb4: {  	s29 =	simm.s32 $0x9;
	_ =	strace $0x80000048  }
0xb5: {  	_ =	swait.ge [sflag:s29], $0x1  }
0xb6: {  	[sflag:s29] =	ssyncadd.s32 $0xFFFFFFFF  }
0xb7: {  	_ =	strace $0x90000048  }
0xb8: {  	_ =	sfence  }
0xb9: {  	s30 =	sld [smem:$0x0];
	_ =	sdelay $0x2  }
0xba: {  	s31 =	sshll.u32 s1, $0xD;
	s1 =	sshrl.u32 s1, $0x2  }
0xbb: {  	s3 =	sand.u32 $0x4000, s31;
	s1 =	sadd.s32 s1, s30  }
0xbc: {  	s0 =	sor.u32 s3, s0;
	s1 =	sshll.u32 s1, $0x11  }
0xbd: {  	s0 =	sor.u32 s1, s0  }
0xbe: {  	s0 =	sadd.s32 $0x8F2B, s0  }
0xbf: {  	[sflag:s0] =	ssyncadd.remote.s32 $0x1  }
0xc0: {  	_ =	sfence.sel $0xFFFF  }
0xc1: {  	[dreg:$0x0] =	wrdreg $0xFFFFFFFF;
	(pc) =	sbr.abs _section_cstart, $3  }
0xc2: {  	[dreg:$0x1] =	wrdreg $0xFFFFFFFF  }
0xc3: {  	_ =	task.clear_ibuf [dreg:s6], $0x2FFFF;
	_ =	strace $0x9FFFFFFF  }
0xc4: {  	(tm) =	ssettm $0x7FFFFFFF  }
0xc5: {  	_ =	shalt  }
tec
execute0_lowered:
.L_overlay_start_1:
0x0: {  	(tag) =	ssettag $0x1  }
0x1: {  	s0 =	rddreg [dreg:$0x0]  }
0x2: {  	s1 =	rddreg [dreg:$0x1];
	s2 =	srdreg.scid  }
0x3: {  	s12 =	stileid.u32;
	s3 =	rddreg [dreg:$0x2]  }
0x4: {  	s4 =	rddreg [dreg:$0x3];
	s5 =	simm.s32 $0x0;
	s29 =	simm.s32 $0x9  }
0x5: {  	s31 =	simm.s32 $0x14880;
	s2 =	sand.u32 $0x1, s2;
	s6 =	smul.u32 $0xA000, s12  }
0x6: {  	s8 =	smul.u32 $0x280, s12;
	[smem:$0x7FF] =	sst s5;
	s10 =	sadd.s32 $0x29400, s0  }
0x7: {  	s13 =	sadd.s32 $0x33800, s0;
	s14 =	sadd.s32 $0x3DC00, s0;
	s23 =	smul.u32 $0xA40, s12  }
0x8: {  	s7 =	smul.u32 $0xA0000, s2;
	_ =	strace $0x80000047;
	[dreg:$0x5] =	wrdreg s10  }
0x9: {  	s26 =	sshll.u32 s12, $0x6;
	s9 =	smul.u32 $0x2800, s2;
	[dreg:$0x7] =	wrdreg s14  }
0xa: {  	s2 =	ssub.s32 $0x2, s2;
	s15 =	sor.u32 $0x1C09, s26;
	[dreg:$0x6] =	wrdreg s13  }
0xb: {  	s25 =	sshrl.u32 s2, $0x1;
	s30 =	sadd.s32 s6, s1;
	s28 =	sadd.s32 $0x2000, s6  }
0xc: {  	s17 =	sadd.s32 s6, s3;
	s19 =	sadd.s32 $0x4000, s6;
	s20 =	sadd.s32 $0x6000, s6  }
0xd: {  	[dreg:$0xa] =	wrdreg s15;
	s7 =	sadd.s32 s6, s7;
	s9 =	sadd.s32 s8, s9  }
0xe: {  	s2 =	ssub.s32 s2, s25;
	[dreg:$0xb] =	wrdreg s17;
	s18 =	sadd.s32 s28, s3  }
0xf: {  	s11 =	sadd.s32 s19, s3;
	s6 =	sadd.s32 $0x8000, s6;
	[dreg:$0x8] =	wrdreg s30  }
0x10: {  	s16 =	sadd.s32 s20, s3;
	s8 =	sadd.s32 s8, s4;
	[dreg:$0xc] =	wrdreg s18  }
0x11: {  	s22 =	sadd.s32 s28, s1;
	s25 =	sadd.s32 s20, s1;
	[dreg:$0xd] =	wrdreg s11  }
0x12: {  	s28 =	smul.u32 $0x5200, s12;
	s17 =	simm.s32 $0x14600;
	[dreg:$0xe] =	wrdreg s16  }
0x13: {  	s12 =	simm.s32 $0x14800;
	s20 =	simm.s32 $0x1;
	[dreg:$0x10] =	wrdreg s8  }
0x14: {  	s7 =	sshrl.u32 s7, $0x3;
	s24 =	sshll.u32 s9, $0x3;
	[dreg:$0x12] =	wrdreg s22  }
0x15: {  	s9 =	sshrl.u32 s9, $0x3;
	s21 =	sadd.s32 s6, s3;
	[dreg:$0x14] =	wrdreg s25  }
0x16: {  	s6 =	sadd.s32 s6, s1;
	s2 =	smax.u32 s2, $0x1;
	s25 =	sadd.s32 s23, s14  }
0x17: {  	s18 =	simm.s32 $0x14500;
	s11 =	simm.s32 $0x14780;
	s14 =	simm.s32 $0x7  }
0x18: {  	s16 =	simm.s32 $0x8;
	s8 =	simm.s32 $0x4;
	[dreg:$0xf] =	wrdreg s21  }
0x19: {  	s7 =	sadd.s32 s7, s0;
	s10 =	sadd.s32 s24, s0;
	[dreg:$0x15] =	wrdreg s6  }
0x1a: {  	s0 =	sadd.s32 s9, s0;
	s24 =	sadd.s32 s19, s1;
	[dreg:$0x17] =	wrdreg s2  }
0x1b: {  	[dreg:$0x18] =	wrdreg s28;
	s2 =	simm.s32 $0x14480;
	s9 =	simm.s32 $0x6  }
0x1c: {  	s6 =	simm.s32 $0x2;
	s7 =	sadd.s32 $0x1400, s7;
	[dreg:$0x13] =	wrdreg s24  }
0x1d: {  	s19 =	simm.s32 $0x0;
	s0 =	sadd.s32 $0x70000, s0;
	[dreg:$0x9] =	wrdreg s7  }
0x1e: {  	s26 =	sadd.s32 $0x48000, s10;
	s10 =	simm.s32 $0x80;
	[dreg:$0x11] =	wrdreg s0  }
0x1f: {  	s24 =	simm.s32 $0x14580;
	[dreg:$0x16] =	wrdreg s26;
	s26 =	sadd.s32 s23, s13  }
0x20: {  	v0 =	vimm.f32 $0.0e+00;
	s0 =	simm.s32 $0x14680;
	s23 =	simm.s32 $0x14700;
	s7 =	simm.s32 $0x3  }
.LBB2_1:
0x21: {  	[dreg:$0x19] =	wrdreg s19  }
0x22: {  	s28 =	sshrl.u32 s30, $0x3;
	s13 =	rddreg [dreg:$0x9]  }
0x23: {  	[dreg:$0x1a] =	wrdreg s28  }
0x24: {  	[spmem:s28], [sflag:s15] =	dma.local [hbm:s13], $0x1400  }
0x25: {  	_ =	swait.ge [sflag:s29], $0x1400  }
0x26: {  	[sflag:s29] =	ssyncset.done $0x0  }
0x27: {  	s15 =	simm.s32 $0x100;
	s13 =	simm.s32 $0x0;
	[sflag:s29] =	ssyncadd.s32 $0xFFFFEC00  }
.LBB2_2:
0x28: {  	p0 =	sne.s32 s15, $0x7F00;
	[tilespmem:s13+$0x14B30] =	vst v0;
	s19 =	smov.u32 s15;
	s15 =	sadd.s32 $0x100, s15  }
.Ltmp0:
0x29: {  	[tilespmem:s13+$0x14B20] =	vst v0;
	(pc) =	sbr.rel @p0 .LBB2_2-.Ltmp0, $3  }
0x2a: {  	[tilespmem:s13+$0x14B00] =	vst v0  }
0x2b: {  	[tilespmem:s13+$0x14B10] =	vst v0;
	_ =	sdelay $0x1  }
0x2c: {  	s13 =	sshra.s32 s19, $0x2  }
0x2d: {  	[tilespmem:s13+$0x14B30] =	vst v0  }
0x2e: {  	[tilespmem:s13+$0x14B20] =	vst v0  }
0x2f: {  	[tilespmem:s13+$0x14B00] =	vst v0  }
0x30: {  	[tilespmem:s13+$0x14B10] =	vst v0;
	s28 =	rddreg [dreg:$0xb];
	s15 =	simm.s32 $0x14B00  }
0x31: {  	[spmem:s28] =	stream.linear.scatter [tilespmem:s15], [sflag:$0x9], $0x2000, $0x38;
	[tilespmem:$0x1CB00] =	vst v63  }
0x32: {  	_ =	swait.ge [sflag:s29], $0x2000  }
0x33: {  	[sflag:s29] =	ssyncset.done $0x0  }
0x34: {  	s19 =	rddreg [dreg:$0xc];
	[sflag:s29] =	ssyncadd.s32 $0xFFFFE000  }
0x35: {  	[spmem:s19] =	stream.linear.scatter [tilespmem:s15], [sflag:$0x9], $0x2000, $0x38;
	[tilespmem:$0x1CB00] =	vst v63  }
0x36: {  	_ =	swait.ge [sflag:s29], $0x2000  }
0x37: {  	[sflag:s29] =	ssyncset.done $0x0  }
0x38: {  	s21 =	rddreg [dreg:$0xd];
	[sflag:s29] =	ssyncadd.s32 $0xFFFFE000  }
0x39: {  	[spmem:s21] =	stream.linear.scatter [tilespmem:s15], [sflag:$0x9], $0x2000, $0x38;
	[tilespmem:$0x1CB00] =	vst v63  }
0x3a: {  	_ =	swait.ge [sflag:s29], $0x2000  }
0x3b: {  	[sflag:s29] =	ssyncset.done $0x0  }
0x3c: {  	s22 =	rddreg [dreg:$0xe];
	[sflag:s29] =	ssyncadd.s32 $0xFFFFE000  }
0x3d: {  	[spmem:s22] =	stream.linear.scatter [tilespmem:s15], [sflag:$0x9], $0x2000, $0x38;
	[tilespmem:$0x1CB00] =	vst v63  }
0x3e: {  	_ =	swait.ge [sflag:s29], $0x2000  }
0x3f: {  	[sflag:s29] =	ssyncset.done $0x0  }
0x40: {  	s28 =	rddreg [dreg:$0xf];
	[sflag:s29] =	ssyncadd.s32 $0xFFFFE000  }
0x41: {  	[spmem:s28] =	stream.linear.scatter [tilespmem:s15], [sflag:$0x9], $0x2000, $0x38;
	[tilespmem:$0x1CB00] =	vst v63  }
0x42: {  	_ =	swait.ge [sflag:s29], $0x2000  }
0x43: {  	[sflag:s29] =	ssyncset.done $0x0  }
0x44: {  	[sflag:s29] =	ssyncadd.s32 $0xFFFFE000  }
0x45: {  	[tilespmem:$0x14880] =	vst v0  }
0x46: {  	[tilespmem:$0x14890] =	vst v0  }
0x47: {  	[tilespmem:$0x148A0] =	vst v0  }
0x48: {  	[tilespmem:$0x148B0] =	vst v0  }
0x49: {  	[tilespmem:$0x148C0] =	vst v0  }
0x4a: {  	[tilespmem:$0x148D0] =	vst v0  }
0x4b: {  	[tilespmem:$0x148E0] =	vst v0  }
0x4c: {  	[tilespmem:$0x148F0] =	vst v0  }
0x4d: {  	[tilespmem:$0x14900] =	vst v0  }
0x4e: {  	[tilespmem:$0x14910] =	vst v0  }
0x4f: {  	[tilespmem:$0x14920] =	vst v0  }
0x50: {  	[tilespmem:$0x14930] =	vst v0  }
0x51: {  	[tilespmem:$0x14940] =	vst v0  }
0x52: {  	[tilespmem:$0x14950] =	vst v0  }
0x53: {  	[tilespmem:$0x14960] =	vst v0  }
0x54: {  	[tilespmem:$0x14970] =	vst v0  }
0x55: {  	[tilespmem:$0x14980] =	vst v0  }
0x56: {  	[tilespmem:$0x14990] =	vst v0  }
0x57: {  	[tilespmem:$0x149A0] =	vst v0  }
0x58: {  	[tilespmem:$0x149B0] =	vst v0  }
0x59: {  	[tilespmem:$0x149C0] =	vst v0  }
0x5a: {  	[tilespmem:$0x149D0] =	vst v0  }
0x5b: {  	[tilespmem:$0x149E0] =	vst v0  }
0x5c: {  	[tilespmem:$0x149F0] =	vst v0  }
0x5d: {  	[tilespmem:$0x14A00] =	vst v0  }
0x5e: {  	[tilespmem:$0x14A10] =	vst v0  }
0x5f: {  	[tilespmem:$0x14A20] =	vst v0  }
0x60: {  	[tilespmem:$0x14A30] =	vst v0  }
0x61: {  	[tilespmem:$0x14A40] =	vst v0  }
0x62: {  	[tilespmem:$0x14A50] =	vst v0  }
0x63: {  	[tilespmem:$0x14A60] =	vst v0  }
0x64: {  	[tilespmem:$0x14A70] =	vst v0  }
0x65: {  	[tilespmem:$0x14A80] =	vst v0  }
0x66: {  	[tilespmem:$0x14A90] =	vst v0  }
0x67: {  	[tilespmem:$0x14AA0] =	vst v0  }
0x68: {  	[tilespmem:$0x14AB0] =	vst v0  }
0x69: {  	[tilespmem:$0x14AC0] =	vst v0  }
0x6a: {  	[tilespmem:$0x14AD0] =	vst v0  }
0x6b: {  	[tilespmem:$0x14AE0] =	vst v0  }
0x6c: {  	s19 =	rddreg [dreg:$0x10];
	[tilespmem:$0x14AF0] =	vst v0  }
0x6d: {  	[spmem:s19] =	stream.linear.scatter [tilespmem:s31], [sflag:$0x9], $0x280, $0x38;
	[tilespmem:$0x1CB00] =	vst v63  }
0x6e: {  	_ =	swait.ge [sflag:s29], $0x280  }
0x6f: {  	[sflag:s29] =	ssyncset.done $0x0  }
0x70: {  	[sflag:s29] =	ssyncadd.s32 $0xFFFFFD80  }
0x71: {  	s21 =	sadd.s32 $0x0, s26;
	[bflag:$0x0] =	sbarrier.arrive $0xFFFF  }
0x72: {  	[tilespmem:s2], [sflag:$0x9] =	stream.linear.gather [hbm4b:s21+s5], $0x200, $0x38;
	[tilespmem:$0x1CB00] =	vst v63  }
0x73: {  	_ =	swait.ge [sflag:s29], $0x200  }
0x74: {  	[sflag:s29] =	ssyncset.done $0x0  }
0x75: {  	s28 =	sadd.s32 $0x0, s25;
	[sflag:s29] =	ssyncadd.s32 $0xFFFFFE00  }
0x76: {  	[tilespmem:s0], [sflag:$0x9] =	stream.linear.gather [hbm4b:s28+s5], $0x200, $0x38;
	[tilespmem:$0x1CB00] =	vst v63  }
0x77: {  	_ =	swait.ge [sflag:s29], $0x200  }
0x78: {  	[sflag:s29] =	ssyncset.done $0x0  }
0x79: {  	[sflag:s29] =	ssyncadd.s32 $0xFFFFFE00  }
0x7a: {  	[spmem:s4] =	stream.indirect.scatter.add.f32 [tilespmem:s0], [sflag:$0x9], $0x1, s2, s10, $0xb8;
	[tilespmem:$0x1CB00] =	vst v63  }
0x7b: {  	_ =	swait.ge [sflag:s29], $0x80  }
0x7c: {  	[sflag:s29] =	ssyncset.done $0x0  }
0x7d: {  	[sflag:s29] =	ssyncadd.s32 $0xFFFFFF80  }
0x7e: {  	[spmem:s4] =	stream.indirect.scatter.add.f32 [tilespmem:s23], [sflag:$0x9], $0x1, s18, s10, $0xb8;
	[tilespmem:$0x1CB00] =	vst v63  }
0x7f: {  	_ =	swait.ge [sflag:s29], $0x80  }
0x80: {  	[sflag:s29] =	ssyncset.done $0x0  }
0x81: {  	[sflag:s29] =	ssyncadd.s32 $0xFFFFFF80  }
0x82: {  	[spmem:s4] =	stream.indirect.scatter.add.f32 [tilespmem:s11], [sflag:$0x9], $0x1, s24, s10, $0xb8;
	[tilespmem:$0x1CB00] =	vst v63  }
0x83: {  	_ =	swait.ge [sflag:s29], $0x80  }
0x84: {  	[sflag:s29] =	ssyncset.done $0x0  }
0x85: {  	[sflag:s29] =	ssyncadd.s32 $0xFFFFFF80  }
0x86: {  	[spmem:s4] =	stream.indirect.scatter.add.f32 [tilespmem:s12], [sflag:$0x9], $0x1, s17, s10, $0xb8;
	[tilespmem:$0x1CB00] =	vst v63  }
0x87: {  	s13 =	simm.s32 $0x40;
	_ =	swait.ge [sflag:s29], $0x80  }
0x88: {  	s22 =	simm.s32 $0x14B00;
	s15 =	simm.s32 $0x80;
	[sflag:s29] =	ssyncset.done $0x0  }
.LBB2_4:
0x89: {  	s19 =	sadd.s32 s13, s26  }
0x8a: {  	[sflag:s29] =	ssyncadd.s32 $0xFFFFFF80;
	s21 =	smov.u32 s15;
	s28 =	sadd.s32 $0x40, s15  }
0x8b: {  	[tilespmem:s2], [sflag:$0x9] =	stream.linear.gather [hbm4b:s19+s5], $0x200, $0x38;
	[tilespmem:$0x1CB00] =	vst v63  }
0x8c: {  	p0 =	sne.s32 s15, $0xA00;
	_ =	swait.ge [sflag:s29], $0x200  }
0x8d: {  	[sflag:s29] =	ssyncset.done $0x0  }
0x8e: {  	s15 =	sadd.s32 s13, s25;
	s13 =	smov.u32 s21;
	[sflag:s29] =	ssyncadd.s32 $0xFFFFFE00  }
0x8f: {  	[tilespmem:s0], [sflag:$0x9] =	stream.linear.gather [hbm4b:s15+s5], $0x200, $0x38;
	[tilespmem:$0x1CB00] =	vst v63  }
0x90: {  	_ =	swait.ge [sflag:s29], $0x200  }
0x91: {  	[sflag:s29] =	ssyncset.done $0x0  }
0x92: {  	[sflag:s29] =	ssyncadd.s32 $0xFFFFFE00  }
0x93: {  	[spmem:s4] =	stream.indirect.scatter.add.f32 [tilespmem:s0], [sflag:$0x9], $0x1, s2, s10, $0xb8;
	[tilespmem:$0x1CB00] =	vst v63  }
0x94: {  	_ =	swait.ge [sflag:s29], $0x80  }
0x95: {  	[sflag:s29] =	ssyncset.done $0x0  }
0x96: {  	[sflag:s29] =	ssyncadd.s32 $0xFFFFFF80  }
0x97: {  	[spmem:s4] =	stream.indirect.scatter.add.f32 [tilespmem:s23], [sflag:$0x9], $0x1, s18, s10, $0xb8;
	[tilespmem:$0x1CB00] =	vst v63  }
0x98: {  	_ =	swait.ge [sflag:s29], $0x80  }
0x99: {  	[sflag:s29] =	ssyncset.done $0x0  }
0x9a: {  	[sflag:s29] =	ssyncadd.s32 $0xFFFFFF80  }
0x9b: {  	[spmem:s4] =	stream.indirect.scatter.add.f32 [tilespmem:s11], [sflag:$0x9], $0x1, s24, s10, $0xb8;
	[tilespmem:$0x1CB00] =	vst v63  }
0x9c: {  	_ =	swait.ge [sflag:s29], $0x80  }
.Ltmp1:
0x9d: {  	[sflag:s29] =	ssyncset.done $0x0;
	(pc) =	sbr.rel @p0 .LBB2_4-.Ltmp1, $4  }
0x9e: {  	[sflag:s29] =	ssyncadd.s32 $0xFFFFFF80  }
0x9f: {  	[spmem:s4] =	stream.indirect.scatter.add.f32 [tilespmem:s12], [sflag:$0x9], $0x1, s17, s10, $0xb8;
	[tilespmem:$0x1CB00] =	vst v63  }
0xa0: {  	_ =	swait.ge [sflag:s29], $0x80  }
0xa1: {  	s15 =	smov.u32 s28;
	[sflag:s29] =	ssyncset.done $0x0  }
0xa2: {  	s15 =	sadd.s32 s13, s26;
	[sflag:s29] =	ssyncadd.s32 $0xFFFFFF80  }
0xa3: {  	[tilespmem:s2], [sflag:$0x9] =	stream.linear.gather [hbm4b:s15+s5], $0x200, $0x38;
	[tilespmem:$0x1CB00] =	vst v63  }
0xa4: {  	_ =	swait.ge [sflag:s29], $0x200  }
0xa5: {  	[sflag:s29] =	ssyncset.done $0x0  }
0xa6: {  	s21 =	sadd.s32 s13, s25;
	[sflag:s29] =	ssyncadd.s32 $0xFFFFFE00  }
0xa7: {  	[tilespmem:s0], [sflag:$0x9] =	stream.linear.gather [hbm4b:s21+s5], $0x200, $0x38;
	[tilespmem:$0x1CB00] =	vst v63  }
0xa8: {  	_ =	swait.ge [sflag:s29], $0x200  }
0xa9: {  	[sflag:s29] =	ssyncset.done $0x0  }
0xaa: {  	[sflag:s29] =	ssyncadd.s32 $0xFFFFFE00  }
0xab: {  	[spmem:s4] =	stream.indirect.scatter.add.f32 [tilespmem:s0], [sflag:$0x9], $0x1, s2, s10, $0xb8;
	[tilespmem:$0x1CB00] =	vst v63  }
0xac: {  	_ =	swait.ge [sflag:s29], $0x80  }
0xad: {  	[sflag:s29] =	ssyncset.done $0x0  }
0xae: {  	[sflag:s29] =	ssyncadd.s32 $0xFFFFFF80  }
0xaf: {  	[spmem:s4] =	stream.indirect.scatter.add.f32 [tilespmem:s23], [sflag:$0x9], $0x1, s18, s10, $0xb8;
	[tilespmem:$0x1CB00] =	vst v63  }
0xb0: {  	_ =	swait.ge [sflag:s29], $0x80  }
0xb1: {  	[sflag:s29] =	ssyncset.done $0x0  }
0xb2: {  	[sflag:s29] =	ssyncadd.s32 $0xFFFFFF80  }
0xb3: {  	[spmem:s4] =	stream.indirect.scatter.add.f32 [tilespmem:s11], [sflag:$0x9], $0x1, s24, s10, $0xb8;
	[tilespmem:$0x1CB00] =	vst v63  }
0xb4: {  	_ =	swait.ge [sflag:s29], $0x80  }
0xb5: {  	[sflag:s29] =	ssyncset.done $0x0  }
0xb6: {  	[sflag:s29] =	ssyncadd.s32 $0xFFFFFF80  }
0xb7: {  	[spmem:s4] =	stream.indirect.scatter.add.f32 [tilespmem:s12], [sflag:$0x9], $0x1, s17, s10, $0xb8;
	[tilespmem:$0x1CB00] =	vst v63  }
0xb8: {  	_ =	swait.ge [sflag:s29], $0x80  }
0xb9: {  	[sflag:s29] =	ssyncset.done $0x0  }
0xba: {  	[sflag:s29] =	ssyncadd.s32 $0xFFFFFF80  }
0xbb: {  	[bflag:$0x0] =	sbarrier.arrive $0xFFFF  }
0xbc: {  	s28 =	rddreg [dreg:$0x10]  }
0xbd: {  	[tilespmem:s31], [sflag:$0x9] =	stream.linear.gather [spmem:s28], $0x280, $0x38;
	[tilespmem:$0x1CB00] =	vst v63  }
0xbe: {  	_ =	swait.ge [sflag:s29], $0x280  }
0xbf: {  	[sflag:s29] =	ssyncset.done $0x0  }
0xc0: {  	s13 =	simm.s32 $0x0;
	s15 =	simm.s32 $0x40;
	[sflag:s29] =	ssyncadd.s32 $0xFFFFFD80  }
.LBB2_6:
0xc1: {  	p0 =	sne.s32 s15, $0x9C0;
	v1 =	vld [tilespmem:s13+$0x14880];
	_ =	sdelay $0x4  }
0xc2: {  	v2 =	vshrl.u32 v1, $0x1;
	v1 =	vmul.f32 $5.000000000e-01, v1  }
0xc3: {  	v2 =	vsub.s32 $0x5F3759DF, v2  }
0xc4: {  	v3 =	vmul.f32 v2, v1;
	_ =	sdelay $0x1  }
0xc5: {  	v3 =	vmul.f32 v2, v3;
	_ =	sdelay $0x1  }
0xc6: {  	v3 =	vsub.f32 $1.500000000e+00, v3;
	_ =	sdelay $0x1  }
0xc7: {  	v2 =	vmul.f32 v2, v3;
	_ =	sdelay $0x1  }
0xc8: {  	v3 =	vmul.f32 v2, v1;
	_ =	sdelay $0x1  }
0xc9: {  	v3 =	vmul.f32 v3, v2;
	_ =	sdelay $0x1  }
0xca: {  	v3 =	vsub.f32 $1.500000000e+00, v3;
	_ =	sdelay $0x1  }
0xcb: {  	v2 =	vmul.f32 v3, v2;
	_ =	sdelay $0x1  }
0xcc: {  	v3 =	vmul.f32 v2, v1;
	_ =	sdelay $0x1  }
0xcd: {  	v3 =	vmul.f32 v3, v2;
	_ =	sdelay $0x1  }
0xce: {  	v3 =	vsub.f32 $1.500000000e+00, v3;
	_ =	sdelay $0x1  }
0xcf: {  	v2 =	vmul.f32 v3, v2;
	_ =	sdelay $0x1  }
0xd0: {  	v1 =	vmul.f32 v2, v1;
	_ =	sdelay $0x1  }
0xd1: {  	v1 =	vmul.f32 v1, v2;
	_ =	sdelay $0x1  }
.Ltmp2:
0xd2: {  	v1 =	vsub.f32 $1.500000000e+00, v1;
	(pc) =	sbr.rel @p0 .LBB2_6-.Ltmp2, $3  }
0xd3: {  	_ = 	snop  }
0xd4: {  	v1 =	vmul.f32 v1, v2;
	_ =	sdelay $0x1  }
0xd5: {  	[tilespmem:s13+$0x14880] =	vst v1;
	s13 =	sshra.s32 s15, $0x2;
	s15 =	sadd.s32 $0x40, s15  }
0xd6: {  	v1 =	vld [tilespmem:s13+$0x14880];
	_ =	sdelay $0x4  }
0xd7: {  	v2 =	vshrl.u32 v1, $0x1;
	v1 =	vmul.f32 $5.000000000e-01, v1  }
0xd8: {  	v2 =	vsub.s32 $0x5F3759DF, v2  }
0xd9: {  	v3 =	vmul.f32 v2, v1;
	_ =	sdelay $0x1  }
0xda: {  	v3 =	vmul.f32 v2, v3;
	_ =	sdelay $0x1  }
0xdb: {  	v3 =	vsub.f32 $1.500000000e+00, v3;
	_ =	sdelay $0x1  }
0xdc: {  	v2 =	vmul.f32 v2, v3;
	_ =	sdelay $0x1  }
0xdd: {  	v3 =	vmul.f32 v2, v1;
	_ =	sdelay $0x1  }
0xde: {  	v3 =	vmul.f32 v3, v2;
	_ =	sdelay $0x1  }
0xdf: {  	v3 =	vsub.f32 $1.500000000e+00, v3;
	_ =	sdelay $0x1  }
0xe0: {  	v2 =	vmul.f32 v3, v2;
	_ =	sdelay $0x1  }
0xe1: {  	v3 =	vmul.f32 v2, v1;
	_ =	sdelay $0x1  }
0xe2: {  	v3 =	vmul.f32 v3, v2;
	_ =	sdelay $0x1  }
0xe3: {  	v3 =	vsub.f32 $1.500000000e+00, v3;
	_ =	sdelay $0x1  }
0xe4: {  	v2 =	vmul.f32 v3, v2;
	_ =	sdelay $0x1  }
0xe5: {  	v1 =	vmul.f32 v2, v1;
	_ =	sdelay $0x1  }
0xe6: {  	v1 =	vmul.f32 v1, v2;
	_ =	sdelay $0x1  }
0xe7: {  	v1 =	vsub.f32 $1.500000000e+00, v1;
	_ =	sdelay $0x1  }
0xe8: {  	v1 =	vmul.f32 v1, v2;
	_ =	sdelay $0x1  }
0xe9: {  	s28 =	simm.s32 $0x0;
	s15 =	rddreg [dreg:$0x11];
	[tilespmem:s13+$0x14880] =	vst v1  }
0xea: {  	[hbm4b:s15+s28] =	stream.linear.scatter [tilespmem:s31], [sflag:$0x9], $0x280, $0x38;
	[tilespmem:$0x1CB00] =	vst v63  }
0xeb: {  	_ =	swait.ge [sflag:s29], $0x280  }
0xec: {  	[sflag:s29] =	ssyncset.done $0x0  }
0xed: {  	[sflag:s29] =	ssyncadd.s32 $0xFFFFFD80  }
0xee: {  	[tilespmem:s22], [sflag:$0x9] =	stream.linear.gather [spmem:s30], $0x2000, $0x38;
	[tilespmem:$0x1CB00] =	vst v63  }
0xef: {  	v1 =	vmov s28;
	_ =	swait.ge [sflag:s29], $0x2000  }
0xf0: {  	[sflag:s29] =	ssyncset.done $0x0  }
0xf1: {  	s13 =	simm.s32 $0x14B20;
	[sflag:s29] =	ssyncadd.s32 $0xFFFFE000  }
0xf2: {  	v3 =	vld [tilespmem:s13+$0xFFFFFFF0]  }
0xf3: {  	v4 =	vld [tilespmem:s13+$0x10]  }
0xf4: {  	v6 =	vld.idx.msk [tilespmem:v1+s31+$0x0], $0xffff  }
0xf5: {  	v1 =	vld [tilespmem:s13+$0xFFFFFFE0]  }
0xf6: {  	v7 =	vld [tilespmem:s13+$0x0];
	_ =	sdelay $0x3  }
0xf7: {  	s19 =	simm.s32 $0x1;
	v2 =	vmul.f32 v1, v6;
	v5 =	vmul.f32 v4, v6  }
0xf8: {  	s15 =	simm.s32 $0x2;
	v1 =	vmov s19;
	v4 =	vmul.f32 v3, v6;
	v3 =	vmul.f32 v7, v6;
	s19 =	simm.s32 $0x14B20  }
.LBB2_8:
0xf9: {  	p0 =	sne.s32 s15, $0x7F  }
0xfa: {  	[tilespmem:s13+$0x10] =	vst v5;
	s19 =	sadd.s32 $0x40, s19;
	s21 =	smov.u32 s15;
	s15 =	sadd.s32 $0x1, s15  }
0xfb: {  	[tilespmem:s13+$0xFFFFFFE0] =	vst v2  }
0xfc: {  	v6 =	vld [tilespmem:s19+$0xFFFFFFF0];
	[tilespmem:s13+$0xFFFFFFF0] =	vst v4  }
0xfd: {  	v4 =	vld [tilespmem:s19+$0x10];
	[tilespmem:s13+$0x0] =	vst v3;
	s13 =	smov.u32 s19  }
0xfe: {  	v3 =	vld.idx.msk [tilespmem:v1+s31+$0x0], $0xffff  }
0xff: {  	v1 =	vld [tilespmem:s19+$0xFFFFFFE0]  }
0x100: {  	v7 =	vld [tilespmem:s19+$0x0]  }
.Ltmp3:
0x101: {  	(pc) =	sbr.rel @p0 .LBB2_8-.Ltmp3, $3  }
0x102: {  	_ =	sdelay $0x1  }
0x103: {  	v5 =	vmul.f32 v4, v3;
	v2 =	vmul.f32 v1, v3  }
0x104: {  	v4 =	vmul.f32 v6, v3;
	v1 =	vmov s21;
	v3 =	vmul.f32 v7, v3  }
0x105: {  	[tilespmem:s13+$0x10] =	vst v5  }
0x106: {  	s15 =	sadd.s32 $0x40, s19;
	[tilespmem:s13+$0xFFFFFFE0] =	vst v2  }
0x107: {  	v2 =	vld [tilespmem:s15+$0xFFFFFFF0];
	[tilespmem:s13+$0xFFFFFFF0] =	vst v4  }
0x108: {  	v4 =	vld [tilespmem:s15+$0x10];
	[tilespmem:s13+$0x0] =	vst v3  }
0x109: {  	v1 =	vld.idx.msk [tilespmem:v1+s31+$0x0], $0xffff  }
0x10a: {  	v3 =	vld [tilespmem:s15+$0xFFFFFFE0];
	_ =	sdelay $0x1  }
0x10b: {  	v5 =	vld [tilespmem:s15+$0x0];
	_ =	sdelay $0x1  }
0x10c: {  	v4 =	vmul.f32 v4, v1  }
0x10d: {  	v3 =	vmul.f32 v3, v1  }
0x10e: {  	v2 =	vmul.f32 v2, v1;
	[tilespmem:s15+$0x10] =	vst v4  }
0x10f: {  	v1 =	vmul.f32 v5, v1;
	[tilespmem:s15+$0xFFFFFFE0] =	vst v3  }
0x110: {  	[tilespmem:s15+$0xFFFFFFF0] =	vst v2  }
0x111: {  	s21 =	simm.s32 $0x14B00;
	s22 =	simm.s32 $0x0;
	[tilespmem:s15+$0x0] =	vst v1  }
0x112: {  	v1 =	vmov s22;
	[spmem:s30] =	stream.linear.scatter [tilespmem:s21], [sflag:$0x9], $0x2000, $0x38;
	[tilespmem:$0x1CB00] =	vst v63  }
0x113: {  	v1 =	vadd.s32 $0x80, v1;
	_ =	swait.ge [sflag:s29], $0x2000  }
0x114: {  	v1 =	vbroadcast v1, $0x0;
	[sflag:s29] =	ssyncset.done $0x0  }
0x115: {  	s28 =	rddreg [dreg:$0x12];
	[sflag:s29] =	ssyncadd.s32 $0xFFFFE000  }
0x116: {  	[tilespmem:s21], [sflag:$0x9] =	stream.linear.gather [spmem:s28], $0x2000, $0x38;
	[tilespmem:$0x1CB00] =	vst v63  }
0x117: {  	_ =	swait.ge [sflag:s29], $0x2000  }
0x118: {  	[sflag:s29] =	ssyncset.done $0x0  }
0x119: {  	[sflag:s29] =	ssyncadd.s32 $0xFFFFE000  }
0x11a: {  	s13 =	simm.s32 $0x14B20;
	v2 =	vld.idx.msk [tilespmem:v1+s31+$0x0], $0xffff  }
0x11b: {  	v4 =	vld [tilespmem:s13+$0x10];
	_ =	sdelay $0x1  }
0x11c: {  	v3 =	vld [tilespmem:s13+$0xFFFFFFF0]  }
0x11d: {  	v6 =	vld [tilespmem:s13+$0x0]  }
0x11e: {  	s30 =	simm.s32 $0x1  }
0x11f: {  	v1 =	vmov s30;
	v5 =	vmul.f32 v4, v2;
	v4 =	vld [tilespmem:s13+$0xFFFFFFE0]  }
0x120: {  	v1 =	vadd.s32 $0x80, v1  }
0x121: {  	v1 =	vbroadcast v1, $0x0  }
0x122: {  	s19 =	simm.s32 $0x2;
	s15 =	simm.s32 $0x14B20;
	v3 =	vmul.f32 v3, v2;
	v6 =	vmul.f32 v6, v2  }
.LBB2_10:
0x123: {  	p0 =	sne.s32 s19, $0x7F  }
0x124: {  	v2 =	vmul.f32 v4, v2;
	[tilespmem:s13+$0x10] =	vst v5;
	s15 =	sadd.s32 $0x40, s15;
	s21 =	smov.u32 s19;
	s19 =	sadd.s32 $0x1, s19  }
0x125: {  	[tilespmem:s13+$0x0] =	vst v6  }
0x126: {  	[tilespmem:s13+$0xFFFFFFE0] =	vst v2  }
0x127: {  	v6 =	vld [tilespmem:s15+$0xFFFFFFF0];
	[tilespmem:s13+$0xFFFFFFF0] =	vst v3;
	s13 =	smov.u32 s15  }
0x128: {  	v2 =	vld.idx.msk [tilespmem:v1+s31+$0x0], $0xffff  }
0x129: {  	v3 =	vld [tilespmem:s15+$0x10]  }
0x12a: {  	v7 =	vld [tilespmem:s15+$0x0]  }
.Ltmp4:
0x12b: {  	v4 =	vld [tilespmem:s15+$0xFFFFFFE0];
	(pc) =	sbr.rel @p0 .LBB2_10-.Ltmp4, $4  }
0x12c: {  	v1 =	vmov s21  }
0x12d: {  	v1 =	vadd.s32 $0x80, v1  }
0x12e: {  	v1 =	vbroadcast v1, $0x0;
	v5 =	vmul.f32 v3, v2  }
0x12f: {  	v3 =	vmul.f32 v6, v2;
	v6 =	vmul.f32 v7, v2  }
0x130: {  	v2 =	vmul.f32 v4, v2;
	[tilespmem:s13+$0x10] =	vst v5  }
0x131: {  	[tilespmem:s13+$0x0] =	vst v6  }
0x132: {  	s15 =	sadd.s32 $0x40, s15;
	[tilespmem:s13+$0xFFFFFFE0] =	vst v2  }
0x133: {  	v2 =	vld [tilespmem:s15+$0xFFFFFFF0];
	[tilespmem:s13+$0xFFFFFFF0] =	vst v3  }
0x134: {  	v1 =	vld.idx.msk [tilespmem:v1+s31+$0x0], $0xffff  }
0x135: {  	v3 =	vld [tilespmem:s15+$0x10]  }
0x136: {  	v4 =	vld [tilespmem:s15+$0x0]  }
0x137: {  	v5 =	vld [tilespmem:s15+$0xFFFFFFE0];
	_ =	sdelay $0x2  }
0x138: {  	v3 =	vmul.f32 v3, v1  }
0x139: {  	v4 =	vmul.f32 v4, v1  }
0x13a: {  	v5 =	vmul.f32 v5, v1;
	[tilespmem:s15+$0x10] =	vst v3  }
0x13b: {  	v1 =	vmul.f32 v2, v1;
	[tilespmem:s15+$0x0] =	vst v4  }
0x13c: {  	[tilespmem:s15+$0xFFFFFFE0] =	vst v5  }
0x13d: {  	s19 =	rddreg [dreg:$0x12];
	s21 =	simm.s32 $0x14B00;
	s22 =	simm.s32 $0x0;
	[tilespmem:s15+$0xFFFFFFF0] =	vst v1  }
0x13e: {  	v1 =	vmov s22;
	[spmem:s19] =	stream.linear.scatter [tilespmem:s21], [sflag:$0x9], $0x2000, $0x38;
	[tilespmem:$0x1CB00] =	vst v63  }
0x13f: {  	v1 =	vadd.s32 $0x100, v1;
	_ =	swait.ge [sflag:s29], $0x2000  }
0x140: {  	v1 =	vbroadcast v1, $0x0;
	[sflag:s29] =	ssyncset.done $0x0  }
0x141: {  	s28 =	rddreg [dreg:$0x13];
	[sflag:s29] =	ssyncadd.s32 $0xFFFFE000  }
0x142: {  	[tilespmem:s21], [sflag:$0x9] =	stream.linear.gather [spmem:s28], $0x2000, $0x38;
	[tilespmem:$0x1CB00] =	vst v63  }
0x143: {  	_ =	swait.ge [sflag:s29], $0x2000  }
0x144: {  	[sflag:s29] =	ssyncset.done $0x0  }
0x145: {  	[sflag:s29] =	ssyncadd.s32 $0xFFFFE000  }
0x146: {  	s13 =	simm.s32 $0x14B20;
	v2 =	vld.idx.msk [tilespmem:v1+s31+$0x0], $0xffff  }
0x147: {  	v4 =	vld [tilespmem:s13+$0x10];
	_ =	sdelay $0x1  }
0x148: {  	v3 =	vld [tilespmem:s13+$0xFFFFFFF0]  }
0x149: {  	v6 =	vld [tilespmem:s13+$0x0]  }
0x14a: {  	s30 =	simm.s32 $0x1  }
0x14b: {  	v1 =	vmov s30;
	v5 =	vmul.f32 v4, v2;
	v4 =	vld [tilespmem:s13+$0xFFFFFFE0]  }
0x14c: {  	v1 =	vadd.s32 $0x100, v1  }
0x14d: {  	v1 =	vbroadcast v1, $0x0  }
0x14e: {  	s15 =	simm.s32 $0x14B20;
	s19 =	simm.s32 $0x2;
	v3 =	vmul.f32 v3, v2;
	v6 =	vmul.f32 v6, v2  }
.LBB2_12:
0x14f: {  	p0 =	sne.s32 s19, $0x7F  }
0x150: {  	v2 =	vmul.f32 v4, v2;
	[tilespmem:s13+$0x10] =	vst v5;
	s15 =	sadd.s32 $0x40, s15;
	s21 =	smov.u32 s19;
	s19 =	sadd.s32 $0x1, s19  }
0x151: {  	[tilespmem:s13+$0x0] =	vst v6  }
0x152: {  	[tilespmem:s13+$0xFFFFFFE0] =	vst v2  }
0x153: {  	v6 =	vld [tilespmem:s15+$0xFFFFFFF0];
	[tilespmem:s13+$0xFFFFFFF0] =	vst v3;
	s13 =	smov.u32 s15  }
0x154: {  	v2 =	vld.idx.msk [tilespmem:v1+s31+$0x0], $0xffff  }
0x155: {  	v3 =	vld [tilespmem:s15+$0x10]  }
0x156: {  	v7 =	vld [tilespmem:s15+$0x0]  }
.Ltmp5:
0x157: {  	v4 =	vld [tilespmem:s15+$0xFFFFFFE0];
	(pc) =	sbr.rel @p0 .LBB2_12-.Ltmp5, $4  }
0x158: {  	v1 =	vmov s21  }
0x159: {  	v1 =	vadd.s32 $0x100, v1  }
0x15a: {  	v1 =	vbroadcast v1, $0x0;
	v5 =	vmul.f32 v3, v2  }
0x15b: {  	v3 =	vmul.f32 v6, v2;
	v6 =	vmul.f32 v7, v2  }
0x15c: {  	v2 =	vmul.f32 v4, v2;
	[tilespmem:s13+$0x10] =	vst v5  }
0x15d: {  	[tilespmem:s13+$0x0] =	vst v6  }
0x15e: {  	s15 =	sadd.s32 $0x40, s15;
	[tilespmem:s13+$0xFFFFFFE0] =	vst v2  }
0x15f: {  	v2 =	vld [tilespmem:s15+$0xFFFFFFF0];
	[tilespmem:s13+$0xFFFFFFF0] =	vst v3  }
0x160: {  	v1 =	vld.idx.msk [tilespmem:v1+s31+$0x0], $0xffff  }
0x161: {  	v3 =	vld [tilespmem:s15+$0x10]  }
0x162: {  	v4 =	vld [tilespmem:s15+$0x0]  }
0x163: {  	v5 =	vld [tilespmem:s15+$0xFFFFFFE0];
	_ =	sdelay $0x2  }
0x164: {  	v3 =	vmul.f32 v3, v1  }
0x165: {  	v4 =	vmul.f32 v4, v1  }
0x166: {  	v5 =	vmul.f32 v5, v1;
	[tilespmem:s15+$0x10] =	vst v3  }
0x167: {  	v1 =	vmul.f32 v2, v1;
	[tilespmem:s15+$0x0] =	vst v4  }
0x168: {  	[tilespmem:s15+$0xFFFFFFE0] =	vst v5  }
0x169: {  	s19 =	rddreg [dreg:$0x13];
	s21 =	simm.s32 $0x14B00;
	s22 =	simm.s32 $0x0;
	[tilespmem:s15+$0xFFFFFFF0] =	vst v1  }
0x16a: {  	v1 =	vmov s22;
	[spmem:s19] =	stream.linear.scatter [tilespmem:s21], [sflag:$0x9], $0x2000, $0x38;
	[tilespmem:$0x1CB00] =	vst v63  }
0x16b: {  	v1 =	vadd.s32 $0x180, v1;
	_ =	swait.ge [sflag:s29], $0x2000  }
0x16c: {  	v1 =	vbroadcast v1, $0x0;
	[sflag:s29] =	ssyncset.done $0x0  }
0x16d: {  	s28 =	rddreg [dreg:$0x14];
	[sflag:s29] =	ssyncadd.s32 $0xFFFFE000  }
0x16e: {  	[tilespmem:s21], [sflag:$0x9] =	stream.linear.gather [spmem:s28], $0x2000, $0x38;
	[tilespmem:$0x1CB00] =	vst v63  }
0x16f: {  	_ =	swait.ge [sflag:s29], $0x2000  }
0x170: {  	[sflag:s29] =	ssyncset.done $0x0  }
0x171: {  	[sflag:s29] =	ssyncadd.s32 $0xFFFFE000  }
0x172: {  	s13 =	simm.s32 $0x14B20;
	v2 =	vld.idx.msk [tilespmem:v1+s31+$0x0], $0xffff  }
0x173: {  	v4 =	vld [tilespmem:s13+$0x10];
	_ =	sdelay $0x1  }
0x174: {  	v3 =	vld [tilespmem:s13+$0xFFFFFFF0]  }
0x175: {  	v6 =	vld [tilespmem:s13+$0x0]  }
0x176: {  	s30 =	simm.s32 $0x1  }
0x177: {  	v1 =	vmov s30;
	v5 =	vmul.f32 v4, v2;
	v4 =	vld [tilespmem:s13+$0xFFFFFFE0]  }
0x178: {  	v1 =	vadd.s32 $0x180, v1  }
0x179: {  	v1 =	vbroadcast v1, $0x0  }
0x17a: {  	s15 =	simm.s32 $0x14B20;
	s19 =	simm.s32 $0x2;
	v3 =	vmul.f32 v3, v2;
	v6 =	vmul.f32 v6, v2  }
.LBB2_14:
0x17b: {  	p0 =	sne.s32 s19, $0x7F  }
0x17c: {  	v2 =	vmul.f32 v4, v2;
	[tilespmem:s13+$0x10] =	vst v5;
	s15 =	sadd.s32 $0x40, s15;
	s21 =	smov.u32 s19;
	s19 =	sadd.s32 $0x1, s19  }
0x17d: {  	[tilespmem:s13+$0x0] =	vst v6  }
0x17e: {  	[tilespmem:s13+$0xFFFFFFE0] =	vst v2  }
0x17f: {  	v6 =	vld [tilespmem:s15+$0xFFFFFFF0];
	[tilespmem:s13+$0xFFFFFFF0] =	vst v3;
	s13 =	smov.u32 s15  }
0x180: {  	v2 =	vld.idx.msk [tilespmem:v1+s31+$0x0], $0xffff  }
0x181: {  	v3 =	vld [tilespmem:s15+$0x10]  }
0x182: {  	v7 =	vld [tilespmem:s15+$0x0]  }
.Ltmp6:
0x183: {  	v4 =	vld [tilespmem:s15+$0xFFFFFFE0];
	(pc) =	sbr.rel @p0 .LBB2_14-.Ltmp6, $4  }
0x184: {  	v1 =	vmov s21  }
0x185: {  	v1 =	vadd.s32 $0x180, v1  }
0x186: {  	v1 =	vbroadcast v1, $0x0;
	v5 =	vmul.f32 v3, v2  }
0x187: {  	v3 =	vmul.f32 v6, v2;
	v6 =	vmul.f32 v7, v2  }
0x188: {  	v2 =	vmul.f32 v4, v2;
	[tilespmem:s13+$0x10] =	vst v5  }
0x189: {  	[tilespmem:s13+$0x0] =	vst v6  }
0x18a: {  	s15 =	sadd.s32 $0x40, s15;
	[tilespmem:s13+$0xFFFFFFE0] =	vst v2  }
0x18b: {  	v2 =	vld [tilespmem:s15+$0xFFFFFFF0];
	[tilespmem:s13+$0xFFFFFFF0] =	vst v3  }
0x18c: {  	v1 =	vld.idx.msk [tilespmem:v1+s31+$0x0], $0xffff  }
0x18d: {  	v3 =	vld [tilespmem:s15+$0x10]  }
0x18e: {  	v4 =	vld [tilespmem:s15+$0x0]  }
0x18f: {  	v5 =	vld [tilespmem:s15+$0xFFFFFFE0];
	_ =	sdelay $0x2  }
0x190: {  	v3 =	vmul.f32 v3, v1  }
0x191: {  	v4 =	vmul.f32 v4, v1  }
0x192: {  	v5 =	vmul.f32 v5, v1;
	[tilespmem:s15+$0x10] =	vst v3  }
0x193: {  	v1 =	vmul.f32 v2, v1;
	[tilespmem:s15+$0x0] =	vst v4  }
0x194: {  	[tilespmem:s15+$0xFFFFFFE0] =	vst v5  }
0x195: {  	s19 =	rddreg [dreg:$0x14];
	s21 =	simm.s32 $0x14B00;
	s22 =	simm.s32 $0x0;
	[tilespmem:s15+$0xFFFFFFF0] =	vst v1  }
0x196: {  	v1 =	vmov s22;
	[spmem:s19] =	stream.linear.scatter [tilespmem:s21], [sflag:$0x9], $0x2000, $0x38;
	[tilespmem:$0x1CB00] =	vst v63  }
0x197: {  	v1 =	vadd.s32 $0x200, v1;
	_ =	swait.ge [sflag:s29], $0x2000  }
0x198: {  	v1 =	vbroadcast v1, $0x0;
	[sflag:s29] =	ssyncset.done $0x0  }
0x199: {  	s28 =	rddreg [dreg:$0x15];
	[sflag:s29] =	ssyncadd.s32 $0xFFFFE000  }
0x19a: {  	[tilespmem:s21], [sflag:$0x9] =	stream.linear.gather [spmem:s28], $0x2000, $0x38;
	[tilespmem:$0x1CB00] =	vst v63  }
0x19b: {  	_ =	swait.ge [sflag:s29], $0x2000  }
0x19c: {  	[sflag:s29] =	ssyncset.done $0x0  }
0x19d: {  	[sflag:s29] =	ssyncadd.s32 $0xFFFFE000  }
0x19e: {  	s13 =	simm.s32 $0x14B20;
	v2 =	vld.idx.msk [tilespmem:v1+s31+$0x0], $0xffff  }
0x19f: {  	v4 =	vld [tilespmem:s13+$0x10];
	_ =	sdelay $0x1  }
0x1a0: {  	v3 =	vld [tilespmem:s13+$0xFFFFFFF0]  }
0x1a1: {  	v6 =	vld [tilespmem:s13+$0x0]  }
0x1a2: {  	s30 =	simm.s32 $0x1  }
0x1a3: {  	v1 =	vmov s30;
	v5 =	vmul.f32 v4, v2;
	v4 =	vld [tilespmem:s13+$0xFFFFFFE0]  }
0x1a4: {  	v1 =	vadd.s32 $0x200, v1  }
0x1a5: {  	v1 =	vbroadcast v1, $0x0  }
0x1a6: {  	s22 =	simm.s32 $0x14B00;
	s15 =	simm.s32 $0x14B20;
	s19 =	simm.s32 $0x2;
	v3 =	vmul.f32 v3, v2;
	v6 =	vmul.f32 v6, v2  }
.LBB2_16:
0x1a7: {  	p0 =	sne.s32 s19, $0x7F  }
0x1a8: {  	v2 =	vmul.f32 v4, v2;
	[tilespmem:s13+$0x10] =	vst v5;
	s15 =	sadd.s32 $0x40, s15;
	s21 =	smov.u32 s19;
	s19 =	sadd.s32 $0x1, s19  }
0x1a9: {  	[tilespmem:s13+$0x0] =	vst v6  }
0x1aa: {  	[tilespmem:s13+$0xFFFFFFE0] =	vst v2  }
0x1ab: {  	v6 =	vld [tilespmem:s15+$0xFFFFFFF0];
	[tilespmem:s13+$0xFFFFFFF0] =	vst v3;
	s13 =	smov.u32 s15  }
0x1ac: {  	v2 =	vld.idx.msk [tilespmem:v1+s31+$0x0], $0xffff  }
0x1ad: {  	v3 =	vld [tilespmem:s15+$0x10]  }
0x1ae: {  	v7 =	vld [tilespmem:s15+$0x0]  }
.Ltmp7:
0x1af: {  	v4 =	vld [tilespmem:s15+$0xFFFFFFE0];
	(pc) =	sbr.rel @p0 .LBB2_16-.Ltmp7, $4  }
0x1b0: {  	v1 =	vmov s21  }
0x1b1: {  	v1 =	vadd.s32 $0x200, v1  }
0x1b2: {  	v1 =	vbroadcast v1, $0x0;
	v5 =	vmul.f32 v3, v2  }
0x1b3: {  	v3 =	vmul.f32 v6, v2;
	v6 =	vmul.f32 v7, v2  }
0x1b4: {  	v2 =	vmul.f32 v4, v2;
	[tilespmem:s13+$0x10] =	vst v5  }
0x1b5: {  	[tilespmem:s13+$0x0] =	vst v6  }
0x1b6: {  	s15 =	sadd.s32 $0x40, s15;
	[tilespmem:s13+$0xFFFFFFE0] =	vst v2  }
0x1b7: {  	v2 =	vld [tilespmem:s15+$0xFFFFFFF0];
	[tilespmem:s13+$0xFFFFFFF0] =	vst v3  }
0x1b8: {  	v1 =	vld.idx.msk [tilespmem:v1+s31+$0x0], $0xffff  }
0x1b9: {  	v3 =	vld [tilespmem:s15+$0x10]  }
0x1ba: {  	v63 =	vld [tilespmem:s15+$0x0]  }
0x1bb: {  	v5 =	vld [tilespmem:s15+$0xFFFFFFE0];
	_ =	sdelay $0x2  }
0x1bc: {  	v3 =	vmul.f32 v3, v1  }
0x1bd: {  	v4 =	vmul.f32 v63, v1  }
0x1be: {  	v5 =	vmul.f32 v5, v1;
	[tilespmem:s15+$0x10] =	vst v3  }
0x1bf: {  	v1 =	vmul.f32 v2, v1;
	[tilespmem:s15+$0x0] =	vst v4  }
0x1c0: {  	[tilespmem:s15+$0xFFFFFFE0] =	vst v5  }
0x1c1: {  	s21 =	rddreg [dreg:$0x15];
	[tilespmem:s15+$0xFFFFFFF0] =	vst v1  }
0x1c2: {  	[spmem:s21] =	stream.linear.scatter [tilespmem:s22], [sflag:$0x9], $0x2000, $0x38;
	[tilespmem:$0x1CB00] =	vst v63  }
0x1c3: {  	_ =	swait.ge [sflag:s29], $0x2000  }
0x1c4: {  	[sflag:s29] =	ssyncset.done $0x0  }
0x1c5: {  	s28 =	simm.s32 $0x0;
	[sflag:s29] =	ssyncadd.s32 $0xFFFFE000  }
0x1c6: {  	s30 =	simm.s32 $0x1AB00;
	s13 =	simm.s32 $0x0;
	[bflag:$0x0] =	sbarrier.arrive $0xFFFF  }
.LBB2_18:
0x1c7: {  	s15 =	sshll.u32 s13, $0x9;
	s19 =	rddreg [dreg:$0x18]  }
0x1c8: {  	s15 =	sadd.s32 s19, s15  }
0x1c9: {  	s21 =	rddreg [dreg:$0x5];
	s15 =	sshrl.u32 s15, $0x3  }
0x1ca: {  	s19 =	sadd.s32 s21, s15;
	s21 =	simm.s32 $0x14280  }
0x1cb: {  	[tilespmem:s21], [sflag:$0x9] =	stream.linear.gather [hbm4b:s19+s28], $0x200, $0x38;
	[tilespmem:$0x1CB00] =	vst v63  }
0x1cc: {  	_ =	swait.ge [sflag:s29], $0x200  }
0x1cd: {  	[sflag:s29] =	ssyncset.done $0x0;
	s19 =	rddreg [dreg:$0x6]  }
0x1ce: {  	[sflag:s29] =	ssyncadd.s32 $0xFFFFFE00;
	s19 =	sadd.s32 s19, s15  }
0x1cf: {  	[tilespmem:s2], [sflag:$0x9] =	stream.linear.gather [hbm4b:s19+s28], $0x200, $0x38;
	[tilespmem:$0x1CB00] =	vst v63  }
0x1d0: {  	_ =	swait.ge [sflag:s29], $0x200  }
0x1d1: {  	[sflag:s29] =	ssyncset.done $0x0;
	s19 =	rddreg [dreg:$0x7]  }
0x1d2: {  	[sflag:s29] =	ssyncadd.s32 $0xFFFFFE00;
	s15 =	sadd.s32 s19, s15  }
0x1d3: {  	[tilespmem:s0], [sflag:$0x9] =	stream.linear.gather [hbm4b:s15+s28], $0x200, $0x38;
	[tilespmem:$0x1CB00] =	vst v63  }
0x1d4: {  	_ =	swait.ge [sflag:s29], $0x200  }
0x1d5: {  	[sflag:s29] =	ssyncset.done $0x0  }
0x1d6: {  	[sflag:s29] =	ssyncadd.s32 $0xFFFFFE00  }
0x1d7: {  	[tilespmem:s22], [sflag:$0x5] =	stream.indirect.gather [spmem:s1], $0x40, s21, s10, $0xb8;
	[tilespmem:$0x1CB00] =	vst v63  }
0x1d8: {  	s19 =	simm.s32 $0x14300;
	s21 =	simm.s32 $0x16B00  }
0x1d9: {  	[tilespmem:s21], [sflag:$0x6] =	stream.indirect.gather [spmem:s1], $0x40, s19, s10, $0xb8;
	[tilespmem:$0x1CB00] =	vst v63  }
0x1da: {  	s19 =	simm.s32 $0x14380;
	s21 =	simm.s32 $0x18B00  }
0x1db: {  	[tilespmem:s21], [sflag:$0x7] =	stream.indirect.gather [spmem:s1], $0x40, s19, s10, $0xb8;
	[tilespmem:$0x1CB00] =	vst v63  }
0x1dc: {  	s21 =	simm.s32 $0x14400  }
0x1dd: {  	[tilespmem:s30], [sflag:$0x8] =	stream.indirect.gather [spmem:s1], $0x40, s21, s10, $0xb8;
	[tilespmem:$0x1CB00] =	vst v63  }
0x1de: {  	v1 =	vmov s28;
	s30 =	simm.s32 $0x5  }
0x1df: {  	_ =	swait.ge [sflag:s30], $0x2000  }
0x1e0: {  	[sflag:s30] =	ssyncset.done $0x0  }
0x1e1: {  	s15 =	simm.s32 $0x14B80;
	[sflag:s30] =	ssyncadd.s32 $0xFFFFE000  }
0x1e2: {  	v2 =	vld [tilespmem:s15+$0xFFFFFFB0]  }
0x1e3: {  	v3 =	vld.idx.msk [tilespmem:v1+s0+$0x0], $0xffff  }
0x1e4: {  	v4 =	vld [tilespmem:s15+$0xFFFFFF80]  }
0x1e5: {  	v5 =	vld [tilespmem:s15+$0xFFFFFF90]  }
0x1e6: {  	v6 =	vld [tilespmem:s15+$0xFFFFFFA0];
	_ =	sdelay $0x1  }
0x1e7: {  	v2 =	vmul.f32 v2, v3  }
0x1e8: {  	v7 =	vor.u32 $0x1, v1;
	v4 =	vmul.f32 v4, v3  }
0x1e9: {  	[tilespmem:s15+$0xFFFFFFB0] =	vst v2;
	v2 =	vmul.f32 v5, v3  }
0x1ea: {  	v3 =	vmul.f32 v6, v3;
	[tilespmem:s15+$0xFFFFFF80] =	vst v4  }
0x1eb: {  	[tilespmem:s15+$0xFFFFFF90] =	vst v2  }
0x1ec: {  	[tilespmem:s15+$0xFFFFFFA0] =	vst v3;
	v3 =	vld [tilespmem:s15+$0xFFFFFFC0]  }
0x1ed: {  	v2 =	vld.idx.msk [tilespmem:v7+s0+$0x0], $0xffff;
	_ =	sdelay $0x1  }
0x1ee: {  	v4 =	vld [tilespmem:s15+$0xFFFFFFD0]  }
0x1ef: {  	v5 =	vld [tilespmem:s15+$0xFFFFFFF0]  }
0x1f0: {  	v62 =	vld [tilespmem:s15+$0xFFFFFFE0]  }
0x1f1: {  	v3 =	vmul.f32 v3, v2;
	_ =	sdelay $0x1  }
0x1f2: {  	v4 =	vmul.f32 v4, v2;
	[tilespmem:s15+$0xFFFFFFC0] =	vst v3;
	v3 =	vor.u32 $0x2, v1  }
0x1f3: {  	v5 =	vmul.f32 v5, v2  }
0x1f4: {  	v2 =	vmul.f32 v62, v2;
	[tilespmem:s15+$0xFFFFFFD0] =	vst v4  }
0x1f5: {  	[tilespmem:s15+$0xFFFFFFF0] =	vst v5  }
0x1f6: {  	[tilespmem:s15+$0xFFFFFFE0] =	vst v2;
	v2 =	vld [tilespmem:s15+$0x0]  }
0x1f7: {  	v3 =	vld.idx.msk [tilespmem:v3+s0+$0x0], $0xffff  }
0x1f8: {  	v4 =	vld [tilespmem:s15+$0x30]  }
0x1f9: {  	v5 =	vld [tilespmem:s15+$0x20];
	_ =	sdelay $0x1  }
0x1fa: {  	v63 =	vld [tilespmem:s15+$0x10]  }
0x1fb: {  	v2 =	vmul.f32 v2, v3  }
0x1fc: {  	v4 =	vmul.f32 v4, v3  }
0x1fd: {  	v5 =	vmul.f32 v5, v3;
	[tilespmem:s15+$0x0] =	vst v2;
	v2 =	vor.u32 $0x3, v1  }
0x1fe: {  	[tilespmem:s15+$0x30] =	vst v4  }
0x1ff: {  	s19 =	simm.s32 $0x4;
	s21 =	simm.s32 $0x14B80;
	v3 =	vmul.f32 v63, v3;
	[tilespmem:s15+$0x20] =	vst v5;
	v1 =	vld [tilespmem:s15+$0x40]  }
.LBB2_19:
0x200: {  	p0 =	sne.s32 s19, $0x7C  }
0x201: {  	[tilespmem:s15+$0x10] =	vst v3;
	v3 =	vld [tilespmem:s15+$0x70];
	s21 =	sadd.s32 $0x100, s21;
	s30 =	smov.u32 s19;
	s19 =	sadd.s32 $0x4, s19  }
0x202: {  	v2 =	vld.idx.msk [tilespmem:v2+s0+$0x0], $0xffff  }
0x203: {  	v4 =	vld [tilespmem:s15+$0x50]  }
0x204: {  	v5 =	vld [tilespmem:s15+$0x60];
	_ =	sdelay $0x3  }
0x205: {  	v1 =	vmul.f32 v1, v2;
	v4 =	vmul.f32 v4, v2  }
0x206: {  	v6 =	vmov s30;
	v5 =	vmul.f32 v5, v2;
	v2 =	vmul.f32 v3, v2  }
0x207: {  	[tilespmem:s15+$0x40] =	vst v1  }
0x208: {  	[tilespmem:s15+$0x50] =	vst v4  }
0x209: {  	v1 =	vld [tilespmem:s21+$0xFFFFFFA0];
	[tilespmem:s15+$0x70] =	vst v2  }
0x20a: {  	v2 =	vld [tilespmem:s21+$0xFFFFFFB0];
	[tilespmem:s15+$0x60] =	vst v5;
	s15 =	smov.u32 s21  }
0x20b: {  	v3 =	vld.idx.msk [tilespmem:v6+s0+$0x0], $0xffff  }
0x20c: {  	v4 =	vld [tilespmem:s21+$0xFFFFFF80]  }
0x20d: {  	v5 =	vld [tilespmem:s21+$0xFFFFFF90];
	_ =	sdelay $0x3  }
0x20e: {  	v2 =	vmul.f32 v2, v3;
	v4 =	vmul.f32 v4, v3  }
0x20f: {  	v1 =	vmul.f32 v1, v3;
	v5 =	vmul.f32 v5, v3;
	v3 =	vor.u32 $0x1, v6  }
0x210: {  	[tilespmem:s21+$0xFFFFFFB0] =	vst v2  }
0x211: {  	[tilespmem:s21+$0xFFFFFF80] =	vst v4  }
0x212: {  	[tilespmem:s21+$0xFFFFFF90] =	vst v5;
	v2 =	vld [tilespmem:s21+$0xFFFFFFF0]  }
0x213: {  	[tilespmem:s21+$0xFFFFFFA0] =	vst v1;
	v1 =	vld [tilespmem:s21+$0xFFFFFFD0]  }
0x214: {  	v3 =	vld.idx.msk [tilespmem:v3+s0+$0x0], $0xffff  }
0x215: {  	v4 =	vld [tilespmem:s21+$0xFFFFFFC0]  }
0x216: {  	v5 =	vld [tilespmem:s21+$0xFFFFFFE0];
	_ =	sdelay $0x3  }
0x217: {  	v1 =	vmul.f32 v1, v3;
	v4 =	vmul.f32 v4, v3  }
0x218: {  	v2 =	vmul.f32 v2, v3;
	v5 =	vmul.f32 v5, v3;
	v3 =	vor.u32 $0x2, v6  }
0x219: {  	[tilespmem:s21+$0xFFFFFFC0] =	vst v4  }
0x21a: {  	[tilespmem:s21+$0xFFFFFFD0] =	vst v1  }
0x21b: {  	[tilespmem:s21+$0xFFFFFFF0] =	vst v2;
	v1 =	vld [tilespmem:s21+$0x30]  }
0x21c: {  	[tilespmem:s21+$0xFFFFFFE0] =	vst v5;
	v2 =	vld [tilespmem:s21+$0x0]  }
0x21d: {  	v4 =	vld.idx.msk [tilespmem:v3+s0+$0x0], $0xffff  }
0x21e: {  	v3 =	vld [tilespmem:s21+$0x10]  }
0x21f: {  	v5 =	vld [tilespmem:s21+$0x20];
	_ =	sdelay $0x3  }
.Ltmp8:
0x220: {  	v7 =	vmul.f32 v2, v4;
	v3 =	vmul.f32 v3, v4;
	(pc) =	sbr.rel @p0 .LBB2_19-.Ltmp8, $4  }
0x221: {  	v1 =	vmul.f32 v1, v4;
	v2 =	vor.u32 $0x3, v6;
	v5 =	vmul.f32 v5, v4  }
0x222: {  	[tilespmem:s21+$0x0] =	vst v7  }
0x223: {  	[tilespmem:s21+$0x30] =	vst v1  }
0x224: {  	[tilespmem:s21+$0x20] =	vst v5;
	v1 =	vld [tilespmem:s21+$0x40]  }
0x225: {  	_ =	sdelay $0x2  }
0x226: {  	[tilespmem:s15+$0x10] =	vst v3  }
0x227: {  	v2 =	vld.idx.msk [tilespmem:v2+s0+$0x0], $0xffff  }
0x228: {  	v3 =	vld [tilespmem:s15+$0x50]  }
0x229: {  	v4 =	vld [tilespmem:s15+$0x70]  }
0x22a: {  	v5 =	vld [tilespmem:s15+$0x60];
	_ =	sdelay $0x1  }
0x22b: {  	v1 =	vmul.f32 v1, v2  }
0x22c: {  	v3 =	vmul.f32 v3, v2  }
0x22d: {  	v4 =	vmul.f32 v4, v2;
	[tilespmem:s15+$0x40] =	vst v1  }
0x22e: {  	v1 =	vmul.f32 v5, v2;
	[tilespmem:s15+$0x50] =	vst v3  }
0x22f: {  	s19 =	simm.s32 $0x0;
	[tilespmem:s15+$0x70] =	vst v4  }
0x230: {  	[tilespmem:s15+$0x60] =	vst v1;
	v1 =	vmov s19  }
0x231: {  	[spmem:s3] =	stream.indirect.scatter.add.f32 [tilespmem:s22], [sflag:$0x1], $0x40, s2, s10, $0xb8;
	v2 =	vor.u32 $0x80, v1;
	[tilespmem:$0x1CB00] =	vst v63  }
0x232: {  	_ =	swait.ge [sflag:s9], $0x2000  }
0x233: {  	[sflag:s9] =	ssyncset.done $0x0  }
0x234: {  	s15 =	simm.s32 $0x16BF0;
	[sflag:s9] =	ssyncadd.s32 $0xFFFFE000  }
0x235: {  	v3 =	vld [tilespmem:s15+$0xFFFFFF40]  }
0x236: {  	v2 =	vld.idx.msk [tilespmem:v2+s0+$0x0], $0xffff  }
0x237: {  	v4 =	vld [tilespmem:s15+$0xFFFFFF10]  }
0x238: {  	v5 =	vld [tilespmem:s15+$0xFFFFFF20]  }
0x239: {  	v6 =	vld [tilespmem:s15+$0xFFFFFF30];
	_ =	sdelay $0x1  }
0x23a: {  	v3 =	vmul.f32 v3, v2  }
0x23b: {  	v7 =	vor.u32 $0x81, v1;
	v4 =	vmul.f32 v4, v2  }
0x23c: {  	[tilespmem:s15+$0xFFFFFF40] =	vst v3;
	v3 =	vmul.f32 v5, v2  }
0x23d: {  	v2 =	vmul.f32 v6, v2;
	[tilespmem:s15+$0xFFFFFF10] =	vst v4  }
0x23e: {  	[tilespmem:s15+$0xFFFFFF20] =	vst v3  }
0x23f: {  	[tilespmem:s15+$0xFFFFFF30] =	vst v2;
	v3 =	vld [tilespmem:s15+$0xFFFFFF50]  }
0x240: {  	v2 =	vld.idx.msk [tilespmem:v7+s0+$0x0], $0xffff;
	_ =	sdelay $0x1  }
0x241: {  	v4 =	vld [tilespmem:s15+$0xFFFFFF60]  }
0x242: {  	v5 =	vld [tilespmem:s15+$0xFFFFFF80]  }
0x243: {  	v62 =	vld [tilespmem:s15+$0xFFFFFF70]  }
0x244: {  	v3 =	vmul.f32 v3, v2;
	_ =	sdelay $0x1  }
0x245: {  	v4 =	vmul.f32 v4, v2;
	[tilespmem:s15+$0xFFFFFF50] =	vst v3;
	v3 =	vor.u32 $0x82, v1  }
0x246: {  	v5 =	vmul.f32 v5, v2  }
0x247: {  	v2 =	vmul.f32 v62, v2;
	[tilespmem:s15+$0xFFFFFF60] =	vst v4  }
0x248: {  	[tilespmem:s15+$0xFFFFFF80] =	vst v5  }
0x249: {  	[tilespmem:s15+$0xFFFFFF70] =	vst v2;
	v2 =	vld [tilespmem:s15+$0xFFFFFF90]  }
0x24a: {  	v3 =	vld.idx.msk [tilespmem:v3+s0+$0x0], $0xffff  }
0x24b: {  	v4 =	vld [tilespmem:s15+$0xFFFFFFC0]  }
0x24c: {  	v5 =	vld [tilespmem:s15+$0xFFFFFFB0];
	_ =	sdelay $0x1  }
0x24d: {  	v63 =	vld [tilespmem:s15+$0xFFFFFFA0]  }
0x24e: {  	v2 =	vmul.f32 v2, v3  }
0x24f: {  	v4 =	vmul.f32 v4, v3  }
0x250: {  	v5 =	vmul.f32 v5, v3;
	[tilespmem:s15+$0xFFFFFF90] =	vst v2;
	v2 =	vor.u32 $0x83, v1  }
0x251: {  	[tilespmem:s15+$0xFFFFFFC0] =	vst v4  }
0x252: {  	s21 =	simm.s32 $0x16BF0;
	s19 =	simm.s32 $0x4;
	v3 =	vmul.f32 v63, v3;
	[tilespmem:s15+$0xFFFFFFB0] =	vst v5;
	v1 =	vld [tilespmem:s15+$0xFFFFFFF0]  }
.LBB2_21:
0x253: {  	p0 =	sne.s32 s19, $0x7C  }
0x254: {  	[tilespmem:s15+$0xFFFFFFA0] =	vst v3;
	v3 =	vld [tilespmem:s15+$0xFFFFFFD0];
	s21 =	sadd.s32 $0x100, s21;
	s30 =	smov.u32 s19;
	s19 =	sadd.s32 $0x4, s19  }
0x255: {  	v2 =	vld.idx.msk [tilespmem:v2+s0+$0x0], $0xffff  }
0x256: {  	v4 =	vld [tilespmem:s15+$0xFFFFFFE0]  }
0x257: {  	v5 =	vld [tilespmem:s15+$0x0];
	_ =	sdelay $0x3  }
0x258: {  	v6 =	vmov s30;
	v3 =	vmul.f32 v3, v2;
	v4 =	vmul.f32 v4, v2  }
0x259: {  	v7 =	vor.u32 $0x80, v6;
	v1 =	vmul.f32 v1, v2;
	v2 =	vmul.f32 v5, v2  }
0x25a: {  	[tilespmem:s15+$0xFFFFFFD0] =	vst v3  }
0x25b: {  	[tilespmem:s15+$0xFFFFFFE0] =	vst v4  }
0x25c: {  	v3 =	vld [tilespmem:s21+$0xFFFFFF30];
	[tilespmem:s15+$0x0] =	vst v2  }
0x25d: {  	v2 =	vld [tilespmem:s21+$0xFFFFFF40];
	[tilespmem:s15+$0xFFFFFFF0] =	vst v1;
	s15 =	smov.u32 s21  }
0x25e: {  	v1 =	vld.idx.msk [tilespmem:v7+s0+$0x0], $0xffff  }
0x25f: {  	v4 =	vld [tilespmem:s21+$0xFFFFFF10]  }
0x260: {  	v5 =	vld [tilespmem:s21+$0xFFFFFF20];
	_ =	sdelay $0x3  }
0x261: {  	v2 =	vmul.f32 v2, v1;
	v4 =	vmul.f32 v4, v1  }
0x262: {  	v5 =	vmul.f32 v5, v1;
	v1 =	vmul.f32 v3, v1;
	v3 =	vor.u32 $0x81, v6  }
0x263: {  	[tilespmem:s21+$0xFFFFFF40] =	vst v2  }
0x264: {  	[tilespmem:s21+$0xFFFFFF10] =	vst v4  }
0x265: {  	[tilespmem:s21+$0xFFFFFF20] =	vst v5;
	v2 =	vld [tilespmem:s21+$0xFFFFFF80]  }
0x266: {  	[tilespmem:s21+$0xFFFFFF30] =	vst v1;
	v1 =	vld [tilespmem:s21+$0xFFFFFF60]  }
0x267: {  	v3 =	vld.idx.msk [tilespmem:v3+s0+$0x0], $0xffff  }
0x268: {  	v4 =	vld [tilespmem:s21+$0xFFFFFF50]  }
0x269: {  	v5 =	vld [tilespmem:s21+$0xFFFFFF70];
	_ =	sdelay $0x3  }
0x26a: {  	v1 =	vmul.f32 v1, v3;
	v4 =	vmul.f32 v4, v3  }
0x26b: {  	v2 =	vmul.f32 v2, v3;
	v5 =	vmul.f32 v5, v3;
	v3 =	vor.u32 $0x82, v6  }
0x26c: {  	[tilespmem:s21+$0xFFFFFF50] =	vst v4  }
0x26d: {  	[tilespmem:s21+$0xFFFFFF60] =	vst v1  }
0x26e: {  	[tilespmem:s21+$0xFFFFFF80] =	vst v2;
	v1 =	vld [tilespmem:s21+$0xFFFFFFC0]  }
0x26f: {  	[tilespmem:s21+$0xFFFFFF70] =	vst v5;
	v2 =	vld [tilespmem:s21+$0xFFFFFF90]  }
0x270: {  	v4 =	vld.idx.msk [tilespmem:v3+s0+$0x0], $0xffff  }
0x271: {  	v3 =	vld [tilespmem:s21+$0xFFFFFFA0]  }
0x272: {  	v5 =	vld [tilespmem:s21+$0xFFFFFFB0];
	_ =	sdelay $0x3  }
.Ltmp9:
0x273: {  	v7 =	vmul.f32 v2, v4;
	v3 =	vmul.f32 v3, v4;
	(pc) =	sbr.rel @p0 .LBB2_21-.Ltmp9, $4  }
0x274: {  	v1 =	vmul.f32 v1, v4;
	v2 =	vor.u32 $0x83, v6;
	v5 =	vmul.f32 v5, v4  }
0x275: {  	[tilespmem:s21+$0xFFFFFF90] =	vst v7  }
0x276: {  	[tilespmem:s21+$0xFFFFFFC0] =	vst v1  }
0x277: {  	[tilespmem:s21+$0xFFFFFFB0] =	vst v5;
	v1 =	vld [tilespmem:s21+$0xFFFFFFF0]  }
0x278: {  	_ =	sdelay $0x2  }
0x279: {  	[tilespmem:s15+$0xFFFFFFA0] =	vst v3;
	v3 =	vld [tilespmem:s15+$0xFFFFFFD0]  }
0x27a: {  	v2 =	vld.idx.msk [tilespmem:v2+s0+$0x0], $0xffff  }
0x27b: {  	v4 =	vld [tilespmem:s15+$0xFFFFFFE0]  }
0x27c: {  	v5 =	vld [tilespmem:s15+$0x0];
	_ =	sdelay $0x2  }
0x27d: {  	v3 =	vmul.f32 v3, v2  }
0x27e: {  	v4 =	vmul.f32 v4, v2  }
0x27f: {  	v5 =	vmul.f32 v5, v2;
	[tilespmem:s15+$0xFFFFFFD0] =	vst v3  }
0x280: {  	v1 =	vmul.f32 v1, v2;
	[tilespmem:s15+$0xFFFFFFE0] =	vst v4  }
0x281: {  	s19 =	simm.s32 $0x0;
	[tilespmem:s15+$0x0] =	vst v5  }
0x282: {  	s30 =	simm.s32 $0x16B00;
	v2 =	vmov s19;
	[tilespmem:s15+$0xFFFFFFF0] =	vst v1  }
0x283: {  	v1 =	vor.u32 $0x100, v2;
	[spmem:s3] =	stream.indirect.scatter.add.f32 [tilespmem:s30], [sflag:$0x2], $0x40, s18, s10, $0xb8;
	[tilespmem:$0x1CB00] =	vst v63  }
0x284: {  	_ =	swait.ge [sflag:s14], $0x2000  }
0x285: {  	[sflag:s14] =	ssyncset.done $0x0  }
0x286: {  	s15 =	simm.s32 $0x0;
	[sflag:s14] =	ssyncadd.s32 $0xFFFFE000  }
0x287: {  	v3 =	vld [tilespmem:s15+$0x18B30]  }
0x288: {  	v1 =	vld.idx.msk [tilespmem:v1+s0+$0x0], $0xffff  }
0x289: {  	v4 =	vld [tilespmem:s15+$0x18B00]  }
0x28a: {  	v5 =	vld [tilespmem:s15+$0x18B20]  }
0x28b: {  	v6 =	vld [tilespmem:s15+$0x18B10];
	_ =	sdelay $0x1  }
0x28c: {  	v3 =	vmul.f32 v3, v1  }
0x28d: {  	v7 =	vor.u32 $0x101, v2;
	v4 =	vmul.f32 v4, v1  }
0x28e: {  	v5 =	vmul.f32 v5, v1;
	[tilespmem:s15+$0x18B30] =	vst v3  }
0x28f: {  	v1 =	vmul.f32 v6, v1;
	[tilespmem:s15+$0x18B00] =	vst v4  }
0x290: {  	[tilespmem:s15+$0x18B20] =	vst v5  }
0x291: {  	[tilespmem:s15+$0x18B10] =	vst v1;
	v4 =	vld [tilespmem:s15+$0x18B40]  }
0x292: {  	v1 =	vld.idx.msk [tilespmem:v7+s0+$0x0], $0xffff  }
0x293: {  	v6 =	vld [tilespmem:s15+$0x18B60]  }
0x294: {  	v5 =	vld [tilespmem:s15+$0x18B50]  }
0x295: {  	v3 =	vld [tilespmem:s15+$0x18B70];
	_ =	sdelay $0x1  }
0x296: {  	v4 =	vmul.f32 v4, v1;
	_ =	sdelay $0x1  }
0x297: {  	v5 =	vmul.f32 v5, v1;
	[tilespmem:s15+$0x18B40] =	vst v4;
	v4 =	vor.u32 $0x102, v2  }
0x298: {  	v3 =	vmul.f32 v3, v1;
	v1 =	vmul.f32 v6, v1  }
0x299: {  	v7 =	vld [tilespmem:s15+$0x18BA0];
	[tilespmem:s15+$0x18B50] =	vst v5  }
0x29a: {  	[tilespmem:s15+$0x18B60] =	vst v1;
	v1 =	vld [tilespmem:s15+$0x18B90]  }
0x29b: {  	[tilespmem:s15+$0x18B70] =	vst v3;
	v3 =	vld [tilespmem:s15+$0x18B80]  }
0x29c: {  	v4 =	vld.idx.msk [tilespmem:v4+s0+$0x0], $0xffff  }
0x29d: {  	v6 =	vld [tilespmem:s15+$0x18BB0];
	_ =	sdelay $0x3  }
0x29e: {  	v5 =	vmul.f32 v3, v4;
	v3 =	vmul.f32 v1, v4  }
0x29f: {  	s21 =	simm.s32 $0x400;
	v2 =	vor.u32 $0x103, v2;
	v1 =	vmul.f32 v7, v4;
	v4 =	vmul.f32 v6, v4  }
.LBB2_23:
0x2a0: {  	p0 =	sne.s32 s21, $0x7C00  }
0x2a1: {  	[tilespmem:s15+$0x18B80] =	vst v5;
	s19 =	sadd.s32 $0x4, s19;
	s30 =	smov.u32 s21;
	s21 =	sadd.s32 $0x400, s21  }
0x2a2: {  	[tilespmem:s15+$0x18B90] =	vst v3  }
0x2a3: {  	[tilespmem:s15+$0x18BB0] =	vst v4;
	v3 =	vld [tilespmem:s15+$0x18BF0]  }
0x2a4: {  	[tilespmem:s15+$0x18BA0] =	vst v1;
	v1 =	vld [tilespmem:s15+$0x18BD0]  }
0x2a5: {  	v2 =	vld.idx.msk [tilespmem:v2+s0+$0x0], $0xffff  }
0x2a6: {  	v4 =	vld [tilespmem:s15+$0x18BC0]  }
0x2a7: {  	v5 =	vld [tilespmem:s15+$0x18BE0]  }
0x2a8: {  	v6 =	vmov s19  }
0x2a9: {  	v7 =	vor.u32 $0x100, v6;
	_ =	sdelay $0x1  }
0x2aa: {  	v1 =	vmul.f32 v1, v2;
	v4 =	vmul.f32 v4, v2  }
0x2ab: {  	v5 =	vmul.f32 v5, v2;
	v2 =	vmul.f32 v3, v2  }
0x2ac: {  	[tilespmem:s15+$0x18BC0] =	vst v4  }
0x2ad: {  	[tilespmem:s15+$0x18BF0] =	vst v2  }
0x2ae: {  	s30 =	sshra.s32 s30, $0x2;
	[tilespmem:s15+$0x18BD0] =	vst v1  }
0x2af: {  	v1 =	vld [tilespmem:s30+$0x18B30];
	[tilespmem:s15+$0x18BE0] =	vst v5;
	s15 =	smov.u32 s30  }
0x2b0: {  	v2 =	vld.idx.msk [tilespmem:v7+s0+$0x0], $0xffff  }
0x2b1: {  	v3 =	vld [tilespmem:s15+$0x18B20]  }
0x2b2: {  	v4 =	vld [tilespmem:s15+$0x18B00]  }
0x2b3: {  	v5 =	vld [tilespmem:s15+$0x18B10];
	_ =	sdelay $0x1  }
0x2b4: {  	v7 =	vor.u32 $0x101, v6  }
0x2b5: {  	v1 =	vmul.f32 v1, v2  }
0x2b6: {  	v3 =	vmul.f32 v3, v2;
	v4 =	vmul.f32 v4, v2  }
0x2b7: {  	v2 =	vmul.f32 v5, v2;
	[tilespmem:s15+$0x18B30] =	vst v1  }
0x2b8: {  	[tilespmem:s15+$0x18B00] =	vst v4  }
0x2b9: {  	[tilespmem:s15+$0x18B20] =	vst v3;
	v1 =	vld [tilespmem:s15+$0x18B70]  }
0x2ba: {  	[tilespmem:s15+$0x18B10] =	vst v2;
	v2 =	vld [tilespmem:s15+$0x18B50]  }
0x2bb: {  	v3 =	vld.idx.msk [tilespmem:v7+s0+$0x0], $0xffff  }
0x2bc: {  	v4 =	vld [tilespmem:s15+$0x18B40]  }
0x2bd: {  	v5 =	vld [tilespmem:s15+$0x18B60];
	_ =	sdelay $0x3  }
0x2be: {  	v2 =	vmul.f32 v2, v3;
	v4 =	vmul.f32 v4, v3  }
0x2bf: {  	v1 =	vmul.f32 v1, v3;
	v5 =	vmul.f32 v5, v3;
	v3 =	vor.u32 $0x102, v6  }
0x2c0: {  	[tilespmem:s15+$0x18B40] =	vst v4  }
0x2c1: {  	[tilespmem:s15+$0x18B50] =	vst v2  }
0x2c2: {  	[tilespmem:s15+$0x18B70] =	vst v1;
	v2 =	vld [tilespmem:s15+$0x18BB0]  }
0x2c3: {  	[tilespmem:s15+$0x18B60] =	vst v5;
	v1 =	vld [tilespmem:s15+$0x18B90]  }
0x2c4: {  	v4 =	vld.idx.msk [tilespmem:v3+s0+$0x0], $0xffff  }
0x2c5: {  	v3 =	vld [tilespmem:s15+$0x18B80]  }
0x2c6: {  	v7 =	vld [tilespmem:s15+$0x18BA0]  }
.Ltmp10:
0x2c7: {  	(pc) =	sbr.rel @p0 .LBB2_23-.Ltmp10, $3  }
0x2c8: {  	_ =	sdelay $0x1  }
0x2c9: {  	v5 =	vmul.f32 v3, v4;
	v3 =	vmul.f32 v1, v4  }
0x2ca: {  	v1 =	vmul.f32 v7, v4;
	v4 =	vmul.f32 v2, v4;
	v2 =	vor.u32 $0x103, v6  }
0x2cb: {  	[tilespmem:s15+$0x18B80] =	vst v5  }
0x2cc: {  	[tilespmem:s15+$0x18B90] =	vst v3  }
0x2cd: {  	[tilespmem:s15+$0x18BB0] =	vst v4  }
0x2ce: {  	[tilespmem:s15+$0x18BA0] =	vst v1  }
0x2cf: {  	v1 =	vld.idx.msk [tilespmem:v2+s0+$0x0], $0xffff  }
0x2d0: {  	v2 =	vld [tilespmem:s15+$0x18BC0]  }
0x2d1: {  	v3 =	vld [tilespmem:s15+$0x18BF0]  }
0x2d2: {  	v4 =	vld [tilespmem:s15+$0x18BD0]  }
0x2d3: {  	v5 =	vld [tilespmem:s15+$0x18BE0];
	_ =	sdelay $0x1  }
0x2d4: {  	v2 =	vmul.f32 v2, v1  }
0x2d5: {  	v3 =	vmul.f32 v3, v1  }
0x2d6: {  	v4 =	vmul.f32 v4, v1;
	[tilespmem:s15+$0x18BC0] =	vst v2  }
0x2d7: {  	v1 =	vmul.f32 v5, v1;
	[tilespmem:s15+$0x18BF0] =	vst v3  }
0x2d8: {  	s19 =	simm.s32 $0x0;
	[tilespmem:s15+$0x18BD0] =	vst v4  }
0x2d9: {  	s30 =	simm.s32 $0x18B00;
	[tilespmem:s15+$0x18BE0] =	vst v1;
	v2 =	vmov s19  }
0x2da: {  	[spmem:s3] =	stream.indirect.scatter.add.f32 [tilespmem:s30], [sflag:$0x3], $0x40, s24, s10, $0xb8;
	v1 =	vor.u32 $0x180, v2;
	[tilespmem:$0x1CB00] =	vst v63  }
0x2db: {  	_ =	swait.ge [sflag:s16], $0x2000  }
0x2dc: {  	[sflag:s16] =	ssyncset.done $0x0  }
0x2dd: {  	s15 =	simm.s32 $0x0;
	[sflag:s16] =	ssyncadd.s32 $0xFFFFE000  }
0x2de: {  	v3 =	vld [tilespmem:s15+$0x1AB30]  }
0x2df: {  	v1 =	vld.idx.msk [tilespmem:v1+s0+$0x0], $0xffff  }
0x2e0: {  	v4 =	vld [tilespmem:s15+$0x1AB00]  }
0x2e1: {  	v5 =	vld [tilespmem:s15+$0x1AB20]  }
0x2e2: {  	v6 =	vld [tilespmem:s15+$0x1AB10];
	_ =	sdelay $0x1  }
0x2e3: {  	v3 =	vmul.f32 v3, v1  }
0x2e4: {  	v7 =	vor.u32 $0x181, v2;
	v4 =	vmul.f32 v4, v1  }
0x2e5: {  	v5 =	vmul.f32 v5, v1;
	[tilespmem:s15+$0x1AB30] =	vst v3  }
0x2e6: {  	v1 =	vmul.f32 v6, v1;
	[tilespmem:s15+$0x1AB00] =	vst v4  }
0x2e7: {  	[tilespmem:s15+$0x1AB20] =	vst v5  }
0x2e8: {  	[tilespmem:s15+$0x1AB10] =	vst v1;
	v4 =	vld [tilespmem:s15+$0x1AB40]  }
0x2e9: {  	v1 =	vld.idx.msk [tilespmem:v7+s0+$0x0], $0xffff  }
0x2ea: {  	v6 =	vld [tilespmem:s15+$0x1AB60]  }
0x2eb: {  	v5 =	vld [tilespmem:s15+$0x1AB50]  }
0x2ec: {  	v3 =	vld [tilespmem:s15+$0x1AB70];
	_ =	sdelay $0x1  }
0x2ed: {  	v4 =	vmul.f32 v4, v1;
	_ =	sdelay $0x1  }
0x2ee: {  	v5 =	vmul.f32 v5, v1;
	[tilespmem:s15+$0x1AB40] =	vst v4;
	v4 =	vor.u32 $0x182, v2  }
0x2ef: {  	v3 =	vmul.f32 v3, v1;
	v1 =	vmul.f32 v6, v1  }
0x2f0: {  	v7 =	vld [tilespmem:s15+$0x1ABA0];
	[tilespmem:s15+$0x1AB50] =	vst v5  }
0x2f1: {  	[tilespmem:s15+$0x1AB60] =	vst v1;
	v1 =	vld [tilespmem:s15+$0x1AB90]  }
0x2f2: {  	[tilespmem:s15+$0x1AB70] =	vst v3;
	v3 =	vld [tilespmem:s15+$0x1AB80]  }
0x2f3: {  	v4 =	vld.idx.msk [tilespmem:v4+s0+$0x0], $0xffff  }
0x2f4: {  	v6 =	vld [tilespmem:s15+$0x1ABB0];
	_ =	sdelay $0x3  }
0x2f5: {  	v5 =	vmul.f32 v3, v4;
	v3 =	vmul.f32 v1, v4  }
0x2f6: {  	s21 =	simm.s32 $0x400;
	v2 =	vor.u32 $0x183, v2;
	v1 =	vmul.f32 v7, v4;
	v4 =	vmul.f32 v6, v4  }
.LBB2_25:
0x2f7: {  	p0 =	sne.s32 s21, $0x7C00  }
0x2f8: {  	[tilespmem:s15+$0x1AB80] =	vst v5;
	s19 =	sadd.s32 $0x4, s19;
	s30 =	smov.u32 s21;
	s21 =	sadd.s32 $0x400, s21  }
0x2f9: {  	[tilespmem:s15+$0x1AB90] =	vst v3  }
0x2fa: {  	[tilespmem:s15+$0x1ABB0] =	vst v4;
	v3 =	vld [tilespmem:s15+$0x1ABF0]  }
0x2fb: {  	[tilespmem:s15+$0x1ABA0] =	vst v1;
	v1 =	vld [tilespmem:s15+$0x1ABD0]  }
0x2fc: {  	v2 =	vld.idx.msk [tilespmem:v2+s0+$0x0], $0xffff  }
0x2fd: {  	v4 =	vld [tilespmem:s15+$0x1ABC0]  }
0x2fe: {  	v5 =	vld [tilespmem:s15+$0x1ABE0]  }
0x2ff: {  	v6 =	vmov s19  }
0x300: {  	v7 =	vor.u32 $0x180, v6;
	_ =	sdelay $0x1  }
0x301: {  	v1 =	vmul.f32 v1, v2;
	v4 =	vmul.f32 v4, v2  }
0x302: {  	v5 =	vmul.f32 v5, v2;
	v2 =	vmul.f32 v3, v2  }
0x303: {  	[tilespmem:s15+$0x1ABC0] =	vst v4  }
0x304: {  	[tilespmem:s15+$0x1ABF0] =	vst v2  }
0x305: {  	s30 =	sshra.s32 s30, $0x2;
	[tilespmem:s15+$0x1ABD0] =	vst v1  }
0x306: {  	v1 =	vld [tilespmem:s30+$0x1AB30];
	[tilespmem:s15+$0x1ABE0] =	vst v5;
	s15 =	smov.u32 s30  }
0x307: {  	v2 =	vld.idx.msk [tilespmem:v7+s0+$0x0], $0xffff  }
0x308: {  	v3 =	vld [tilespmem:s15+$0x1AB20]  }
0x309: {  	v4 =	vld [tilespmem:s15+$0x1AB00]  }
0x30a: {  	v5 =	vld [tilespmem:s15+$0x1AB10];
	_ =	sdelay $0x1  }
0x30b: {  	v7 =	vor.u32 $0x181, v6  }
0x30c: {  	v1 =	vmul.f32 v1, v2  }
0x30d: {  	v3 =	vmul.f32 v3, v2;
	v4 =	vmul.f32 v4, v2  }
0x30e: {  	v2 =	vmul.f32 v5, v2;
	[tilespmem:s15+$0x1AB30] =	vst v1  }
0x30f: {  	[tilespmem:s15+$0x1AB00] =	vst v4  }
0x310: {  	[tilespmem:s15+$0x1AB20] =	vst v3;
	v1 =	vld [tilespmem:s15+$0x1AB70]  }
0x311: {  	[tilespmem:s15+$0x1AB10] =	vst v2;
	v2 =	vld [tilespmem:s15+$0x1AB50]  }
0x312: {  	v3 =	vld.idx.msk [tilespmem:v7+s0+$0x0], $0xffff  }
0x313: {  	v4 =	vld [tilespmem:s15+$0x1AB40]  }
0x314: {  	v5 =	vld [tilespmem:s15+$0x1AB60];
	_ =	sdelay $0x3  }
0x315: {  	v2 =	vmul.f32 v2, v3;
	v4 =	vmul.f32 v4, v3  }
0x316: {  	v1 =	vmul.f32 v1, v3;
	v5 =	vmul.f32 v5, v3;
	v3 =	vor.u32 $0x182, v6  }
0x317: {  	[tilespmem:s15+$0x1AB40] =	vst v4  }
0x318: {  	[tilespmem:s15+$0x1AB50] =	vst v2  }
0x319: {  	[tilespmem:s15+$0x1AB70] =	vst v1;
	v2 =	vld [tilespmem:s15+$0x1ABB0]  }
0x31a: {  	[tilespmem:s15+$0x1AB60] =	vst v5;
	v1 =	vld [tilespmem:s15+$0x1AB90]  }
0x31b: {  	v4 =	vld.idx.msk [tilespmem:v3+s0+$0x0], $0xffff  }
0x31c: {  	v3 =	vld [tilespmem:s15+$0x1AB80]  }
0x31d: {  	v7 =	vld [tilespmem:s15+$0x1ABA0]  }
.Ltmp11:
0x31e: {  	(pc) =	sbr.rel @p0 .LBB2_25-.Ltmp11, $3  }
0x31f: {  	_ =	sdelay $0x1  }
0x320: {  	v5 =	vmul.f32 v3, v4;
	v3 =	vmul.f32 v1, v4  }
0x321: {  	v1 =	vmul.f32 v7, v4;
	v4 =	vmul.f32 v2, v4;
	v2 =	vor.u32 $0x183, v6  }
0x322: {  	[tilespmem:s15+$0x1AB80] =	vst v5  }
0x323: {  	[tilespmem:s15+$0x1AB90] =	vst v3  }
0x324: {  	[tilespmem:s15+$0x1ABB0] =	vst v4  }
0x325: {  	[tilespmem:s15+$0x1ABA0] =	vst v1  }
0x326: {  	v1 =	vld.idx.msk [tilespmem:v2+s0+$0x0], $0xffff  }
0x327: {  	v2 =	vld [tilespmem:s15+$0x1ABC0]  }
0x328: {  	v3 =	vld [tilespmem:s15+$0x1ABF0]  }
0x329: {  	v62 =	vld [tilespmem:s15+$0x1ABD0]  }
0x32a: {  	v63 =	vld [tilespmem:s15+$0x1ABE0];
	_ =	sdelay $0x1  }
0x32b: {  	v2 =	vmul.f32 v2, v1  }
0x32c: {  	v3 =	vmul.f32 v3, v1  }
0x32d: {  	v4 =	vmul.f32 v62, v1;
	[tilespmem:s15+$0x1ABC0] =	vst v2  }
0x32e: {  	v1 =	vmul.f32 v63, v1;
	[tilespmem:s15+$0x1ABF0] =	vst v3  }
0x32f: {  	[tilespmem:s15+$0x1ABD0] =	vst v4  }
0x330: {  	s30 =	simm.s32 $0x1AB00;
	[tilespmem:s15+$0x1ABE0] =	vst v1  }
0x331: {  	[spmem:s3] =	stream.indirect.scatter.add.f32 [tilespmem:s30], [sflag:$0x4], $0x40, s17, s10, $0xb8;
	[tilespmem:$0x1CB00] =	vst v63  }
0x332: {  	_ =	swait.ge [sflag:s20], $0x2000  }
0x333: {  	[sflag:s20] =	ssyncset.done $0x0  }
0x334: {  	[sflag:s20] =	ssyncadd.s32 $0xFFFFE000  }
0x335: {  	_ =	swait.ge [sflag:s6], $0x2000  }
0x336: {  	[sflag:s6] =	ssyncset.done $0x0  }
0x337: {  	s13 =	sadd.s32 $0x1, s13;
	[sflag:s6] =	ssyncadd.s32 $0xFFFFE000  }
0x338: {  	p0 =	sne.s32 s13, $0x29;
	_ =	swait.ge [sflag:s7], $0x2000  }
.Ltmp12:
0x339: {  	[sflag:s7] =	ssyncset.done $0x0;
	(pc) =	sbr.rel @p0 .LBB2_18-.Ltmp12, $4  }
0x33a: {  	[sflag:s7] =	ssyncadd.s32 $0xFFFFE000  }
0x33b: {  	_ =	swait.ge [sflag:s8], $0x2000  }
0x33c: {  	[sflag:s8] =	ssyncset.done $0x0  }
0x33d: {  	[sflag:s8] =	ssyncadd.s32 $0xFFFFE000  }
0x33e: {  	s13 =	simm.s32 $0x0;
	[bflag:$0x0] =	sbarrier.arrive $0xFFFF  }
0x33f: {  	v1 =	vmov s13;
	s28 =	rddreg [dreg:$0xb]  }
0x340: {  	[tilespmem:s22], [sflag:$0x9] =	stream.linear.gather [spmem:s28], $0x2000, $0x38;
	[tilespmem:$0x1CB00] =	vst v63  }
0x341: {  	_ =	swait.ge [sflag:s29], $0x2000  }
0x342: {  	[sflag:s29] =	ssyncset.done $0x0  }
0x343: {  	[sflag:s29] =	ssyncadd.s32 $0xFFFFE000  }
0x344: {  	s13 =	simm.s32 $0x14B20;
	v1 =	vld.idx.msk [tilespmem:v1+s31+$0x0], $0xffff  }
0x345: {  	v2 =	vld [tilespmem:s13+$0xFFFFFFF0]  }
0x346: {  	v4 =	vld [tilespmem:s13+$0x10]  }
0x347: {  	v3 =	vld [tilespmem:s13+$0xFFFFFFE0]  }
0x348: {  	v5 =	vld [tilespmem:s13+$0x0];
	_ =	sdelay $0x1  }
0x349: {  	v6 =	vmul.f32 v1, v1;
	_ =	sdelay $0x1  }
0x34a: {  	s15 =	simm.s32 $0x1;
	v3 =	vmul.f32 v6, v3;
	v2 =	vmul.f32 v2, v6  }
0x34b: {  	v1 =	vmov s15;
	s15 =	simm.s32 $0x2;
	v5 =	vmul.f32 v5, v6;
	v4 =	vmul.f32 v4, v6  }
.LBB2_28:
0x34c: {  	p0 =	sne.s32 s15, $0x7F;
	[tilespmem:s13+$0xFFFFFFE0] =	vst v3  }
0x34d: {  	[tilespmem:s13+$0xFFFFFFF0] =	vst v2  }
0x34e: {  	[tilespmem:s13+$0x0] =	vst v5  }
0x34f: {  	[tilespmem:s13+$0x10] =	vst v4  }
0x350: {  	s13 =	sadd.s32 $0x40, s13;
	v1 =	vld.idx.msk [tilespmem:v1+s31+$0x0], $0xffff  }
0x351: {  	v2 =	vld [tilespmem:s13+$0xFFFFFFF0]  }
0x352: {  	v4 =	vld [tilespmem:s13+$0x10]  }
0x353: {  	v3 =	vld [tilespmem:s13+$0xFFFFFFE0]  }
0x354: {  	v5 =	vld [tilespmem:s13+$0x0]  }
.Ltmp13:
0x355: {  	(pc) =	sbr.rel @p0 .LBB2_28-.Ltmp13, $3  }
0x356: {  	v6 =	vmul.f32 v1, v1;
	_ =	sdelay $0x1  }
0x357: {  	v2 =	vmul.f32 v2, v6;
	v3 =	vmul.f32 v6, v3  }
0x358: {  	v1 =	vmov s15;
	s15 =	sadd.s32 $0x1, s15;
	v4 =	vmul.f32 v4, v6;
	v5 =	vmul.f32 v5, v6  }
0x359: {  	[tilespmem:s13+$0xFFFFFFE0] =	vst v3  }
0x35a: {  	[tilespmem:s13+$0xFFFFFFF0] =	vst v2  }
0x35b: {  	[tilespmem:s13+$0x0] =	vst v5  }
0x35c: {  	[tilespmem:s13+$0x10] =	vst v4  }
0x35d: {  	v1 =	vld.idx.msk [tilespmem:v1+s31+$0x0], $0xffff  }
0x35e: {  	s19 =	sadd.s32 $0x40, s13  }
0x35f: {  	v2 =	vld [tilespmem:s19+$0xFFFFFFE0]  }
0x360: {  	v3 =	vld [tilespmem:s19+$0xFFFFFFF0]  }
0x361: {  	v4 =	vld [tilespmem:s19+$0x0]  }
0x362: {  	v5 =	vld [tilespmem:s19+$0x10];
	v1 =	vmul.f32 v1, v1;
	_ =	sdelay $0x1  }
0x363: {  	v2 =	vmul.f32 v1, v2  }
0x364: {  	v3 =	vmul.f32 v3, v1  }
0x365: {  	v4 =	vmul.f32 v4, v1;
	[tilespmem:s19+$0xFFFFFFE0] =	vst v2  }
0x366: {  	v1 =	vmul.f32 v5, v1;
	[tilespmem:s19+$0xFFFFFFF0] =	vst v3  }
0x367: {  	[tilespmem:s19+$0x0] =	vst v4  }
0x368: {  	s21 =	simm.s32 $0x0;
	s15 =	rddreg [dreg:$0xb];
	[tilespmem:s19+$0x10] =	vst v1;
	s19 =	simm.s32 $0x14B00  }
0x369: {  	v1 =	vmov s21;
	[spmem:s15] =	stream.linear.scatter [tilespmem:s19], [sflag:$0x9], $0x2000, $0x38;
	[tilespmem:$0x1CB00] =	vst v63  }
0x36a: {  	v1 =	vadd.s32 $0x80, v1;
	_ =	swait.ge [sflag:s29], $0x2000  }
0x36b: {  	v1 =	vbroadcast v1, $0x0;
	[sflag:s29] =	ssyncset.done $0x0  }
0x36c: {  	s22 =	rddreg [dreg:$0xc];
	[sflag:s29] =	ssyncadd.s32 $0xFFFFE000  }
0x36d: {  	[tilespmem:s19], [sflag:$0x9] =	stream.linear.gather [spmem:s22], $0x2000, $0x38;
	[tilespmem:$0x1CB00] =	vst v63  }
0x36e: {  	_ =	swait.ge [sflag:s29], $0x2000  }
0x36f: {  	[sflag:s29] =	ssyncset.done $0x0  }
0x370: {  	[sflag:s29] =	ssyncadd.s32 $0xFFFFE000  }
0x371: {  	s13 =	simm.s32 $0x14B20;
	v5 =	vld.idx.msk [tilespmem:v1+s31+$0x0], $0xffff  }
0x372: {  	v2 =	vld [tilespmem:s13+$0xFFFFFFF0]  }
0x373: {  	v1 =	vld [tilespmem:s13+$0x10]  }
0x374: {  	v4 =	vld [tilespmem:s13+$0xFFFFFFE0]  }
0x375: {  	s28 =	simm.s32 $0x1;
	v3 =	vld [tilespmem:s13+$0x0]  }
0x376: {  	v6 =	vmov s28  }
0x377: {  	v6 =	vadd.s32 $0x80, v6;
	s15 =	simm.s32 $0x2;
	s21 =	rddreg [dreg:$0x8];
	v5 =	vmul.f32 v5, v5  }
.LBB2_30:
0x378: {  	p0 =	sne.s32 s15, $0x7F;
	v6 =	vbroadcast v6, $0x0  }
0x379: {  	v4 =	vmul.f32 v5, v4;
	v2 =	vmul.f32 v2, v5  }
0x37a: {  	v1 =	vmul.f32 v1, v5;
	v3 =	vmul.f32 v3, v5  }
0x37b: {  	[tilespmem:s13+$0xFFFFFFE0] =	vst v4  }
0x37c: {  	[tilespmem:s13+$0xFFFFFFF0] =	vst v2  }
0x37d: {  	[tilespmem:s13+$0x0] =	vst v3  }
0x37e: {  	[tilespmem:s13+$0x10] =	vst v1  }
0x37f: {  	s13 =	sadd.s32 $0x40, s13;
	v5 =	vld.idx.msk [tilespmem:v6+s31+$0x0], $0xffff  }
0x380: {  	v2 =	vld [tilespmem:s13+$0xFFFFFFF0]  }
.Ltmp14:
0x381: {  	v1 =	vld [tilespmem:s13+$0x10];
	(pc) =	sbr.rel @p0 .LBB2_30-.Ltmp14, $4  }
0x382: {  	v4 =	vld [tilespmem:s13+$0xFFFFFFE0]  }
0x383: {  	v3 =	vld [tilespmem:s13+$0x0]  }
0x384: {  	v6 =	vmov s15  }
0x385: {  	s15 =	sadd.s32 $0x1, s15;
	v6 =	vadd.s32 $0x80, v6;
	v5 =	vmul.f32 v5, v5  }
0x386: {  	_ = 	snop  }
0x387: {  	v6 =	vbroadcast v6, $0x0;
	v4 =	vmul.f32 v5, v4  }
0x388: {  	v2 =	vmul.f32 v2, v5  }
0x389: {  	v1 =	vmul.f32 v1, v5;
	[tilespmem:s13+$0xFFFFFFE0] =	vst v4  }
0x38a: {  	v3 =	vmul.f32 v3, v5;
	[tilespmem:s13+$0xFFFFFFF0] =	vst v2  }
0x38b: {  	[tilespmem:s13+$0x10] =	vst v1  }
0x38c: {  	[tilespmem:s13+$0x0] =	vst v3  }
0x38d: {  	v1 =	vld.idx.msk [tilespmem:v6+s31+$0x0], $0xffff  }
0x38e: {  	s22 =	sadd.s32 $0x40, s13  }
0x38f: {  	v2 =	vld [tilespmem:s22+$0xFFFFFFE0]  }
0x390: {  	v3 =	vld [tilespmem:s22+$0xFFFFFFF0]  }
0x391: {  	v4 =	vld [tilespmem:s22+$0x0]  }
0x392: {  	v5 =	vld [tilespmem:s22+$0x10];
	v1 =	vmul.f32 v1, v1;
	_ =	sdelay $0x1  }
0x393: {  	v2 =	vmul.f32 v1, v2  }
0x394: {  	v3 =	vmul.f32 v3, v1  }
0x395: {  	v4 =	vmul.f32 v4, v1;
	[tilespmem:s22+$0xFFFFFFE0] =	vst v2  }
0x396: {  	v1 =	vmul.f32 v5, v1;
	[tilespmem:s22+$0xFFFFFFF0] =	vst v3  }
0x397: {  	[tilespmem:s22+$0x0] =	vst v4  }
0x398: {  	s28 =	simm.s32 $0x0;
	s15 =	rddreg [dreg:$0xc];
	s19 =	simm.s32 $0x14B00;
	[tilespmem:s22+$0x10] =	vst v1  }
0x399: {  	v1 =	vmov s28;
	[spmem:s15] =	stream.linear.scatter [tilespmem:s19], [sflag:$0x9], $0x2000, $0x38;
	[tilespmem:$0x1CB00] =	vst v63  }
0x39a: {  	v1 =	vadd.s32 $0x100, v1;
	_ =	swait.ge [sflag:s29], $0x2000  }
0x39b: {  	v1 =	vbroadcast v1, $0x0;
	[sflag:s29] =	ssyncset.done $0x0  }
0x39c: {  	s22 =	rddreg [dreg:$0xd];
	[sflag:s29] =	ssyncadd.s32 $0xFFFFE000  }
0x39d: {  	[tilespmem:s19], [sflag:$0x9] =	stream.linear.gather [spmem:s22], $0x2000, $0x38;
	[tilespmem:$0x1CB00] =	vst v63  }
0x39e: {  	_ =	swait.ge [sflag:s29], $0x2000  }
0x39f: {  	[sflag:s29] =	ssyncset.done $0x0  }
0x3a0: {  	[sflag:s29] =	ssyncadd.s32 $0xFFFFE000  }
0x3a1: {  	s13 =	simm.s32 $0x14B20;
	v5 =	vld.idx.msk [tilespmem:v1+s31+$0x0], $0xffff  }
0x3a2: {  	v2 =	vld [tilespmem:s13+$0xFFFFFFF0]  }
0x3a3: {  	v1 =	vld [tilespmem:s13+$0x10]  }
0x3a4: {  	v4 =	vld [tilespmem:s13+$0xFFFFFFE0]  }
0x3a5: {  	s28 =	simm.s32 $0x1;
	v3 =	vld [tilespmem:s13+$0x0]  }
0x3a6: {  	v6 =	vmov s28  }
0x3a7: {  	s15 =	simm.s32 $0x2;
	v6 =	vadd.s32 $0x100, v6;
	v5 =	vmul.f32 v5, v5  }
.LBB2_32:
0x3a8: {  	p0 =	sne.s32 s15, $0x7F;
	v6 =	vbroadcast v6, $0x0  }
0x3a9: {  	v4 =	vmul.f32 v5, v4;
	v2 =	vmul.f32 v2, v5  }
0x3aa: {  	v1 =	vmul.f32 v1, v5;
	v3 =	vmul.f32 v3, v5  }
0x3ab: {  	[tilespmem:s13+$0xFFFFFFE0] =	vst v4  }
0x3ac: {  	[tilespmem:s13+$0xFFFFFFF0] =	vst v2  }
0x3ad: {  	[tilespmem:s13+$0x0] =	vst v3  }
0x3ae: {  	[tilespmem:s13+$0x10] =	vst v1  }
0x3af: {  	s13 =	sadd.s32 $0x40, s13;
	v5 =	vld.idx.msk [tilespmem:v6+s31+$0x0], $0xffff  }
0x3b0: {  	v2 =	vld [tilespmem:s13+$0xFFFFFFF0]  }
.Ltmp15:
0x3b1: {  	v1 =	vld [tilespmem:s13+$0x10];
	(pc) =	sbr.rel @p0 .LBB2_32-.Ltmp15, $4  }
0x3b2: {  	v4 =	vld [tilespmem:s13+$0xFFFFFFE0]  }
0x3b3: {  	v3 =	vld [tilespmem:s13+$0x0]  }
0x3b4: {  	v6 =	vmov s15  }
0x3b5: {  	s15 =	sadd.s32 $0x1, s15;
	v6 =	vadd.s32 $0x100, v6;
	v5 =	vmul.f32 v5, v5  }
0x3b6: {  	_ = 	snop  }
0x3b7: {  	v6 =	vbroadcast v6, $0x0;
	v4 =	vmul.f32 v5, v4  }
0x3b8: {  	v2 =	vmul.f32 v2, v5  }
0x3b9: {  	v1 =	vmul.f32 v1, v5;
	[tilespmem:s13+$0xFFFFFFE0] =	vst v4  }
0x3ba: {  	v3 =	vmul.f32 v3, v5;
	[tilespmem:s13+$0xFFFFFFF0] =	vst v2  }
0x3bb: {  	[tilespmem:s13+$0x10] =	vst v1  }
0x3bc: {  	[tilespmem:s13+$0x0] =	vst v3  }
0x3bd: {  	v1 =	vld.idx.msk [tilespmem:v6+s31+$0x0], $0xffff  }
0x3be: {  	s22 =	sadd.s32 $0x40, s13  }
0x3bf: {  	v2 =	vld [tilespmem:s22+$0xFFFFFFE0]  }
0x3c0: {  	v3 =	vld [tilespmem:s22+$0xFFFFFFF0]  }
0x3c1: {  	v4 =	vld [tilespmem:s22+$0x0]  }
0x3c2: {  	v5 =	vld [tilespmem:s22+$0x10];
	v1 =	vmul.f32 v1, v1;
	_ =	sdelay $0x1  }
0x3c3: {  	v2 =	vmul.f32 v1, v2  }
0x3c4: {  	v3 =	vmul.f32 v3, v1  }
0x3c5: {  	v4 =	vmul.f32 v4, v1;
	[tilespmem:s22+$0xFFFFFFE0] =	vst v2  }
0x3c6: {  	v1 =	vmul.f32 v5, v1;
	[tilespmem:s22+$0xFFFFFFF0] =	vst v3  }
0x3c7: {  	[tilespmem:s22+$0x0] =	vst v4  }
0x3c8: {  	s28 =	simm.s32 $0x0;
	s15 =	rddreg [dreg:$0xd];
	s19 =	simm.s32 $0x14B00;
	[tilespmem:s22+$0x10] =	vst v1  }
0x3c9: {  	v1 =	vmov s28;
	[spmem:s15] =	stream.linear.scatter [tilespmem:s19], [sflag:$0x9], $0x2000, $0x38;
	[tilespmem:$0x1CB00] =	vst v63  }
0x3ca: {  	v1 =	vadd.s32 $0x180, v1;
	_ =	swait.ge [sflag:s29], $0x2000  }
0x3cb: {  	v1 =	vbroadcast v1, $0x0;
	[sflag:s29] =	ssyncset.done $0x0  }
0x3cc: {  	s22 =	rddreg [dreg:$0xe];
	[sflag:s29] =	ssyncadd.s32 $0xFFFFE000  }
0x3cd: {  	[tilespmem:s19], [sflag:$0x9] =	stream.linear.gather [spmem:s22], $0x2000, $0x38;
	[tilespmem:$0x1CB00] =	vst v63  }
0x3ce: {  	_ =	swait.ge [sflag:s29], $0x2000  }
0x3cf: {  	[sflag:s29] =	ssyncset.done $0x0  }
0x3d0: {  	[sflag:s29] =	ssyncadd.s32 $0xFFFFE000  }
0x3d1: {  	s13 =	simm.s32 $0x14B20;
	v5 =	vld.idx.msk [tilespmem:v1+s31+$0x0], $0xffff  }
0x3d2: {  	v2 =	vld [tilespmem:s13+$0xFFFFFFF0]  }
0x3d3: {  	v1 =	vld [tilespmem:s13+$0x10]  }
0x3d4: {  	v4 =	vld [tilespmem:s13+$0xFFFFFFE0]  }
0x3d5: {  	s28 =	simm.s32 $0x1;
	v3 =	vld [tilespmem:s13+$0x0]  }
0x3d6: {  	v6 =	vmov s28  }
0x3d7: {  	s15 =	simm.s32 $0x2;
	v6 =	vadd.s32 $0x180, v6;
	v5 =	vmul.f32 v5, v5  }
.LBB2_34:
0x3d8: {  	p0 =	sne.s32 s15, $0x7F;
	v6 =	vbroadcast v6, $0x0  }
0x3d9: {  	v4 =	vmul.f32 v5, v4;
	v2 =	vmul.f32 v2, v5  }
0x3da: {  	v1 =	vmul.f32 v1, v5;
	v3 =	vmul.f32 v3, v5  }
0x3db: {  	[tilespmem:s13+$0xFFFFFFE0] =	vst v4  }
0x3dc: {  	[tilespmem:s13+$0xFFFFFFF0] =	vst v2  }
0x3dd: {  	[tilespmem:s13+$0x0] =	vst v3  }
0x3de: {  	[tilespmem:s13+$0x10] =	vst v1  }
0x3df: {  	s13 =	sadd.s32 $0x40, s13;
	v5 =	vld.idx.msk [tilespmem:v6+s31+$0x0], $0xffff  }
0x3e0: {  	v2 =	vld [tilespmem:s13+$0xFFFFFFF0]  }
.Ltmp16:
0x3e1: {  	v1 =	vld [tilespmem:s13+$0x10];
	(pc) =	sbr.rel @p0 .LBB2_34-.Ltmp16, $4  }
0x3e2: {  	v4 =	vld [tilespmem:s13+$0xFFFFFFE0]  }
0x3e3: {  	v3 =	vld [tilespmem:s13+$0x0]  }
0x3e4: {  	v6 =	vmov s15  }
0x3e5: {  	s15 =	sadd.s32 $0x1, s15;
	v6 =	vadd.s32 $0x180, v6;
	v5 =	vmul.f32 v5, v5  }
0x3e6: {  	_ = 	snop  }
0x3e7: {  	v6 =	vbroadcast v6, $0x0;
	v4 =	vmul.f32 v5, v4  }
0x3e8: {  	v2 =	vmul.f32 v2, v5  }
0x3e9: {  	v1 =	vmul.f32 v1, v5;
	[tilespmem:s13+$0xFFFFFFE0] =	vst v4  }
0x3ea: {  	v3 =	vmul.f32 v3, v5;
	[tilespmem:s13+$0xFFFFFFF0] =	vst v2  }
0x3eb: {  	[tilespmem:s13+$0x10] =	vst v1  }
0x3ec: {  	[tilespmem:s13+$0x0] =	vst v3  }
0x3ed: {  	v1 =	vld.idx.msk [tilespmem:v6+s31+$0x0], $0xffff  }
0x3ee: {  	s22 =	sadd.s32 $0x40, s13  }
0x3ef: {  	v2 =	vld [tilespmem:s22+$0xFFFFFFE0]  }
0x3f0: {  	v3 =	vld [tilespmem:s22+$0xFFFFFFF0]  }
0x3f1: {  	v4 =	vld [tilespmem:s22+$0x0]  }
0x3f2: {  	v5 =	vld [tilespmem:s22+$0x10];
	v1 =	vmul.f32 v1, v1;
	_ =	sdelay $0x1  }
0x3f3: {  	v2 =	vmul.f32 v1, v2  }
0x3f4: {  	v3 =	vmul.f32 v3, v1  }
0x3f5: {  	v4 =	vmul.f32 v4, v1;
	[tilespmem:s22+$0xFFFFFFE0] =	vst v2  }
0x3f6: {  	v1 =	vmul.f32 v5, v1;
	[tilespmem:s22+$0xFFFFFFF0] =	vst v3  }
0x3f7: {  	[tilespmem:s22+$0x0] =	vst v4  }
0x3f8: {  	s28 =	simm.s32 $0x0;
	s15 =	rddreg [dreg:$0xe];
	[tilespmem:s22+$0x10] =	vst v1;
	s22 =	simm.s32 $0x14B00  }
0x3f9: {  	v1 =	vmov s28;
	[spmem:s15] =	stream.linear.scatter [tilespmem:s22], [sflag:$0x9], $0x2000, $0x38;
	[tilespmem:$0x1CB00] =	vst v63  }
0x3fa: {  	v1 =	vadd.s32 $0x200, v1;
	_ =	swait.ge [sflag:s29], $0x2000  }
0x3fb: {  	v1 =	vbroadcast v1, $0x0;
	[sflag:s29] =	ssyncset.done $0x0  }
0x3fc: {  	s15 =	rddreg [dreg:$0xf];
	[sflag:s29] =	ssyncadd.s32 $0xFFFFE000  }
0x3fd: {  	[tilespmem:s22], [sflag:$0x9] =	stream.linear.gather [spmem:s15], $0x2000, $0x38;
	[tilespmem:$0x1CB00] =	vst v63  }
0x3fe: {  	_ =	swait.ge [sflag:s29], $0x2000  }
0x3ff: {  	[sflag:s29] =	ssyncset.done $0x0  }
0x400: {  	[sflag:s29] =	ssyncadd.s32 $0xFFFFE000  }
0x401: {  	s13 =	simm.s32 $0x14B20;
	v5 =	vld.idx.msk [tilespmem:v1+s31+$0x0], $0xffff  }
0x402: {  	v2 =	vld [tilespmem:s13+$0xFFFFFFF0]  }
0x403: {  	v1 =	vld [tilespmem:s13+$0x10]  }
0x404: {  	v4 =	vld [tilespmem:s13+$0xFFFFFFE0]  }
0x405: {  	s28 =	simm.s32 $0x1;
	v3 =	vld [tilespmem:s13+$0x0]  }
0x406: {  	v6 =	vmov s28  }
0x407: {  	s19 =	simm.s32 $0x14B00;
	v6 =	vadd.s32 $0x200, v6;
	s15 =	simm.s32 $0x2;
	v5 =	vmul.f32 v5, v5  }
.LBB2_36:
0x408: {  	p0 =	sne.s32 s15, $0x7F;
	v6 =	vbroadcast v6, $0x0  }
0x409: {  	v4 =	vmul.f32 v5, v4;
	v2 =	vmul.f32 v2, v5  }
0x40a: {  	v1 =	vmul.f32 v1, v5;
	v3 =	vmul.f32 v3, v5  }
0x40b: {  	[tilespmem:s13+$0xFFFFFFE0] =	vst v4  }
0x40c: {  	[tilespmem:s13+$0xFFFFFFF0] =	vst v2  }
0x40d: {  	[tilespmem:s13+$0x0] =	vst v3  }
0x40e: {  	[tilespmem:s13+$0x10] =	vst v1  }
0x40f: {  	s13 =	sadd.s32 $0x40, s13;
	v5 =	vld.idx.msk [tilespmem:v6+s31+$0x0], $0xffff  }
0x410: {  	v2 =	vld [tilespmem:s13+$0xFFFFFFF0]  }
.Ltmp17:
0x411: {  	v1 =	vld [tilespmem:s13+$0x10];
	(pc) =	sbr.rel @p0 .LBB2_36-.Ltmp17, $4  }
0x412: {  	v4 =	vld [tilespmem:s13+$0xFFFFFFE0]  }
0x413: {  	v3 =	vld [tilespmem:s13+$0x0]  }
0x414: {  	v6 =	vmov s15  }
0x415: {  	s15 =	sadd.s32 $0x1, s15;
	v6 =	vadd.s32 $0x200, v6;
	v5 =	vmul.f32 v5, v5  }
0x416: {  	_ = 	snop  }
0x417: {  	v6 =	vbroadcast v6, $0x0;
	v4 =	vmul.f32 v5, v4  }
0x418: {  	v2 =	vmul.f32 v2, v5  }
0x419: {  	v1 =	vmul.f32 v1, v5;
	[tilespmem:s13+$0xFFFFFFE0] =	vst v4  }
0x41a: {  	v3 =	vmul.f32 v3, v5;
	[tilespmem:s13+$0xFFFFFFF0] =	vst v2  }
0x41b: {  	[tilespmem:s13+$0x10] =	vst v1  }
0x41c: {  	[tilespmem:s13+$0x0] =	vst v3  }
0x41d: {  	v1 =	vld.idx.msk [tilespmem:v6+s31+$0x0], $0xffff  }
0x41e: {  	s22 =	sadd.s32 $0x40, s13  }
0x41f: {  	v2 =	vld [tilespmem:s22+$0xFFFFFFE0]  }
0x420: {  	v3 =	vld [tilespmem:s22+$0xFFFFFFF0]  }
0x421: {  	v4 =	vld [tilespmem:s22+$0x0]  }
0x422: {  	v63 =	vld [tilespmem:s22+$0x10];
	v1 =	vmul.f32 v1, v1;
	_ =	sdelay $0x1  }
0x423: {  	v2 =	vmul.f32 v1, v2  }
0x424: {  	v3 =	vmul.f32 v3, v1  }
0x425: {  	v4 =	vmul.f32 v4, v1;
	[tilespmem:s22+$0xFFFFFFE0] =	vst v2  }
0x426: {  	v1 =	vmul.f32 v63, v1;
	[tilespmem:s22+$0xFFFFFFF0] =	vst v3  }
0x427: {  	[tilespmem:s22+$0x0] =	vst v4  }
0x428: {  	s28 =	rddreg [dreg:$0xf];
	[tilespmem:s22+$0x10] =	vst v1  }
0x429: {  	[spmem:s28] =	stream.linear.scatter [tilespmem:s19], [sflag:$0x9], $0x2000, $0x38;
	[tilespmem:$0x1CB00] =	vst v63  }
0x42a: {  	_ =	swait.ge [sflag:s29], $0x2000  }
0x42b: {  	[sflag:s29] =	ssyncset.done $0x0  }
0x42c: {  	s15 =	simm.s32 $0x100;
	s13 =	simm.s32 $0x0;
	[sflag:s29] =	ssyncadd.s32 $0xFFFFE000  }
.LBB2_38:
0x42d: {  	p0 =	sne.s32 s15, $0x7F00;
	[tilespmem:s13+$0x14B30] =	vst v0;
	s19 =	smov.u32 s15;
	s15 =	sadd.s32 $0x100, s15  }
.Ltmp18:
0x42e: {  	[tilespmem:s13+$0x14B20] =	vst v0;
	(pc) =	sbr.rel @p0 .LBB2_38-.Ltmp18, $3  }
0x42f: {  	[tilespmem:s13+$0x14B00] =	vst v0  }
0x430: {  	[tilespmem:s13+$0x14B10] =	vst v0;
	_ =	sdelay $0x1  }
0x431: {  	s13 =	sshra.s32 s19, $0x2  }
0x432: {  	[tilespmem:s13+$0x14B30] =	vst v0  }
0x433: {  	[tilespmem:s13+$0x14B20] =	vst v0  }
0x434: {  	[tilespmem:s13+$0x14B00] =	vst v0  }
0x435: {  	[tilespmem:s13+$0x14B10] =	vst v0;
	s15 =	simm.s32 $0x14B00  }
0x436: {  	[spmem:s21] =	stream.linear.scatter [tilespmem:s15], [sflag:$0x9], $0x2000, $0x38;
	[tilespmem:$0x1CB00] =	vst v63  }
0x437: {  	_ =	swait.ge [sflag:s29], $0x2000  }
0x438: {  	[sflag:s29] =	ssyncset.done $0x0  }
0x439: {  	s21 =	rddreg [dreg:$0x12];
	[sflag:s29] =	ssyncadd.s32 $0xFFFFE000  }
0x43a: {  	[spmem:s21] =	stream.linear.scatter [tilespmem:s15], [sflag:$0x9], $0x2000, $0x38;
	[tilespmem:$0x1CB00] =	vst v63  }
0x43b: {  	_ =	swait.ge [sflag:s29], $0x2000  }
0x43c: {  	[sflag:s29] =	ssyncset.done $0x0  }
0x43d: {  	s22 =	rddreg [dreg:$0x13];
	[sflag:s29] =	ssyncadd.s32 $0xFFFFE000  }
0x43e: {  	[spmem:s22] =	stream.linear.scatter [tilespmem:s15], [sflag:$0x9], $0x2000, $0x38;
	[tilespmem:$0x1CB00] =	vst v63  }
0x43f: {  	_ =	swait.ge [sflag:s29], $0x2000  }
0x440: {  	[sflag:s29] =	ssyncset.done $0x0  }
0x441: {  	s19 =	rddreg [dreg:$0x14];
	[sflag:s29] =	ssyncadd.s32 $0xFFFFE000  }
0x442: {  	[spmem:s19] =	stream.linear.scatter [tilespmem:s15], [sflag:$0x9], $0x2000, $0x38;
	[tilespmem:$0x1CB00] =	vst v63  }
0x443: {  	_ =	swait.ge [sflag:s29], $0x2000  }
0x444: {  	[sflag:s29] =	ssyncset.done $0x0  }
0x445: {  	s21 =	rddreg [dreg:$0x15];
	[sflag:s29] =	ssyncadd.s32 $0xFFFFE000  }
0x446: {  	[spmem:s21] =	stream.linear.scatter [tilespmem:s15], [sflag:$0x9], $0x2000, $0x38;
	[tilespmem:$0x1CB00] =	vst v63  }
0x447: {  	_ =	swait.ge [sflag:s29], $0x2000  }
0x448: {  	[sflag:s29] =	ssyncset.done $0x0  }
0x449: {  	s28 =	simm.s32 $0x0;
	[sflag:s29] =	ssyncadd.s32 $0xFFFFE000  }
0x44a: {  	s13 =	simm.s32 $0x0;
	s22 =	simm.s32 $0x14B00;
	[bflag:$0x0] =	sbarrier.arrive $0xFFFF  }
.LBB2_40:
0x44b: {  	s15 =	sshll.u32 s13, $0x9;
	s19 =	rddreg [dreg:$0x18]  }
0x44c: {  	s15 =	sadd.s32 s19, s15  }
0x44d: {  	s21 =	rddreg [dreg:$0x5];
	s15 =	sshrl.u32 s15, $0x3  }
0x44e: {  	s19 =	sadd.s32 s21, s15;
	s21 =	simm.s32 $0x14280  }
0x44f: {  	[tilespmem:s21], [sflag:$0x9] =	stream.linear.gather [hbm4b:s19+s28], $0x200, $0x38;
	[tilespmem:$0x1CB00] =	vst v63  }
0x450: {  	_ =	swait.ge [sflag:s29], $0x200  }
0x451: {  	[sflag:s29] =	ssyncset.done $0x0;
	s19 =	rddreg [dreg:$0x6]  }
0x452: {  	[sflag:s29] =	ssyncadd.s32 $0xFFFFFE00;
	s19 =	sadd.s32 s19, s15  }
0x453: {  	[tilespmem:s2], [sflag:$0x9] =	stream.linear.gather [hbm4b:s19+s28], $0x200, $0x38;
	[tilespmem:$0x1CB00] =	vst v63  }
0x454: {  	_ =	swait.ge [sflag:s29], $0x200  }
0x455: {  	[sflag:s29] =	ssyncset.done $0x0;
	s19 =	rddreg [dreg:$0x7]  }
0x456: {  	[sflag:s29] =	ssyncadd.s32 $0xFFFFFE00;
	s15 =	sadd.s32 s19, s15  }
0x457: {  	[tilespmem:s0], [sflag:$0x9] =	stream.linear.gather [hbm4b:s15+s28], $0x200, $0x38;
	[tilespmem:$0x1CB00] =	vst v63  }
0x458: {  	_ =	swait.ge [sflag:s29], $0x200  }
0x459: {  	[sflag:s29] =	ssyncset.done $0x0  }
0x45a: {  	[sflag:s29] =	ssyncadd.s32 $0xFFFFFE00  }
0x45b: {  	[tilespmem:s22], [sflag:$0x5] =	stream.indirect.gather [spmem:s3], $0x40, s21, s10, $0xb8;
	[tilespmem:$0x1CB00] =	vst v63  }
0x45c: {  	s19 =	simm.s32 $0x14300;
	s21 =	simm.s32 $0x16B00  }
0x45d: {  	[tilespmem:s21], [sflag:$0x6] =	stream.indirect.gather [spmem:s3], $0x40, s19, s10, $0xb8;
	[tilespmem:$0x1CB00] =	vst v63  }
0x45e: {  	s19 =	simm.s32 $0x14380;
	s21 =	simm.s32 $0x18B00  }
0x45f: {  	[tilespmem:s21], [sflag:$0x7] =	stream.indirect.gather [spmem:s3], $0x40, s19, s10, $0xb8;
	[tilespmem:$0x1CB00] =	vst v63  }
0x460: {  	s21 =	simm.s32 $0x14400  }
0x461: {  	[tilespmem:s30], [sflag:$0x8] =	stream.indirect.gather [spmem:s3], $0x40, s21, s10, $0xb8;
	[tilespmem:$0x1CB00] =	vst v63  }
0x462: {  	v1 =	vmov s28;
	s30 =	simm.s32 $0x5  }
0x463: {  	_ =	swait.ge [sflag:s30], $0x2000  }
0x464: {  	[sflag:s30] =	ssyncset.done $0x0  }
0x465: {  	s15 =	simm.s32 $0x14B80;
	[sflag:s30] =	ssyncadd.s32 $0xFFFFE000  }
0x466: {  	v2 =	vld [tilespmem:s15+$0xFFFFFFB0]  }
0x467: {  	v3 =	vld.idx.msk [tilespmem:v1+s0+$0x0], $0xffff  }
0x468: {  	v4 =	vld [tilespmem:s15+$0xFFFFFF80]  }
0x469: {  	v5 =	vld [tilespmem:s15+$0xFFFFFF90]  }
0x46a: {  	v6 =	vld [tilespmem:s15+$0xFFFFFFA0];
	_ =	sdelay $0x1  }
0x46b: {  	v2 =	vmul.f32 v2, v3  }
0x46c: {  	v7 =	vor.u32 $0x1, v1;
	v4 =	vmul.f32 v4, v3  }
0x46d: {  	[tilespmem:s15+$0xFFFFFFB0] =	vst v2;
	v2 =	vmul.f32 v5, v3  }
0x46e: {  	v3 =	vmul.f32 v6, v3;
	[tilespmem:s15+$0xFFFFFF80] =	vst v4  }
0x46f: {  	[tilespmem:s15+$0xFFFFFF90] =	vst v2  }
0x470: {  	[tilespmem:s15+$0xFFFFFFA0] =	vst v3;
	v3 =	vld [tilespmem:s15+$0xFFFFFFC0]  }
0x471: {  	v2 =	vld.idx.msk [tilespmem:v7+s0+$0x0], $0xffff;
	_ =	sdelay $0x1  }
0x472: {  	v4 =	vld [tilespmem:s15+$0xFFFFFFD0]  }
0x473: {  	v5 =	vld [tilespmem:s15+$0xFFFFFFF0]  }
0x474: {  	v62 =	vld [tilespmem:s15+$0xFFFFFFE0]  }
0x475: {  	v3 =	vmul.f32 v3, v2;
	_ =	sdelay $0x1  }
0x476: {  	v4 =	vmul.f32 v4, v2;
	[tilespmem:s15+$0xFFFFFFC0] =	vst v3;
	v3 =	vor.u32 $0x2, v1  }
0x477: {  	v5 =	vmul.f32 v5, v2  }
0x478: {  	v2 =	vmul.f32 v62, v2;
	[tilespmem:s15+$0xFFFFFFD0] =	vst v4  }
0x479: {  	[tilespmem:s15+$0xFFFFFFF0] =	vst v5  }
0x47a: {  	[tilespmem:s15+$0xFFFFFFE0] =	vst v2;
	v2 =	vld [tilespmem:s15+$0x0]  }
0x47b: {  	v3 =	vld.idx.msk [tilespmem:v3+s0+$0x0], $0xffff  }
0x47c: {  	v4 =	vld [tilespmem:s15+$0x30]  }
0x47d: {  	v5 =	vld [tilespmem:s15+$0x20];
	_ =	sdelay $0x1  }
0x47e: {  	v63 =	vld [tilespmem:s15+$0x10]  }
0x47f: {  	v2 =	vmul.f32 v2, v3  }
0x480: {  	v4 =	vmul.f32 v4, v3  }
0x481: {  	v5 =	vmul.f32 v5, v3;
	[tilespmem:s15+$0x0] =	vst v2;
	v2 =	vor.u32 $0x3, v1  }
0x482: {  	[tilespmem:s15+$0x30] =	vst v4  }
0x483: {  	s19 =	simm.s32 $0x4;
	s21 =	simm.s32 $0x14B80;
	v3 =	vmul.f32 v63, v3;
	[tilespmem:s15+$0x20] =	vst v5;
	v1 =	vld [tilespmem:s15+$0x40]  }
.LBB2_41:
0x484: {  	p0 =	sne.s32 s19, $0x7C  }
0x485: {  	[tilespmem:s15+$0x10] =	vst v3;
	v3 =	vld [tilespmem:s15+$0x70];
	s21 =	sadd.s32 $0x100, s21;
	s30 =	smov.u32 s19;
	s19 =	sadd.s32 $0x4, s19  }
0x486: {  	v2 =	vld.idx.msk [tilespmem:v2+s0+$0x0], $0xffff  }
0x487: {  	v4 =	vld [tilespmem:s15+$0x50]  }
0x488: {  	v5 =	vld [tilespmem:s15+$0x60];
	_ =	sdelay $0x3  }
0x489: {  	v1 =	vmul.f32 v1, v2;
	v4 =	vmul.f32 v4, v2  }
0x48a: {  	v6 =	vmov s30;
	v5 =	vmul.f32 v5, v2;
	v2 =	vmul.f32 v3, v2  }
0x48b: {  	[tilespmem:s15+$0x40] =	vst v1  }
0x48c: {  	[tilespmem:s15+$0x50] =	vst v4  }
0x48d: {  	v1 =	vld [tilespmem:s21+$0xFFFFFFA0];
	[tilespmem:s15+$0x70] =	vst v2  }
0x48e: {  	v2 =	vld [tilespmem:s21+$0xFFFFFFB0];
	[tilespmem:s15+$0x60] =	vst v5;
	s15 =	smov.u32 s21  }
0x48f: {  	v3 =	vld.idx.msk [tilespmem:v6+s0+$0x0], $0xffff  }
0x490: {  	v4 =	vld [tilespmem:s21+$0xFFFFFF80]  }
0x491: {  	v5 =	vld [tilespmem:s21+$0xFFFFFF90];
	_ =	sdelay $0x3  }
0x492: {  	v2 =	vmul.f32 v2, v3;
	v4 =	vmul.f32 v4, v3  }
0x493: {  	v1 =	vmul.f32 v1, v3;
	v5 =	vmul.f32 v5, v3;
	v3 =	vor.u32 $0x1, v6  }
0x494: {  	[tilespmem:s21+$0xFFFFFFB0] =	vst v2  }
0x495: {  	[tilespmem:s21+$0xFFFFFF80] =	vst v4  }
0x496: {  	[tilespmem:s21+$0xFFFFFF90] =	vst v5;
	v2 =	vld [tilespmem:s21+$0xFFFFFFF0]  }
0x497: {  	[tilespmem:s21+$0xFFFFFFA0] =	vst v1;
	v1 =	vld [tilespmem:s21+$0xFFFFFFD0]  }
0x498: {  	v3 =	vld.idx.msk [tilespmem:v3+s0+$0x0], $0xffff  }
0x499: {  	v4 =	vld [tilespmem:s21+$0xFFFFFFC0]  }
0x49a: {  	v5 =	vld [tilespmem:s21+$0xFFFFFFE0];
	_ =	sdelay $0x3  }
0x49b: {  	v1 =	vmul.f32 v1, v3;
	v4 =	vmul.f32 v4, v3  }
0x49c: {  	v2 =	vmul.f32 v2, v3;
	v5 =	vmul.f32 v5, v3;
	v3 =	vor.u32 $0x2, v6  }
0x49d: {  	[tilespmem:s21+$0xFFFFFFC0] =	vst v4  }
0x49e: {  	[tilespmem:s21+$0xFFFFFFD0] =	vst v1  }
0x49f: {  	[tilespmem:s21+$0xFFFFFFF0] =	vst v2;
	v1 =	vld [tilespmem:s21+$0x30]  }
0x4a0: {  	[tilespmem:s21+$0xFFFFFFE0] =	vst v5;
	v2 =	vld [tilespmem:s21+$0x0]  }
0x4a1: {  	v4 =	vld.idx.msk [tilespmem:v3+s0+$0x0], $0xffff  }
0x4a2: {  	v3 =	vld [tilespmem:s21+$0x10]  }
0x4a3: {  	v5 =	vld [tilespmem:s21+$0x20];
	_ =	sdelay $0x3  }
.Ltmp19:
0x4a4: {  	v7 =	vmul.f32 v2, v4;
	v3 =	vmul.f32 v3, v4;
	(pc) =	sbr.rel @p0 .LBB2_41-.Ltmp19, $4  }
0x4a5: {  	v1 =	vmul.f32 v1, v4;
	v2 =	vor.u32 $0x3, v6;
	v5 =	vmul.f32 v5, v4  }
0x4a6: {  	[tilespmem:s21+$0x0] =	vst v7  }
0x4a7: {  	[tilespmem:s21+$0x30] =	vst v1  }
0x4a8: {  	[tilespmem:s21+$0x20] =	vst v5;
	v1 =	vld [tilespmem:s21+$0x40]  }
0x4a9: {  	_ =	sdelay $0x2  }
0x4aa: {  	[tilespmem:s15+$0x10] =	vst v3  }
0x4ab: {  	v2 =	vld.idx.msk [tilespmem:v2+s0+$0x0], $0xffff  }
0x4ac: {  	v3 =	vld [tilespmem:s15+$0x50]  }
0x4ad: {  	v4 =	vld [tilespmem:s15+$0x70]  }
0x4ae: {  	v5 =	vld [tilespmem:s15+$0x60];
	_ =	sdelay $0x1  }
0x4af: {  	v1 =	vmul.f32 v1, v2  }
0x4b0: {  	v3 =	vmul.f32 v3, v2  }
0x4b1: {  	v4 =	vmul.f32 v4, v2;
	[tilespmem:s15+$0x40] =	vst v1  }
0x4b2: {  	v1 =	vmul.f32 v5, v2;
	[tilespmem:s15+$0x50] =	vst v3  }
0x4b3: {  	s19 =	simm.s32 $0x0;
	[tilespmem:s15+$0x70] =	vst v4  }
0x4b4: {  	[tilespmem:s15+$0x60] =	vst v1;
	v1 =	vmov s19  }
0x4b5: {  	[spmem:s1] =	stream.indirect.scatter.add.f32 [tilespmem:s22], [sflag:$0x1], $0x40, s2, s10, $0xb8;
	v2 =	vor.u32 $0x80, v1;
	[tilespmem:$0x1CB00] =	vst v63  }
0x4b6: {  	_ =	swait.ge [sflag:s9], $0x2000  }
0x4b7: {  	[sflag:s9] =	ssyncset.done $0x0  }
0x4b8: {  	s15 =	simm.s32 $0x16BF0;
	[sflag:s9] =	ssyncadd.s32 $0xFFFFE000  }
0x4b9: {  	v3 =	vld [tilespmem:s15+$0xFFFFFF40]  }
0x4ba: {  	v2 =	vld.idx.msk [tilespmem:v2+s0+$0x0], $0xffff  }
0x4bb: {  	v4 =	vld [tilespmem:s15+$0xFFFFFF10]  }
0x4bc: {  	v5 =	vld [tilespmem:s15+$0xFFFFFF20]  }
0x4bd: {  	v6 =	vld [tilespmem:s15+$0xFFFFFF30];
	_ =	sdelay $0x1  }
0x4be: {  	v3 =	vmul.f32 v3, v2  }
0x4bf: {  	v7 =	vor.u32 $0x81, v1;
	v4 =	vmul.f32 v4, v2  }
0x4c0: {  	[tilespmem:s15+$0xFFFFFF40] =	vst v3;
	v3 =	vmul.f32 v5, v2  }
0x4c1: {  	v2 =	vmul.f32 v6, v2;
	[tilespmem:s15+$0xFFFFFF10] =	vst v4  }
0x4c2: {  	[tilespmem:s15+$0xFFFFFF20] =	vst v3  }
0x4c3: {  	[tilespmem:s15+$0xFFFFFF30] =	vst v2;
	v3 =	vld [tilespmem:s15+$0xFFFFFF50]  }
0x4c4: {  	v2 =	vld.idx.msk [tilespmem:v7+s0+$0x0], $0xffff;
	_ =	sdelay $0x1  }
0x4c5: {  	v4 =	vld [tilespmem:s15+$0xFFFFFF60]  }
0x4c6: {  	v5 =	vld [tilespmem:s15+$0xFFFFFF80]  }
0x4c7: {  	v62 =	vld [tilespmem:s15+$0xFFFFFF70]  }
0x4c8: {  	v3 =	vmul.f32 v3, v2;
	_ =	sdelay $0x1  }
0x4c9: {  	v4 =	vmul.f32 v4, v2;
	[tilespmem:s15+$0xFFFFFF50] =	vst v3;
	v3 =	vor.u32 $0x82, v1  }
0x4ca: {  	v5 =	vmul.f32 v5, v2  }
0x4cb: {  	v2 =	vmul.f32 v62, v2;
	[tilespmem:s15+$0xFFFFFF60] =	vst v4  }
0x4cc: {  	[tilespmem:s15+$0xFFFFFF80] =	vst v5  }
0x4cd: {  	[tilespmem:s15+$0xFFFFFF70] =	vst v2;
	v2 =	vld [tilespmem:s15+$0xFFFFFF90]  }
0x4ce: {  	v3 =	vld.idx.msk [tilespmem:v3+s0+$0x0], $0xffff  }
0x4cf: {  	v4 =	vld [tilespmem:s15+$0xFFFFFFC0]  }
0x4d0: {  	v5 =	vld [tilespmem:s15+$0xFFFFFFB0];
	_ =	sdelay $0x1  }
0x4d1: {  	v63 =	vld [tilespmem:s15+$0xFFFFFFA0]  }
0x4d2: {  	v2 =	vmul.f32 v2, v3  }
0x4d3: {  	v4 =	vmul.f32 v4, v3  }
0x4d4: {  	v5 =	vmul.f32 v5, v3;
	[tilespmem:s15+$0xFFFFFF90] =	vst v2;
	v2 =	vor.u32 $0x83, v1  }
0x4d5: {  	[tilespmem:s15+$0xFFFFFFC0] =	vst v4  }
0x4d6: {  	s21 =	simm.s32 $0x16BF0;
	s19 =	simm.s32 $0x4;
	v3 =	vmul.f32 v63, v3;
	[tilespmem:s15+$0xFFFFFFB0] =	vst v5;
	v1 =	vld [tilespmem:s15+$0xFFFFFFF0]  }
.LBB2_43:
0x4d7: {  	p0 =	sne.s32 s19, $0x7C  }
0x4d8: {  	[tilespmem:s15+$0xFFFFFFA0] =	vst v3;
	v3 =	vld [tilespmem:s15+$0xFFFFFFD0];
	s21 =	sadd.s32 $0x100, s21;
	s30 =	smov.u32 s19;
	s19 =	sadd.s32 $0x4, s19  }
0x4d9: {  	v2 =	vld.idx.msk [tilespmem:v2+s0+$0x0], $0xffff  }
0x4da: {  	v4 =	vld [tilespmem:s15+$0xFFFFFFE0]  }
0x4db: {  	v5 =	vld [tilespmem:s15+$0x0];
	_ =	sdelay $0x3  }
0x4dc: {  	v6 =	vmov s30;
	v3 =	vmul.f32 v3, v2;
	v4 =	vmul.f32 v4, v2  }
0x4dd: {  	v7 =	vor.u32 $0x80, v6;
	v1 =	vmul.f32 v1, v2;
	v2 =	vmul.f32 v5, v2  }
0x4de: {  	[tilespmem:s15+$0xFFFFFFD0] =	vst v3  }
0x4df: {  	[tilespmem:s15+$0xFFFFFFE0] =	vst v4  }
0x4e0: {  	v3 =	vld [tilespmem:s21+$0xFFFFFF30];
	[tilespmem:s15+$0x0] =	vst v2  }
0x4e1: {  	v2 =	vld [tilespmem:s21+$0xFFFFFF40];
	[tilespmem:s15+$0xFFFFFFF0] =	vst v1;
	s15 =	smov.u32 s21  }
0x4e2: {  	v1 =	vld.idx.msk [tilespmem:v7+s0+$0x0], $0xffff  }
0x4e3: {  	v4 =	vld [tilespmem:s21+$0xFFFFFF10]  }
0x4e4: {  	v5 =	vld [tilespmem:s21+$0xFFFFFF20];
	_ =	sdelay $0x3  }
0x4e5: {  	v2 =	vmul.f32 v2, v1;
	v4 =	vmul.f32 v4, v1  }
0x4e6: {  	v5 =	vmul.f32 v5, v1;
	v1 =	vmul.f32 v3, v1;
	v3 =	vor.u32 $0x81, v6  }
0x4e7: {  	[tilespmem:s21+$0xFFFFFF40] =	vst v2  }
0x4e8: {  	[tilespmem:s21+$0xFFFFFF10] =	vst v4  }
0x4e9: {  	[tilespmem:s21+$0xFFFFFF20] =	vst v5;
	v2 =	vld [tilespmem:s21+$0xFFFFFF80]  }
0x4ea: {  	[tilespmem:s21+$0xFFFFFF30] =	vst v1;
	v1 =	vld [tilespmem:s21+$0xFFFFFF60]  }
0x4eb: {  	v3 =	vld.idx.msk [tilespmem:v3+s0+$0x0], $0xffff  }
0x4ec: {  	v4 =	vld [tilespmem:s21+$0xFFFFFF50]  }
0x4ed: {  	v5 =	vld [tilespmem:s21+$0xFFFFFF70];
	_ =	sdelay $0x3  }
0x4ee: {  	v1 =	vmul.f32 v1, v3;
	v4 =	vmul.f32 v4, v3  }
0x4ef: {  	v2 =	vmul.f32 v2, v3;
	v5 =	vmul.f32 v5, v3;
	v3 =	vor.u32 $0x82, v6  }
0x4f0: {  	[tilespmem:s21+$0xFFFFFF50] =	vst v4  }
0x4f1: {  	[tilespmem:s21+$0xFFFFFF60] =	vst v1  }
0x4f2: {  	[tilespmem:s21+$0xFFFFFF80] =	vst v2;
	v1 =	vld [tilespmem:s21+$0xFFFFFFC0]  }
0x4f3: {  	[tilespmem:s21+$0xFFFFFF70] =	vst v5;
	v2 =	vld [tilespmem:s21+$0xFFFFFF90]  }
0x4f4: {  	v4 =	vld.idx.msk [tilespmem:v3+s0+$0x0], $0xffff  }
0x4f5: {  	v3 =	vld [tilespmem:s21+$0xFFFFFFA0]  }
0x4f6: {  	v5 =	vld [tilespmem:s21+$0xFFFFFFB0];
	_ =	sdelay $0x3  }
.Ltmp20:
0x4f7: {  	v7 =	vmul.f32 v2, v4;
	v3 =	vmul.f32 v3, v4;
	(pc) =	sbr.rel @p0 .LBB2_43-.Ltmp20, $4  }
0x4f8: {  	v1 =	vmul.f32 v1, v4;
	v2 =	vor.u32 $0x83, v6;
	v5 =	vmul.f32 v5, v4  }
0x4f9: {  	[tilespmem:s21+$0xFFFFFF90] =	vst v7  }
0x4fa: {  	[tilespmem:s21+$0xFFFFFFC0] =	vst v1  }
0x4fb: {  	[tilespmem:s21+$0xFFFFFFB0] =	vst v5;
	v1 =	vld [tilespmem:s21+$0xFFFFFFF0]  }
0x4fc: {  	_ =	sdelay $0x2  }
0x4fd: {  	[tilespmem:s15+$0xFFFFFFA0] =	vst v3;
	v3 =	vld [tilespmem:s15+$0xFFFFFFD0]  }
0x4fe: {  	v2 =	vld.idx.msk [tilespmem:v2+s0+$0x0], $0xffff  }
0x4ff: {  	v4 =	vld [tilespmem:s15+$0xFFFFFFE0]  }
0x500: {  	v5 =	vld [tilespmem:s15+$0x0];
	_ =	sdelay $0x2  }
0x501: {  	v3 =	vmul.f32 v3, v2  }
0x502: {  	v4 =	vmul.f32 v4, v2  }
0x503: {  	v5 =	vmul.f32 v5, v2;
	[tilespmem:s15+$0xFFFFFFD0] =	vst v3  }
0x504: {  	v1 =	vmul.f32 v1, v2;
	[tilespmem:s15+$0xFFFFFFE0] =	vst v4  }
0x505: {  	s19 =	simm.s32 $0x0;
	[tilespmem:s15+$0x0] =	vst v5  }
0x506: {  	s30 =	simm.s32 $0x16B00;
	v2 =	vmov s19;
	[tilespmem:s15+$0xFFFFFFF0] =	vst v1  }
0x507: {  	v1 =	vor.u32 $0x100, v2;
	[spmem:s1] =	stream.indirect.scatter.add.f32 [tilespmem:s30], [sflag:$0x2], $0x40, s18, s10, $0xb8;
	[tilespmem:$0x1CB00] =	vst v63  }
0x508: {  	_ =	swait.ge [sflag:s14], $0x2000  }
0x509: {  	[sflag:s14] =	ssyncset.done $0x0  }
0x50a: {  	s15 =	simm.s32 $0x0;
	[sflag:s14] =	ssyncadd.s32 $0xFFFFE000  }
0x50b: {  	v3 =	vld [tilespmem:s15+$0x18B30]  }
0x50c: {  	v1 =	vld.idx.msk [tilespmem:v1+s0+$0x0], $0xffff  }
0x50d: {  	v4 =	vld [tilespmem:s15+$0x18B00]  }
0x50e: {  	v5 =	vld [tilespmem:s15+$0x18B20]  }
0x50f: {  	v6 =	vld [tilespmem:s15+$0x18B10];
	_ =	sdelay $0x1  }
0x510: {  	v3 =	vmul.f32 v3, v1  }
0x511: {  	v7 =	vor.u32 $0x101, v2;
	v4 =	vmul.f32 v4, v1  }
0x512: {  	v5 =	vmul.f32 v5, v1;
	[tilespmem:s15+$0x18B30] =	vst v3  }
0x513: {  	v1 =	vmul.f32 v6, v1;
	[tilespmem:s15+$0x18B00] =	vst v4  }
0x514: {  	[tilespmem:s15+$0x18B20] =	vst v5  }
0x515: {  	[tilespmem:s15+$0x18B10] =	vst v1;
	v4 =	vld [tilespmem:s15+$0x18B40]  }
0x516: {  	v1 =	vld.idx.msk [tilespmem:v7+s0+$0x0], $0xffff  }
0x517: {  	v6 =	vld [tilespmem:s15+$0x18B60]  }
0x518: {  	v5 =	vld [tilespmem:s15+$0x18B50]  }
0x519: {  	v3 =	vld [tilespmem:s15+$0x18B70];
	_ =	sdelay $0x1  }
0x51a: {  	v4 =	vmul.f32 v4, v1;
	_ =	sdelay $0x1  }
0x51b: {  	v5 =	vmul.f32 v5, v1;
	[tilespmem:s15+$0x18B40] =	vst v4;
	v4 =	vor.u32 $0x102, v2  }
0x51c: {  	v3 =	vmul.f32 v3, v1;
	v1 =	vmul.f32 v6, v1  }
0x51d: {  	v7 =	vld [tilespmem:s15+$0x18BA0];
	[tilespmem:s15+$0x18B50] =	vst v5  }
0x51e: {  	[tilespmem:s15+$0x18B60] =	vst v1;
	v1 =	vld [tilespmem:s15+$0x18B90]  }
0x51f: {  	[tilespmem:s15+$0x18B70] =	vst v3;
	v3 =	vld [tilespmem:s15+$0x18B80]  }
0x520: {  	v4 =	vld.idx.msk [tilespmem:v4+s0+$0x0], $0xffff  }
0x521: {  	v6 =	vld [tilespmem:s15+$0x18BB0];
	_ =	sdelay $0x3  }
0x522: {  	v5 =	vmul.f32 v3, v4;
	v3 =	vmul.f32 v1, v4  }
0x523: {  	s21 =	simm.s32 $0x400;
	v2 =	vor.u32 $0x103, v2;
	v1 =	vmul.f32 v7, v4;
	v4 =	vmul.f32 v6, v4  }
.LBB2_45:
0x524: {  	p0 =	sne.s32 s21, $0x7C00  }
0x525: {  	[tilespmem:s15+$0x18B80] =	vst v5;
	s19 =	sadd.s32 $0x4, s19;
	s30 =	smov.u32 s21;
	s21 =	sadd.s32 $0x400, s21  }
0x526: {  	[tilespmem:s15+$0x18B90] =	vst v3  }
0x527: {  	[tilespmem:s15+$0x18BB0] =	vst v4;
	v3 =	vld [tilespmem:s15+$0x18BF0]  }
0x528: {  	[tilespmem:s15+$0x18BA0] =	vst v1;
	v1 =	vld [tilespmem:s15+$0x18BD0]  }
0x529: {  	v2 =	vld.idx.msk [tilespmem:v2+s0+$0x0], $0xffff  }
0x52a: {  	v4 =	vld [tilespmem:s15+$0x18BC0]  }
0x52b: {  	v5 =	vld [tilespmem:s15+$0x18BE0]  }
0x52c: {  	v6 =	vmov s19  }
0x52d: {  	v7 =	vor.u32 $0x100, v6;
	_ =	sdelay $0x1  }
0x52e: {  	v1 =	vmul.f32 v1, v2;
	v4 =	vmul.f32 v4, v2  }
0x52f: {  	v5 =	vmul.f32 v5, v2;
	v2 =	vmul.f32 v3, v2  }
0x530: {  	[tilespmem:s15+$0x18BC0] =	vst v4  }
0x531: {  	[tilespmem:s15+$0x18BF0] =	vst v2  }
0x532: {  	s30 =	sshra.s32 s30, $0x2;
	[tilespmem:s15+$0x18BD0] =	vst v1  }
0x533: {  	v1 =	vld [tilespmem:s30+$0x18B30];
	[tilespmem:s15+$0x18BE0] =	vst v5;
	s15 =	smov.u32 s30  }
0x534: {  	v2 =	vld.idx.msk [tilespmem:v7+s0+$0x0], $0xffff  }
0x535: {  	v3 =	vld [tilespmem:s15+$0x18B20]  }
0x536: {  	v4 =	vld [tilespmem:s15+$0x18B00]  }
0x537: {  	v5 =	vld [tilespmem:s15+$0x18B10];
	_ =	sdelay $0x1  }
0x538: {  	v7 =	vor.u32 $0x101, v6  }
0x539: {  	v1 =	vmul.f32 v1, v2  }
0x53a: {  	v3 =	vmul.f32 v3, v2;
	v4 =	vmul.f32 v4, v2  }
0x53b: {  	v2 =	vmul.f32 v5, v2;
	[tilespmem:s15+$0x18B30] =	vst v1  }
0x53c: {  	[tilespmem:s15+$0x18B00] =	vst v4  }
0x53d: {  	[tilespmem:s15+$0x18B20] =	vst v3;
	v1 =	vld [tilespmem:s15+$0x18B70]  }
0x53e: {  	[tilespmem:s15+$0x18B10] =	vst v2;
	v2 =	vld [tilespmem:s15+$0x18B50]  }
0x53f: {  	v3 =	vld.idx.msk [tilespmem:v7+s0+$0x0], $0xffff  }
0x540: {  	v4 =	vld [tilespmem:s15+$0x18B40]  }
0x541: {  	v5 =	vld [tilespmem:s15+$0x18B60];
	_ =	sdelay $0x3  }
0x542: {  	v2 =	vmul.f32 v2, v3;
	v4 =	vmul.f32 v4, v3  }
0x543: {  	v1 =	vmul.f32 v1, v3;
	v5 =	vmul.f32 v5, v3;
	v3 =	vor.u32 $0x102, v6  }
0x544: {  	[tilespmem:s15+$0x18B40] =	vst v4  }
0x545: {  	[tilespmem:s15+$0x18B50] =	vst v2  }
0x546: {  	[tilespmem:s15+$0x18B70] =	vst v1;
	v2 =	vld [tilespmem:s15+$0x18BB0]  }
0x547: {  	[tilespmem:s15+$0x18B60] =	vst v5;
	v1 =	vld [tilespmem:s15+$0x18B90]  }
0x548: {  	v4 =	vld.idx.msk [tilespmem:v3+s0+$0x0], $0xffff  }
0x549: {  	v3 =	vld [tilespmem:s15+$0x18B80]  }
0x54a: {  	v7 =	vld [tilespmem:s15+$0x18BA0]  }
.Ltmp21:
0x54b: {  	(pc) =	sbr.rel @p0 .LBB2_45-.Ltmp21, $3  }
0x54c: {  	_ =	sdelay $0x1  }
0x54d: {  	v5 =	vmul.f32 v3, v4;
	v3 =	vmul.f32 v1, v4  }
0x54e: {  	v1 =	vmul.f32 v7, v4;
	v4 =	vmul.f32 v2, v4;
	v2 =	vor.u32 $0x103, v6  }
0x54f: {  	[tilespmem:s15+$0x18B80] =	vst v5  }
0x550: {  	[tilespmem:s15+$0x18B90] =	vst v3  }
0x551: {  	[tilespmem:s15+$0x18BB0] =	vst v4  }
0x552: {  	[tilespmem:s15+$0x18BA0] =	vst v1  }
0x553: {  	v1 =	vld.idx.msk [tilespmem:v2+s0+$0x0], $0xffff  }
0x554: {  	v2 =	vld [tilespmem:s15+$0x18BC0]  }
0x555: {  	v3 =	vld [tilespmem:s15+$0x18BF0]  }
0x556: {  	v4 =	vld [tilespmem:s15+$0x18BD0]  }
0x557: {  	v5 =	vld [tilespmem:s15+$0x18BE0];
	_ =	sdelay $0x1  }
0x558: {  	v2 =	vmul.f32 v2, v1  }
0x559: {  	v3 =	vmul.f32 v3, v1  }
0x55a: {  	v4 =	vmul.f32 v4, v1;
	[tilespmem:s15+$0x18BC0] =	vst v2  }
0x55b: {  	v1 =	vmul.f32 v5, v1;
	[tilespmem:s15+$0x18BF0] =	vst v3  }
0x55c: {  	s19 =	simm.s32 $0x0;
	[tilespmem:s15+$0x18BD0] =	vst v4  }
0x55d: {  	s30 =	simm.s32 $0x18B00;
	[tilespmem:s15+$0x18BE0] =	vst v1;
	v2 =	vmov s19  }
0x55e: {  	[spmem:s1] =	stream.indirect.scatter.add.f32 [tilespmem:s30], [sflag:$0x3], $0x40, s24, s10, $0xb8;
	v1 =	vor.u32 $0x180, v2;
	[tilespmem:$0x1CB00] =	vst v63  }
0x55f: {  	_ =	swait.ge [sflag:s16], $0x2000  }
0x560: {  	[sflag:s16] =	ssyncset.done $0x0  }
0x561: {  	s15 =	simm.s32 $0x0;
	[sflag:s16] =	ssyncadd.s32 $0xFFFFE000  }
0x562: {  	v3 =	vld [tilespmem:s15+$0x1AB30]  }
0x563: {  	v1 =	vld.idx.msk [tilespmem:v1+s0+$0x0], $0xffff  }
0x564: {  	v4 =	vld [tilespmem:s15+$0x1AB00]  }
0x565: {  	v5 =	vld [tilespmem:s15+$0x1AB20]  }
0x566: {  	v6 =	vld [tilespmem:s15+$0x1AB10];
	_ =	sdelay $0x1  }
0x567: {  	v3 =	vmul.f32 v3, v1  }
0x568: {  	v7 =	vor.u32 $0x181, v2;
	v4 =	vmul.f32 v4, v1  }
0x569: {  	v5 =	vmul.f32 v5, v1;
	[tilespmem:s15+$0x1AB30] =	vst v3  }
0x56a: {  	v1 =	vmul.f32 v6, v1;
	[tilespmem:s15+$0x1AB00] =	vst v4  }
0x56b: {  	[tilespmem:s15+$0x1AB20] =	vst v5  }
0x56c: {  	[tilespmem:s15+$0x1AB10] =	vst v1;
	v4 =	vld [tilespmem:s15+$0x1AB40]  }
0x56d: {  	v1 =	vld.idx.msk [tilespmem:v7+s0+$0x0], $0xffff  }
0x56e: {  	v6 =	vld [tilespmem:s15+$0x1AB60]  }
0x56f: {  	v5 =	vld [tilespmem:s15+$0x1AB50]  }
0x570: {  	v3 =	vld [tilespmem:s15+$0x1AB70];
	_ =	sdelay $0x1  }
0x571: {  	v4 =	vmul.f32 v4, v1;
	_ =	sdelay $0x1  }
0x572: {  	v5 =	vmul.f32 v5, v1;
	[tilespmem:s15+$0x1AB40] =	vst v4;
	v4 =	vor.u32 $0x182, v2  }
0x573: {  	v3 =	vmul.f32 v3, v1;
	v1 =	vmul.f32 v6, v1  }
0x574: {  	v7 =	vld [tilespmem:s15+$0x1ABA0];
	[tilespmem:s15+$0x1AB50] =	vst v5  }
0x575: {  	[tilespmem:s15+$0x1AB60] =	vst v1;
	v1 =	vld [tilespmem:s15+$0x1AB90]  }
0x576: {  	[tilespmem:s15+$0x1AB70] =	vst v3;
	v3 =	vld [tilespmem:s15+$0x1AB80]  }
0x577: {  	v4 =	vld.idx.msk [tilespmem:v4+s0+$0x0], $0xffff  }
0x578: {  	v6 =	vld [tilespmem:s15+$0x1ABB0];
	_ =	sdelay $0x3  }
0x579: {  	v5 =	vmul.f32 v3, v4;
	v3 =	vmul.f32 v1, v4  }
0x57a: {  	s21 =	simm.s32 $0x400;
	v2 =	vor.u32 $0x183, v2;
	v1 =	vmul.f32 v7, v4;
	v4 =	vmul.f32 v6, v4  }
.LBB2_47:
0x57b: {  	p0 =	sne.s32 s21, $0x7C00  }
0x57c: {  	[tilespmem:s15+$0x1AB80] =	vst v5;
	s19 =	sadd.s32 $0x4, s19;
	s30 =	smov.u32 s21;
	s21 =	sadd.s32 $0x400, s21  }
0x57d: {  	[tilespmem:s15+$0x1AB90] =	vst v3  }
0x57e: {  	[tilespmem:s15+$0x1ABB0] =	vst v4;
	v3 =	vld [tilespmem:s15+$0x1ABF0]  }
0x57f: {  	[tilespmem:s15+$0x1ABA0] =	vst v1;
	v1 =	vld [tilespmem:s15+$0x1ABD0]  }
0x580: {  	v2 =	vld.idx.msk [tilespmem:v2+s0+$0x0], $0xffff  }
0x581: {  	v4 =	vld [tilespmem:s15+$0x1ABC0]  }
0x582: {  	v5 =	vld [tilespmem:s15+$0x1ABE0]  }
0x583: {  	v6 =	vmov s19  }
0x584: {  	v7 =	vor.u32 $0x180, v6;
	_ =	sdelay $0x1  }
0x585: {  	v1 =	vmul.f32 v1, v2;
	v4 =	vmul.f32 v4, v2  }
0x586: {  	v5 =	vmul.f32 v5, v2;
	v2 =	vmul.f32 v3, v2  }
0x587: {  	[tilespmem:s15+$0x1ABC0] =	vst v4  }
0x588: {  	[tilespmem:s15+$0x1ABF0] =	vst v2  }
0x589: {  	s30 =	sshra.s32 s30, $0x2;
	[tilespmem:s15+$0x1ABD0] =	vst v1  }
0x58a: {  	v1 =	vld [tilespmem:s30+$0x1AB30];
	[tilespmem:s15+$0x1ABE0] =	vst v5;
	s15 =	smov.u32 s30  }
0x58b: {  	v2 =	vld.idx.msk [tilespmem:v7+s0+$0x0], $0xffff  }
0x58c: {  	v3 =	vld [tilespmem:s15+$0x1AB20]  }
0x58d: {  	v4 =	vld [tilespmem:s15+$0x1AB00]  }
0x58e: {  	v5 =	vld [tilespmem:s15+$0x1AB10];
	_ =	sdelay $0x1  }
0x58f: {  	v7 =	vor.u32 $0x181, v6  }
0x590: {  	v1 =	vmul.f32 v1, v2  }
0x591: {  	v3 =	vmul.f32 v3, v2;
	v4 =	vmul.f32 v4, v2  }
0x592: {  	v2 =	vmul.f32 v5, v2;
	[tilespmem:s15+$0x1AB30] =	vst v1  }
0x593: {  	[tilespmem:s15+$0x1AB00] =	vst v4  }
0x594: {  	[tilespmem:s15+$0x1AB20] =	vst v3;
	v1 =	vld [tilespmem:s15+$0x1AB70]  }
0x595: {  	[tilespmem:s15+$0x1AB10] =	vst v2;
	v2 =	vld [tilespmem:s15+$0x1AB50]  }
0x596: {  	v3 =	vld.idx.msk [tilespmem:v7+s0+$0x0], $0xffff  }
0x597: {  	v4 =	vld [tilespmem:s15+$0x1AB40]  }
0x598: {  	v5 =	vld [tilespmem:s15+$0x1AB60];
	_ =	sdelay $0x3  }
0x599: {  	v2 =	vmul.f32 v2, v3;
	v4 =	vmul.f32 v4, v3  }
0x59a: {  	v1 =	vmul.f32 v1, v3;
	v5 =	vmul.f32 v5, v3;
	v3 =	vor.u32 $0x182, v6  }
0x59b: {  	[tilespmem:s15+$0x1AB40] =	vst v4  }
0x59c: {  	[tilespmem:s15+$0x1AB50] =	vst v2  }
0x59d: {  	[tilespmem:s15+$0x1AB70] =	vst v1;
	v2 =	vld [tilespmem:s15+$0x1ABB0]  }
0x59e: {  	[tilespmem:s15+$0x1AB60] =	vst v5;
	v1 =	vld [tilespmem:s15+$0x1AB90]  }
0x59f: {  	v4 =	vld.idx.msk [tilespmem:v3+s0+$0x0], $0xffff  }
0x5a0: {  	v3 =	vld [tilespmem:s15+$0x1AB80]  }
0x5a1: {  	v7 =	vld [tilespmem:s15+$0x1ABA0]  }
.Ltmp22:
0x5a2: {  	(pc) =	sbr.rel @p0 .LBB2_47-.Ltmp22, $3  }
0x5a3: {  	_ =	sdelay $0x1  }
0x5a4: {  	v5 =	vmul.f32 v3, v4;
	v3 =	vmul.f32 v1, v4  }
0x5a5: {  	v1 =	vmul.f32 v7, v4;
	v4 =	vmul.f32 v2, v4;
	v2 =	vor.u32 $0x183, v6  }
0x5a6: {  	[tilespmem:s15+$0x1AB80] =	vst v5  }
0x5a7: {  	[tilespmem:s15+$0x1AB90] =	vst v3  }
0x5a8: {  	[tilespmem:s15+$0x1ABB0] =	vst v4  }
0x5a9: {  	[tilespmem:s15+$0x1ABA0] =	vst v1  }
0x5aa: {  	v1 =	vld.idx.msk [tilespmem:v2+s0+$0x0], $0xffff  }
0x5ab: {  	v2 =	vld [tilespmem:s15+$0x1ABC0]  }
0x5ac: {  	v3 =	vld [tilespmem:s15+$0x1ABF0]  }
0x5ad: {  	v62 =	vld [tilespmem:s15+$0x1ABD0]  }
0x5ae: {  	v63 =	vld [tilespmem:s15+$0x1ABE0];
	_ =	sdelay $0x1  }
0x5af: {  	v2 =	vmul.f32 v2, v1  }
0x5b0: {  	v3 =	vmul.f32 v3, v1  }
0x5b1: {  	v4 =	vmul.f32 v62, v1;
	[tilespmem:s15+$0x1ABC0] =	vst v2  }
0x5b2: {  	v1 =	vmul.f32 v63, v1;
	[tilespmem:s15+$0x1ABF0] =	vst v3  }
0x5b3: {  	[tilespmem:s15+$0x1ABD0] =	vst v4  }
0x5b4: {  	s30 =	simm.s32 $0x1AB00;
	[tilespmem:s15+$0x1ABE0] =	vst v1  }
0x5b5: {  	[spmem:s1] =	stream.indirect.scatter.add.f32 [tilespmem:s30], [sflag:$0x4], $0x40, s17, s10, $0xb8;
	[tilespmem:$0x1CB00] =	vst v63  }
0x5b6: {  	_ =	swait.ge [sflag:s20], $0x2000  }
0x5b7: {  	[sflag:s20] =	ssyncset.done $0x0  }
0x5b8: {  	[sflag:s20] =	ssyncadd.s32 $0xFFFFE000  }
0x5b9: {  	_ =	swait.ge [sflag:s6], $0x2000  }
0x5ba: {  	[sflag:s6] =	ssyncset.done $0x0  }
0x5bb: {  	s13 =	sadd.s32 $0x1, s13;
	[sflag:s6] =	ssyncadd.s32 $0xFFFFE000  }
0x5bc: {  	p0 =	sne.s32 s13, $0x29;
	_ =	swait.ge [sflag:s7], $0x2000  }
.Ltmp23:
0x5bd: {  	[sflag:s7] =	ssyncset.done $0x0;
	(pc) =	sbr.rel @p0 .LBB2_40-.Ltmp23, $4  }
0x5be: {  	[sflag:s7] =	ssyncadd.s32 $0xFFFFE000  }
0x5bf: {  	_ =	swait.ge [sflag:s8], $0x2000  }
0x5c0: {  	[sflag:s8] =	ssyncset.done $0x0  }
0x5c1: {  	[sflag:s8] =	ssyncadd.s32 $0xFFFFE000  }
0x5c2: {  	[bflag:$0x0] =	sbarrier.arrive $0xFFFF  }
0x5c3: {  	s15 =	rddreg [dreg:$0xa]  }
0x5c4: {  	s13 =	rddreg [dreg:$0x16]  }
0x5c5: {  	s19 =	rddreg [dreg:$0x1a]  }
0x5c6: {  	[hbm:s13], [sflag:s15] =	dma.local [spmem:s19], $0x1400  }
0x5c7: {  	_ =	swait.ge [sflag:s29], $0x1400  }
0x5c8: {  	s22 =	rddreg [dreg:$0x19]  }
0x5c9: {  	s28 =	rddreg [dreg:$0x17];
	s19 =	sadd.s32 $0x1, s22  }
0x5ca: {  	p0 =	sne.s32 s19, s28  }
.Ltmp24:
0x5cb: {  	_ = 	snop;
	(pc) =	sbr.rel @p0 .LBB2_1-.Ltmp24, $3  }
0x5cc: {  	_ =	sdelay $0x1  }
0x5cd: {  	[sflag:s29] =	ssyncset.done $0x0  }
0x5ce: {  	s30 =	rddreg [dreg:$0x8];
	[sflag:s29] =	ssyncadd.s32 $0xFFFFEC00  }
0x5cf: {  	_ =	sfence.sel $0x180000  }
0x5d0: {  	[bflag:$0x0] =	sbarrier.arrive $0xFFFF  }
0x5d1: {  	_ =	strace $0x90000047  }
0x5d2: {  	s0 =	stileid.u32;
	[bflag:$0x2] =	sbarrier.arrive $0xFFFF  }
0x5d3: {  	p0 =	sne.s32 s0, $0x0;
	s0 =	rddreg [dreg:$0x4]  }
0x5d4: {  	s0 =	sadd.s32 @!p0 $0x100000, s0  }
0x5d5: {  	[sflag:s0] =	ssyncadd.tile.s32 @!p0 $0x1;
	_ =	shalt  }
.Lfunc_end2:
_tile_overlayer_lowered:
.L_overlay_start_2:
0x5d6: {  	(tag) =	ssettag $0x2  }
0x5d7: {  	s0 =	rddreg [dreg:$0x0];
	s2 =	stileid.u32  }
0x5d8: {  	s1 =	rddreg [dreg:$0x1];
	p0 =	sne.s32 s2, $0x0  }
0x5d9: {  	s3 =	rddreg [dreg:$0x2];
	[bflag:$0x3] =	sbarrier.arrive $0xFFFF;
	s2 =	simm.s32 @!p0 $0x1C09  }
0x5da: {  	[timem:s3], [sflag:s2] =	dma.local @!p0 [hbm:s0], s1  }
0x5db: {  	s0 =	simm.s32 @!p0 $0x9  }
0x5dc: {  	_ =	swait.ge @!p0 [sflag:s0], s1  }
0x5dd: {  	s1 =	ssub.s32 @!p0 $0x0, s1;
	[sflag:s0] =	ssyncset.done @!p0 $0x0  }
0x5de: {  	[sflag:s0] =	ssyncadd.s32 @!p0 s1  }
0x5df: {  	[bflag:$0x3] =	sbarrier.arrive $0xFFFF  }
0x5e0: {  	_ =	shalt  }

</sc_bundles>
